<compile_context>
chip_gen: v7x
topology: tpu7x:2x2x1
jax: 0.10.2.dev20260603
libtpu: 0.0.44.dev20260713+nightly
codegen_flags: <defaults>
</compile_context>

<pallas_src>
import functools

import jax
import jax.numpy as jnp
from jax import lax
from jax.experimental import pallas as pl
from jax.experimental.pallas import tpu as pltpu
from jax.experimental.pallas import tpu_sc as plsc

_NC = 2
_NS = 16
_LANES = 16
_NW = _NC * _NS
_NBUF = 4


@functools.lru_cache(maxsize=None)
def _build(N, D, W, chunk):
    rows_per_w = N // _NW
    n_chunks = rows_per_w // chunk
    vecs_per_row = D // _LANES
    assert n_chunks % _NBUF == 0 and n_chunks >= 2 * _NBUF

    mesh = plsc.VectorSubcoreMesh(core_axis_name="c", subcore_axis_name="s")

    buf_types = []
    for _ in range(_NBUF):
        buf_types.append(pltpu.VMEM((chunk, D), jnp.float32))
    for _ in range(_NBUF):
        buf_types.append(pltpu.VMEM((chunk, D), jnp.float32))
    sem_types = [pltpu.SemaphoreType.DMA] * (3 * _NBUF)

    @functools.partial(
        pl.kernel,
        out_type=jax.ShapeDtypeStruct((N, D), jnp.float32),
        mesh=mesh,
        scratch_types=[
            pltpu.VMEM((rows_per_w,), jnp.int32),
            pltpu.VMEM((rows_per_w,), jnp.int32),
            pltpu.VMEM((rows_per_w,), jnp.int32),
        ] + buf_types + sem_types,
    )
    def pe_add(x_hbm, i0_hbm, i1_hbm, table_hbm, out_hbm,
               i0_v, i1_v, fl_v, *bufs_and_sems):
        xb = bufs_and_sems[:_NBUF]
        rb = bufs_and_sems[_NBUF:2 * _NBUF]
        sx = bufs_and_sems[2 * _NBUF:3 * _NBUF]
        sg = bufs_and_sems[3 * _NBUF:4 * _NBUF]
        so = bufs_and_sems[4 * _NBUF:5 * _NBUF]

        wid = lax.axis_index("s") * _NC + lax.axis_index("c")
        base = wid * rows_per_w

        pltpu.sync_copy(i0_hbm.at[pl.ds(base, rows_per_w)], i0_v)
        pltpu.sync_copy(i1_hbm.at[pl.ds(base, rows_per_w)], i1_v)

        def flat_body(j, carry):
            s = pl.ds(j * _LANES, _LANES)
            fl_v[s] = i0_v[s] * W + i1_v[s]
            return carry

        lax.fori_loop(0, rows_per_w // _LANES, flat_body, 0)

        def issue(c, b):
            off = base + c * chunk
            pltpu.async_copy(x_hbm.at[pl.ds(off, chunk)], xb[b], sx[b])
            pltpu.async_copy(
                table_hbm.at[fl_v.at[pl.ds(c * chunk, chunk)]], rb[b], sg[b])

        def wait_in(c, b):
            off = base + c * chunk
            pltpu.make_async_copy(
                x_hbm.at[pl.ds(off, chunk)], xb[b], sx[b]).wait()
            pltpu.make_async_copy(
                table_hbm.at[fl_v.at[pl.ds(c * chunk, chunk)]],
                rb[b], sg[b]).wait()

        def drain_out(c, b):
            off = base + c * chunk
            pltpu.make_async_copy(
                xb[b], out_hbm.at[pl.ds(off, chunk)], so[b]).wait()

        for b in range(_NBUF - 1):
            issue(b, b)

        def step(i, carry):
            for b in range(_NBUF):
                c = _NBUF * i + b
                nb = (b + _NBUF - 1) % _NBUF

                @pl.when(c + _NBUF - 1 < n_chunks)
                def _():
                    @pl.when(c >= 1)
                    def _():
                        drain_out(c - 1, nb)
                    issue(c + _NBUF - 1, nb)

                wait_in(c, b)

                def add_body(r, carry2):
                    for k in range(vecs_per_row):
                        s = pl.ds(k * _LANES, _LANES)
                        plsc.addupdate(xb[b].at[r, s], rb[b][r, s])
                    return carry2

                lax.fori_loop(0, chunk, add_body, 0)

                off = base + c * chunk
                pltpu.async_copy(xb[b], out_hbm.at[pl.ds(off, chunk)], so[b])
            return carry

        lax.fori_loop(0, n_chunks // _NBUF, step, 0)
        for k in range(_NBUF):
            c = n_chunks - _NBUF + k
            drain_out(c, c % _NBUF)

    return pe_add


@jax.jit
def kernel(x, patch_indices, positional_encoding):
    batch, num_patches, d = x.shape
    H, W, _ = positional_encoding.shape
    N = batch * num_patches

    xf = x.reshape(N, d)
    table = positional_encoding.reshape(H * W, d)
    i0 = patch_indices[:, :, 0].astype(jnp.int32).reshape(N)
    i1 = patch_indices[:, :, 1].astype(jnp.int32).reshape(N)

    out = _build(N, d, W, 16)(xf, i0, i1, table)
    return out.reshape(batch, num_patches, d)

# --- scband reference (transcript-rebuilt; emitter-appended) ---
"""Pipeline reference for scband-positional-encoding-5257039970651 (READ-ONLY COPY).

The authoritative reference and input builder live on the scoring server;
editing this copy changes nothing except your own understanding.
"""

import jax, jax.numpy as jnp
import numpy as np


def get_1d_positional_embedding(embedding_dimension, max_length):
    positions = jnp.arange(max_length)
    dimensions = jnp.arange(embedding_dimension // 2)
    normalized_dimensions = 2 * dimensions / embedding_dimension
    denominator = 10000 ** normalized_dimensions
    matrix = positions[:, None] / denominator[None, :]
    sin_embedding = jnp.sin(matrix)
    cos_embedding = jnp.cos(matrix)
    # rearrange([sin, cos], 't l d -> l (d t)') == interleave sin/cos per dimension
    embedding = jnp.stack([sin_embedding, cos_embedding], axis=-1).reshape(max_length, embedding_dimension)
    return embedding


def get_2d_positional_embedding(embedding_dimension, height, width):
    assert embedding_dimension % 2 == 0
    height_embedding = get_1d_positional_embedding(embedding_dimension // 2, height)
    width_embedding = get_1d_positional_embedding(embedding_dimension // 2, width)
    return jnp.concatenate([
        jnp.repeat(height_embedding[:, None, :], width, axis=1),
        jnp.repeat(width_embedding[None, :, :], height, axis=0),
    ], axis=2)


def setup_inputs(seed: int = 0) -> dict:
    key = jax.random.key(seed)
    k1, k2 = jax.random.split(key)
    batch, num_patches, d = 32, 1024, 768
    max_num_patches = 32
    x = jax.random.normal(k1, (batch, num_patches, d), dtype=jnp.float32)
    patch_indices = jax.random.randint(k2, (batch, num_patches, 2), 0, max_num_patches).astype(jnp.int64)
    positional_encoding = get_2d_positional_embedding(d, max_num_patches, max_num_patches).astype(jnp.float32)
    return {"x": x, "patch_indices": patch_indices, "positional_encoding": positional_encoding}


def reference(x, patch_indices, positional_encoding):
    positions = positional_encoding[patch_indices[:, :, 0], patch_indices[:, :, 1]]
    return x + positions

if __name__ == "__main__":
    import jax
    _d = setup_inputs()
    print(jax.jit(kernel)(*tuple(_d.values())))

</pallas_src>

<mosaic_0001>
#map = affine_map<(d0, d1) -> (0, 0)>
#map1 = affine_map<(d0, d1) -> (0)>
module attributes {stable_mosaic.version = 14 : i64} {
  func.func @pe_add(%arg0: i32, %arg1: i32, %arg2: memref<32768x768xf32, #tpu.memory_space<hbm>>, %arg3: memref<32768xi32, #tpu.memory_space<hbm>>, %arg4: memref<32768xi32, #tpu.memory_space<hbm>>, %arg5: memref<1024x768xf32, #tpu.memory_space<hbm>>, %arg6: memref<32768x768xf32, #tpu.memory_space<hbm>>, %arg7: memref<1024xi32, #tpu.memory_space<vmem>>, %arg8: memref<1024xi32, #tpu.memory_space<vmem>>, %arg9: memref<1024xi32, #tpu.memory_space<vmem>>, %arg10: memref<16x768xf32, #tpu.memory_space<vmem>>, %arg11: memref<16x768xf32, #tpu.memory_space<vmem>>, %arg12: memref<16x768xf32, #tpu.memory_space<vmem>>, %arg13: memref<16x768xf32, #tpu.memory_space<vmem>>, %arg14: memref<16x768xf32, #tpu.memory_space<vmem>>, %arg15: memref<16x768xf32, #tpu.memory_space<vmem>>, %arg16: memref<16x768xf32, #tpu.memory_space<vmem>>, %arg17: memref<16x768xf32, #tpu.memory_space<vmem>>, %arg18: memref<!tpu.dma_semaphore, #tpu.memory_space<semaphore_mem>>, %arg19: memref<!tpu.dma_semaphore, #tpu.memory_space<semaphore_mem>>, %arg20: memref<!tpu.dma_semaphore, #tpu.memory_space<semaphore_mem>>, %arg21: memref<!tpu.dma_semaphore, #tpu.memory_space<semaphore_mem>>, %arg22: memref<!tpu.dma_semaphore, #tpu.memory_space<semaphore_mem>>, %arg23: memref<!tpu.dma_semaphore, #tpu.memory_space<semaphore_mem>>, %arg24: memref<!tpu.dma_semaphore, #tpu.memory_space<semaphore_mem>>, %arg25: memref<!tpu.dma_semaphore, #tpu.memory_space<semaphore_mem>>, %arg26: memref<!tpu.dma_semaphore, #tpu.memory_space<semaphore_mem>>, %arg27: memref<!tpu.dma_semaphore, #tpu.memory_space<semaphore_mem>>, %arg28: memref<!tpu.dma_semaphore, #tpu.memory_space<semaphore_mem>>, %arg29: memref<!tpu.dma_semaphore, #tpu.memory_space<semaphore_mem>>) attributes {dimension_semantics = [#tpu.dimension_semantics<core_parallel>, #tpu.dimension_semantics<subcore_parallel>], iteration_bounds = array<i64: 2, 16>, scalar_prefetch = 0 : i64, scratch_operands = 23 : i64, tpu.core_type = #tpu.core_type<sc_vector_subcore>, window_params = [{transform_indices = #map}, {transform_indices = #map1}, {transform_indices = #map1}, {transform_indices = #map}, {transform_indices = #map}]} {
    %mul3A = arith.constant 2 : i32
    %mul3A_0 = arith.muli %arg1, %mul3A : i32
    %add3A = arith.addi %mul3A_0, %arg0 : i32
    %mul3A_1 = arith.constant 1024 : i32
    %mul3A_2 = arith.muli %add3A, %mul3A_1 : i32
    "tpu.region"() ({
      %run_scoped3A = tpu.sem_alloc : memref<!tpu.dma_semaphore, #tpu.memory_space<semaphore_mem>>
      %dma_start3A_69 = tpu.memref_slice %arg3[%mul3A_2] : memref<32768xi32, #tpu.memory_space<hbm>> -> memref<1024xi32, #tpu.memory_space<hbm>>
      %dma_start3A_70 = tpu.memref_slice %arg3[%mul3A_2] : memref<32768xi32, #tpu.memory_space<hbm>> -> memref<1024xi32, #tpu.memory_space<hbm>>
      tpu.enqueue_dma source(%dma_start3A_70 : memref<1024xi32, #tpu.memory_space<hbm>>) target(%arg7 : memref<1024xi32, #tpu.memory_space<vmem>>) target_semaphore(%run_scoped3A : memref<!tpu.dma_semaphore, #tpu.memory_space<semaphore_mem>>)
      %dma_wait3A_71 = tpu.memref_slice %arg3[%mul3A_2] : memref<32768xi32, #tpu.memory_space<hbm>> -> memref<1024xi32, #tpu.memory_space<hbm>>
      %dma_wait3A_72 = tpu.memref_slice %arg3[%mul3A_2] : memref<32768xi32, #tpu.memory_space<hbm>> -> memref<1024xi32, #tpu.memory_space<hbm>>
      tpu.wait_dma2 semaphore(%run_scoped3A : memref<!tpu.dma_semaphore, #tpu.memory_space<semaphore_mem>>) src(%dma_wait3A_72 : memref<1024xi32, #tpu.memory_space<hbm>>) dst(%arg7 : memref<1024xi32, #tpu.memory_space<vmem>>)
      tpu.yield
    }) : () -> ()
    "tpu.region"() ({
      %run_scoped3A = tpu.sem_alloc : memref<!tpu.dma_semaphore, #tpu.memory_space<semaphore_mem>>
      %dma_start3A_69 = tpu.memref_slice %arg4[%mul3A_2] : memref<32768xi32, #tpu.memory_space<hbm>> -> memref<1024xi32, #tpu.memory_space<hbm>>
      %dma_start3A_70 = tpu.memref_slice %arg4[%mul3A_2] : memref<32768xi32, #tpu.memory_space<hbm>> -> memref<1024xi32, #tpu.memory_space<hbm>>
      tpu.enqueue_dma source(%dma_start3A_70 : memref<1024xi32, #tpu.memory_space<hbm>>) target(%arg8 : memref<1024xi32, #tpu.memory_space<vmem>>) target_semaphore(%run_scoped3A : memref<!tpu.dma_semaphore, #tpu.memory_space<semaphore_mem>>)
      %dma_wait3A_71 = tpu.memref_slice %arg4[%mul3A_2] : memref<32768xi32, #tpu.memory_space<hbm>> -> memref<1024xi32, #tpu.memory_space<hbm>>
      %dma_wait3A_72 = tpu.memref_slice %arg4[%mul3A_2] : memref<32768xi32, #tpu.memory_space<hbm>> -> memref<1024xi32, #tpu.memory_space<hbm>>
      tpu.wait_dma2 semaphore(%run_scoped3A : memref<!tpu.dma_semaphore, #tpu.memory_space<semaphore_mem>>) src(%dma_wait3A_72 : memref<1024xi32, #tpu.memory_space<hbm>>) dst(%arg8 : memref<1024xi32, #tpu.memory_space<vmem>>)
      tpu.yield
    }) : () -> ()
    %scan3A = arith.constant 0 : i32
    %scan3A_3 = arith.constant 0 : i32
    %scan3A_4 = arith.constant 64 : i32
    %scan3A_5 = arith.addi %scan3A_3, %scan3A_4 : i32
    %scan3A_6 = arith.constant 1 : i32
    scf.for %scan3A_69 = %scan3A_3 to %scan3A_5 step %scan3A_6  : i32 {
      %mul3A_70 = arith.constant 16 : i32
      %mul3A_71 = arith.muli %scan3A_69, %mul3A_70 : i32
      %get3A = arith.index_cast %mul3A_71 : i32 to index
      %get3A_72 = tpu.vector_load %arg7[%get3A] {strides = array<i32>} : memref<1024xi32, #tpu.memory_space<vmem>>, vector<16xi32>,
      %get3A_73 = vector.shape_cast %get3A_72 : vector<16xi32> to vector<16xi32>
      %mul3A_74 = arith.constant 32 : i32
      %mul3A_75 = vector.broadcast %mul3A_74 : i32 to vector<16xi32>
      %mul3A_76 = arith.muli %get3A_73, %mul3A_75 : vector<16xi32>
      %get3A_77 = arith.index_cast %mul3A_71 : i32 to index
      %get3A_78 = tpu.vector_load %arg8[%get3A_77] {strides = array<i32>} : memref<1024xi32, #tpu.memory_space<vmem>>, vector<16xi32>,
      %get3A_79 = vector.shape_cast %get3A_78 : vector<16xi32> to vector<16xi32>
      %add3A_80 = arith.addi %mul3A_76, %get3A_79 : vector<16xi32>
      %swap3A = arith.index_cast %mul3A_71 : i32 to index
      %swap3A_81 = tpu.vector_load %arg9[%swap3A] {strides = array<i32>} : memref<1024xi32, #tpu.memory_space<vmem>>, vector<16xi32>,
      %swap3A_82 = vector.shape_cast %swap3A_81 : vector<16xi32> to vector<16xi32>
      %swap3A_83 = vector.shape_cast %add3A_80 : vector<16xi32> to vector<16xi32>
      tpu.vector_store %arg9[%swap3A], %swap3A_83 {strides = array<i32>} : memref<1024xi32, #tpu.memory_space<vmem>>, vector<16xi32>,
    }
    %scan3A_7 = arith.constant 64 : i32
    %add3A_8 = arith.constant 0 : i32
    %add3A_9 = arith.addi %mul3A_2, %add3A_8 : i32
    %dma_start3A = arith.constant 0 : i32
    %dma_start3A_10 = tpu.memref_slice %arg2[%add3A_9, %dma_start3A] : memref<32768x768xf32, #tpu.memory_space<hbm>> -> memref<16x768xf32, #tpu.memory_space<hbm>>
    %dma_start3A_11 = arith.constant 0 : i32
    %dma_start3A_12 = tpu.memref_slice %arg2[%add3A_9, %dma_start3A_11] : memref<32768x768xf32, #tpu.memory_space<hbm>> -> memref<16x768xf32, #tpu.memory_space<hbm>>
    tpu.enqueue_dma source(%dma_start3A_12 : memref<16x768xf32, #tpu.memory_space<hbm>>) target(%arg10 : memref<16x768xf32, #tpu.memory_space<vmem>>) target_semaphore(%arg18 : memref<!tpu.dma_semaphore, #tpu.memory_space<semaphore_mem>>)
    %dma_start3A_13 = arith.constant 0 : i32
    %dma_start3A_14 = tpu.memref_slice %arg9[%dma_start3A_13] : memref<1024xi32, #tpu.memory_space<vmem>> -> memref<16xi32, #tpu.memory_space<vmem>>
    %dma_start3A_15 = arith.constant 0 : i32
    %dma_start3A_16 = arith.constant 0 : i32
    %dma_start3A_17 = tpu.memref_slice %arg5[%dma_start3A_15, %dma_start3A_16] : memref<1024x768xf32, #tpu.memory_space<hbm>> -> memref<1024x768xf32, #tpu.memory_space<hbm>>
    tpu.enqueue_indirect_dma source(%dma_start3A_17 : memref<1024x768xf32, #tpu.memory_space<hbm>>) target(%arg14 : memref<16x768xf32, #tpu.memory_space<vmem>>) offsets(%dma_start3A_14 : memref<16xi32, #tpu.memory_space<vmem>>) semaphore(%arg22 : memref<!tpu.dma_semaphore, #tpu.memory_space<semaphore_mem>>)
    %add3A_18 = arith.constant 16 : i32
    %add3A_19 = arith.addi %mul3A_2, %add3A_18 : i32
    %dma_start3A_20 = arith.constant 0 : i32
    %dma_start3A_21 = tpu.memref_slice %arg2[%add3A_19, %dma_start3A_20] : memref<32768x768xf32, #tpu.memory_space<hbm>> -> memref<16x768xf32, #tpu.memory_space<hbm>>
    %dma_start3A_22 = arith.constant 0 : i32
    %dma_start3A_23 = tpu.memref_slice %arg2[%add3A_19, %dma_start3A_22] : memref<32768x768xf32, #tpu.memory_space<hbm>> -> memref<16x768xf32, #tpu.memory_space<hbm>>
    tpu.enqueue_dma source(%dma_start3A_23 : memref<16x768xf32, #tpu.memory_space<hbm>>) target(%arg11 : memref<16x768xf32, #tpu.memory_space<vmem>>) target_semaphore(%arg19 : memref<!tpu.dma_semaphore, #tpu.memory_space<semaphore_mem>>)
    %dma_start3A_24 = arith.constant 16 : i32
    %dma_start3A_25 = tpu.memref_slice %arg9[%dma_start3A_24] : memref<1024xi32, #tpu.memory_space<vmem>> -> memref<16xi32, #tpu.memory_space<vmem>>
    %dma_start3A_26 = arith.constant 0 : i32
    %dma_start3A_27 = arith.constant 0 : i32
    %dma_start3A_28 = tpu.memref_slice %arg5[%dma_start3A_26, %dma_start3A_27] : memref<1024x768xf32, #tpu.memory_space<hbm>> -> memref<1024x768xf32, #tpu.memory_space<hbm>>
    tpu.enqueue_indirect_dma source(%dma_start3A_28 : memref<1024x768xf32, #tpu.memory_space<hbm>>) target(%arg15 : memref<16x768xf32, #tpu.memory_space<vmem>>) offsets(%dma_start3A_25 : memref<16xi32, #tpu.memory_space<vmem>>) semaphore(%arg23 : memref<!tpu.dma_semaphore, #tpu.memory_space<semaphore_mem>>)
    %add3A_29 = arith.constant 32 : i32
    %add3A_30 = arith.addi %mul3A_2, %add3A_29 : i32
    %dma_start3A_31 = arith.constant 0 : i32
    %dma_start3A_32 = tpu.memref_slice %arg2[%add3A_30, %dma_start3A_31] : memref<32768x768xf32, #tpu.memory_space<hbm>> -> memref<16x768xf32, #tpu.memory_space<hbm>>
    %dma_start3A_33 = arith.constant 0 : i32
    %dma_start3A_34 = tpu.memref_slice %arg2[%add3A_30, %dma_start3A_33] : memref<32768x768xf32, #tpu.memory_space<hbm>> -> memref<16x768xf32, #tpu.memory_space<hbm>>
    tpu.enqueue_dma source(%dma_start3A_34 : memref<16x768xf32, #tpu.memory_space<hbm>>) target(%arg12 : memref<16x768xf32, #tpu.memory_space<vmem>>) target_semaphore(%arg20 : memref<!tpu.dma_semaphore, #tpu.memory_space<semaphore_mem>>)
    %dma_start3A_35 = arith.constant 32 : i32
    %dma_start3A_36 = tpu.memref_slice %arg9[%dma_start3A_35] : memref<1024xi32, #tpu.memory_space<vmem>> -> memref<16xi32, #tpu.memory_space<vmem>>
    %dma_start3A_37 = arith.constant 0 : i32
    %dma_start3A_38 = arith.constant 0 : i32
    %dma_start3A_39 = tpu.memref_slice %arg5[%dma_start3A_37, %dma_start3A_38] : memref<1024x768xf32, #tpu.memory_space<hbm>> -> memref<1024x768xf32, #tpu.memory_space<hbm>>
    tpu.enqueue_indirect_dma source(%dma_start3A_39 : memref<1024x768xf32, #tpu.memory_space<hbm>>) target(%arg16 : memref<16x768xf32, #tpu.memory_space<vmem>>) offsets(%dma_start3A_36 : memref<16xi32, #tpu.memory_space<vmem>>) semaphore(%arg24 : memref<!tpu.dma_semaphore, #tpu.memory_space<semaphore_mem>>)
    %scan3A_40 = arith.constant 0 : i32
    %scan3A_41 = arith.constant 0 : i32
    %scan3A_42 = arith.constant 16 : i32
    %scan3A_43 = arith.addi %scan3A_41, %scan3A_42 : i32
    %scan3A_44 = arith.constant 1 : i32
    scf.for %scan3A_69 = %scan3A_41 to %scan3A_43 step %scan3A_44  : i32 {
      %mul3A_70 = arith.constant 4 : i32
      %mul3A_71 = arith.muli %mul3A_70, %scan3A_69 : i32
      %add3A_72 = arith.constant 0 : i32
      %add3A_73 = arith.addi %mul3A_71, %add3A_72 : i32
      %add3A_74 = arith.constant 4 : i32
      %add3A_75 = arith.addi %add3A_73, %add3A_74 : i32
      %sub3A = arith.constant 1 : i32
      %sub3A_76 = arith.subi %add3A_75, %sub3A : i32
      %lt3A = arith.constant 64 : i32
      %lt3A_77 = arith.cmpi slt, %sub3A_76, %lt3A : i32
      %convert_element_type3A = arith.extui %lt3A_77 : i1 to i32
      %cond3A = arith.constant 0 : i32
      %cond3A_78 = arith.cmpi ne, %convert_element_type3A, %cond3A : i32
      scf.if %cond3A_78 {
        %ge3A = arith.constant 1 : i32
        %ge3A_222 = arith.cmpi sge, %add3A_73, %ge3A : i32
        %convert_element_type3A_223 = arith.extui %ge3A_222 : i1 to i32
        %cond3A_224 = arith.constant 0 : i32
        %cond3A_225 = arith.cmpi ne, %convert_element_type3A_223, %cond3A_224 : i32
        scf.if %cond3A_225 {
          %sub3A_243 = arith.constant 1 : i32
          %sub3A_244 = arith.subi %add3A_73, %sub3A_243 : i32
          %mul3A_245 = arith.constant 16 : i32
          %mul3A_246 = arith.muli %sub3A_244, %mul3A_245 : i32
          %add3A_247 = arith.addi %mul3A_2, %mul3A_246 : i32
          %dma_wait3A_248 = arith.constant 0 : i32
          %dma_wait3A_249 = tpu.memref_slice %arg6[%add3A_247, %dma_wait3A_248] : memref<32768x768xf32, #tpu.memory_space<hbm>> -> memref<16x768xf32, #tpu.memory_space<hbm>>
          %dma_wait3A_250 = arith.constant 0 : i32
          %dma_wait3A_251 = tpu.memref_slice %arg6[%add3A_247, %dma_wait3A_250] : memref<32768x768xf32, #tpu.memory_space<hbm>> -> memref<16x768xf32, #tpu.memory_space<hbm>>
          tpu.wait_dma2 semaphore(%arg29 : memref<!tpu.dma_semaphore, #tpu.memory_space<semaphore_mem>>) src(%arg13 : memref<16x768xf32, #tpu.memory_space<vmem>>) dst(%dma_wait3A_251 : memref<16x768xf32, #tpu.memory_space<hbm>>)
        } else {
        }
        %add3A_226 = arith.constant 4 : i32
        %add3A_227 = arith.addi %add3A_73, %add3A_226 : i32
        %sub3A_228 = arith.constant 1 : i32
        %sub3A_229 = arith.subi %add3A_227, %sub3A_228 : i32
        %mul3A_230 = arith.constant 16 : i32
        %mul3A_231 = arith.muli %sub3A_229, %mul3A_230 : i32
        %add3A_232 = arith.addi %mul3A_2, %mul3A_231 : i32
        %dma_start3A_233 = arith.constant 0 : i32
        %dma_start3A_234 = tpu.memref_slice %arg2[%add3A_232, %dma_start3A_233] : memref<32768x768xf32, #tpu.memory_space<hbm>> -> memref<16x768xf32, #tpu.memory_space<hbm>>
        %dma_start3A_235 = arith.constant 0 : i32
        %dma_start3A_236 = tpu.memref_slice %arg2[%add3A_232, %dma_start3A_235] : memref<32768x768xf32, #tpu.memory_space<hbm>> -> memref<16x768xf32, #tpu.memory_space<hbm>>
        tpu.enqueue_dma source(%dma_start3A_236 : memref<16x768xf32, #tpu.memory_space<hbm>>) target(%arg13 : memref<16x768xf32, #tpu.memory_space<vmem>>) target_semaphore(%arg21 : memref<!tpu.dma_semaphore, #tpu.memory_space<semaphore_mem>>)
        %mul3A_237 = arith.constant 16 : i32
        %mul3A_238 = arith.muli %sub3A_229, %mul3A_237 : i32
        %dma_start3A_239 = tpu.memref_slice %arg9[%mul3A_238] : memref<1024xi32, #tpu.memory_space<vmem>> -> memref<16xi32, #tpu.memory_space<vmem>>
        %dma_start3A_240 = arith.constant 0 : i32
        %dma_start3A_241 = arith.constant 0 : i32
        %dma_start3A_242 = tpu.memref_slice %arg5[%dma_start3A_240, %dma_start3A_241] : memref<1024x768xf32, #tpu.memory_space<hbm>> -> memref<1024x768xf32, #tpu.memory_space<hbm>>
        tpu.enqueue_indirect_dma source(%dma_start3A_242 : memref<1024x768xf32, #tpu.memory_space<hbm>>) target(%arg17 : memref<16x768xf32, #tpu.memory_space<vmem>>) offsets(%dma_start3A_239 : memref<16xi32, #tpu.memory_space<vmem>>) semaphore(%arg25 : memref<!tpu.dma_semaphore, #tpu.memory_space<semaphore_mem>>)
      } else {
      }
      %mul3A_79 = arith.constant 16 : i32
      %mul3A_80 = arith.muli %add3A_73, %mul3A_79 : i32
      %add3A_81 = arith.addi %mul3A_2, %mul3A_80 : i32
      %dma_wait3A_82 = arith.constant 0 : i32
      %dma_wait3A_83 = tpu.memref_slice %arg2[%add3A_81, %dma_wait3A_82] : memref<32768x768xf32, #tpu.memory_space<hbm>> -> memref<16x768xf32, #tpu.memory_space<hbm>>
      %dma_wait3A_84 = arith.constant 0 : i32
      %dma_wait3A_85 = tpu.memref_slice %arg2[%add3A_81, %dma_wait3A_84] : memref<32768x768xf32, #tpu.memory_space<hbm>> -> memref<16x768xf32, #tpu.memory_space<hbm>>
      tpu.wait_dma2 semaphore(%arg18 : memref<!tpu.dma_semaphore, #tpu.memory_space<semaphore_mem>>) src(%dma_wait3A_85 : memref<16x768xf32, #tpu.memory_space<hbm>>) dst(%arg10 : memref<16x768xf32, #tpu.memory_space<vmem>>)
      %mul3A_86 = arith.constant 16 : i32
      %mul3A_87 = arith.muli %add3A_73, %mul3A_86 : i32
      %dma_wait3A_88 = tpu.memref_slice %arg9[%mul3A_87] : memref<1024xi32, #tpu.memory_space<vmem>> -> memref<16xi32, #tpu.memory_space<vmem>>
      %dma_wait3A_89 = arith.constant 0 : i32
      %dma_wait3A_90 = arith.constant 0 : i32
      %dma_wait3A_91 = tpu.memref_slice %arg5[%dma_wait3A_89, %dma_wait3A_90] : memref<1024x768xf32, #tpu.memory_space<hbm>> -> memref<1024x768xf32, #tpu.memory_space<hbm>>
      tpu.wait_indirect_dma semaphore(%arg22 : memref<!tpu.dma_semaphore, #tpu.memory_space<semaphore_mem>>) src(%dma_wait3A_91 : memref<1024x768xf32, #tpu.memory_space<hbm>>) dst(%arg14 : memref<16x768xf32, #tpu.memory_space<vmem>>)
      %scan3A_92 = arith.constant 0 : i32
      %scan3A_93 = arith.constant 0 : i32
      %scan3A_94 = arith.constant 16 : i32
      %scan3A_95 = arith.addi %scan3A_93, %scan3A_94 : i32
      %scan3A_96 = arith.constant 1 : i32
      scf.for %scan3A_222 = %scan3A_93 to %scan3A_95 step %scan3A_96  : i32 {
        %get3A = arith.index_cast %scan3A_222 : i32 to index
        %get3A_223 = arith.constant 0 : index
        %get3A_224 = tpu.vector_load %arg14[%get3A, %get3A_223] {strides = array<i32>} : memref<16x768xf32, #tpu.memory_space<vmem>>, vector<1x16xf32>,
        %get3A_225 = vector.shape_cast %get3A_224 : vector<1x16xf32> to vector<16xf32>
        %swap3A = arith.index_cast %scan3A_222 : i32 to index
        %swap3A_226 = arith.constant 0 : index
        %swap3A_227 = tpu.vector_load %arg10[%swap3A, %swap3A_226] {strides = array<i32>} : memref<16x768xf32, #tpu.memory_space<vmem>>, vector<1x16xf32>,
        %swap3A_228 = vector.shape_cast %swap3A_227 : vector<1x16xf32> to vector<16xf32>
        %swap3A_229 = vector.shape_cast %get3A_225 : vector<16xf32> to vector<1x16xf32>
        tpu.vector_store %arg10[%swap3A, %swap3A_226], %swap3A_229 {add = true, strides = array<i32>} : memref<16x768xf32, #tpu.memory_space<vmem>>, vector<1x16xf32>,
        %get3A_230 = arith.index_cast %scan3A_222 : i32 to index
        %get3A_231 = arith.constant 16 : index
        %get3A_232 = tpu.vector_load %arg14[%get3A_230, %get3A_231] {strides = array<i32>} : memref<16x768xf32, #tpu.memory_space<vmem>>, vector<1x16xf32>,
        %get3A_233 = vector.shape_cast %get3A_232 : vector<1x16xf32> to vector<16xf32>
        %swap3A_234 = arith.index_cast %scan3A_222 : i32 to index
        %swap3A_235 = arith.constant 16 : index
        %swap3A_236 = tpu.vector_load %arg10[%swap3A_234, %swap3A_235] {strides = array<i32>} : memref<16x768xf32, #tpu.memory_space<vmem>>, vector<1x16xf32>,
        %swap3A_237 = vector.shape_cast %swap3A_236 : vector<1x16xf32> to vector<16xf32>
        %swap3A_238 = vector.shape_cast %get3A_233 : vector<16xf32> to vector<1x16xf32>
        tpu.vector_store %arg10[%swap3A_234, %swap3A_235], %swap3A_238 {add = true, strides = array<i32>} : memref<16x768xf32, #tpu.memory_space<vmem>>, vector<1x16xf32>,
        %get3A_239 = arith.index_cast %scan3A_222 : i32 to index
        %get3A_240 = arith.constant 32 : index
        %get3A_241 = tpu.vector_load %arg14[%get3A_239, %get3A_240] {strides = array<i32>} : memref<16x768xf32, #tpu.memory_space<vmem>>, vector<1x16xf32>,
        %get3A_242 = vector.shape_cast %get3A_241 : vector<1x16xf32> to vector<16xf32>
        %swap3A_243 = arith.index_cast %scan3A_222 : i32 to index
        %swap3A_244 = arith.constant 32 : index
        %swap3A_245 = tpu.vector_load %arg10[%swap3A_243, %swap3A_244] {strides = array<i32>} : memref<16x768xf32, #tpu.memory_space<vmem>>, vector<1x16xf32>,
        %swap3A_246 = vector.shape_cast %swap3A_245 : vector<1x16xf32> to vector<16xf32>
        %swap3A_247 = vector.shape_cast %get3A_242 : vector<16xf32> to vector<1x16xf32>
        tpu.vector_store %arg10[%swap3A_243, %swap3A_244], %swap3A_247 {add = true, strides = array<i32>} : memref<16x768xf32, #tpu.memory_space<vmem>>, vector<1x16xf32>,
        %get3A_248 = arith.index_cast %scan3A_222 : i32 to index
        %get3A_249 = arith.constant 48 : index
        %get3A_250 = tpu.vector_load %arg14[%get3A_248, %get3A_249] {strides = array<i32>} : memref<16x768xf32, #tpu.memory_space<vmem>>, vector<1x16xf32>,
        %get3A_251 = vector.shape_cast %get3A_250 : vector<1x16xf32> to vector<16xf32>
        %swap3A_252 = arith.index_cast %scan3A_222 : i32 to index
        %swap3A_253 = arith.constant 48 : index
        %swap3A_254 = tpu.vector_load %arg10[%swap3A_252, %swap3A_253] {strides = array<i32>} : memref<16x768xf32, #tpu.memory_space<vmem>>, vector<1x16xf32>,
        %swap3A_255 = vector.shape_cast %swap3A_254 : vector<1x16xf32> to vector<16xf32>
        %swap3A_256 = vector.shape_cast %get3A_251 : vector<16xf32> to vector<1x16xf32>
        tpu.vector_store %arg10[%swap3A_252, %swap3A_253], %swap3A_256 {add = true, strides = array<i32>} : memref<16x768xf32, #tpu.memory_space<vmem>>, vector<1x16xf32>,
        %get3A_257 = arith.index_cast %scan3A_222 : i32 to index
        %get3A_258 = arith.constant 64 : index
        %get3A_259 = tpu.vector_load %arg14[%get3A_257, %get3A_258] {strides = array<i32>} : memref<16x768xf32, #tpu.memory_space<vmem>>, vector<1x16xf32>,
        %get3A_260 = vector.shape_cast %get3A_259 : vector<1x16xf32> to vector<16xf32>
        %swap3A_261 = arith.index_cast %scan3A_222 : i32 to index
        %swap3A_262 = arith.constant 64 : index
        %swap3A_263 = tpu.vector_load %arg10[%swap3A_261, %swap3A_262] {strides = array<i32>} : memref<16x768xf32, #tpu.memory_space<vmem>>, vector<1x16xf32>,
        %swap3A_264 = vector.shape_cast %swap3A_263 : vector<1x16xf32> to vector<16xf32>
        %swap3A_265 = vector.shape_cast %get3A_260 : vector<16xf32> to vector<1x16xf32>
        tpu.vector_store %arg10[%swap3A_261, %swap3A_262], %swap3A_265 {add = true, strides = array<i32>} : memref<16x768xf32, #tpu.memory_space<vmem>>, vector<1x16xf32>,
        %get3A_266 = arith.index_cast %scan3A_222 : i32 to index
        %get3A_267 = arith.constant 80 : index
        %get3A_268 = tpu.vector_load %arg14[%get3A_266, %get3A_267] {strides = array<i32>} : memref<16x768xf32, #tpu.memory_space<vmem>>, vector<1x16xf32>,
        %get3A_269 = vector.shape_cast %get3A_268 : vector<1x16xf32> to vector<16xf32>
        %swap3A_270 = arith.index_cast %scan3A_222 : i32 to index
        %swap3A_271 = arith.constant 80 : index
        %swap3A_272 = tpu.vector_load %arg10[%swap3A_270, %swap3A_271] {strides = array<i32>} : memref<16x768xf32, #tpu.memory_space<vmem>>, vector<1x16xf32>,
        %swap3A_273 = vector.shape_cast %swap3A_272 : vector<1x16xf32> to vector<16xf32>
        %swap3A_274 = vector.shape_cast %get3A_269 : vector<16xf32> to vector<1x16xf32>
        tpu.vector_store %arg10[%swap3A_270, %swap3A_271], %swap3A_274 {add = true, strides = array<i32>} : memref<16x768xf32, #tpu.memory_space<vmem>>, vector<1x16xf32>,
        %get3A_275 = arith.index_cast %scan3A_222 : i32 to index
        %get3A_276 = arith.constant 96 : index
        %get3A_277 = tpu.vector_load %arg14[%get3A_275, %get3A_276] {strides = array<i32>} : memref<16x768xf32, #tpu.memory_space<vmem>>, vector<1x16xf32>,
        %get3A_278 = vector.shape_cast %get3A_277 : vector<1x16xf32> to vector<16xf32>
        %swap3A_279 = arith.index_cast %scan3A_222 : i32 to index
        %swap3A_280 = arith.constant 96 : index
        %swap3A_281 = tpu.vector_load %arg10[%swap3A_279, %swap3A_280] {strides = array<i32>} : memref<16x768xf32, #tpu.memory_space<vmem>>, vector<1x16xf32>,
        %swap3A_282 = vector.shape_cast %swap3A_281 : vector<1x16xf32> to vector<16xf32>
        %swap3A_283 = vector.shape_cast %get3A_278 : vector<16xf32> to vector<1x16xf32>
        tpu.vector_store %arg10[%swap3A_279, %swap3A_280], %swap3A_283 {add = true, strides = array<i32>} : memref<16x768xf32, #tpu.memory_space<vmem>>, vector<1x16xf32>,
        %get3A_284 = arith.index_cast %scan3A_222 : i32 to index
        %get3A_285 = arith.constant 112 : index
        %get3A_286 = tpu.vector_load %arg14[%get3A_284, %get3A_285] {strides = array<i32>} : memref<16x768xf32, #tpu.memory_space<vmem>>, vector<1x16xf32>,
        %get3A_287 = vector.shape_cast %get3A_286 : vector<1x16xf32> to vector<16xf32>
        %swap3A_288 = arith.index_cast %scan3A_222 : i32 to index
        %swap3A_289 = arith.constant 112 : index
        %swap3A_290 = tpu.vector_load %arg10[%swap3A_288, %swap3A_289] {strides = array<i32>} : memref<16x768xf32, #tpu.memory_space<vmem>>, vector<1x16xf32>,
        %swap3A_291 = vector.shape_cast %swap3A_290 : vector<1x16xf32> to vector<16xf32>
        %swap3A_292 = vector.shape_cast %get3A_287 : vector<16xf32> to vector<1x16xf32>
        tpu.vector_store %arg10[%swap3A_288, %swap3A_289], %swap3A_292 {add = true, strides = array<i32>} : memref<16x768xf32, #tpu.memory_space<vmem>>, vector<1x16xf32>,
        %get3A_293 = arith.index_cast %scan3A_222 : i32 to index
        %get3A_294 = arith.constant 128 : index
        %get3A_295 = tpu.vector_load %arg14[%get3A_293, %get3A_294] {strides = array<i32>} : memref<16x768xf32, #tpu.memory_space<vmem>>, vector<1x16xf32>,
        %get3A_296 = vector.shape_cast %get3A_295 : vector<1x16xf32> to vector<16xf32>
        %swap3A_297 = arith.index_cast %scan3A_222 : i32 to index
        %swap3A_298 = arith.constant 128 : index
        %swap3A_299 = tpu.vector_load %arg10[%swap3A_297, %swap3A_298] {strides = array<i32>} : memref<16x768xf32, #tpu.memory_space<vmem>>, vector<1x16xf32>,
        %swap3A_300 = vector.shape_cast %swap3A_299 : vector<1x16xf32> to vector<16xf32>
        %swap3A_301 = vector.shape_cast %get3A_296 : vector<16xf32> to vector<1x16xf32>
        tpu.vector_store %arg10[%swap3A_297, %swap3A_298], %swap3A_301 {add = true, strides = array<i32>} : memref<16x768xf32, #tpu.memory_space<vmem>>, vector<1x16xf32>,
        %get3A_302 = arith.index_cast %scan3A_222 : i32 to index
        %get3A_303 = arith.constant 144 : index
        %get3A_304 = tpu.vector_load %arg14[%get3A_302, %get3A_303] {strides = array<i32>} : memref<16x768xf32, #tpu.memory_space<vmem>>, vector<1x16xf32>,
        %get3A_305 = vector.shape_cast %get3A_304 : vector<1x16xf32> to vector<16xf32>
        %swap3A_306 = arith.index_cast %scan3A_222 : i32 to index
        %swap3A_307 = arith.constant 144 : index
        %swap3A_308 = tpu.vector_load %arg10[%swap3A_306, %swap3A_307] {strides = array<i32>} : memref<16x768xf32, #tpu.memory_space<vmem>>, vector<1x16xf32>,
        %swap3A_309 = vector.shape_cast %swap3A_308 : vector<1x16xf32> to vector<16xf32>
        %swap3A_310 = vector.shape_cast %get3A_305 : vector<16xf32> to vector<1x16xf32>
        tpu.vector_store %arg10[%swap3A_306, %swap3A_307], %swap3A_310 {add = true, strides = array<i32>} : memref<16x768xf32, #tpu.memory_space<vmem>>, vector<1x16xf32>,
        %get3A_311 = arith.index_cast %scan3A_222 : i32 to index
        %get3A_312 = arith.constant 160 : index
        %get3A_313 = tpu.vector_load %arg14[%get3A_311, %get3A_312] {strides = array<i32>} : memref<16x768xf32, #tpu.memory_space<vmem>>, vector<1x16xf32>,
        %get3A_314 = vector.shape_cast %get3A_313 : vector<1x16xf32> to vector<16xf32>
        %swap3A_315 = arith.index_cast %scan3A_222 : i32 to index
        %swap3A_316 = arith.constant 160 : index
        %swap3A_317 = tpu.vector_load %arg10[%swap3A_315, %swap3A_316] {strides = array<i32>} : memref<16x768xf32, #tpu.memory_space<vmem>>, vector<1x16xf32>,
        %swap3A_318 = vector.shape_cast %swap3A_317 : vector<1x16xf32> to vector<16xf32>
        %swap3A_319 = vector.shape_cast %get3A_314 : vector<16xf32> to vector<1x16xf32>
        tpu.vector_store %arg10[%swap3A_315, %swap3A_316], %swap3A_319 {add = true, strides = array<i32>} : memref<16x768xf32, #tpu.memory_space<vmem>>, vector<1x16xf32>,
        %get3A_320 = arith.index_cast %scan3A_222 : i32 to index
        %get3A_321 = arith.constant 176 : index
        %get3A_322 = tpu.vector_load %arg14[%get3A_320, %get3A_321] {strides = array<i32>} : memref<16x768xf32, #tpu.memory_space<vmem>>, vector<1x16xf32>,
        %get3A_323 = vector.shape_cast %get3A_322 : vector<1x16xf32> to vector<16xf32>
        %swap3A_324 = arith.index_cast %scan3A_222 : i32 to index
        %swap3A_325 = arith.constant 176 : index
        %swap3A_326 = tpu.vector_load %arg10[%swap3A_324, %swap3A_325] {strides = array<i32>} : memref<16x768xf32, #tpu.memory_space<vmem>>, vector<1x16xf32>,
        %swap3A_327 = vector.shape_cast %swap3A_326 : vector<1x16xf32> to vector<16xf32>
        %swap3A_328 = vector.shape_cast %get3A_323 : vector<16xf32> to vector<1x16xf32>
        tpu.vector_store %arg10[%swap3A_324, %swap3A_325], %swap3A_328 {add = true, strides = array<i32>} : memref<16x768xf32, #tpu.memory_space<vmem>>, vector<1x16xf32>,
        %get3A_329 = arith.index_cast %scan3A_222 : i32 to index
        %get3A_330 = arith.constant 192 : index
        %get3A_331 = tpu.vector_load %arg14[%get3A_329, %get3A_330] {strides = array<i32>} : memref<16x768xf32, #tpu.memory_space<vmem>>, vector<1x16xf32>,
        %get3A_332 = vector.shape_cast %get3A_331 : vector<1x16xf32> to vector<16xf32>
        %swap3A_333 = arith.index_cast %scan3A_222 : i32 to index
        %swap3A_334 = arith.constant 192 : index
        %swap3A_335 = tpu.vector_load %arg10[%swap3A_333, %swap3A_334] {strides = array<i32>} : memref<16x768xf32, #tpu.memory_space<vmem>>, vector<1x16xf32>,
        %swap3A_336 = vector.shape_cast %swap3A_335 : vector<1x16xf32> to vector<16xf32>
        %swap3A_337 = vector.shape_cast %get3A_332 : vector<16xf32> to vector<1x16xf32>
        tpu.vector_store %arg10[%swap3A_333, %swap3A_334], %swap3A_337 {add = true, strides = array<i32>} : memref<16x768xf32, #tpu.memory_space<vmem>>, vector<1x16xf32>,
        %get3A_338 = arith.index_cast %scan3A_222 : i32 to index
        %get3A_339 = arith.constant 208 : index
        %get3A_340 = tpu.vector_load %arg14[%get3A_338, %get3A_339] {strides = array<i32>} : memref<16x768xf32, #tpu.memory_space<vmem>>, vector<1x16xf32>,
        %get3A_341 = vector.shape_cast %get3A_340 : vector<1x16xf32> to vector<16xf32>
        %swap3A_342 = arith.index_cast %scan3A_222 : i32 to index
        %swap3A_343 = arith.constant 208 : index
        %swap3A_344 = tpu.vector_load %arg10[%swap3A_342, %swap3A_343] {strides = array<i32>} : memref<16x768xf32, #tpu.memory_space<vmem>>, vector<1x16xf32>,
        %swap3A_345 = vector.shape_cast %swap3A_344 : vector<1x16xf32> to vector<16xf32>
        %swap3A_346 = vector.shape_cast %get3A_341 : vector<16xf32> to vector<1x16xf32>
        tpu.vector_store %arg10[%swap3A_342, %swap3A_343], %swap3A_346 {add = true, strides = array<i32>} : memref<16x768xf32, #tpu.memory_space<vmem>>, vector<1x16xf32>,
        %get3A_347 = arith.index_cast %scan3A_222 : i32 to index
        %get3A_348 = arith.constant 224 : index
        %get3A_349 = tpu.vector_load %arg14[%get3A_347, %get3A_348] {strides = array<i32>} : memref<16x768xf32, #tpu.memory_space<vmem>>, vector<1x16xf32>,
        %get3A_350 = vector.shape_cast %get3A_349 : vector<1x16xf32> to vector<16xf32>
        %swap3A_351 = arith.index_cast %scan3A_222 : i32 to index
        %swap3A_352 = arith.constant 224 : index
        %swap3A_353 = tpu.vector_load %arg10[%swap3A_351, %swap3A_352] {strides = array<i32>} : memref<16x768xf32, #tpu.memory_space<vmem>>, vector<1x16xf32>,
        %swap3A_354 = vector.shape_cast %swap3A_353 : vector<1x16xf32> to vector<16xf32>
        %swap3A_355 = vector.shape_cast %get3A_350 : vector<16xf32> to vector<1x16xf32>
        tpu.vector_store %arg10[%swap3A_351, %swap3A_352], %swap3A_355 {add = true, strides = array<i32>} : memref<16x768xf32, #tpu.memory_space<vmem>>, vector<1x16xf32>,
        %get3A_356 = arith.index_cast %scan3A_222 : i32 to index
        %get3A_357 = arith.constant 240 : index
        %get3A_358 = tpu.vector_load %arg14[%get3A_356, %get3A_357] {strides = array<i32>} : memref<16x768xf32, #tpu.memory_space<vmem>>, vector<1x16xf32>,
        %get3A_359 = vector.shape_cast %get3A_358 : vector<1x16xf32> to vector<16xf32>
        %swap3A_360 = arith.index_cast %scan3A_222 : i32 to index
        %swap3A_361 = arith.constant 240 : index
        %swap3A_362 = tpu.vector_load %arg10[%swap3A_360, %swap3A_361] {strides = array<i32>} : memref<16x768xf32, #tpu.memory_space<vmem>>, vector<1x16xf32>,
        %swap3A_363 = vector.shape_cast %swap3A_362 : vector<1x16xf32> to vector<16xf32>
        %swap3A_364 = vector.shape_cast %get3A_359 : vector<16xf32> to vector<1x16xf32>
        tpu.vector_store %arg10[%swap3A_360, %swap3A_361], %swap3A_364 {add = true, strides = array<i32>} : memref<16x768xf32, #tpu.memory_space<vmem>>, vector<1x16xf32>,
        %get3A_365 = arith.index_cast %scan3A_222 : i32 to index
        %get3A_366 = arith.constant 256 : index
        %get3A_367 = tpu.vector_load %arg14[%get3A_365, %get3A_366] {strides = array<i32>} : memref<16x768xf32, #tpu.memory_space<vmem>>, vector<1x16xf32>,
        %get3A_368 = vector.shape_cast %get3A_367 : vector<1x16xf32> to vector<16xf32>
        %swap3A_369 = arith.index_cast %scan3A_222 : i32 to index
        %swap3A_370 = arith.constant 256 : index
        %swap3A_371 = tpu.vector_load %arg10[%swap3A_369, %swap3A_370] {strides = array<i32>} : memref<16x768xf32, #tpu.memory_space<vmem>>, vector<1x16xf32>,
        %swap3A_372 = vector.shape_cast %swap3A_371 : vector<1x16xf32> to vector<16xf32>
        %swap3A_373 = vector.shape_cast %get3A_368 : vector<16xf32> to vector<1x16xf32>
        tpu.vector_store %arg10[%swap3A_369, %swap3A_370], %swap3A_373 {add = true, strides = array<i32>} : memref<16x768xf32, #tpu.memory_space<vmem>>, vector<1x16xf32>,
        %get3A_374 = arith.index_cast %scan3A_222 : i32 to index
        %get3A_375 = arith.constant 272 : index
        %get3A_376 = tpu.vector_load %arg14[%get3A_374, %get3A_375] {strides = array<i32>} : memref<16x768xf32, #tpu.memory_space<vmem>>, vector<1x16xf32>,
        %get3A_377 = vector.shape_cast %get3A_376 : vector<1x16xf32> to vector<16xf32>
        %swap3A_378 = arith.index_cast %scan3A_222 : i32 to index
        %swap3A_379 = arith.constant 272 : index
        %swap3A_380 = tpu.vector_load %arg10[%swap3A_378, %swap3A_379] {strides = array<i32>} : memref<16x768xf32, #tpu.memory_space<vmem>>, vector<1x16xf32>,
        %swap3A_381 = vector.shape_cast %swap3A_380 : vector<1x16xf32> to vector<16xf32>
        %swap3A_382 = vector.shape_cast %get3A_377 : vector<16xf32> to vector<1x16xf32>
        tpu.vector_store %arg10[%swap3A_378, %swap3A_379], %swap3A_382 {add = true, strides = array<i32>} : memref<16x768xf32, #tpu.memory_space<vmem>>, vector<1x16xf32>,
        %get3A_383 = arith.index_cast %scan3A_222 : i32 to index
        %get3A_384 = arith.constant 288 : index
        %get3A_385 = tpu.vector_load %arg14[%get3A_383, %get3A_384] {strides = array<i32>} : memref<16x768xf32, #tpu.memory_space<vmem>>, vector<1x16xf32>,
        %get3A_386 = vector.shape_cast %get3A_385 : vector<1x16xf32> to vector<16xf32>
        %swap3A_387 = arith.index_cast %scan3A_222 : i32 to index
        %swap3A_388 = arith.constant 288 : index
        %swap3A_389 = tpu.vector_load %arg10[%swap3A_387, %swap3A_388] {strides = array<i32>} : memref<16x768xf32, #tpu.memory_space<vmem>>, vector<1x16xf32>,
        %swap3A_390 = vector.shape_cast %swap3A_389 : vector<1x16xf32> to vector<16xf32>
        %swap3A_391 = vector.shape_cast %get3A_386 : vector<16xf32> to vector<1x16xf32>
        tpu.vector_store %arg10[%swap3A_387, %swap3A_388], %swap3A_391 {add = true, strides = array<i32>} : memref<16x768xf32, #tpu.memory_space<vmem>>, vector<1x16xf32>,
        %get3A_392 = arith.index_cast %scan3A_222 : i32 to index
        %get3A_393 = arith.constant 304 : index
        %get3A_394 = tpu.vector_load %arg14[%get3A_392, %get3A_393] {strides = array<i32>} : memref<16x768xf32, #tpu.memory_space<vmem>>, vector<1x16xf32>,
        %get3A_395 = vector.shape_cast %get3A_394 : vector<1x16xf32> to vector<16xf32>
        %swap3A_396 = arith.index_cast %scan3A_222 : i32 to index
        %swap3A_397 = arith.constant 304 : index
        %swap3A_398 = tpu.vector_load %arg10[%swap3A_396, %swap3A_397] {strides = array<i32>} : memref<16x768xf32, #tpu.memory_space<vmem>>, vector<1x16xf32>,
        %swap3A_399 = vector.shape_cast %swap3A_398 : vector<1x16xf32> to vector<16xf32>
        %swap3A_400 = vector.shape_cast %get3A_395 : vector<16xf32> to vector<1x16xf32>
        tpu.vector_store %arg10[%swap3A_396, %swap3A_397], %swap3A_400 {add = true, strides = array<i32>} : memref<16x768xf32, #tpu.memory_space<vmem>>, vector<1x16xf32>,
        %get3A_401 = arith.index_cast %scan3A_222 : i32 to index
        %get3A_402 = arith.constant 320 : index
        %get3A_403 = tpu.vector_load %arg14[%get3A_401, %get3A_402] {strides = array<i32>} : memref<16x768xf32, #tpu.memory_space<vmem>>, vector<1x16xf32>,
        %get3A_404 = vector.shape_cast %get3A_403 : vector<1x16xf32> to vector<16xf32>
        %swap3A_405 = arith.index_cast %scan3A_222 : i32 to index
        %swap3A_406 = arith.constant 320 : index
        %swap3A_407 = tpu.vector_load %arg10[%swap3A_405, %swap3A_406] {strides = array<i32>} : memref<16x768xf32, #tpu.memory_space<vmem>>, vector<1x16xf32>,
        %swap3A_408 = vector.shape_cast %swap3A_407 : vector<1x16xf32> to vector<16xf32>
        %swap3A_409 = vector.shape_cast %get3A_404 : vector<16xf32> to vector<1x16xf32>
        tpu.vector_store %arg10[%swap3A_405, %swap3A_406], %swap3A_409 {add = true, strides = array<i32>} : memref<16x768xf32, #tpu.memory_space<vmem>>, vector<1x16xf32>,
        %get3A_410 = arith.index_cast %scan3A_222 : i32 to index
        %get3A_411 = arith.constant 336 : index
        %get3A_412 = tpu.vector_load %arg14[%get3A_410, %get3A_411] {strides = array<i32>} : memref<16x768xf32, #tpu.memory_space<vmem>>, vector<1x16xf32>,
        %get3A_413 = vector.shape_cast %get3A_412 : vector<1x16xf32> to vector<16xf32>
        %swap3A_414 = arith.index_cast %scan3A_222 : i32 to index
        %swap3A_415 = arith.constant 336 : index
        %swap3A_416 = tpu.vector_load %arg10[%swap3A_414, %swap3A_415] {strides = array<i32>} : memref<16x768xf32, #tpu.memory_space<vmem>>, vector<1x16xf32>,
        %swap3A_417 = vector.shape_cast %swap3A_416 : vector<1x16xf32> to vector<16xf32>
        %swap3A_418 = vector.shape_cast %get3A_413 : vector<16xf32> to vector<1x16xf32>
        tpu.vector_store %arg10[%swap3A_414, %swap3A_415], %swap3A_418 {add = true, strides = array<i32>} : memref<16x768xf32, #tpu.memory_space<vmem>>, vector<1x16xf32>,
        %get3A_419 = arith.index_cast %scan3A_222 : i32 to index
        %get3A_420 = arith.constant 352 : index
        %get3A_421 = tpu.vector_load %arg14[%get3A_419, %get3A_420] {strides = array<i32>} : memref<16x768xf32, #tpu.memory_space<vmem>>, vector<1x16xf32>,
        %get3A_422 = vector.shape_cast %get3A_421 : vector<1x16xf32> to vector<16xf32>
        %swap3A_423 = arith.index_cast %scan3A_222 : i32 to index
        %swap3A_424 = arith.constant 352 : index
        %swap3A_425 = tpu.vector_load %arg10[%swap3A_423, %swap3A_424] {strides = array<i32>} : memref<16x768xf32, #tpu.memory_space<vmem>>, vector<1x16xf32>,
        %swap3A_426 = vector.shape_cast %swap3A_425 : vector<1x16xf32> to vector<16xf32>
        %swap3A_427 = vector.shape_cast %get3A_422 : vector<16xf32> to vector<1x16xf32>
        tpu.vector_store %arg10[%swap3A_423, %swap3A_424], %swap3A_427 {add = true, strides = array<i32>} : memref<16x768xf32, #tpu.memory_space<vmem>>, vector<1x16xf32>,
        %get3A_428 = arith.index_cast %scan3A_222 : i32 to index
        %get3A_429 = arith.constant 368 : index
        %get3A_430 = tpu.vector_load %arg14[%get3A_428, %get3A_429] {strides = array<i32>} : memref<16x768xf32, #tpu.memory_space<vmem>>, vector<1x16xf32>,
        %get3A_431 = vector.shape_cast %get3A_430 : vector<1x16xf32> to vector<16xf32>
        %swap3A_432 = arith.index_cast %scan3A_222 : i32 to index
        %swap3A_433 = arith.constant 368 : index
        %swap3A_434 = tpu.vector_load %arg10[%swap3A_432, %swap3A_433] {strides = array<i32>} : memref<16x768xf32, #tpu.memory_space<vmem>>, vector<1x16xf32>,
        %swap3A_435 = vector.shape_cast %swap3A_434 : vector<1x16xf32> to vector<16xf32>
        %swap3A_436 = vector.shape_cast %get3A_431 : vector<16xf32> to vector<1x16xf32>
        tpu.vector_store %arg10[%swap3A_432, %swap3A_433], %swap3A_436 {add = true, strides = array<i32>} : memref<16x768xf32, #tpu.memory_space<vmem>>, vector<1x16xf32>,
        %get3A_437 = arith.index_cast %scan3A_222 : i32 to index
        %get3A_438 = arith.constant 384 : index
        %get3A_439 = tpu.vector_load %arg14[%get3A_437, %get3A_438] {strides = array<i32>} : memref<16x768xf32, #tpu.memory_space<vmem>>, vector<1x16xf32>,
        %get3A_440 = vector.shape_cast %get3A_439 : vector<1x16xf32> to vector<16xf32>
        %swap3A_441 = arith.index_cast %scan3A_222 : i32 to index
        %swap3A_442 = arith.constant 384 : index
        %swap3A_443 = tpu.vector_load %arg10[%swap3A_441, %swap3A_442] {strides = array<i32>} : memref<16x768xf32, #tpu.memory_space<vmem>>, vector<1x16xf32>,
        %swap3A_444 = vector.shape_cast %swap3A_443 : vector<1x16xf32> to vector<16xf32>
        %swap3A_445 = vector.shape_cast %get3A_440 : vector<16xf32> to vector<1x16xf32>
        tpu.vector_store %arg10[%swap3A_441, %swap3A_442], %swap3A_445 {add = true, strides = array<i32>} : memref<16x768xf32, #tpu.memory_space<vmem>>, vector<1x16xf32>,
        %get3A_446 = arith.index_cast %scan3A_222 : i32 to index
        %get3A_447 = arith.constant 400 : index
        %get3A_448 = tpu.vector_load %arg14[%get3A_446, %get3A_447] {strides = array<i32>} : memref<16x768xf32, #tpu.memory_space<vmem>>, vector<1x16xf32>,
        %get3A_449 = vector.shape_cast %get3A_448 : vector<1x16xf32> to vector<16xf32>
        %swap3A_450 = arith.index_cast %scan3A_222 : i32 to index
        %swap3A_451 = arith.constant 400 : index
        %swap3A_452 = tpu.vector_load %arg10[%swap3A_450, %swap3A_451] {strides = array<i32>} : memref<16x768xf32, #tpu.memory_space<vmem>>, vector<1x16xf32>,
        %swap3A_453 = vector.shape_cast %swap3A_452 : vector<1x16xf32> to vector<16xf32>
        %swap3A_454 = vector.shape_cast %get3A_449 : vector<16xf32> to vector<1x16xf32>
        tpu.vector_store %arg10[%swap3A_450, %swap3A_451], %swap3A_454 {add = true, strides = array<i32>} : memref<16x768xf32, #tpu.memory_space<vmem>>, vector<1x16xf32>,
        %get3A_455 = arith.index_cast %scan3A_222 : i32 to index
        %get3A_456 = arith.constant 416 : index
        %get3A_457 = tpu.vector_load %arg14[%get3A_455, %get3A_456] {strides = array<i32>} : memref<16x768xf32, #tpu.memory_space<vmem>>, vector<1x16xf32>,
        %get3A_458 = vector.shape_cast %get3A_457 : vector<1x16xf32> to vector<16xf32>
        %swap3A_459 = arith.index_cast %scan3A_222 : i32 to index
        %swap3A_460 = arith.constant 416 : index
        %swap3A_461 = tpu.vector_load %arg10[%swap3A_459, %swap3A_460] {strides = array<i32>} : memref<16x768xf32, #tpu.memory_space<vmem>>, vector<1x16xf32>,
        %swap3A_462 = vector.shape_cast %swap3A_461 : vector<1x16xf32> to vector<16xf32>
        %swap3A_463 = vector.shape_cast %get3A_458 : vector<16xf32> to vector<1x16xf32>
        tpu.vector_store %arg10[%swap3A_459, %swap3A_460], %swap3A_463 {add = true, strides = array<i32>} : memref<16x768xf32, #tpu.memory_space<vmem>>, vector<1x16xf32>,
        %get3A_464 = arith.index_cast %scan3A_222 : i32 to index
        %get3A_465 = arith.constant 432 : index
        %get3A_466 = tpu.vector_load %arg14[%get3A_464, %get3A_465] {strides = array<i32>} : memref<16x768xf32, #tpu.memory_space<vmem>>, vector<1x16xf32>,
        %get3A_467 = vector.shape_cast %get3A_466 : vector<1x16xf32> to vector<16xf32>
        %swap3A_468 = arith.index_cast %scan3A_222 : i32 to index
        %swap3A_469 = arith.constant 432 : index
        %swap3A_470 = tpu.vector_load %arg10[%swap3A_468, %swap3A_469] {strides = array<i32>} : memref<16x768xf32, #tpu.memory_space<vmem>>, vector<1x16xf32>,
        %swap3A_471 = vector.shape_cast %swap3A_470 : vector<1x16xf32> to vector<16xf32>
        %swap3A_472 = vector.shape_cast %get3A_467 : vector<16xf32> to vector<1x16xf32>
        tpu.vector_store %arg10[%swap3A_468, %swap3A_469], %swap3A_472 {add = true, strides = array<i32>} : memref<16x768xf32, #tpu.memory_space<vmem>>, vector<1x16xf32>,
        %get3A_473 = arith.index_cast %scan3A_222 : i32 to index
        %get3A_474 = arith.constant 448 : index
        %get3A_475 = tpu.vector_load %arg14[%get3A_473, %get3A_474] {strides = array<i32>} : memref<16x768xf32, #tpu.memory_space<vmem>>, vector<1x16xf32>,
        %get3A_476 = vector.shape_cast %get3A_475 : vector<1x16xf32> to vector<16xf32>
        %swap3A_477 = arith.index_cast %scan3A_222 : i32 to index
        %swap3A_478 = arith.constant 448 : index
        %swap3A_479 = tpu.vector_load %arg10[%swap3A_477, %swap3A_478] {strides = array<i32>} : memref<16x768xf32, #tpu.memory_space<vmem>>, vector<1x16xf32>,
        %swap3A_480 = vector.shape_cast %swap3A_479 : vector<1x16xf32> to vector<16xf32>
        %swap3A_481 = vector.shape_cast %get3A_476 : vector<16xf32> to vector<1x16xf32>
        tpu.vector_store %arg10[%swap3A_477, %swap3A_478], %swap3A_481 {add = true, strides = array<i32>} : memref<16x768xf32, #tpu.memory_space<vmem>>, vector<1x16xf32>,
        %get3A_482 = arith.index_cast %scan3A_222 : i32 to index
        %get3A_483 = arith.constant 464 : index
        %get3A_484 = tpu.vector_load %arg14[%get3A_482, %get3A_483] {strides = array<i32>} : memref<16x768xf32, #tpu.memory_space<vmem>>, vector<1x16xf32>,
        %get3A_485 = vector.shape_cast %get3A_484 : vector<1x16xf32> to vector<16xf32>
        %swap3A_486 = arith.index_cast %scan3A_222 : i32 to index
        %swap3A_487 = arith.constant 464 : index
        %swap3A_488 = tpu.vector_load %arg10[%swap3A_486, %swap3A_487] {strides = array<i32>} : memref<16x768xf32, #tpu.memory_space<vmem>>, vector<1x16xf32>,
        %swap3A_489 = vector.shape_cast %swap3A_488 : vector<1x16xf32> to vector<16xf32>
        %swap3A_490 = vector.shape_cast %get3A_485 : vector<16xf32> to vector<1x16xf32>
        tpu.vector_store %arg10[%swap3A_486, %swap3A_487], %swap3A_490 {add = true, strides = array<i32>} : memref<16x768xf32, #tpu.memory_space<vmem>>, vector<1x16xf32>,
        %get3A_491 = arith.index_cast %scan3A_222 : i32 to index
        %get3A_492 = arith.constant 480 : index
        %get3A_493 = tpu.vector_load %arg14[%get3A_491, %get3A_492] {strides = array<i32>} : memref<16x768xf32, #tpu.memory_space<vmem>>, vector<1x16xf32>,
        %get3A_494 = vector.shape_cast %get3A_493 : vector<1x16xf32> to vector<16xf32>
        %swap3A_495 = arith.index_cast %scan3A_222 : i32 to index
        %swap3A_496 = arith.constant 480 : index
        %swap3A_497 = tpu.vector_load %arg10[%swap3A_495, %swap3A_496] {strides = array<i32>} : memref<16x768xf32, #tpu.memory_space<vmem>>, vector<1x16xf32>,
        %swap3A_498 = vector.shape_cast %swap3A_497 : vector<1x16xf32> to vector<16xf32>
        %swap3A_499 = vector.shape_cast %get3A_494 : vector<16xf32> to vector<1x16xf32>
        tpu.vector_store %arg10[%swap3A_495, %swap3A_496], %swap3A_499 {add = true, strides = array<i32>} : memref<16x768xf32, #tpu.memory_space<vmem>>, vector<1x16xf32>,
        %get3A_500 = arith.index_cast %scan3A_222 : i32 to index
        %get3A_501 = arith.constant 496 : index
        %get3A_502 = tpu.vector_load %arg14[%get3A_500, %get3A_501] {strides = array<i32>} : memref<16x768xf32, #tpu.memory_space<vmem>>, vector<1x16xf32>,
        %get3A_503 = vector.shape_cast %get3A_502 : vector<1x16xf32> to vector<16xf32>
        %swap3A_504 = arith.index_cast %scan3A_222 : i32 to index
        %swap3A_505 = arith.constant 496 : index
        %swap3A_506 = tpu.vector_load %arg10[%swap3A_504, %swap3A_505] {strides = array<i32>} : memref<16x768xf32, #tpu.memory_space<vmem>>, vector<1x16xf32>,
        %swap3A_507 = vector.shape_cast %swap3A_506 : vector<1x16xf32> to vector<16xf32>
        %swap3A_508 = vector.shape_cast %get3A_503 : vector<16xf32> to vector<1x16xf32>
        tpu.vector_store %arg10[%swap3A_504, %swap3A_505], %swap3A_508 {add = true, strides = array<i32>} : memref<16x768xf32, #tpu.memory_space<vmem>>, vector<1x16xf32>,
        %get3A_509 = arith.index_cast %scan3A_222 : i32 to index
        %get3A_510 = arith.constant 512 : index
        %get3A_511 = tpu.vector_load %arg14[%get3A_509, %get3A_510] {strides = array<i32>} : memref<16x768xf32, #tpu.memory_space<vmem>>, vector<1x16xf32>,
        %get3A_512 = vector.shape_cast %get3A_511 : vector<1x16xf32> to vector<16xf32>
        %swap3A_513 = arith.index_cast %scan3A_222 : i32 to index
        %swap3A_514 = arith.constant 512 : index
        %swap3A_515 = tpu.vector_load %arg10[%swap3A_513, %swap3A_514] {strides = array<i32>} : memref<16x768xf32, #tpu.memory_space<vmem>>, vector<1x16xf32>,
        %swap3A_516 = vector.shape_cast %swap3A_515 : vector<1x16xf32> to vector<16xf32>
        %swap3A_517 = vector.shape_cast %get3A_512 : vector<16xf32> to vector<1x16xf32>
        tpu.vector_store %arg10[%swap3A_513, %swap3A_514], %swap3A_517 {add = true, strides = array<i32>} : memref<16x768xf32, #tpu.memory_space<vmem>>, vector<1x16xf32>,
        %get3A_518 = arith.index_cast %scan3A_222 : i32 to index
        %get3A_519 = arith.constant 528 : index
        %get3A_520 = tpu.vector_load %arg14[%get3A_518, %get3A_519] {strides = array<i32>} : memref<16x768xf32, #tpu.memory_space<vmem>>, vector<1x16xf32>,
        %get3A_521 = vector.shape_cast %get3A_520 : vector<1x16xf32> to vector<16xf32>
        %swap3A_522 = arith.index_cast %scan3A_222 : i32 to index
        %swap3A_523 = arith.constant 528 : index
        %swap3A_524 = tpu.vector_load %arg10[%swap3A_522, %swap3A_523] {strides = array<i32>} : memref<16x768xf32, #tpu.memory_space<vmem>>, vector<1x16xf32>,
        %swap3A_525 = vector.shape_cast %swap3A_524 : vector<1x16xf32> to vector<16xf32>
        %swap3A_526 = vector.shape_cast %get3A_521 : vector<16xf32> to vector<1x16xf32>
        tpu.vector_store %arg10[%swap3A_522, %swap3A_523], %swap3A_526 {add = true, strides = array<i32>} : memref<16x768xf32, #tpu.memory_space<vmem>>, vector<1x16xf32>,
        %get3A_527 = arith.index_cast %scan3A_222 : i32 to index
        %get3A_528 = arith.constant 544 : index
        %get3A_529 = tpu.vector_load %arg14[%get3A_527, %get3A_528] {strides = array<i32>} : memref<16x768xf32, #tpu.memory_space<vmem>>, vector<1x16xf32>,
        %get3A_530 = vector.shape_cast %get3A_529 : vector<1x16xf32> to vector<16xf32>
        %swap3A_531 = arith.index_cast %scan3A_222 : i32 to index
        %swap3A_532 = arith.constant 544 : index
        %swap3A_533 = tpu.vector_load %arg10[%swap3A_531, %swap3A_532] {strides = array<i32>} : memref<16x768xf32, #tpu.memory_space<vmem>>, vector<1x16xf32>,
        %swap3A_534 = vector.shape_cast %swap3A_533 : vector<1x16xf32> to vector<16xf32>
        %swap3A_535 = vector.shape_cast %get3A_530 : vector<16xf32> to vector<1x16xf32>
        tpu.vector_store %arg10[%swap3A_531, %swap3A_532], %swap3A_535 {add = true, strides = array<i32>} : memref<16x768xf32, #tpu.memory_space<vmem>>, vector<1x16xf32>,
        %get3A_536 = arith.index_cast %scan3A_222 : i32 to index
        %get3A_537 = arith.constant 560 : index
        %get3A_538 = tpu.vector_load %arg14[%get3A_536, %get3A_537] {strides = array<i32>} : memref<16x768xf32, #tpu.memory_space<vmem>>, vector<1x16xf32>,
        %get3A_539 = vector.shape_cast %get3A_538 : vector<1x16xf32> to vector<16xf32>
        %swap3A_540 = arith.index_cast %scan3A_222 : i32 to index
        %swap3A_541 = arith.constant 560 : index
        %swap3A_542 = tpu.vector_load %arg10[%swap3A_540, %swap3A_541] {strides = array<i32>} : memref<16x768xf32, #tpu.memory_space<vmem>>, vector<1x16xf32>,
        %swap3A_543 = vector.shape_cast %swap3A_542 : vector<1x16xf32> to vector<16xf32>
        %swap3A_544 = vector.shape_cast %get3A_539 : vector<16xf32> to vector<1x16xf32>
        tpu.vector_store %arg10[%swap3A_540, %swap3A_541], %swap3A_544 {add = true, strides = array<i32>} : memref<16x768xf32, #tpu.memory_space<vmem>>, vector<1x16xf32>,
        %get3A_545 = arith.index_cast %scan3A_222 : i32 to index
        %get3A_546 = arith.constant 576 : index
        %get3A_547 = tpu.vector_load %arg14[%get3A_545, %get3A_546] {strides = array<i32>} : memref<16x768xf32, #tpu.memory_space<vmem>>, vector<1x16xf32>,
        %get3A_548 = vector.shape_cast %get3A_547 : vector<1x16xf32> to vector<16xf32>
        %swap3A_549 = arith.index_cast %scan3A_222 : i32 to index
        %swap3A_550 = arith.constant 576 : index
        %swap3A_551 = tpu.vector_load %arg10[%swap3A_549, %swap3A_550] {strides = array<i32>} : memref<16x768xf32, #tpu.memory_space<vmem>>, vector<1x16xf32>,
        %swap3A_552 = vector.shape_cast %swap3A_551 : vector<1x16xf32> to vector<16xf32>
        %swap3A_553 = vector.shape_cast %get3A_548 : vector<16xf32> to vector<1x16xf32>
        tpu.vector_store %arg10[%swap3A_549, %swap3A_550], %swap3A_553 {add = true, strides = array<i32>} : memref<16x768xf32, #tpu.memory_space<vmem>>, vector<1x16xf32>,
        %get3A_554 = arith.index_cast %scan3A_222 : i32 to index
        %get3A_555 = arith.constant 592 : index
        %get3A_556 = tpu.vector_load %arg14[%get3A_554, %get3A_555] {strides = array<i32>} : memref<16x768xf32, #tpu.memory_space<vmem>>, vector<1x16xf32>,
        %get3A_557 = vector.shape_cast %get3A_556 : vector<1x16xf32> to vector<16xf32>
        %swap3A_558 = arith.index_cast %scan3A_222 : i32 to index
        %swap3A_559 = arith.constant 592 : index
        %swap3A_560 = tpu.vector_load %arg10[%swap3A_558, %swap3A_559] {strides = array<i32>} : memref<16x768xf32, #tpu.memory_space<vmem>>, vector<1x16xf32>,
        %swap3A_561 = vector.shape_cast %swap3A_560 : vector<1x16xf32> to vector<16xf32>
        %swap3A_562 = vector.shape_cast %get3A_557 : vector<16xf32> to vector<1x16xf32>
        tpu.vector_store %arg10[%swap3A_558, %swap3A_559], %swap3A_562 {add = true, strides = array<i32>} : memref<16x768xf32, #tpu.memory_space<vmem>>, vector<1x16xf32>,
        %get3A_563 = arith.index_cast %scan3A_222 : i32 to index
        %get3A_564 = arith.constant 608 : index
        %get3A_565 = tpu.vector_load %arg14[%get3A_563, %get3A_564] {strides = array<i32>} : memref<16x768xf32, #tpu.memory_space<vmem>>, vector<1x16xf32>,
        %get3A_566 = vector.shape_cast %get3A_565 : vector<1x16xf32> to vector<16xf32>
        %swap3A_567 = arith.index_cast %scan3A_222 : i32 to index
        %swap3A_568 = arith.constant 608 : index
        %swap3A_569 = tpu.vector_load %arg10[%swap3A_567, %swap3A_568] {strides = array<i32>} : memref<16x768xf32, #tpu.memory_space<vmem>>, vector<1x16xf32>,
        %swap3A_570 = vector.shape_cast %swap3A_569 : vector<1x16xf32> to vector<16xf32>
        %swap3A_571 = vector.shape_cast %get3A_566 : vector<16xf32> to vector<1x16xf32>
        tpu.vector_store %arg10[%swap3A_567, %swap3A_568], %swap3A_571 {add = true, strides = array<i32>} : memref<16x768xf32, #tpu.memory_space<vmem>>, vector<1x16xf32>,
        %get3A_572 = arith.index_cast %scan3A_222 : i32 to index
        %get3A_573 = arith.constant 624 : index
        %get3A_574 = tpu.vector_load %arg14[%get3A_572, %get3A_573] {strides = array<i32>} : memref<16x768xf32, #tpu.memory_space<vmem>>, vector<1x16xf32>,
        %get3A_575 = vector.shape_cast %get3A_574 : vector<1x16xf32> to vector<16xf32>
        %swap3A_576 = arith.index_cast %scan3A_222 : i32 to index
        %swap3A_577 = arith.constant 624 : index
        %swap3A_578 = tpu.vector_load %arg10[%swap3A_576, %swap3A_577] {strides = array<i32>} : memref<16x768xf32, #tpu.memory_space<vmem>>, vector<1x16xf32>,
        %swap3A_579 = vector.shape_cast %swap3A_578 : vector<1x16xf32> to vector<16xf32>
        %swap3A_580 = vector.shape_cast %get3A_575 : vector<16xf32> to vector<1x16xf32>
        tpu.vector_store %arg10[%swap3A_576, %swap3A_577], %swap3A_580 {add = true, strides = array<i32>} : memref<16x768xf32, #tpu.memory_space<vmem>>, vector<1x16xf32>,
        %get3A_581 = arith.index_cast %scan3A_222 : i32 to index
        %get3A_582 = arith.constant 640 : index
        %get3A_583 = tpu.vector_load %arg14[%get3A_581, %get3A_582] {strides = array<i32>} : memref<16x768xf32, #tpu.memory_space<vmem>>, vector<1x16xf32>,
        %get3A_584 = vector.shape_cast %get3A_583 : vector<1x16xf32> to vector<16xf32>
        %swap3A_585 = arith.index_cast %scan3A_222 : i32 to index
        %swap3A_586 = arith.constant 640 : index
        %swap3A_587 = tpu.vector_load %arg10[%swap3A_585, %swap3A_586] {strides = array<i32>} : memref<16x768xf32, #tpu.memory_space<vmem>>, vector<1x16xf32>,
        %swap3A_588 = vector.shape_cast %swap3A_587 : vector<1x16xf32> to vector<16xf32>
        %swap3A_589 = vector.shape_cast %get3A_584 : vector<16xf32> to vector<1x16xf32>
        tpu.vector_store %arg10[%swap3A_585, %swap3A_586], %swap3A_589 {add = true, strides = array<i32>} : memref<16x768xf32, #tpu.memory_space<vmem>>, vector<1x16xf32>,
        %get3A_590 = arith.index_cast %scan3A_222 : i32 to index
        %get3A_591 = arith.constant 656 : index
        %get3A_592 = tpu.vector_load %arg14[%get3A_590, %get3A_591] {strides = array<i32>} : memref<16x768xf32, #tpu.memory_space<vmem>>, vector<1x16xf32>,
        %get3A_593 = vector.shape_cast %get3A_592 : vector<1x16xf32> to vector<16xf32>
        %swap3A_594 = arith.index_cast %scan3A_222 : i32 to index
        %swap3A_595 = arith.constant 656 : index
        %swap3A_596 = tpu.vector_load %arg10[%swap3A_594, %swap3A_595] {strides = array<i32>} : memref<16x768xf32, #tpu.memory_space<vmem>>, vector<1x16xf32>,
        %swap3A_597 = vector.shape_cast %swap3A_596 : vector<1x16xf32> to vector<16xf32>
        %swap3A_598 = vector.shape_cast %get3A_593 : vector<16xf32> to vector<1x16xf32>
        tpu.vector_store %arg10[%swap3A_594, %swap3A_595], %swap3A_598 {add = true, strides = array<i32>} : memref<16x768xf32, #tpu.memory_space<vmem>>, vector<1x16xf32>,
        %get3A_599 = arith.index_cast %scan3A_222 : i32 to index
        %get3A_600 = arith.constant 672 : index
        %get3A_601 = tpu.vector_load %arg14[%get3A_599, %get3A_600] {strides = array<i32>} : memref<16x768xf32, #tpu.memory_space<vmem>>, vector<1x16xf32>,
        %get3A_602 = vector.shape_cast %get3A_601 : vector<1x16xf32> to vector<16xf32>
        %swap3A_603 = arith.index_cast %scan3A_222 : i32 to index
        %swap3A_604 = arith.constant 672 : index
        %swap3A_605 = tpu.vector_load %arg10[%swap3A_603, %swap3A_604] {strides = array<i32>} : memref<16x768xf32, #tpu.memory_space<vmem>>, vector<1x16xf32>,
        %swap3A_606 = vector.shape_cast %swap3A_605 : vector<1x16xf32> to vector<16xf32>
        %swap3A_607 = vector.shape_cast %get3A_602 : vector<16xf32> to vector<1x16xf32>
        tpu.vector_store %arg10[%swap3A_603, %swap3A_604], %swap3A_607 {add = true, strides = array<i32>} : memref<16x768xf32, #tpu.memory_space<vmem>>, vector<1x16xf32>,
        %get3A_608 = arith.index_cast %scan3A_222 : i32 to index
        %get3A_609 = arith.constant 688 : index
        %get3A_610 = tpu.vector_load %arg14[%get3A_608, %get3A_609] {strides = array<i32>} : memref<16x768xf32, #tpu.memory_space<vmem>>, vector<1x16xf32>,
        %get3A_611 = vector.shape_cast %get3A_610 : vector<1x16xf32> to vector<16xf32>
        %swap3A_612 = arith.index_cast %scan3A_222 : i32 to index
        %swap3A_613 = arith.constant 688 : index
        %swap3A_614 = tpu.vector_load %arg10[%swap3A_612, %swap3A_613] {strides = array<i32>} : memref<16x768xf32, #tpu.memory_space<vmem>>, vector<1x16xf32>,
        %swap3A_615 = vector.shape_cast %swap3A_614 : vector<1x16xf32> to vector<16xf32>
        %swap3A_616 = vector.shape_cast %get3A_611 : vector<16xf32> to vector<1x16xf32>
        tpu.vector_store %arg10[%swap3A_612, %swap3A_613], %swap3A_616 {add = true, strides = array<i32>} : memref<16x768xf32, #tpu.memory_space<vmem>>, vector<1x16xf32>,
        %get3A_617 = arith.index_cast %scan3A_222 : i32 to index
        %get3A_618 = arith.constant 704 : index
        %get3A_619 = tpu.vector_load %arg14[%get3A_617, %get3A_618] {strides = array<i32>} : memref<16x768xf32, #tpu.memory_space<vmem>>, vector<1x16xf32>,
        %get3A_620 = vector.shape_cast %get3A_619 : vector<1x16xf32> to vector<16xf32>
        %swap3A_621 = arith.index_cast %scan3A_222 : i32 to index
        %swap3A_622 = arith.constant 704 : index
        %swap3A_623 = tpu.vector_load %arg10[%swap3A_621, %swap3A_622] {strides = array<i32>} : memref<16x768xf32, #tpu.memory_space<vmem>>, vector<1x16xf32>,
        %swap3A_624 = vector.shape_cast %swap3A_623 : vector<1x16xf32> to vector<16xf32>
        %swap3A_625 = vector.shape_cast %get3A_620 : vector<16xf32> to vector<1x16xf32>
        tpu.vector_store %arg10[%swap3A_621, %swap3A_622], %swap3A_625 {add = true, strides = array<i32>} : memref<16x768xf32, #tpu.memory_space<vmem>>, vector<1x16xf32>,
        %get3A_626 = arith.index_cast %scan3A_222 : i32 to index
        %get3A_627 = arith.constant 720 : index
        %get3A_628 = tpu.vector_load %arg14[%get3A_626, %get3A_627] {strides = array<i32>} : memref<16x768xf32, #tpu.memory_space<vmem>>, vector<1x16xf32>,
        %get3A_629 = vector.shape_cast %get3A_628 : vector<1x16xf32> to vector<16xf32>
        %swap3A_630 = arith.index_cast %scan3A_222 : i32 to index
        %swap3A_631 = arith.constant 720 : index
        %swap3A_632 = tpu.vector_load %arg10[%swap3A_630, %swap3A_631] {strides = array<i32>} : memref<16x768xf32, #tpu.memory_space<vmem>>, vector<1x16xf32>,
        %swap3A_633 = vector.shape_cast %swap3A_632 : vector<1x16xf32> to vector<16xf32>
        %swap3A_634 = vector.shape_cast %get3A_629 : vector<16xf32> to vector<1x16xf32>
        tpu.vector_store %arg10[%swap3A_630, %swap3A_631], %swap3A_634 {add = true, strides = array<i32>} : memref<16x768xf32, #tpu.memory_space<vmem>>, vector<1x16xf32>,
        %get3A_635 = arith.index_cast %scan3A_222 : i32 to index
        %get3A_636 = arith.constant 736 : index
        %get3A_637 = tpu.vector_load %arg14[%get3A_635, %get3A_636] {strides = array<i32>} : memref<16x768xf32, #tpu.memory_space<vmem>>, vector<1x16xf32>,
        %get3A_638 = vector.shape_cast %get3A_637 : vector<1x16xf32> to vector<16xf32>
        %swap3A_639 = arith.index_cast %scan3A_222 : i32 to index
        %swap3A_640 = arith.constant 736 : index
        %swap3A_641 = tpu.vector_load %arg10[%swap3A_639, %swap3A_640] {strides = array<i32>} : memref<16x768xf32, #tpu.memory_space<vmem>>, vector<1x16xf32>,
        %swap3A_642 = vector.shape_cast %swap3A_641 : vector<1x16xf32> to vector<16xf32>
        %swap3A_643 = vector.shape_cast %get3A_638 : vector<16xf32> to vector<1x16xf32>
        tpu.vector_store %arg10[%swap3A_639, %swap3A_640], %swap3A_643 {add = true, strides = array<i32>} : memref<16x768xf32, #tpu.memory_space<vmem>>, vector<1x16xf32>,
        %get3A_644 = arith.index_cast %scan3A_222 : i32 to index
        %get3A_645 = arith.constant 752 : index
        %get3A_646 = tpu.vector_load %arg14[%get3A_644, %get3A_645] {strides = array<i32>} : memref<16x768xf32, #tpu.memory_space<vmem>>, vector<1x16xf32>,
        %get3A_647 = vector.shape_cast %get3A_646 : vector<1x16xf32> to vector<16xf32>
        %swap3A_648 = arith.index_cast %scan3A_222 : i32 to index
        %swap3A_649 = arith.constant 752 : index
        %swap3A_650 = tpu.vector_load %arg10[%swap3A_648, %swap3A_649] {strides = array<i32>} : memref<16x768xf32, #tpu.memory_space<vmem>>, vector<1x16xf32>,
        %swap3A_651 = vector.shape_cast %swap3A_650 : vector<1x16xf32> to vector<16xf32>
        %swap3A_652 = vector.shape_cast %get3A_647 : vector<16xf32> to vector<1x16xf32>
        tpu.vector_store %arg10[%swap3A_648, %swap3A_649], %swap3A_652 {add = true, strides = array<i32>} : memref<16x768xf32, #tpu.memory_space<vmem>>, vector<1x16xf32>,
      }
      %scan3A_97 = arith.constant 16 : i32
      %mul3A_98 = arith.constant 16 : i32
      %mul3A_99 = arith.muli %add3A_73, %mul3A_98 : i32
      %add3A_100 = arith.addi %mul3A_2, %mul3A_99 : i32
      %dma_start3A_101 = arith.constant 0 : i32
      %dma_start3A_102 = tpu.memref_slice %arg6[%add3A_100, %dma_start3A_101] : memref<32768x768xf32, #tpu.memory_space<hbm>> -> memref<16x768xf32, #tpu.memory_space<hbm>>
      %dma_start3A_103 = arith.constant 0 : i32
      %dma_start3A_104 = tpu.memref_slice %arg6[%add3A_100, %dma_start3A_103] : memref<32768x768xf32, #tpu.memory_space<hbm>> -> memref<16x768xf32, #tpu.memory_space<hbm>>
      tpu.enqueue_dma source(%arg10 : memref<16x768xf32, #tpu.memory_space<vmem>>) target(%dma_start3A_104 : memref<16x768xf32, #tpu.memory_space<hbm>>) target_semaphore(%arg26 : memref<!tpu.dma_semaphore, #tpu.memory_space<semaphore_mem>>)
      %mul3A_105 = arith.constant 4 : i32
      %mul3A_106 = arith.muli %mul3A_105, %scan3A_69 : i32
      %add3A_107 = arith.constant 1 : i32
      %add3A_108 = arith.addi %mul3A_106, %add3A_107 : i32
      %add3A_109 = arith.constant 4 : i32
      %add3A_110 = arith.addi %add3A_108, %add3A_109 : i32
      %sub3A_111 = arith.constant 1 : i32
      %sub3A_112 = arith.subi %add3A_110, %sub3A_111 : i32
      %lt3A_113 = arith.constant 64 : i32
      %lt3A_114 = arith.cmpi slt, %sub3A_112, %lt3A_113 : i32
      %convert_element_type3A_115 = arith.extui %lt3A_114 : i1 to i32
      %cond3A_116 = arith.constant 0 : i32
      %cond3A_117 = arith.cmpi ne, %convert_element_type3A_115, %cond3A_116 : i32
      scf.if %cond3A_117 {
        %ge3A = arith.constant 1 : i32
        %ge3A_222 = arith.cmpi sge, %add3A_108, %ge3A : i32
        %convert_element_type3A_223 = arith.extui %ge3A_222 : i1 to i32
        %cond3A_224 = arith.constant 0 : i32
        %cond3A_225 = arith.cmpi ne, %convert_element_type3A_223, %cond3A_224 : i32
        scf.if %cond3A_225 {
          %sub3A_243 = arith.constant 1 : i32
          %sub3A_244 = arith.subi %add3A_108, %sub3A_243 : i32
          %mul3A_245 = arith.constant 16 : i32
          %mul3A_246 = arith.muli %sub3A_244, %mul3A_245 : i32
          %add3A_247 = arith.addi %mul3A_2, %mul3A_246 : i32
          %dma_wait3A_248 = arith.constant 0 : i32
          %dma_wait3A_249 = tpu.memref_slice %arg6[%add3A_247, %dma_wait3A_248] : memref<32768x768xf32, #tpu.memory_space<hbm>> -> memref<16x768xf32, #tpu.memory_space<hbm>>
          %dma_wait3A_250 = arith.constant 0 : i32
          %dma_wait3A_251 = tpu.memref_slice %arg6[%add3A_247, %dma_wait3A_250] : memref<32768x768xf32, #tpu.memory_space<hbm>> -> memref<16x768xf32, #tpu.memory_space<hbm>>
          tpu.wait_dma2 semaphore(%arg26 : memref<!tpu.dma_semaphore, #tpu.memory_space<semaphore_mem>>) src(%arg10 : memref<16x768xf32, #tpu.memory_space<vmem>>) dst(%dma_wait3A_251 : memref<16x768xf32, #tpu.memory_space<hbm>>)
        } else {
        }
        %add3A_226 = arith.constant 4 : i32
        %add3A_227 = arith.addi %add3A_108, %add3A_226 : i32
        %sub3A_228 = arith.constant 1 : i32
        %sub3A_229 = arith.subi %add3A_227, %sub3A_228 : i32
        %mul3A_230 = arith.constant 16 : i32
        %mul3A_231 = arith.muli %sub3A_229, %mul3A_230 : i32
        %add3A_232 = arith.addi %mul3A_2, %mul3A_231 : i32
        %dma_start3A_233 = arith.constant 0 : i32
        %dma_start3A_234 = tpu.memref_slice %arg2[%add3A_232, %dma_start3A_233] : memref<32768x768xf32, #tpu.memory_space<hbm>> -> memref<16x768xf32, #tpu.memory_space<hbm>>
        %dma_start3A_235 = arith.constant 0 : i32
        %dma_start3A_236 = tpu.memref_slice %arg2[%add3A_232, %dma_start3A_235] : memref<32768x768xf32, #tpu.memory_space<hbm>> -> memref<16x768xf32, #tpu.memory_space<hbm>>
        tpu.enqueue_dma source(%dma_start3A_236 : memref<16x768xf32, #tpu.memory_space<hbm>>) target(%arg10 : memref<16x768xf32, #tpu.memory_space<vmem>>) target_semaphore(%arg18 : memref<!tpu.dma_semaphore, #tpu.memory_space<semaphore_mem>>)
        %mul3A_237 = arith.constant 16 : i32
        %mul3A_238 = arith.muli %sub3A_229, %mul3A_237 : i32
        %dma_start3A_239 = tpu.memref_slice %arg9[%mul3A_238] : memref<1024xi32, #tpu.memory_space<vmem>> -> memref<16xi32, #tpu.memory_space<vmem>>
        %dma_start3A_240 = arith.constant 0 : i32
        %dma_start3A_241 = arith.constant 0 : i32
        %dma_start3A_242 = tpu.memref_slice %arg5[%dma_start3A_240, %dma_start3A_241] : memref<1024x768xf32, #tpu.memory_space<hbm>> -> memref<1024x768xf32, #tpu.memory_space<hbm>>
        tpu.enqueue_indirect_dma source(%dma_start3A_242 : memref<1024x768xf32, #tpu.memory_space<hbm>>) target(%arg14 : memref<16x768xf32, #tpu.memory_space<vmem>>) offsets(%dma_start3A_239 : memref<16xi32, #tpu.memory_space<vmem>>) semaphore(%arg22 : memref<!tpu.dma_semaphore, #tpu.memory_space<semaphore_mem>>)
      } else {
      }
      %mul3A_118 = arith.constant 16 : i32
      %mul3A_119 = arith.muli %add3A_108, %mul3A_118 : i32
      %add3A_120 = arith.addi %mul3A_2, %mul3A_119 : i32
      %dma_wait3A_121 = arith.constant 0 : i32
      %dma_wait3A_122 = tpu.memref_slice %arg2[%add3A_120, %dma_wait3A_121] : memref<32768x768xf32, #tpu.memory_space<hbm>> -> memref<16x768xf32, #tpu.memory_space<hbm>>
      %dma_wait3A_123 = arith.constant 0 : i32
      %dma_wait3A_124 = tpu.memref_slice %arg2[%add3A_120, %dma_wait3A_123] : memref<32768x768xf32, #tpu.memory_space<hbm>> -> memref<16x768xf32, #tpu.memory_space<hbm>>
      tpu.wait_dma2 semaphore(%arg19 : memref<!tpu.dma_semaphore, #tpu.memory_space<semaphore_mem>>) src(%dma_wait3A_124 : memref<16x768xf32, #tpu.memory_space<hbm>>) dst(%arg11 : memref<16x768xf32, #tpu.memory_space<vmem>>)
      %mul3A_125 = arith.constant 16 : i32
      %mul3A_126 = arith.muli %add3A_108, %mul3A_125 : i32
      %dma_wait3A_127 = tpu.memref_slice %arg9[%mul3A_126] : memref<1024xi32, #tpu.memory_space<vmem>> -> memref<16xi32, #tpu.memory_space<vmem>>
      %dma_wait3A_128 = arith.constant 0 : i32
      %dma_wait3A_129 = arith.constant 0 : i32
      %dma_wait3A_130 = tpu.memref_slice %arg5[%dma_wait3A_128, %dma_wait3A_129] : memref<1024x768xf32, #tpu.memory_space<hbm>> -> memref<1024x768xf32, #tpu.memory_space<hbm>>
      tpu.wait_indirect_dma semaphore(%arg23 : memref<!tpu.dma_semaphore, #tpu.memory_space<semaphore_mem>>) src(%dma_wait3A_130 : memref<1024x768xf32, #tpu.memory_space<hbm>>) dst(%arg15 : memref<16x768xf32, #tpu.memory_space<vmem>>)
      %scan3A_131 = arith.constant 0 : i32
      %scan3A_132 = arith.constant 0 : i32
      %scan3A_133 = arith.constant 16 : i32
      %scan3A_134 = arith.addi %scan3A_132, %scan3A_133 : i32
      %scan3A_135 = arith.constant 1 : i32
      scf.for %scan3A_222 = %scan3A_132 to %scan3A_134 step %scan3A_135  : i32 {
        %get3A = arith.index_cast %scan3A_222 : i32 to index
        %get3A_223 = arith.constant 0 : index
        %get3A_224 = tpu.vector_load %arg15[%get3A, %get3A_223] {strides = array<i32>} : memref<16x768xf32, #tpu.memory_space<vmem>>, vector<1x16xf32>,
        %get3A_225 = vector.shape_cast %get3A_224 : vector<1x16xf32> to vector<16xf32>
        %swap3A = arith.index_cast %scan3A_222 : i32 to index
        %swap3A_226 = arith.constant 0 : index
        %swap3A_227 = tpu.vector_load %arg11[%swap3A, %swap3A_226] {strides = array<i32>} : memref<16x768xf32, #tpu.memory_space<vmem>>, vector<1x16xf32>,
        %swap3A_228 = vector.shape_cast %swap3A_227 : vector<1x16xf32> to vector<16xf32>
        %swap3A_229 = vector.shape_cast %get3A_225 : vector<16xf32> to vector<1x16xf32>
        tpu.vector_store %arg11[%swap3A, %swap3A_226], %swap3A_229 {add = true, strides = array<i32>} : memref<16x768xf32, #tpu.memory_space<vmem>>, vector<1x16xf32>,
        %get3A_230 = arith.index_cast %scan3A_222 : i32 to index
        %get3A_231 = arith.constant 16 : index
        %get3A_232 = tpu.vector_load %arg15[%get3A_230, %get3A_231] {strides = array<i32>} : memref<16x768xf32, #tpu.memory_space<vmem>>, vector<1x16xf32>,
        %get3A_233 = vector.shape_cast %get3A_232 : vector<1x16xf32> to vector<16xf32>
        %swap3A_234 = arith.index_cast %scan3A_222 : i32 to index
        %swap3A_235 = arith.constant 16 : index
        %swap3A_236 = tpu.vector_load %arg11[%swap3A_234, %swap3A_235] {strides = array<i32>} : memref<16x768xf32, #tpu.memory_space<vmem>>, vector<1x16xf32>,
        %swap3A_237 = vector.shape_cast %swap3A_236 : vector<1x16xf32> to vector<16xf32>
        %swap3A_238 = vector.shape_cast %get3A_233 : vector<16xf32> to vector<1x16xf32>
        tpu.vector_store %arg11[%swap3A_234, %swap3A_235], %swap3A_238 {add = true, strides = array<i32>} : memref<16x768xf32, #tpu.memory_space<vmem>>, vector<1x16xf32>,
        %get3A_239 = arith.index_cast %scan3A_222 : i32 to index
        %get3A_240 = arith.constant 32 : index
        %get3A_241 = tpu.vector_load %arg15[%get3A_239, %get3A_240] {strides = array<i32>} : memref<16x768xf32, #tpu.memory_space<vmem>>, vector<1x16xf32>,
        %get3A_242 = vector.shape_cast %get3A_241 : vector<1x16xf32> to vector<16xf32>
        %swap3A_243 = arith.index_cast %scan3A_222 : i32 to index
        %swap3A_244 = arith.constant 32 : index
        %swap3A_245 = tpu.vector_load %arg11[%swap3A_243, %swap3A_244] {strides = array<i32>} : memref<16x768xf32, #tpu.memory_space<vmem>>, vector<1x16xf32>,
        %swap3A_246 = vector.shape_cast %swap3A_245 : vector<1x16xf32> to vector<16xf32>
        %swap3A_247 = vector.shape_cast %get3A_242 : vector<16xf32> to vector<1x16xf32>
        tpu.vector_store %arg11[%swap3A_243, %swap3A_244], %swap3A_247 {add = true, strides = array<i32>} : memref<16x768xf32, #tpu.memory_space<vmem>>, vector<1x16xf32>,
        %get3A_248 = arith.index_cast %scan3A_222 : i32 to index
        %get3A_249 = arith.constant 48 : index
        %get3A_250 = tpu.vector_load %arg15[%get3A_248, %get3A_249] {strides = array<i32>} : memref<16x768xf32, #tpu.memory_space<vmem>>, vector<1x16xf32>,
        %get3A_251 = vector.shape_cast %get3A_250 : vector<1x16xf32> to vector<16xf32>
        %swap3A_252 = arith.index_cast %scan3A_222 : i32 to index
        %swap3A_253 = arith.constant 48 : index
        %swap3A_254 = tpu.vector_load %arg11[%swap3A_252, %swap3A_253] {strides = array<i32>} : memref<16x768xf32, #tpu.memory_space<vmem>>, vector<1x16xf32>,
        %swap3A_255 = vector.shape_cast %swap3A_254 : vector<1x16xf32> to vector<16xf32>
        %swap3A_256 = vector.shape_cast %get3A_251 : vector<16xf32> to vector<1x16xf32>
        tpu.vector_store %arg11[%swap3A_252, %swap3A_253], %swap3A_256 {add = true, strides = array<i32>} : memref<16x768xf32, #tpu.memory_space<vmem>>, vector<1x16xf32>,
        %get3A_257 = arith.index_cast %scan3A_222 : i32 to index
        %get3A_258 = arith.constant 64 : index
        %get3A_259 = tpu.vector_load %arg15[%get3A_257, %get3A_258] {strides = array<i32>} : memref<16x768xf32, #tpu.memory_space<vmem>>, vector<1x16xf32>,
        %get3A_260 = vector.shape_cast %get3A_259 : vector<1x16xf32> to vector<16xf32>
        %swap3A_261 = arith.index_cast %scan3A_222 : i32 to index
        %swap3A_262 = arith.constant 64 : index
        %swap3A_263 = tpu.vector_load %arg11[%swap3A_261, %swap3A_262] {strides = array<i32>} : memref<16x768xf32, #tpu.memory_space<vmem>>, vector<1x16xf32>,
        %swap3A_264 = vector.shape_cast %swap3A_263 : vector<1x16xf32> to vector<16xf32>
        %swap3A_265 = vector.shape_cast %get3A_260 : vector<16xf32> to vector<1x16xf32>
        tpu.vector_store %arg11[%swap3A_261, %swap3A_262], %swap3A_265 {add = true, strides = array<i32>} : memref<16x768xf32, #tpu.memory_space<vmem>>, vector<1x16xf32>,
        %get3A_266 = arith.index_cast %scan3A_222 : i32 to index
        %get3A_267 = arith.constant 80 : index
        %get3A_268 = tpu.vector_load %arg15[%get3A_266, %get3A_267] {strides = array<i32>} : memref<16x768xf32, #tpu.memory_space<vmem>>, vector<1x16xf32>,
        %get3A_269 = vector.shape_cast %get3A_268 : vector<1x16xf32> to vector<16xf32>
        %swap3A_270 = arith.index_cast %scan3A_222 : i32 to index
        %swap3A_271 = arith.constant 80 : index
        %swap3A_272 = tpu.vector_load %arg11[%swap3A_270, %swap3A_271] {strides = array<i32>} : memref<16x768xf32, #tpu.memory_space<vmem>>, vector<1x16xf32>,
        %swap3A_273 = vector.shape_cast %swap3A_272 : vector<1x16xf32> to vector<16xf32>
        %swap3A_274 = vector.shape_cast %get3A_269 : vector<16xf32> to vector<1x16xf32>
        tpu.vector_store %arg11[%swap3A_270, %swap3A_271], %swap3A_274 {add = true, strides = array<i32>} : memref<16x768xf32, #tpu.memory_space<vmem>>, vector<1x16xf32>,
        %get3A_275 = arith.index_cast %scan3A_222 : i32 to index
        %get3A_276 = arith.constant 96 : index
        %get3A_277 = tpu.vector_load %arg15[%get3A_275, %get3A_276] {strides = array<i32>} : memref<16x768xf32, #tpu.memory_space<vmem>>, vector<1x16xf32>,
        %get3A_278 = vector.shape_cast %get3A_277 : vector<1x16xf32> to vector<16xf32>
        %swap3A_279 = arith.index_cast %scan3A_222 : i32 to index
        %swap3A_280 = arith.constant 96 : index
        %swap3A_281 = tpu.vector_load %arg11[%swap3A_279, %swap3A_280] {strides = array<i32>} : memref<16x768xf32, #tpu.memory_space<vmem>>, vector<1x16xf32>,
        %swap3A_282 = vector.shape_cast %swap3A_281 : vector<1x16xf32> to vector<16xf32>
        %swap3A_283 = vector.shape_cast %get3A_278 : vector<16xf32> to vector<1x16xf32>
        tpu.vector_store %arg11[%swap3A_279, %swap3A_280], %swap3A_283 {add = true, strides = array<i32>} : memref<16x768xf32, #tpu.memory_space<vmem>>, vector<1x16xf32>,
        %get3A_284 = arith.index_cast %scan3A_222 : i32 to index
        %get3A_285 = arith.constant 112 : index
        %get3A_286 = tpu.vector_load %arg15[%get3A_284, %get3A_285] {strides = array<i32>} : memref<16x768xf32, #tpu.memory_space<vmem>>, vector<1x16xf32>,
        %get3A_287 = vector.shape_cast %get3A_286 : vector<1x16xf32> to vector<16xf32>
        %swap3A_288 = arith.index_cast %scan3A_222 : i32 to index
        %swap3A_289 = arith.constant 112 : index
        %swap3A_290 = tpu.vector_load %arg11[%swap3A_288, %swap3A_289] {strides = array<i32>} : memref<16x768xf32, #tpu.memory_space<vmem>>, vector<1x16xf32>,
        %swap3A_291 = vector.shape_cast %swap3A_290 : vector<1x16xf32> to vector<16xf32>
        %swap3A_292 = vector.shape_cast %get3A_287 : vector<16xf32> to vector<1x16xf32>
        tpu.vector_store %arg11[%swap3A_288, %swap3A_289], %swap3A_292 {add = true, strides = array<i32>} : memref<16x768xf32, #tpu.memory_space<vmem>>, vector<1x16xf32>,
        %get3A_293 = arith.index_cast %scan3A_222 : i32 to index
        %get3A_294 = arith.constant 128 : index
        %get3A_295 = tpu.vector_load %arg15[%get3A_293, %get3A_294] {strides = array<i32>} : memref<16x768xf32, #tpu.memory_space<vmem>>, vector<1x16xf32>,
        %get3A_296 = vector.shape_cast %get3A_295 : vector<1x16xf32> to vector<16xf32>
        %swap3A_297 = arith.index_cast %scan3A_222 : i32 to index
        %swap3A_298 = arith.constant 128 : index
        %swap3A_299 = tpu.vector_load %arg11[%swap3A_297, %swap3A_298] {strides = array<i32>} : memref<16x768xf32, #tpu.memory_space<vmem>>, vector<1x16xf32>,
        %swap3A_300 = vector.shape_cast %swap3A_299 : vector<1x16xf32> to vector<16xf32>
        %swap3A_301 = vector.shape_cast %get3A_296 : vector<16xf32> to vector<1x16xf32>
        tpu.vector_store %arg11[%swap3A_297, %swap3A_298], %swap3A_301 {add = true, strides = array<i32>} : memref<16x768xf32, #tpu.memory_space<vmem>>, vector<1x16xf32>,
        %get3A_302 = arith.index_cast %scan3A_222 : i32 to index
        %get3A_303 = arith.constant 144 : index
        %get3A_304 = tpu.vector_load %arg15[%get3A_302, %get3A_303] {strides = array<i32>} : memref<16x768xf32, #tpu.memory_space<vmem>>, vector<1x16xf32>,
        %get3A_305 = vector.shape_cast %get3A_304 : vector<1x16xf32> to vector<16xf32>
        %swap3A_306 = arith.index_cast %scan3A_222 : i32 to index
        %swap3A_307 = arith.constant 144 : index
        %swap3A_308 = tpu.vector_load %arg11[%swap3A_306, %swap3A_307] {strides = array<i32>} : memref<16x768xf32, #tpu.memory_space<vmem>>, vector<1x16xf32>,
        %swap3A_309 = vector.shape_cast %swap3A_308 : vector<1x16xf32> to vector<16xf32>
        %swap3A_310 = vector.shape_cast %get3A_305 : vector<16xf32> to vector<1x16xf32>
        tpu.vector_store %arg11[%swap3A_306, %swap3A_307], %swap3A_310 {add = true, strides = array<i32>} : memref<16x768xf32, #tpu.memory_space<vmem>>, vector<1x16xf32>,
        %get3A_311 = arith.index_cast %scan3A_222 : i32 to index
        %get3A_312 = arith.constant 160 : index
        %get3A_313 = tpu.vector_load %arg15[%get3A_311, %get3A_312] {strides = array<i32>} : memref<16x768xf32, #tpu.memory_space<vmem>>, vector<1x16xf32>,
        %get3A_314 = vector.shape_cast %get3A_313 : vector<1x16xf32> to vector<16xf32>
        %swap3A_315 = arith.index_cast %scan3A_222 : i32 to index
        %swap3A_316 = arith.constant 160 : index
        %swap3A_317 = tpu.vector_load %arg11[%swap3A_315, %swap3A_316] {strides = array<i32>} : memref<16x768xf32, #tpu.memory_space<vmem>>, vector<1x16xf32>,
        %swap3A_318 = vector.shape_cast %swap3A_317 : vector<1x16xf32> to vector<16xf32>
        %swap3A_319 = vector.shape_cast %get3A_314 : vector<16xf32> to vector<1x16xf32>
        tpu.vector_store %arg11[%swap3A_315, %swap3A_316], %swap3A_319 {add = true, strides = array<i32>} : memref<16x768xf32, #tpu.memory_space<vmem>>, vector<1x16xf32>,
        %get3A_320 = arith.index_cast %scan3A_222 : i32 to index
        %get3A_321 = arith.constant 176 : index
        %get3A_322 = tpu.vector_load %arg15[%get3A_320, %get3A_321] {strides = array<i32>} : memref<16x768xf32, #tpu.memory_space<vmem>>, vector<1x16xf32>,
        %get3A_323 = vector.shape_cast %get3A_322 : vector<1x16xf32> to vector<16xf32>
        %swap3A_324 = arith.index_cast %scan3A_222 : i32 to index
        %swap3A_325 = arith.constant 176 : index
        %swap3A_326 = tpu.vector_load %arg11[%swap3A_324, %swap3A_325] {strides = array<i32>} : memref<16x768xf32, #tpu.memory_space<vmem>>, vector<1x16xf32>,
        %swap3A_327 = vector.shape_cast %swap3A_326 : vector<1x16xf32> to vector<16xf32>
        %swap3A_328 = vector.shape_cast %get3A_323 : vector<16xf32> to vector<1x16xf32>
        tpu.vector_store %arg11[%swap3A_324, %swap3A_325], %swap3A_328 {add = true, strides = array<i32>} : memref<16x768xf32, #tpu.memory_space<vmem>>, vector<1x16xf32>,
        %get3A_329 = arith.index_cast %scan3A_222 : i32 to index
        %get3A_330 = arith.constant 192 : index
        %get3A_331 = tpu.vector_load %arg15[%get3A_329, %get3A_330] {strides = array<i32>} : memref<16x768xf32, #tpu.memory_space<vmem>>, vector<1x16xf32>,
        %get3A_332 = vector.shape_cast %get3A_331 : vector<1x16xf32> to vector<16xf32>
        %swap3A_333 = arith.index_cast %scan3A_222 : i32 to index
        %swap3A_334 = arith.constant 192 : index
        %swap3A_335 = tpu.vector_load %arg11[%swap3A_333, %swap3A_334] {strides = array<i32>} : memref<16x768xf32, #tpu.memory_space<vmem>>, vector<1x16xf32>,
        %swap3A_336 = vector.shape_cast %swap3A_335 : vector<1x16xf32> to vector<16xf32>
        %swap3A_337 = vector.shape_cast %get3A_332 : vector<16xf32> to vector<1x16xf32>
        tpu.vector_store %arg11[%swap3A_333, %swap3A_334], %swap3A_337 {add = true, strides = array<i32>} : memref<16x768xf32, #tpu.memory_space<vmem>>, vector<1x16xf32>,
        %get3A_338 = arith.index_cast %scan3A_222 : i32 to index
        %get3A_339 = arith.constant 208 : index
        %get3A_340 = tpu.vector_load %arg15[%get3A_338, %get3A_339] {strides = array<i32>} : memref<16x768xf32, #tpu.memory_space<vmem>>, vector<1x16xf32>,
        %get3A_341 = vector.shape_cast %get3A_340 : vector<1x16xf32> to vector<16xf32>
        %swap3A_342 = arith.index_cast %scan3A_222 : i32 to index
        %swap3A_343 = arith.constant 208 : index
        %swap3A_344 = tpu.vector_load %arg11[%swap3A_342, %swap3A_343] {strides = array<i32>} : memref<16x768xf32, #tpu.memory_space<vmem>>, vector<1x16xf32>,
        %swap3A_345 = vector.shape_cast %swap3A_344 : vector<1x16xf32> to vector<16xf32>
        %swap3A_346 = vector.shape_cast %get3A_341 : vector<16xf32> to vector<1x16xf32>
        tpu.vector_store %arg11[%swap3A_342, %swap3A_343], %swap3A_346 {add = true, strides = array<i32>} : memref<16x768xf32, #tpu.memory_space<vmem>>, vector<1x16xf32>,
        %get3A_347 = arith.index_cast %scan3A_222 : i32 to index
        %get3A_348 = arith.constant 224 : index
        %get3A_349 = tpu.vector_load %arg15[%get3A_347, %get3A_348] {strides = array<i32>} : memref<16x768xf32, #tpu.memory_space<vmem>>, vector<1x16xf32>,
        %get3A_350 = vector.shape_cast %get3A_349 : vector<1x16xf32> to vector<16xf32>
        %swap3A_351 = arith.index_cast %scan3A_222 : i32 to index
        %swap3A_352 = arith.constant 224 : index
        %swap3A_353 = tpu.vector_load %arg11[%swap3A_351, %swap3A_352] {strides = array<i32>} : memref<16x768xf32, #tpu.memory_space<vmem>>, vector<1x16xf32>,
        %swap3A_354 = vector.shape_cast %swap3A_353 : vector<1x16xf32> to vector<16xf32>
        %swap3A_355 = vector.shape_cast %get3A_350 : vector<16xf32> to vector<1x16xf32>
        tpu.vector_store %arg11[%swap3A_351, %swap3A_352], %swap3A_355 {add = true, strides = array<i32>} : memref<16x768xf32, #tpu.memory_space<vmem>>, vector<1x16xf32>,
        %get3A_356 = arith.index_cast %scan3A_222 : i32 to index
        %get3A_357 = arith.constant 240 : index
        %get3A_358 = tpu.vector_load %arg15[%get3A_356, %get3A_357] {strides = array<i32>} : memref<16x768xf32, #tpu.memory_space<vmem>>, vector<1x16xf32>,
        %get3A_359 = vector.shape_cast %get3A_358 : vector<1x16xf32> to vector<16xf32>
        %swap3A_360 = arith.index_cast %scan3A_222 : i32 to index
        %swap3A_361 = arith.constant 240 : index
        %swap3A_362 = tpu.vector_load %arg11[%swap3A_360, %swap3A_361] {strides = array<i32>} : memref<16x768xf32, #tpu.memory_space<vmem>>, vector<1x16xf32>,
        %swap3A_363 = vector.shape_cast %swap3A_362 : vector<1x16xf32> to vector<16xf32>
        %swap3A_364 = vector.shape_cast %get3A_359 : vector<16xf32> to vector<1x16xf32>
        tpu.vector_store %arg11[%swap3A_360, %swap3A_361], %swap3A_364 {add = true, strides = array<i32>} : memref<16x768xf32, #tpu.memory_space<vmem>>, vector<1x16xf32>,
        %get3A_365 = arith.index_cast %scan3A_222 : i32 to index
        %get3A_366 = arith.constant 256 : index
        %get3A_367 = tpu.vector_load %arg15[%get3A_365, %get3A_366] {strides = array<i32>} : memref<16x768xf32, #tpu.memory_space<vmem>>, vector<1x16xf32>,
        %get3A_368 = vector.shape_cast %get3A_367 : vector<1x16xf32> to vector<16xf32>
        %swap3A_369 = arith.index_cast %scan3A_222 : i32 to index
        %swap3A_370 = arith.constant 256 : index
        %swap3A_371 = tpu.vector_load %arg11[%swap3A_369, %swap3A_370] {strides = array<i32>} : memref<16x768xf32, #tpu.memory_space<vmem>>, vector<1x16xf32>,
        %swap3A_372 = vector.shape_cast %swap3A_371 : vector<1x16xf32> to vector<16xf32>
        %swap3A_373 = vector.shape_cast %get3A_368 : vector<16xf32> to vector<1x16xf32>
        tpu.vector_store %arg11[%swap3A_369, %swap3A_370], %swap3A_373 {add = true, strides = array<i32>} : memref<16x768xf32, #tpu.memory_space<vmem>>, vector<1x16xf32>,
        %get3A_374 = arith.index_cast %scan3A_222 : i32 to index
        %get3A_375 = arith.constant 272 : index
        %get3A_376 = tpu.vector_load %arg15[%get3A_374, %get3A_375] {strides = array<i32>} : memref<16x768xf32, #tpu.memory_space<vmem>>, vector<1x16xf32>,
        %get3A_377 = vector.shape_cast %get3A_376 : vector<1x16xf32> to vector<16xf32>
        %swap3A_378 = arith.index_cast %scan3A_222 : i32 to index
        %swap3A_379 = arith.constant 272 : index
        %swap3A_380 = tpu.vector_load %arg11[%swap3A_378, %swap3A_379] {strides = array<i32>} : memref<16x768xf32, #tpu.memory_space<vmem>>, vector<1x16xf32>,
        %swap3A_381 = vector.shape_cast %swap3A_380 : vector<1x16xf32> to vector<16xf32>
        %swap3A_382 = vector.shape_cast %get3A_377 : vector<16xf32> to vector<1x16xf32>
        tpu.vector_store %arg11[%swap3A_378, %swap3A_379], %swap3A_382 {add = true, strides = array<i32>} : memref<16x768xf32, #tpu.memory_space<vmem>>, vector<1x16xf32>,
        %get3A_383 = arith.index_cast %scan3A_222 : i32 to index
        %get3A_384 = arith.constant 288 : index
        %get3A_385 = tpu.vector_load %arg15[%get3A_383, %get3A_384] {strides = array<i32>} : memref<16x768xf32, #tpu.memory_space<vmem>>, vector<1x16xf32>,
        %get3A_386 = vector.shape_cast %get3A_385 : vector<1x16xf32> to vector<16xf32>
        %swap3A_387 = arith.index_cast %scan3A_222 : i32 to index
        %swap3A_388 = arith.constant 288 : index
        %swap3A_389 = tpu.vector_load %arg11[%swap3A_387, %swap3A_388] {strides = array<i32>} : memref<16x768xf32, #tpu.memory_space<vmem>>, vector<1x16xf32>,
        %swap3A_390 = vector.shape_cast %swap3A_389 : vector<1x16xf32> to vector<16xf32>
        %swap3A_391 = vector.shape_cast %get3A_386 : vector<16xf32> to vector<1x16xf32>
        tpu.vector_store %arg11[%swap3A_387, %swap3A_388], %swap3A_391 {add = true, strides = array<i32>} : memref<16x768xf32, #tpu.memory_space<vmem>>, vector<1x16xf32>,
        %get3A_392 = arith.index_cast %scan3A_222 : i32 to index
        %get3A_393 = arith.constant 304 : index
        %get3A_394 = tpu.vector_load %arg15[%get3A_392, %get3A_393] {strides = array<i32>} : memref<16x768xf32, #tpu.memory_space<vmem>>, vector<1x16xf32>,
        %get3A_395 = vector.shape_cast %get3A_394 : vector<1x16xf32> to vector<16xf32>
        %swap3A_396 = arith.index_cast %scan3A_222 : i32 to index
        %swap3A_397 = arith.constant 304 : index
        %swap3A_398 = tpu.vector_load %arg11[%swap3A_396, %swap3A_397] {strides = array<i32>} : memref<16x768xf32, #tpu.memory_space<vmem>>, vector<1x16xf32>,
        %swap3A_399 = vector.shape_cast %swap3A_398 : vector<1x16xf32> to vector<16xf32>
        %swap3A_400 = vector.shape_cast %get3A_395 : vector<16xf32> to vector<1x16xf32>
        tpu.vector_store %arg11[%swap3A_396, %swap3A_397], %swap3A_400 {add = true, strides = array<i32>} : memref<16x768xf32, #tpu.memory_space<vmem>>, vector<1x16xf32>,
        %get3A_401 = arith.index_cast %scan3A_222 : i32 to index
        %get3A_402 = arith.constant 320 : index
        %get3A_403 = tpu.vector_load %arg15[%get3A_401, %get3A_402] {strides = array<i32>} : memref<16x768xf32, #tpu.memory_space<vmem>>, vector<1x16xf32>,
        %get3A_404 = vector.shape_cast %get3A_403 : vector<1x16xf32> to vector<16xf32>
        %swap3A_405 = arith.index_cast %scan3A_222 : i32 to index
        %swap3A_406 = arith.constant 320 : index
        %swap3A_407 = tpu.vector_load %arg11[%swap3A_405, %swap3A_406] {strides = array<i32>} : memref<16x768xf32, #tpu.memory_space<vmem>>, vector<1x16xf32>,
        %swap3A_408 = vector.shape_cast %swap3A_407 : vector<1x16xf32> to vector<16xf32>
        %swap3A_409 = vector.shape_cast %get3A_404 : vector<16xf32> to vector<1x16xf32>
        tpu.vector_store %arg11[%swap3A_405, %swap3A_406], %swap3A_409 {add = true, strides = array<i32>} : memref<16x768xf32, #tpu.memory_space<vmem>>, vector<1x16xf32>,
        %get3A_410 = arith.index_cast %scan3A_222 : i32 to index
        %get3A_411 = arith.constant 336 : index
        %get3A_412 = tpu.vector_load %arg15[%get3A_410, %get3A_411] {strides = array<i32>} : memref<16x768xf32, #tpu.memory_space<vmem>>, vector<1x16xf32>,
        %get3A_413 = vector.shape_cast %get3A_412 : vector<1x16xf32> to vector<16xf32>
        %swap3A_414 = arith.index_cast %scan3A_222 : i32 to index
        %swap3A_415 = arith.constant 336 : index
        %swap3A_416 = tpu.vector_load %arg11[%swap3A_414, %swap3A_415] {strides = array<i32>} : memref<16x768xf32, #tpu.memory_space<vmem>>, vector<1x16xf32>,
        %swap3A_417 = vector.shape_cast %swap3A_416 : vector<1x16xf32> to vector<16xf32>
        %swap3A_418 = vector.shape_cast %get3A_413 : vector<16xf32> to vector<1x16xf32>
        tpu.vector_store %arg11[%swap3A_414, %swap3A_415], %swap3A_418 {add = true, strides = array<i32>} : memref<16x768xf32, #tpu.memory_space<vmem>>, vector<1x16xf32>,
        %get3A_419 = arith.index_cast %scan3A_222 : i32 to index
        %get3A_420 = arith.constant 352 : index
        %get3A_421 = tpu.vector_load %arg15[%get3A_419, %get3A_420] {strides = array<i32>} : memref<16x768xf32, #tpu.memory_space<vmem>>, vector<1x16xf32>,
        %get3A_422 = vector.shape_cast %get3A_421 : vector<1x16xf32> to vector<16xf32>
        %swap3A_423 = arith.index_cast %scan3A_222 : i32 to index
        %swap3A_424 = arith.constant 352 : index
        %swap3A_425 = tpu.vector_load %arg11[%swap3A_423, %swap3A_424] {strides = array<i32>} : memref<16x768xf32, #tpu.memory_space<vmem>>, vector<1x16xf32>,
        %swap3A_426 = vector.shape_cast %swap3A_425 : vector<1x16xf32> to vector<16xf32>
        %swap3A_427 = vector.shape_cast %get3A_422 : vector<16xf32> to vector<1x16xf32>
        tpu.vector_store %arg11[%swap3A_423, %swap3A_424], %swap3A_427 {add = true, strides = array<i32>} : memref<16x768xf32, #tpu.memory_space<vmem>>, vector<1x16xf32>,
        %get3A_428 = arith.index_cast %scan3A_222 : i32 to index
        %get3A_429 = arith.constant 368 : index
        %get3A_430 = tpu.vector_load %arg15[%get3A_428, %get3A_429] {strides = array<i32>} : memref<16x768xf32, #tpu.memory_space<vmem>>, vector<1x16xf32>,
        %get3A_431 = vector.shape_cast %get3A_430 : vector<1x16xf32> to vector<16xf32>
        %swap3A_432 = arith.index_cast %scan3A_222 : i32 to index
        %swap3A_433 = arith.constant 368 : index
        %swap3A_434 = tpu.vector_load %arg11[%swap3A_432, %swap3A_433] {strides = array<i32>} : memref<16x768xf32, #tpu.memory_space<vmem>>, vector<1x16xf32>,
        %swap3A_435 = vector.shape_cast %swap3A_434 : vector<1x16xf32> to vector<16xf32>
        %swap3A_436 = vector.shape_cast %get3A_431 : vector<16xf32> to vector<1x16xf32>
        tpu.vector_store %arg11[%swap3A_432, %swap3A_433], %swap3A_436 {add = true, strides = array<i32>} : memref<16x768xf32, #tpu.memory_space<vmem>>, vector<1x16xf32>,
        %get3A_437 = arith.index_cast %scan3A_222 : i32 to index
        %get3A_438 = arith.constant 384 : index
        %get3A_439 = tpu.vector_load %arg15[%get3A_437, %get3A_438] {strides = array<i32>} : memref<16x768xf32, #tpu.memory_space<vmem>>, vector<1x16xf32>,
        %get3A_440 = vector.shape_cast %get3A_439 : vector<1x16xf32> to vector<16xf32>
        %swap3A_441 = arith.index_cast %scan3A_222 : i32 to index
        %swap3A_442 = arith.constant 384 : index
        %swap3A_443 = tpu.vector_load %arg11[%swap3A_441, %swap3A_442] {strides = array<i32>} : memref<16x768xf32, #tpu.memory_space<vmem>>, vector<1x16xf32>,
        %swap3A_444 = vector.shape_cast %swap3A_443 : vector<1x16xf32> to vector<16xf32>
        %swap3A_445 = vector.shape_cast %get3A_440 : vector<16xf32> to vector<1x16xf32>
        tpu.vector_store %arg11[%swap3A_441, %swap3A_442], %swap3A_445 {add = true, strides = array<i32>} : memref<16x768xf32, #tpu.memory_space<vmem>>, vector<1x16xf32>,
        %get3A_446 = arith.index_cast %scan3A_222 : i32 to index
        %get3A_447 = arith.constant 400 : index
        %get3A_448 = tpu.vector_load %arg15[%get3A_446, %get3A_447] {strides = array<i32>} : memref<16x768xf32, #tpu.memory_space<vmem>>, vector<1x16xf32>,
        %get3A_449 = vector.shape_cast %get3A_448 : vector<1x16xf32> to vector<16xf32>
        %swap3A_450 = arith.index_cast %scan3A_222 : i32 to index
        %swap3A_451 = arith.constant 400 : index
        %swap3A_452 = tpu.vector_load %arg11[%swap3A_450, %swap3A_451] {strides = array<i32>} : memref<16x768xf32, #tpu.memory_space<vmem>>, vector<1x16xf32>,
        %swap3A_453 = vector.shape_cast %swap3A_452 : vector<1x16xf32> to vector<16xf32>
        %swap3A_454 = vector.shape_cast %get3A_449 : vector<16xf32> to vector<1x16xf32>
        tpu.vector_store %arg11[%swap3A_450, %swap3A_451], %swap3A_454 {add = true, strides = array<i32>} : memref<16x768xf32, #tpu.memory_space<vmem>>, vector<1x16xf32>,
        %get3A_455 = arith.index_cast %scan3A_222 : i32 to index
        %get3A_456 = arith.constant 416 : index
        %get3A_457 = tpu.vector_load %arg15[%get3A_455, %get3A_456] {strides = array<i32>} : memref<16x768xf32, #tpu.memory_space<vmem>>, vector<1x16xf32>,
        %get3A_458 = vector.shape_cast %get3A_457 : vector<1x16xf32> to vector<16xf32>
        %swap3A_459 = arith.index_cast %scan3A_222 : i32 to index
        %swap3A_460 = arith.constant 416 : index
        %swap3A_461 = tpu.vector_load %arg11[%swap3A_459, %swap3A_460] {strides = array<i32>} : memref<16x768xf32, #tpu.memory_space<vmem>>, vector<1x16xf32>,
        %swap3A_462 = vector.shape_cast %swap3A_461 : vector<1x16xf32> to vector<16xf32>
        %swap3A_463 = vector.shape_cast %get3A_458 : vector<16xf32> to vector<1x16xf32>
        tpu.vector_store %arg11[%swap3A_459, %swap3A_460], %swap3A_463 {add = true, strides = array<i32>} : memref<16x768xf32, #tpu.memory_space<vmem>>, vector<1x16xf32>,
        %get3A_464 = arith.index_cast %scan3A_222 : i32 to index
        %get3A_465 = arith.constant 432 : index
        %get3A_466 = tpu.vector_load %arg15[%get3A_464, %get3A_465] {strides = array<i32>} : memref<16x768xf32, #tpu.memory_space<vmem>>, vector<1x16xf32>,
        %get3A_467 = vector.shape_cast %get3A_466 : vector<1x16xf32> to vector<16xf32>
        %swap3A_468 = arith.index_cast %scan3A_222 : i32 to index
        %swap3A_469 = arith.constant 432 : index
        %swap3A_470 = tpu.vector_load %arg11[%swap3A_468, %swap3A_469] {strides = array<i32>} : memref<16x768xf32, #tpu.memory_space<vmem>>, vector<1x16xf32>,
        %swap3A_471 = vector.shape_cast %swap3A_470 : vector<1x16xf32> to vector<16xf32>
        %swap3A_472 = vector.shape_cast %get3A_467 : vector<16xf32> to vector<1x16xf32>
        tpu.vector_store %arg11[%swap3A_468, %swap3A_469], %swap3A_472 {add = true, strides = array<i32>} : memref<16x768xf32, #tpu.memory_space<vmem>>, vector<1x16xf32>,
        %get3A_473 = arith.index_cast %scan3A_222 : i32 to index
        %get3A_474 = arith.constant 448 : index
        %get3A_475 = tpu.vector_load %arg15[%get3A_473, %get3A_474] {strides = array<i32>} : memref<16x768xf32, #tpu.memory_space<vmem>>, vector<1x16xf32>,
        %get3A_476 = vector.shape_cast %get3A_475 : vector<1x16xf32> to vector<16xf32>
        %swap3A_477 = arith.index_cast %scan3A_222 : i32 to index
        %swap3A_478 = arith.constant 448 : index
        %swap3A_479 = tpu.vector_load %arg11[%swap3A_477, %swap3A_478] {strides = array<i32>} : memref<16x768xf32, #tpu.memory_space<vmem>>, vector<1x16xf32>,
        %swap3A_480 = vector.shape_cast %swap3A_479 : vector<1x16xf32> to vector<16xf32>
        %swap3A_481 = vector.shape_cast %get3A_476 : vector<16xf32> to vector<1x16xf32>
        tpu.vector_store %arg11[%swap3A_477, %swap3A_478], %swap3A_481 {add = true, strides = array<i32>} : memref<16x768xf32, #tpu.memory_space<vmem>>, vector<1x16xf32>,
        %get3A_482 = arith.index_cast %scan3A_222 : i32 to index
        %get3A_483 = arith.constant 464 : index
        %get3A_484 = tpu.vector_load %arg15[%get3A_482, %get3A_483] {strides = array<i32>} : memref<16x768xf32, #tpu.memory_space<vmem>>, vector<1x16xf32>,
        %get3A_485 = vector.shape_cast %get3A_484 : vector<1x16xf32> to vector<16xf32>
        %swap3A_486 = arith.index_cast %scan3A_222 : i32 to index
        %swap3A_487 = arith.constant 464 : index
        %swap3A_488 = tpu.vector_load %arg11[%swap3A_486, %swap3A_487] {strides = array<i32>} : memref<16x768xf32, #tpu.memory_space<vmem>>, vector<1x16xf32>,
        %swap3A_489 = vector.shape_cast %swap3A_488 : vector<1x16xf32> to vector<16xf32>
        %swap3A_490 = vector.shape_cast %get3A_485 : vector<16xf32> to vector<1x16xf32>
        tpu.vector_store %arg11[%swap3A_486, %swap3A_487], %swap3A_490 {add = true, strides = array<i32>} : memref<16x768xf32, #tpu.memory_space<vmem>>, vector<1x16xf32>,
        %get3A_491 = arith.index_cast %scan3A_222 : i32 to index
        %get3A_492 = arith.constant 480 : index
        %get3A_493 = tpu.vector_load %arg15[%get3A_491, %get3A_492] {strides = array<i32>} : memref<16x768xf32, #tpu.memory_space<vmem>>, vector<1x16xf32>,
        %get3A_494 = vector.shape_cast %get3A_493 : vector<1x16xf32> to vector<16xf32>
        %swap3A_495 = arith.index_cast %scan3A_222 : i32 to index
        %swap3A_496 = arith.constant 480 : index
        %swap3A_497 = tpu.vector_load %arg11[%swap3A_495, %swap3A_496] {strides = array<i32>} : memref<16x768xf32, #tpu.memory_space<vmem>>, vector<1x16xf32>,
        %swap3A_498 = vector.shape_cast %swap3A_497 : vector<1x16xf32> to vector<16xf32>
        %swap3A_499 = vector.shape_cast %get3A_494 : vector<16xf32> to vector<1x16xf32>
        tpu.vector_store %arg11[%swap3A_495, %swap3A_496], %swap3A_499 {add = true, strides = array<i32>} : memref<16x768xf32, #tpu.memory_space<vmem>>, vector<1x16xf32>,
        %get3A_500 = arith.index_cast %scan3A_222 : i32 to index
        %get3A_501 = arith.constant 496 : index
        %get3A_502 = tpu.vector_load %arg15[%get3A_500, %get3A_501] {strides = array<i32>} : memref<16x768xf32, #tpu.memory_space<vmem>>, vector<1x16xf32>,
        %get3A_503 = vector.shape_cast %get3A_502 : vector<1x16xf32> to vector<16xf32>
        %swap3A_504 = arith.index_cast %scan3A_222 : i32 to index
        %swap3A_505 = arith.constant 496 : index
        %swap3A_506 = tpu.vector_load %arg11[%swap3A_504, %swap3A_505] {strides = array<i32>} : memref<16x768xf32, #tpu.memory_space<vmem>>, vector<1x16xf32>,
        %swap3A_507 = vector.shape_cast %swap3A_506 : vector<1x16xf32> to vector<16xf32>
        %swap3A_508 = vector.shape_cast %get3A_503 : vector<16xf32> to vector<1x16xf32>
        tpu.vector_store %arg11[%swap3A_504, %swap3A_505], %swap3A_508 {add = true, strides = array<i32>} : memref<16x768xf32, #tpu.memory_space<vmem>>, vector<1x16xf32>,
        %get3A_509 = arith.index_cast %scan3A_222 : i32 to index
        %get3A_510 = arith.constant 512 : index
        %get3A_511 = tpu.vector_load %arg15[%get3A_509, %get3A_510] {strides = array<i32>} : memref<16x768xf32, #tpu.memory_space<vmem>>, vector<1x16xf32>,
        %get3A_512 = vector.shape_cast %get3A_511 : vector<1x16xf32> to vector<16xf32>
        %swap3A_513 = arith.index_cast %scan3A_222 : i32 to index
        %swap3A_514 = arith.constant 512 : index
        %swap3A_515 = tpu.vector_load %arg11[%swap3A_513, %swap3A_514] {strides = array<i32>} : memref<16x768xf32, #tpu.memory_space<vmem>>, vector<1x16xf32>,
        %swap3A_516 = vector.shape_cast %swap3A_515 : vector<1x16xf32> to vector<16xf32>
        %swap3A_517 = vector.shape_cast %get3A_512 : vector<16xf32> to vector<1x16xf32>
        tpu.vector_store %arg11[%swap3A_513, %swap3A_514], %swap3A_517 {add = true, strides = array<i32>} : memref<16x768xf32, #tpu.memory_space<vmem>>, vector<1x16xf32>,
        %get3A_518 = arith.index_cast %scan3A_222 : i32 to index
        %get3A_519 = arith.constant 528 : index
        %get3A_520 = tpu.vector_load %arg15[%get3A_518, %get3A_519] {strides = array<i32>} : memref<16x768xf32, #tpu.memory_space<vmem>>, vector<1x16xf32>,
        %get3A_521 = vector.shape_cast %get3A_520 : vector<1x16xf32> to vector<16xf32>
        %swap3A_522 = arith.index_cast %scan3A_222 : i32 to index
        %swap3A_523 = arith.constant 528 : index
        %swap3A_524 = tpu.vector_load %arg11[%swap3A_522, %swap3A_523] {strides = array<i32>} : memref<16x768xf32, #tpu.memory_space<vmem>>, vector<1x16xf32>,
        %swap3A_525 = vector.shape_cast %swap3A_524 : vector<1x16xf32> to vector<16xf32>
        %swap3A_526 = vector.shape_cast %get3A_521 : vector<16xf32> to vector<1x16xf32>
        tpu.vector_store %arg11[%swap3A_522, %swap3A_523], %swap3A_526 {add = true, strides = array<i32>} : memref<16x768xf32, #tpu.memory_space<vmem>>, vector<1x16xf32>,
        %get3A_527 = arith.index_cast %scan3A_222 : i32 to index
        %get3A_528 = arith.constant 544 : index
        %get3A_529 = tpu.vector_load %arg15[%get3A_527, %get3A_528] {strides = array<i32>} : memref<16x768xf32, #tpu.memory_space<vmem>>, vector<1x16xf32>,
        %get3A_530 = vector.shape_cast %get3A_529 : vector<1x16xf32> to vector<16xf32>
        %swap3A_531 = arith.index_cast %scan3A_222 : i32 to index
        %swap3A_532 = arith.constant 544 : index
        %swap3A_533 = tpu.vector_load %arg11[%swap3A_531, %swap3A_532] {strides = array<i32>} : memref<16x768xf32, #tpu.memory_space<vmem>>, vector<1x16xf32>,
        %swap3A_534 = vector.shape_cast %swap3A_533 : vector<1x16xf32> to vector<16xf32>
        %swap3A_535 = vector.shape_cast %get3A_530 : vector<16xf32> to vector<1x16xf32>
        tpu.vector_store %arg11[%swap3A_531, %swap3A_532], %swap3A_535 {add = true, strides = array<i32>} : memref<16x768xf32, #tpu.memory_space<vmem>>, vector<1x16xf32>,
        %get3A_536 = arith.index_cast %scan3A_222 : i32 to index
        %get3A_537 = arith.constant 560 : index
        %get3A_538 = tpu.vector_load %arg15[%get3A_536, %get3A_537] {strides = array<i32>} : memref<16x768xf32, #tpu.memory_space<vmem>>, vector<1x16xf32>,
        %get3A_539 = vector.shape_cast %get3A_538 : vector<1x16xf32> to vector<16xf32>
        %swap3A_540 = arith.index_cast %scan3A_222 : i32 to index
        %swap3A_541 = arith.constant 560 : index
        %swap3A_542 = tpu.vector_load %arg11[%swap3A_540, %swap3A_541] {strides = array<i32>} : memref<16x768xf32, #tpu.memory_space<vmem>>, vector<1x16xf32>,
        %swap3A_543 = vector.shape_cast %swap3A_542 : vector<1x16xf32> to vector<16xf32>
        %swap3A_544 = vector.shape_cast %get3A_539 : vector<16xf32> to vector<1x16xf32>
        tpu.vector_store %arg11[%swap3A_540, %swap3A_541], %swap3A_544 {add = true, strides = array<i32>} : memref<16x768xf32, #tpu.memory_space<vmem>>, vector<1x16xf32>,
        %get3A_545 = arith.index_cast %scan3A_222 : i32 to index
        %get3A_546 = arith.constant 576 : index
        %get3A_547 = tpu.vector_load %arg15[%get3A_545, %get3A_546] {strides = array<i32>} : memref<16x768xf32, #tpu.memory_space<vmem>>, vector<1x16xf32>,
        %get3A_548 = vector.shape_cast %get3A_547 : vector<1x16xf32> to vector<16xf32>
        %swap3A_549 = arith.index_cast %scan3A_222 : i32 to index
        %swap3A_550 = arith.constant 576 : index
        %swap3A_551 = tpu.vector_load %arg11[%swap3A_549, %swap3A_550] {strides = array<i32>} : memref<16x768xf32, #tpu.memory_space<vmem>>, vector<1x16xf32>,
        %swap3A_552 = vector.shape_cast %swap3A_551 : vector<1x16xf32> to vector<16xf32>
        %swap3A_553 = vector.shape_cast %get3A_548 : vector<16xf32> to vector<1x16xf32>
        tpu.vector_store %arg11[%swap3A_549, %swap3A_550], %swap3A_553 {add = true, strides = array<i32>} : memref<16x768xf32, #tpu.memory_space<vmem>>, vector<1x16xf32>,
        %get3A_554 = arith.index_cast %scan3A_222 : i32 to index
        %get3A_555 = arith.constant 592 : index
        %get3A_556 = tpu.vector_load %arg15[%get3A_554, %get3A_555] {strides = array<i32>} : memref<16x768xf32, #tpu.memory_space<vmem>>, vector<1x16xf32>,
        %get3A_557 = vector.shape_cast %get3A_556 : vector<1x16xf32> to vector<16xf32>
        %swap3A_558 = arith.index_cast %scan3A_222 : i32 to index
        %swap3A_559 = arith.constant 592 : index
        %swap3A_560 = tpu.vector_load %arg11[%swap3A_558, %swap3A_559] {strides = array<i32>} : memref<16x768xf32, #tpu.memory_space<vmem>>, vector<1x16xf32>,
        %swap3A_561 = vector.shape_cast %swap3A_560 : vector<1x16xf32> to vector<16xf32>
        %swap3A_562 = vector.shape_cast %get3A_557 : vector<16xf32> to vector<1x16xf32>
        tpu.vector_store %arg11[%swap3A_558, %swap3A_559], %swap3A_562 {add = true, strides = array<i32>} : memref<16x768xf32, #tpu.memory_space<vmem>>, vector<1x16xf32>,
        %get3A_563 = arith.index_cast %scan3A_222 : i32 to index
        %get3A_564 = arith.constant 608 : index
        %get3A_565 = tpu.vector_load %arg15[%get3A_563, %get3A_564] {strides = array<i32>} : memref<16x768xf32, #tpu.memory_space<vmem>>, vector<1x16xf32>,
        %get3A_566 = vector.shape_cast %get3A_565 : vector<1x16xf32> to vector<16xf32>
        %swap3A_567 = arith.index_cast %scan3A_222 : i32 to index
        %swap3A_568 = arith.constant 608 : index
        %swap3A_569 = tpu.vector_load %arg11[%swap3A_567, %swap3A_568] {strides = array<i32>} : memref<16x768xf32, #tpu.memory_space<vmem>>, vector<1x16xf32>,
        %swap3A_570 = vector.shape_cast %swap3A_569 : vector<1x16xf32> to vector<16xf32>
        %swap3A_571 = vector.shape_cast %get3A_566 : vector<16xf32> to vector<1x16xf32>
        tpu.vector_store %arg11[%swap3A_567, %swap3A_568], %swap3A_571 {add = true, strides = array<i32>} : memref<16x768xf32, #tpu.memory_space<vmem>>, vector<1x16xf32>,
        %get3A_572 = arith.index_cast %scan3A_222 : i32 to index
        %get3A_573 = arith.constant 624 : index
        %get3A_574 = tpu.vector_load %arg15[%get3A_572, %get3A_573] {strides = array<i32>} : memref<16x768xf32, #tpu.memory_space<vmem>>, vector<1x16xf32>,
        %get3A_575 = vector.shape_cast %get3A_574 : vector<1x16xf32> to vector<16xf32>
        %swap3A_576 = arith.index_cast %scan3A_222 : i32 to index
        %swap3A_577 = arith.constant 624 : index
        %swap3A_578 = tpu.vector_load %arg11[%swap3A_576, %swap3A_577] {strides = array<i32>} : memref<16x768xf32, #tpu.memory_space<vmem>>, vector<1x16xf32>,
        %swap3A_579 = vector.shape_cast %swap3A_578 : vector<1x16xf32> to vector<16xf32>
        %swap3A_580 = vector.shape_cast %get3A_575 : vector<16xf32> to vector<1x16xf32>
        tpu.vector_store %arg11[%swap3A_576, %swap3A_577], %swap3A_580 {add = true, strides = array<i32>} : memref<16x768xf32, #tpu.memory_space<vmem>>, vector<1x16xf32>,
        %get3A_581 = arith.index_cast %scan3A_222 : i32 to index
        %get3A_582 = arith.constant 640 : index
        %get3A_583 = tpu.vector_load %arg15[%get3A_581, %get3A_582] {strides = array<i32>} : memref<16x768xf32, #tpu.memory_space<vmem>>, vector<1x16xf32>,
        %get3A_584 = vector.shape_cast %get3A_583 : vector<1x16xf32> to vector<16xf32>
        %swap3A_585 = arith.index_cast %scan3A_222 : i32 to index
        %swap3A_586 = arith.constant 640 : index
        %swap3A_587 = tpu.vector_load %arg11[%swap3A_585, %swap3A_586] {strides = array<i32>} : memref<16x768xf32, #tpu.memory_space<vmem>>, vector<1x16xf32>,
        %swap3A_588 = vector.shape_cast %swap3A_587 : vector<1x16xf32> to vector<16xf32>
        %swap3A_589 = vector.shape_cast %get3A_584 : vector<16xf32> to vector<1x16xf32>
        tpu.vector_store %arg11[%swap3A_585, %swap3A_586], %swap3A_589 {add = true, strides = array<i32>} : memref<16x768xf32, #tpu.memory_space<vmem>>, vector<1x16xf32>,
        %get3A_590 = arith.index_cast %scan3A_222 : i32 to index
        %get3A_591 = arith.constant 656 : index
        %get3A_592 = tpu.vector_load %arg15[%get3A_590, %get3A_591] {strides = array<i32>} : memref<16x768xf32, #tpu.memory_space<vmem>>, vector<1x16xf32>,
        %get3A_593 = vector.shape_cast %get3A_592 : vector<1x16xf32> to vector<16xf32>
        %swap3A_594 = arith.index_cast %scan3A_222 : i32 to index
        %swap3A_595 = arith.constant 656 : index
        %swap3A_596 = tpu.vector_load %arg11[%swap3A_594, %swap3A_595] {strides = array<i32>} : memref<16x768xf32, #tpu.memory_space<vmem>>, vector<1x16xf32>,
        %swap3A_597 = vector.shape_cast %swap3A_596 : vector<1x16xf32> to vector<16xf32>
        %swap3A_598 = vector.shape_cast %get3A_593 : vector<16xf32> to vector<1x16xf32>
        tpu.vector_store %arg11[%swap3A_594, %swap3A_595], %swap3A_598 {add = true, strides = array<i32>} : memref<16x768xf32, #tpu.memory_space<vmem>>, vector<1x16xf32>,
        %get3A_599 = arith.index_cast %scan3A_222 : i32 to index
        %get3A_600 = arith.constant 672 : index
        %get3A_601 = tpu.vector_load %arg15[%get3A_599, %get3A_600] {strides = array<i32>} : memref<16x768xf32, #tpu.memory_space<vmem>>, vector<1x16xf32>,
        %get3A_602 = vector.shape_cast %get3A_601 : vector<1x16xf32> to vector<16xf32>
        %swap3A_603 = arith.index_cast %scan3A_222 : i32 to index
        %swap3A_604 = arith.constant 672 : index
        %swap3A_605 = tpu.vector_load %arg11[%swap3A_603, %swap3A_604] {strides = array<i32>} : memref<16x768xf32, #tpu.memory_space<vmem>>, vector<1x16xf32>,
        %swap3A_606 = vector.shape_cast %swap3A_605 : vector<1x16xf32> to vector<16xf32>
        %swap3A_607 = vector.shape_cast %get3A_602 : vector<16xf32> to vector<1x16xf32>
        tpu.vector_store %arg11[%swap3A_603, %swap3A_604], %swap3A_607 {add = true, strides = array<i32>} : memref<16x768xf32, #tpu.memory_space<vmem>>, vector<1x16xf32>,
        %get3A_608 = arith.index_cast %scan3A_222 : i32 to index
        %get3A_609 = arith.constant 688 : index
        %get3A_610 = tpu.vector_load %arg15[%get3A_608, %get3A_609] {strides = array<i32>} : memref<16x768xf32, #tpu.memory_space<vmem>>, vector<1x16xf32>,
        %get3A_611 = vector.shape_cast %get3A_610 : vector<1x16xf32> to vector<16xf32>
        %swap3A_612 = arith.index_cast %scan3A_222 : i32 to index
        %swap3A_613 = arith.constant 688 : index
        %swap3A_614 = tpu.vector_load %arg11[%swap3A_612, %swap3A_613] {strides = array<i32>} : memref<16x768xf32, #tpu.memory_space<vmem>>, vector<1x16xf32>,
        %swap3A_615 = vector.shape_cast %swap3A_614 : vector<1x16xf32> to vector<16xf32>
        %swap3A_616 = vector.shape_cast %get3A_611 : vector<16xf32> to vector<1x16xf32>
        tpu.vector_store %arg11[%swap3A_612, %swap3A_613], %swap3A_616 {add = true, strides = array<i32>} : memref<16x768xf32, #tpu.memory_space<vmem>>, vector<1x16xf32>,
        %get3A_617 = arith.index_cast %scan3A_222 : i32 to index
        %get3A_618 = arith.constant 704 : index
        %get3A_619 = tpu.vector_load %arg15[%get3A_617, %get3A_618] {strides = array<i32>} : memref<16x768xf32, #tpu.memory_space<vmem>>, vector<1x16xf32>,
        %get3A_620 = vector.shape_cast %get3A_619 : vector<1x16xf32> to vector<16xf32>
        %swap3A_621 = arith.index_cast %scan3A_222 : i32 to index
        %swap3A_622 = arith.constant 704 : index
        %swap3A_623 = tpu.vector_load %arg11[%swap3A_621, %swap3A_622] {strides = array<i32>} : memref<16x768xf32, #tpu.memory_space<vmem>>, vector<1x16xf32>,
        %swap3A_624 = vector.shape_cast %swap3A_623 : vector<1x16xf32> to vector<16xf32>
        %swap3A_625 = vector.shape_cast %get3A_620 : vector<16xf32> to vector<1x16xf32>
        tpu.vector_store %arg11[%swap3A_621, %swap3A_622], %swap3A_625 {add = true, strides = array<i32>} : memref<16x768xf32, #tpu.memory_space<vmem>>, vector<1x16xf32>,
        %get3A_626 = arith.index_cast %scan3A_222 : i32 to index
        %get3A_627 = arith.constant 720 : index
        %get3A_628 = tpu.vector_load %arg15[%get3A_626, %get3A_627] {strides = array<i32>} : memref<16x768xf32, #tpu.memory_space<vmem>>, vector<1x16xf32>,
        %get3A_629 = vector.shape_cast %get3A_628 : vector<1x16xf32> to vector<16xf32>
        %swap3A_630 = arith.index_cast %scan3A_222 : i32 to index
        %swap3A_631 = arith.constant 720 : index
        %swap3A_632 = tpu.vector_load %arg11[%swap3A_630, %swap3A_631] {strides = array<i32>} : memref<16x768xf32, #tpu.memory_space<vmem>>, vector<1x16xf32>,
        %swap3A_633 = vector.shape_cast %swap3A_632 : vector<1x16xf32> to vector<16xf32>
        %swap3A_634 = vector.shape_cast %get3A_629 : vector<16xf32> to vector<1x16xf32>
        tpu.vector_store %arg11[%swap3A_630, %swap3A_631], %swap3A_634 {add = true, strides = array<i32>} : memref<16x768xf32, #tpu.memory_space<vmem>>, vector<1x16xf32>,
        %get3A_635 = arith.index_cast %scan3A_222 : i32 to index
        %get3A_636 = arith.constant 736 : index
        %get3A_637 = tpu.vector_load %arg15[%get3A_635, %get3A_636] {strides = array<i32>} : memref<16x768xf32, #tpu.memory_space<vmem>>, vector<1x16xf32>,
        %get3A_638 = vector.shape_cast %get3A_637 : vector<1x16xf32> to vector<16xf32>
        %swap3A_639 = arith.index_cast %scan3A_222 : i32 to index
        %swap3A_640 = arith.constant 736 : index
        %swap3A_641 = tpu.vector_load %arg11[%swap3A_639, %swap3A_640] {strides = array<i32>} : memref<16x768xf32, #tpu.memory_space<vmem>>, vector<1x16xf32>,
        %swap3A_642 = vector.shape_cast %swap3A_641 : vector<1x16xf32> to vector<16xf32>
        %swap3A_643 = vector.shape_cast %get3A_638 : vector<16xf32> to vector<1x16xf32>
        tpu.vector_store %arg11[%swap3A_639, %swap3A_640], %swap3A_643 {add = true, strides = array<i32>} : memref<16x768xf32, #tpu.memory_space<vmem>>, vector<1x16xf32>,
        %get3A_644 = arith.index_cast %scan3A_222 : i32 to index
        %get3A_645 = arith.constant 752 : index
        %get3A_646 = tpu.vector_load %arg15[%get3A_644, %get3A_645] {strides = array<i32>} : memref<16x768xf32, #tpu.memory_space<vmem>>, vector<1x16xf32>,
        %get3A_647 = vector.shape_cast %get3A_646 : vector<1x16xf32> to vector<16xf32>
        %swap3A_648 = arith.index_cast %scan3A_222 : i32 to index
        %swap3A_649 = arith.constant 752 : index
        %swap3A_650 = tpu.vector_load %arg11[%swap3A_648, %swap3A_649] {strides = array<i32>} : memref<16x768xf32, #tpu.memory_space<vmem>>, vector<1x16xf32>,
        %swap3A_651 = vector.shape_cast %swap3A_650 : vector<1x16xf32> to vector<16xf32>
        %swap3A_652 = vector.shape_cast %get3A_647 : vector<16xf32> to vector<1x16xf32>
        tpu.vector_store %arg11[%swap3A_648, %swap3A_649], %swap3A_652 {add = true, strides = array<i32>} : memref<16x768xf32, #tpu.memory_space<vmem>>, vector<1x16xf32>,
      }
      %scan3A_136 = arith.constant 16 : i32
      %mul3A_137 = arith.constant 16 : i32
      %mul3A_138 = arith.muli %add3A_108, %mul3A_137 : i32
      %add3A_139 = arith.addi %mul3A_2, %mul3A_138 : i32
      %dma_start3A_140 = arith.constant 0 : i32
      %dma_start3A_141 = tpu.memref_slice %arg6[%add3A_139, %dma_start3A_140] : memref<32768x768xf32, #tpu.memory_space<hbm>> -> memref<16x768xf32, #tpu.memory_space<hbm>>
      %dma_start3A_142 = arith.constant 0 : i32
      %dma_start3A_143 = tpu.memref_slice %arg6[%add3A_139, %dma_start3A_142] : memref<32768x768xf32, #tpu.memory_space<hbm>> -> memref<16x768xf32, #tpu.memory_space<hbm>>
      tpu.enqueue_dma source(%arg11 : memref<16x768xf32, #tpu.memory_space<vmem>>) target(%dma_start3A_143 : memref<16x768xf32, #tpu.memory_space<hbm>>) target_semaphore(%arg27 : memref<!tpu.dma_semaphore, #tpu.memory_space<semaphore_mem>>)
      %mul3A_144 = arith.constant 4 : i32
      %mul3A_145 = arith.muli %mul3A_144, %scan3A_69 : i32
      %add3A_146 = arith.constant 2 : i32
      %add3A_147 = arith.addi %mul3A_145, %add3A_146 : i32
      %add3A_148 = arith.constant 4 : i32
      %add3A_149 = arith.addi %add3A_147, %add3A_148 : i32
      %sub3A_150 = arith.constant 1 : i32
      %sub3A_151 = arith.subi %add3A_149, %sub3A_150 : i32
      %lt3A_152 = arith.constant 64 : i32
      %lt3A_153 = arith.cmpi slt, %sub3A_151, %lt3A_152 : i32
      %convert_element_type3A_154 = arith.extui %lt3A_153 : i1 to i32
      %cond3A_155 = arith.constant 0 : i32
      %cond3A_156 = arith.cmpi ne, %convert_element_type3A_154, %cond3A_155 : i32
      scf.if %cond3A_156 {
        %ge3A = arith.constant 1 : i32
        %ge3A_222 = arith.cmpi sge, %add3A_147, %ge3A : i32
        %convert_element_type3A_223 = arith.extui %ge3A_222 : i1 to i32
        %cond3A_224 = arith.constant 0 : i32
        %cond3A_225 = arith.cmpi ne, %convert_element_type3A_223, %cond3A_224 : i32
        scf.if %cond3A_225 {
          %sub3A_243 = arith.constant 1 : i32
          %sub3A_244 = arith.subi %add3A_147, %sub3A_243 : i32
          %mul3A_245 = arith.constant 16 : i32
          %mul3A_246 = arith.muli %sub3A_244, %mul3A_245 : i32
          %add3A_247 = arith.addi %mul3A_2, %mul3A_246 : i32
          %dma_wait3A_248 = arith.constant 0 : i32
          %dma_wait3A_249 = tpu.memref_slice %arg6[%add3A_247, %dma_wait3A_248] : memref<32768x768xf32, #tpu.memory_space<hbm>> -> memref<16x768xf32, #tpu.memory_space<hbm>>
          %dma_wait3A_250 = arith.constant 0 : i32
          %dma_wait3A_251 = tpu.memref_slice %arg6[%add3A_247, %dma_wait3A_250] : memref<32768x768xf32, #tpu.memory_space<hbm>> -> memref<16x768xf32, #tpu.memory_space<hbm>>
          tpu.wait_dma2 semaphore(%arg27 : memref<!tpu.dma_semaphore, #tpu.memory_space<semaphore_mem>>) src(%arg11 : memref<16x768xf32, #tpu.memory_space<vmem>>) dst(%dma_wait3A_251 : memref<16x768xf32, #tpu.memory_space<hbm>>)
        } else {
        }
        %add3A_226 = arith.constant 4 : i32
        %add3A_227 = arith.addi %add3A_147, %add3A_226 : i32
        %sub3A_228 = arith.constant 1 : i32
        %sub3A_229 = arith.subi %add3A_227, %sub3A_228 : i32
        %mul3A_230 = arith.constant 16 : i32
        %mul3A_231 = arith.muli %sub3A_229, %mul3A_230 : i32
        %add3A_232 = arith.addi %mul3A_2, %mul3A_231 : i32
        %dma_start3A_233 = arith.constant 0 : i32
        %dma_start3A_234 = tpu.memref_slice %arg2[%add3A_232, %dma_start3A_233] : memref<32768x768xf32, #tpu.memory_space<hbm>> -> memref<16x768xf32, #tpu.memory_space<hbm>>
        %dma_start3A_235 = arith.constant 0 : i32
        %dma_start3A_236 = tpu.memref_slice %arg2[%add3A_232, %dma_start3A_235] : memref<32768x768xf32, #tpu.memory_space<hbm>> -> memref<16x768xf32, #tpu.memory_space<hbm>>
        tpu.enqueue_dma source(%dma_start3A_236 : memref<16x768xf32, #tpu.memory_space<hbm>>) target(%arg11 : memref<16x768xf32, #tpu.memory_space<vmem>>) target_semaphore(%arg19 : memref<!tpu.dma_semaphore, #tpu.memory_space<semaphore_mem>>)
        %mul3A_237 = arith.constant 16 : i32
        %mul3A_238 = arith.muli %sub3A_229, %mul3A_237 : i32
        %dma_start3A_239 = tpu.memref_slice %arg9[%mul3A_238] : memref<1024xi32, #tpu.memory_space<vmem>> -> memref<16xi32, #tpu.memory_space<vmem>>
        %dma_start3A_240 = arith.constant 0 : i32
        %dma_start3A_241 = arith.constant 0 : i32
        %dma_start3A_242 = tpu.memref_slice %arg5[%dma_start3A_240, %dma_start3A_241] : memref<1024x768xf32, #tpu.memory_space<hbm>> -> memref<1024x768xf32, #tpu.memory_space<hbm>>
        tpu.enqueue_indirect_dma source(%dma_start3A_242 : memref<1024x768xf32, #tpu.memory_space<hbm>>) target(%arg15 : memref<16x768xf32, #tpu.memory_space<vmem>>) offsets(%dma_start3A_239 : memref<16xi32, #tpu.memory_space<vmem>>) semaphore(%arg23 : memref<!tpu.dma_semaphore, #tpu.memory_space<semaphore_mem>>)
      } else {
      }
      %mul3A_157 = arith.constant 16 : i32
      %mul3A_158 = arith.muli %add3A_147, %mul3A_157 : i32
      %add3A_159 = arith.addi %mul3A_2, %mul3A_158 : i32
      %dma_wait3A_160 = arith.constant 0 : i32
      %dma_wait3A_161 = tpu.memref_slice %arg2[%add3A_159, %dma_wait3A_160] : memref<32768x768xf32, #tpu.memory_space<hbm>> -> memref<16x768xf32, #tpu.memory_space<hbm>>
      %dma_wait3A_162 = arith.constant 0 : i32
      %dma_wait3A_163 = tpu.memref_slice %arg2[%add3A_159, %dma_wait3A_162] : memref<32768x768xf32, #tpu.memory_space<hbm>> -> memref<16x768xf32, #tpu.memory_space<hbm>>
      tpu.wait_dma2 semaphore(%arg20 : memref<!tpu.dma_semaphore, #tpu.memory_space<semaphore_mem>>) src(%dma_wait3A_163 : memref<16x768xf32, #tpu.memory_space<hbm>>) dst(%arg12 : memref<16x768xf32, #tpu.memory_space<vmem>>)
      %mul3A_164 = arith.constant 16 : i32
      %mul3A_165 = arith.muli %add3A_147, %mul3A_164 : i32
      %dma_wait3A_166 = tpu.memref_slice %arg9[%mul3A_165] : memref<1024xi32, #tpu.memory_space<vmem>> -> memref<16xi32, #tpu.memory_space<vmem>>
      %dma_wait3A_167 = arith.constant 0 : i32
      %dma_wait3A_168 = arith.constant 0 : i32
      %dma_wait3A_169 = tpu.memref_slice %arg5[%dma_wait3A_167, %dma_wait3A_168] : memref<1024x768xf32, #tpu.memory_space<hbm>> -> memref<1024x768xf32, #tpu.memory_space<hbm>>
      tpu.wait_indirect_dma semaphore(%arg24 : memref<!tpu.dma_semaphore, #tpu.memory_space<semaphore_mem>>) src(%dma_wait3A_169 : memref<1024x768xf32, #tpu.memory_space<hbm>>) dst(%arg16 : memref<16x768xf32, #tpu.memory_space<vmem>>)
      %scan3A_170 = arith.constant 0 : i32
      %scan3A_171 = arith.constant 0 : i32
      %scan3A_172 = arith.constant 16 : i32
      %scan3A_173 = arith.addi %scan3A_171, %scan3A_172 : i32
      %scan3A_174 = arith.constant 1 : i32
      scf.for %scan3A_222 = %scan3A_171 to %scan3A_173 step %scan3A_174  : i32 {
        %get3A = arith.index_cast %scan3A_222 : i32 to index
        %get3A_223 = arith.constant 0 : index
        %get3A_224 = tpu.vector_load %arg16[%get3A, %get3A_223] {strides = array<i32>} : memref<16x768xf32, #tpu.memory_space<vmem>>, vector<1x16xf32>,
        %get3A_225 = vector.shape_cast %get3A_224 : vector<1x16xf32> to vector<16xf32>
        %swap3A = arith.index_cast %scan3A_222 : i32 to index
        %swap3A_226 = arith.constant 0 : index
        %swap3A_227 = tpu.vector_load %arg12[%swap3A, %swap3A_226] {strides = array<i32>} : memref<16x768xf32, #tpu.memory_space<vmem>>, vector<1x16xf32>,
        %swap3A_228 = vector.shape_cast %swap3A_227 : vector<1x16xf32> to vector<16xf32>
        %swap3A_229 = vector.shape_cast %get3A_225 : vector<16xf32> to vector<1x16xf32>
        tpu.vector_store %arg12[%swap3A, %swap3A_226], %swap3A_229 {add = true, strides = array<i32>} : memref<16x768xf32, #tpu.memory_space<vmem>>, vector<1x16xf32>,
        %get3A_230 = arith.index_cast %scan3A_222 : i32 to index
        %get3A_231 = arith.constant 16 : index
        %get3A_232 = tpu.vector_load %arg16[%get3A_230, %get3A_231] {strides = array<i32>} : memref<16x768xf32, #tpu.memory_space<vmem>>, vector<1x16xf32>,
        %get3A_233 = vector.shape_cast %get3A_232 : vector<1x16xf32> to vector<16xf32>
        %swap3A_234 = arith.index_cast %scan3A_222 : i32 to index
        %swap3A_235 = arith.constant 16 : index
        %swap3A_236 = tpu.vector_load %arg12[%swap3A_234, %swap3A_235] {strides = array<i32>} : memref<16x768xf32, #tpu.memory_space<vmem>>, vector<1x16xf32>,
        %swap3A_237 = vector.shape_cast %swap3A_236 : vector<1x16xf32> to vector<16xf32>
        %swap3A_238 = vector.shape_cast %get3A_233 : vector<16xf32> to vector<1x16xf32>
        tpu.vector_store %arg12[%swap3A_234, %swap3A_235], %swap3A_238 {add = true, strides = array<i32>} : memref<16x768xf32, #tpu.memory_space<vmem>>, vector<1x16xf32>,
        %get3A_239 = arith.index_cast %scan3A_222 : i32 to index
        %get3A_240 = arith.constant 32 : index
        %get3A_241 = tpu.vector_load %arg16[%get3A_239, %get3A_240] {strides = array<i32>} : memref<16x768xf32, #tpu.memory_space<vmem>>, vector<1x16xf32>,
        %get3A_242 = vector.shape_cast %get3A_241 : vector<1x16xf32> to vector<16xf32>
        %swap3A_243 = arith.index_cast %scan3A_222 : i32 to index
        %swap3A_244 = arith.constant 32 : index
        %swap3A_245 = tpu.vector_load %arg12[%swap3A_243, %swap3A_244] {strides = array<i32>} : memref<16x768xf32, #tpu.memory_space<vmem>>, vector<1x16xf32>,
        %swap3A_246 = vector.shape_cast %swap3A_245 : vector<1x16xf32> to vector<16xf32>
        %swap3A_247 = vector.shape_cast %get3A_242 : vector<16xf32> to vector<1x16xf32>
        tpu.vector_store %arg12[%swap3A_243, %swap3A_244], %swap3A_247 {add = true, strides = array<i32>} : memref<16x768xf32, #tpu.memory_space<vmem>>, vector<1x16xf32>,
        %get3A_248 = arith.index_cast %scan3A_222 : i32 to index
        %get3A_249 = arith.constant 48 : index
        %get3A_250 = tpu.vector_load %arg16[%get3A_248, %get3A_249] {strides = array<i32>} : memref<16x768xf32, #tpu.memory_space<vmem>>, vector<1x16xf32>,
        %get3A_251 = vector.shape_cast %get3A_250 : vector<1x16xf32> to vector<16xf32>
        %swap3A_252 = arith.index_cast %scan3A_222 : i32 to index
        %swap3A_253 = arith.constant 48 : index
        %swap3A_254 = tpu.vector_load %arg12[%swap3A_252, %swap3A_253] {strides = array<i32>} : memref<16x768xf32, #tpu.memory_space<vmem>>, vector<1x16xf32>,
        %swap3A_255 = vector.shape_cast %swap3A_254 : vector<1x16xf32> to vector<16xf32>
        %swap3A_256 = vector.shape_cast %get3A_251 : vector<16xf32> to vector<1x16xf32>
        tpu.vector_store %arg12[%swap3A_252, %swap3A_253], %swap3A_256 {add = true, strides = array<i32>} : memref<16x768xf32, #tpu.memory_space<vmem>>, vector<1x16xf32>,
        %get3A_257 = arith.index_cast %scan3A_222 : i32 to index
        %get3A_258 = arith.constant 64 : index
        %get3A_259 = tpu.vector_load %arg16[%get3A_257, %get3A_258] {strides = array<i32>} : memref<16x768xf32, #tpu.memory_space<vmem>>, vector<1x16xf32>,
        %get3A_260 = vector.shape_cast %get3A_259 : vector<1x16xf32> to vector<16xf32>
        %swap3A_261 = arith.index_cast %scan3A_222 : i32 to index
        %swap3A_262 = arith.constant 64 : index
        %swap3A_263 = tpu.vector_load %arg12[%swap3A_261, %swap3A_262] {strides = array<i32>} : memref<16x768xf32, #tpu.memory_space<vmem>>, vector<1x16xf32>,
        %swap3A_264 = vector.shape_cast %swap3A_263 : vector<1x16xf32> to vector<16xf32>
        %swap3A_265 = vector.shape_cast %get3A_260 : vector<16xf32> to vector<1x16xf32>
        tpu.vector_store %arg12[%swap3A_261, %swap3A_262], %swap3A_265 {add = true, strides = array<i32>} : memref<16x768xf32, #tpu.memory_space<vmem>>, vector<1x16xf32>,
        %get3A_266 = arith.index_cast %scan3A_222 : i32 to index
        %get3A_267 = arith.constant 80 : index
        %get3A_268 = tpu.vector_load %arg16[%get3A_266, %get3A_267] {strides = array<i32>} : memref<16x768xf32, #tpu.memory_space<vmem>>, vector<1x16xf32>,
        %get3A_269 = vector.shape_cast %get3A_268 : vector<1x16xf32> to vector<16xf32>
        %swap3A_270 = arith.index_cast %scan3A_222 : i32 to index
        %swap3A_271 = arith.constant 80 : index
        %swap3A_272 = tpu.vector_load %arg12[%swap3A_270, %swap3A_271] {strides = array<i32>} : memref<16x768xf32, #tpu.memory_space<vmem>>, vector<1x16xf32>,
        %swap3A_273 = vector.shape_cast %swap3A_272 : vector<1x16xf32> to vector<16xf32>
        %swap3A_274 = vector.shape_cast %get3A_269 : vector<16xf32> to vector<1x16xf32>
        tpu.vector_store %arg12[%swap3A_270, %swap3A_271], %swap3A_274 {add = true, strides = array<i32>} : memref<16x768xf32, #tpu.memory_space<vmem>>, vector<1x16xf32>,
        %get3A_275 = arith.index_cast %scan3A_222 : i32 to index
        %get3A_276 = arith.constant 96 : index
        %get3A_277 = tpu.vector_load %arg16[%get3A_275, %get3A_276] {strides = array<i32>} : memref<16x768xf32, #tpu.memory_space<vmem>>, vector<1x16xf32>,
        %get3A_278 = vector.shape_cast %get3A_277 : vector<1x16xf32> to vector<16xf32>
        %swap3A_279 = arith.index_cast %scan3A_222 : i32 to index
        %swap3A_280 = arith.constant 96 : index
        %swap3A_281 = tpu.vector_load %arg12[%swap3A_279, %swap3A_280] {strides = array<i32>} : memref<16x768xf32, #tpu.memory_space<vmem>>, vector<1x16xf32>,
        %swap3A_282 = vector.shape_cast %swap3A_281 : vector<1x16xf32> to vector<16xf32>
        %swap3A_283 = vector.shape_cast %get3A_278 : vector<16xf32> to vector<1x16xf32>
        tpu.vector_store %arg12[%swap3A_279, %swap3A_280], %swap3A_283 {add = true, strides = array<i32>} : memref<16x768xf32, #tpu.memory_space<vmem>>, vector<1x16xf32>,
        %get3A_284 = arith.index_cast %scan3A_222 : i32 to index
        %get3A_285 = arith.constant 112 : index
        %get3A_286 = tpu.vector_load %arg16[%get3A_284, %get3A_285] {strides = array<i32>} : memref<16x768xf32, #tpu.memory_space<vmem>>, vector<1x16xf32>,
        %get3A_287 = vector.shape_cast %get3A_286 : vector<1x16xf32> to vector<16xf32>
        %swap3A_288 = arith.index_cast %scan3A_222 : i32 to index
        %swap3A_289 = arith.constant 112 : index
        %swap3A_290 = tpu.vector_load %arg12[%swap3A_288, %swap3A_289] {strides = array<i32>} : memref<16x768xf32, #tpu.memory_space<vmem>>, vector<1x16xf32>,
        %swap3A_291 = vector.shape_cast %swap3A_290 : vector<1x16xf32> to vector<16xf32>
        %swap3A_292 = vector.shape_cast %get3A_287 : vector<16xf32> to vector<1x16xf32>
        tpu.vector_store %arg12[%swap3A_288, %swap3A_289], %swap3A_292 {add = true, strides = array<i32>} : memref<16x768xf32, #tpu.memory_space<vmem>>, vector<1x16xf32>,
        %get3A_293 = arith.index_cast %scan3A_222 : i32 to index
        %get3A_294 = arith.constant 128 : index
        %get3A_295 = tpu.vector_load %arg16[%get3A_293, %get3A_294] {strides = array<i32>} : memref<16x768xf32, #tpu.memory_space<vmem>>, vector<1x16xf32>,
        %get3A_296 = vector.shape_cast %get3A_295 : vector<1x16xf32> to vector<16xf32>
        %swap3A_297 = arith.index_cast %scan3A_222 : i32 to index
        %swap3A_298 = arith.constant 128 : index
        %swap3A_299 = tpu.vector_load %arg12[%swap3A_297, %swap3A_298] {strides = array<i32>} : memref<16x768xf32, #tpu.memory_space<vmem>>, vector<1x16xf32>,
        %swap3A_300 = vector.shape_cast %swap3A_299 : vector<1x16xf32> to vector<16xf32>
        %swap3A_301 = vector.shape_cast %get3A_296 : vector<16xf32> to vector<1x16xf32>
        tpu.vector_store %arg12[%swap3A_297, %swap3A_298], %swap3A_301 {add = true, strides = array<i32>} : memref<16x768xf32, #tpu.memory_space<vmem>>, vector<1x16xf32>,
        %get3A_302 = arith.index_cast %scan3A_222 : i32 to index
        %get3A_303 = arith.constant 144 : index
        %get3A_304 = tpu.vector_load %arg16[%get3A_302, %get3A_303] {strides = array<i32>} : memref<16x768xf32, #tpu.memory_space<vmem>>, vector<1x16xf32>,
        %get3A_305 = vector.shape_cast %get3A_304 : vector<1x16xf32> to vector<16xf32>
        %swap3A_306 = arith.index_cast %scan3A_222 : i32 to index
        %swap3A_307 = arith.constant 144 : index
        %swap3A_308 = tpu.vector_load %arg12[%swap3A_306, %swap3A_307] {strides = array<i32>} : memref<16x768xf32, #tpu.memory_space<vmem>>, vector<1x16xf32>,
        %swap3A_309 = vector.shape_cast %swap3A_308 : vector<1x16xf32> to vector<16xf32>
        %swap3A_310 = vector.shape_cast %get3A_305 : vector<16xf32> to vector<1x16xf32>
        tpu.vector_store %arg12[%swap3A_306, %swap3A_307], %swap3A_310 {add = true, strides = array<i32>} : memref<16x768xf32, #tpu.memory_space<vmem>>, vector<1x16xf32>,
        %get3A_311 = arith.index_cast %scan3A_222 : i32 to index
        %get3A_312 = arith.constant 160 : index
        %get3A_313 = tpu.vector_load %arg16[%get3A_311, %get3A_312] {strides = array<i32>} : memref<16x768xf32, #tpu.memory_space<vmem>>, vector<1x16xf32>,
        %get3A_314 = vector.shape_cast %get3A_313 : vector<1x16xf32> to vector<16xf32>
        %swap3A_315 = arith.index_cast %scan3A_222 : i32 to index
        %swap3A_316 = arith.constant 160 : index
        %swap3A_317 = tpu.vector_load %arg12[%swap3A_315, %swap3A_316] {strides = array<i32>} : memref<16x768xf32, #tpu.memory_space<vmem>>, vector<1x16xf32>,
        %swap3A_318 = vector.shape_cast %swap3A_317 : vector<1x16xf32> to vector<16xf32>
        %swap3A_319 = vector.shape_cast %get3A_314 : vector<16xf32> to vector<1x16xf32>
        tpu.vector_store %arg12[%swap3A_315, %swap3A_316], %swap3A_319 {add = true, strides = array<i32>} : memref<16x768xf32, #tpu.memory_space<vmem>>, vector<1x16xf32>,
        %get3A_320 = arith.index_cast %scan3A_222 : i32 to index
        %get3A_321 = arith.constant 176 : index
        %get3A_322 = tpu.vector_load %arg16[%get3A_320, %get3A_321] {strides = array<i32>} : memref<16x768xf32, #tpu.memory_space<vmem>>, vector<1x16xf32>,
        %get3A_323 = vector.shape_cast %get3A_322 : vector<1x16xf32> to vector<16xf32>
        %swap3A_324 = arith.index_cast %scan3A_222 : i32 to index
        %swap3A_325 = arith.constant 176 : index
        %swap3A_326 = tpu.vector_load %arg12[%swap3A_324, %swap3A_325] {strides = array<i32>} : memref<16x768xf32, #tpu.memory_space<vmem>>, vector<1x16xf32>,
        %swap3A_327 = vector.shape_cast %swap3A_326 : vector<1x16xf32> to vector<16xf32>
        %swap3A_328 = vector.shape_cast %get3A_323 : vector<16xf32> to vector<1x16xf32>
        tpu.vector_store %arg12[%swap3A_324, %swap3A_325], %swap3A_328 {add = true, strides = array<i32>} : memref<16x768xf32, #tpu.memory_space<vmem>>, vector<1x16xf32>,
        %get3A_329 = arith.index_cast %scan3A_222 : i32 to index
        %get3A_330 = arith.constant 192 : index
        %get3A_331 = tpu.vector_load %arg16[%get3A_329, %get3A_330] {strides = array<i32>} : memref<16x768xf32, #tpu.memory_space<vmem>>, vector<1x16xf32>,
        %get3A_332 = vector.shape_cast %get3A_331 : vector<1x16xf32> to vector<16xf32>
        %swap3A_333 = arith.index_cast %scan3A_222 : i32 to index
        %swap3A_334 = arith.constant 192 : index
        %swap3A_335 = tpu.vector_load %arg12[%swap3A_333, %swap3A_334] {strides = array<i32>} : memref<16x768xf32, #tpu.memory_space<vmem>>, vector<1x16xf32>,
        %swap3A_336 = vector.shape_cast %swap3A_335 : vector<1x16xf32> to vector<16xf32>
        %swap3A_337 = vector.shape_cast %get3A_332 : vector<16xf32> to vector<1x16xf32>
        tpu.vector_store %arg12[%swap3A_333, %swap3A_334], %swap3A_337 {add = true, strides = array<i32>} : memref<16x768xf32, #tpu.memory_space<vmem>>, vector<1x16xf32>,
        %get3A_338 = arith.index_cast %scan3A_222 : i32 to index
        %get3A_339 = arith.constant 208 : index
        %get3A_340 = tpu.vector_load %arg16[%get3A_338, %get3A_339] {strides = array<i32>} : memref<16x768xf32, #tpu.memory_space<vmem>>, vector<1x16xf32>,
        %get3A_341 = vector.shape_cast %get3A_340 : vector<1x16xf32> to vector<16xf32>
        %swap3A_342 = arith.index_cast %scan3A_222 : i32 to index
        %swap3A_343 = arith.constant 208 : index
        %swap3A_344 = tpu.vector_load %arg12[%swap3A_342, %swap3A_343] {strides = array<i32>} : memref<16x768xf32, #tpu.memory_space<vmem>>, vector<1x16xf32>,
        %swap3A_345 = vector.shape_cast %swap3A_344 : vector<1x16xf32> to vector<16xf32>
        %swap3A_346 = vector.shape_cast %get3A_341 : vector<16xf32> to vector<1x16xf32>
        tpu.vector_store %arg12[%swap3A_342, %swap3A_343], %swap3A_346 {add = true, strides = array<i32>} : memref<16x768xf32, #tpu.memory_space<vmem>>, vector<1x16xf32>,
        %get3A_347 = arith.index_cast %scan3A_222 : i32 to index
        %get3A_348 = arith.constant 224 : index
        %get3A_349 = tpu.vector_load %arg16[%get3A_347, %get3A_348] {strides = array<i32>} : memref<16x768xf32, #tpu.memory_space<vmem>>, vector<1x16xf32>,
        %get3A_350 = vector.shape_cast %get3A_349 : vector<1x16xf32> to vector<16xf32>
        %swap3A_351 = arith.index_cast %scan3A_222 : i32 to index
        %swap3A_352 = arith.constant 224 : index
        %swap3A_353 = tpu.vector_load %arg12[%swap3A_351, %swap3A_352] {strides = array<i32>} : memref<16x768xf32, #tpu.memory_space<vmem>>, vector<1x16xf32>,
        %swap3A_354 = vector.shape_cast %swap3A_353 : vector<1x16xf32> to vector<16xf32>
        %swap3A_355 = vector.shape_cast %get3A_350 : vector<16xf32> to vector<1x16xf32>
        tpu.vector_store %arg12[%swap3A_351, %swap3A_352], %swap3A_355 {add = true, strides = array<i32>} : memref<16x768xf32, #tpu.memory_space<vmem>>, vector<1x16xf32>,
        %get3A_356 = arith.index_cast %scan3A_222 : i32 to index
        %get3A_357 = arith.constant 240 : index
        %get3A_358 = tpu.vector_load %arg16[%get3A_356, %get3A_357] {strides = array<i32>} : memref<16x768xf32, #tpu.memory_space<vmem>>, vector<1x16xf32>,
        %get3A_359 = vector.shape_cast %get3A_358 : vector<1x16xf32> to vector<16xf32>
        %swap3A_360 = arith.index_cast %scan3A_222 : i32 to index
        %swap3A_361 = arith.constant 240 : index
        %swap3A_362 = tpu.vector_load %arg12[%swap3A_360, %swap3A_361] {strides = array<i32>} : memref<16x768xf32, #tpu.memory_space<vmem>>, vector<1x16xf32>,
        %swap3A_363 = vector.shape_cast %swap3A_362 : vector<1x16xf32> to vector<16xf32>
        %swap3A_364 = vector.shape_cast %get3A_359 : vector<16xf32> to vector<1x16xf32>
        tpu.vector_store %arg12[%swap3A_360, %swap3A_361], %swap3A_364 {add = true, strides = array<i32>} : memref<16x768xf32, #tpu.memory_space<vmem>>, vector<1x16xf32>,
        %get3A_365 = arith.index_cast %scan3A_222 : i32 to index
        %get3A_366 = arith.constant 256 : index
        %get3A_367 = tpu.vector_load %arg16[%get3A_365, %get3A_366] {strides = array<i32>} : memref<16x768xf32, #tpu.memory_space<vmem>>, vector<1x16xf32>,
        %get3A_368 = vector.shape_cast %get3A_367 : vector<1x16xf32> to vector<16xf32>
        %swap3A_369 = arith.index_cast %scan3A_222 : i32 to index
        %swap3A_370 = arith.constant 256 : index
        %swap3A_371 = tpu.vector_load %arg12[%swap3A_369, %swap3A_370] {strides = array<i32>} : memref<16x768xf32, #tpu.memory_space<vmem>>, vector<1x16xf32>,
        %swap3A_372 = vector.shape_cast %swap3A_371 : vector<1x16xf32> to vector<16xf32>
        %swap3A_373 = vector.shape_cast %get3A_368 : vector<16xf32> to vector<1x16xf32>
        tpu.vector_store %arg12[%swap3A_369, %swap3A_370], %swap3A_373 {add = true, strides = array<i32>} : memref<16x768xf32, #tpu.memory_space<vmem>>, vector<1x16xf32>,
        %get3A_374 = arith.index_cast %scan3A_222 : i32 to index
        %get3A_375 = arith.constant 272 : index
        %get3A_376 = tpu.vector_load %arg16[%get3A_374, %get3A_375] {strides = array<i32>} : memref<16x768xf32, #tpu.memory_space<vmem>>, vector<1x16xf32>,
        %get3A_377 = vector.shape_cast %get3A_376 : vector<1x16xf32> to vector<16xf32>
        %swap3A_378 = arith.index_cast %scan3A_222 : i32 to index
        %swap3A_379 = arith.constant 272 : index
        %swap3A_380 = tpu.vector_load %arg12[%swap3A_378, %swap3A_379] {strides = array<i32>} : memref<16x768xf32, #tpu.memory_space<vmem>>, vector<1x16xf32>,
        %swap3A_381 = vector.shape_cast %swap3A_380 : vector<1x16xf32> to vector<16xf32>
        %swap3A_382 = vector.shape_cast %get3A_377 : vector<16xf32> to vector<1x16xf32>
        tpu.vector_store %arg12[%swap3A_378, %swap3A_379], %swap3A_382 {add = true, strides = array<i32>} : memref<16x768xf32, #tpu.memory_space<vmem>>, vector<1x16xf32>,
        %get3A_383 = arith.index_cast %scan3A_222 : i32 to index
        %get3A_384 = arith.constant 288 : index
        %get3A_385 = tpu.vector_load %arg16[%get3A_383, %get3A_384] {strides = array<i32>} : memref<16x768xf32, #tpu.memory_space<vmem>>, vector<1x16xf32>,
        %get3A_386 = vector.shape_cast %get3A_385 : vector<1x16xf32> to vector<16xf32>
        %swap3A_387 = arith.index_cast %scan3A_222 : i32 to index
        %swap3A_388 = arith.constant 288 : index
        %swap3A_389 = tpu.vector_load %arg12[%swap3A_387, %swap3A_388] {strides = array<i32>} : memref<16x768xf32, #tpu.memory_space<vmem>>, vector<1x16xf32>,
        %swap3A_390 = vector.shape_cast %swap3A_389 : vector<1x16xf32> to vector<16xf32>
        %swap3A_391 = vector.shape_cast %get3A_386 : vector<16xf32> to vector<1x16xf32>
        tpu.vector_store %arg12[%swap3A_387, %swap3A_388], %swap3A_391 {add = true, strides = array<i32>} : memref<16x768xf32, #tpu.memory_space<vmem>>, vector<1x16xf32>,
        %get3A_392 = arith.index_cast %scan3A_222 : i32 to index
        %get3A_393 = arith.constant 304 : index
        %get3A_394 = tpu.vector_load %arg16[%get3A_392, %get3A_393] {strides = array<i32>} : memref<16x768xf32, #tpu.memory_space<vmem>>, vector<1x16xf32>,
        %get3A_395 = vector.shape_cast %get3A_394 : vector<1x16xf32> to vector<16xf32>
        %swap3A_396 = arith.index_cast %scan3A_222 : i32 to index
        %swap3A_397 = arith.constant 304 : index
        %swap3A_398 = tpu.vector_load %arg12[%swap3A_396, %swap3A_397] {strides = array<i32>} : memref<16x768xf32, #tpu.memory_space<vmem>>, vector<1x16xf32>,
        %swap3A_399 = vector.shape_cast %swap3A_398 : vector<1x16xf32> to vector<16xf32>
        %swap3A_400 = vector.shape_cast %get3A_395 : vector<16xf32> to vector<1x16xf32>
        tpu.vector_store %arg12[%swap3A_396, %swap3A_397], %swap3A_400 {add = true, strides = array<i32>} : memref<16x768xf32, #tpu.memory_space<vmem>>, vector<1x16xf32>,
        %get3A_401 = arith.index_cast %scan3A_222 : i32 to index
        %get3A_402 = arith.constant 320 : index
        %get3A_403 = tpu.vector_load %arg16[%get3A_401, %get3A_402] {strides = array<i32>} : memref<16x768xf32, #tpu.memory_space<vmem>>, vector<1x16xf32>,
        %get3A_404 = vector.shape_cast %get3A_403 : vector<1x16xf32> to vector<16xf32>
        %swap3A_405 = arith.index_cast %scan3A_222 : i32 to index
        %swap3A_406 = arith.constant 320 : index
        %swap3A_407 = tpu.vector_load %arg12[%swap3A_405, %swap3A_406] {strides = array<i32>} : memref<16x768xf32, #tpu.memory_space<vmem>>, vector<1x16xf32>,
        %swap3A_408 = vector.shape_cast %swap3A_407 : vector<1x16xf32> to vector<16xf32>
        %swap3A_409 = vector.shape_cast %get3A_404 : vector<16xf32> to vector<1x16xf32>
        tpu.vector_store %arg12[%swap3A_405, %swap3A_406], %swap3A_409 {add = true, strides = array<i32>} : memref<16x768xf32, #tpu.memory_space<vmem>>, vector<1x16xf32>,
        %get3A_410 = arith.index_cast %scan3A_222 : i32 to index
        %get3A_411 = arith.constant 336 : index
        %get3A_412 = tpu.vector_load %arg16[%get3A_410, %get3A_411] {strides = array<i32>} : memref<16x768xf32, #tpu.memory_space<vmem>>, vector<1x16xf32>,
        %get3A_413 = vector.shape_cast %get3A_412 : vector<1x16xf32> to vector<16xf32>
        %swap3A_414 = arith.index_cast %scan3A_222 : i32 to index
        %swap3A_415 = arith.constant 336 : index
        %swap3A_416 = tpu.vector_load %arg12[%swap3A_414, %swap3A_415] {strides = array<i32>} : memref<16x768xf32, #tpu.memory_space<vmem>>, vector<1x16xf32>,
        %swap3A_417 = vector.shape_cast %swap3A_416 : vector<1x16xf32> to vector<16xf32>
        %swap3A_418 = vector.shape_cast %get3A_413 : vector<16xf32> to vector<1x16xf32>
        tpu.vector_store %arg12[%swap3A_414, %swap3A_415], %swap3A_418 {add = true, strides = array<i32>} : memref<16x768xf32, #tpu.memory_space<vmem>>, vector<1x16xf32>,
        %get3A_419 = arith.index_cast %scan3A_222 : i32 to index
        %get3A_420 = arith.constant 352 : index
        %get3A_421 = tpu.vector_load %arg16[%get3A_419, %get3A_420] {strides = array<i32>} : memref<16x768xf32, #tpu.memory_space<vmem>>, vector<1x16xf32>,
        %get3A_422 = vector.shape_cast %get3A_421 : vector<1x16xf32> to vector<16xf32>
        %swap3A_423 = arith.index_cast %scan3A_222 : i32 to index
        %swap3A_424 = arith.constant 352 : index
        %swap3A_425 = tpu.vector_load %arg12[%swap3A_423, %swap3A_424] {strides = array<i32>} : memref<16x768xf32, #tpu.memory_space<vmem>>, vector<1x16xf32>,
        %swap3A_426 = vector.shape_cast %swap3A_425 : vector<1x16xf32> to vector<16xf32>
        %swap3A_427 = vector.shape_cast %get3A_422 : vector<16xf32> to vector<1x16xf32>
        tpu.vector_store %arg12[%swap3A_423, %swap3A_424], %swap3A_427 {add = true, strides = array<i32>} : memref<16x768xf32, #tpu.memory_space<vmem>>, vector<1x16xf32>,
        %get3A_428 = arith.index_cast %scan3A_222 : i32 to index
        %get3A_429 = arith.constant 368 : index
        %get3A_430 = tpu.vector_load %arg16[%get3A_428, %get3A_429] {strides = array<i32>} : memref<16x768xf32, #tpu.memory_space<vmem>>, vector<1x16xf32>,
        %get3A_431 = vector.shape_cast %get3A_430 : vector<1x16xf32> to vector<16xf32>
        %swap3A_432 = arith.index_cast %scan3A_222 : i32 to index
        %swap3A_433 = arith.constant 368 : index
        %swap3A_434 = tpu.vector_load %arg12[%swap3A_432, %swap3A_433] {strides = array<i32>} : memref<16x768xf32, #tpu.memory_space<vmem>>, vector<1x16xf32>,
        %swap3A_435 = vector.shape_cast %swap3A_434 : vector<1x16xf32> to vector<16xf32>
        %swap3A_436 = vector.shape_cast %get3A_431 : vector<16xf32> to vector<1x16xf32>
        tpu.vector_store %arg12[%swap3A_432, %swap3A_433], %swap3A_436 {add = true, strides = array<i32>} : memref<16x768xf32, #tpu.memory_space<vmem>>, vector<1x16xf32>,
        %get3A_437 = arith.index_cast %scan3A_222 : i32 to index
        %get3A_438 = arith.constant 384 : index
        %get3A_439 = tpu.vector_load %arg16[%get3A_437, %get3A_438] {strides = array<i32>} : memref<16x768xf32, #tpu.memory_space<vmem>>, vector<1x16xf32>,
        %get3A_440 = vector.shape_cast %get3A_439 : vector<1x16xf32> to vector<16xf32>
        %swap3A_441 = arith.index_cast %scan3A_222 : i32 to index
        %swap3A_442 = arith.constant 384 : index
        %swap3A_443 = tpu.vector_load %arg12[%swap3A_441, %swap3A_442] {strides = array<i32>} : memref<16x768xf32, #tpu.memory_space<vmem>>, vector<1x16xf32>,
        %swap3A_444 = vector.shape_cast %swap3A_443 : vector<1x16xf32> to vector<16xf32>
        %swap3A_445 = vector.shape_cast %get3A_440 : vector<16xf32> to vector<1x16xf32>
        tpu.vector_store %arg12[%swap3A_441, %swap3A_442], %swap3A_445 {add = true, strides = array<i32>} : memref<16x768xf32, #tpu.memory_space<vmem>>, vector<1x16xf32>,
        %get3A_446 = arith.index_cast %scan3A_222 : i32 to index
        %get3A_447 = arith.constant 400 : index
        %get3A_448 = tpu.vector_load %arg16[%get3A_446, %get3A_447] {strides = array<i32>} : memref<16x768xf32, #tpu.memory_space<vmem>>, vector<1x16xf32>,
        %get3A_449 = vector.shape_cast %get3A_448 : vector<1x16xf32> to vector<16xf32>
        %swap3A_450 = arith.index_cast %scan3A_222 : i32 to index
        %swap3A_451 = arith.constant 400 : index
        %swap3A_452 = tpu.vector_load %arg12[%swap3A_450, %swap3A_451] {strides = array<i32>} : memref<16x768xf32, #tpu.memory_space<vmem>>, vector<1x16xf32>,
        %swap3A_453 = vector.shape_cast %swap3A_452 : vector<1x16xf32> to vector<16xf32>
        %swap3A_454 = vector.shape_cast %get3A_449 : vector<16xf32> to vector<1x16xf32>
        tpu.vector_store %arg12[%swap3A_450, %swap3A_451], %swap3A_454 {add = true, strides = array<i32>} : memref<16x768xf32, #tpu.memory_space<vmem>>, vector<1x16xf32>,
        %get3A_455 = arith.index_cast %scan3A_222 : i32 to index
        %get3A_456 = arith.constant 416 : index
        %get3A_457 = tpu.vector_load %arg16[%get3A_455, %get3A_456] {strides = array<i32>} : memref<16x768xf32, #tpu.memory_space<vmem>>, vector<1x16xf32>,
        %get3A_458 = vector.shape_cast %get3A_457 : vector<1x16xf32> to vector<16xf32>
        %swap3A_459 = arith.index_cast %scan3A_222 : i32 to index
        %swap3A_460 = arith.constant 416 : index
        %swap3A_461 = tpu.vector_load %arg12[%swap3A_459, %swap3A_460] {strides = array<i32>} : memref<16x768xf32, #tpu.memory_space<vmem>>, vector<1x16xf32>,
        %swap3A_462 = vector.shape_cast %swap3A_461 : vector<1x16xf32> to vector<16xf32>
        %swap3A_463 = vector.shape_cast %get3A_458 : vector<16xf32> to vector<1x16xf32>
        tpu.vector_store %arg12[%swap3A_459, %swap3A_460], %swap3A_463 {add = true, strides = array<i32>} : memref<16x768xf32, #tpu.memory_space<vmem>>, vector<1x16xf32>,
        %get3A_464 = arith.index_cast %scan3A_222 : i32 to index
        %get3A_465 = arith.constant 432 : index
        %get3A_466 = tpu.vector_load %arg16[%get3A_464, %get3A_465] {strides = array<i32>} : memref<16x768xf32, #tpu.memory_space<vmem>>, vector<1x16xf32>,
        %get3A_467 = vector.shape_cast %get3A_466 : vector<1x16xf32> to vector<16xf32>
        %swap3A_468 = arith.index_cast %scan3A_222 : i32 to index
        %swap3A_469 = arith.constant 432 : index
        %swap3A_470 = tpu.vector_load %arg12[%swap3A_468, %swap3A_469] {strides = array<i32>} : memref<16x768xf32, #tpu.memory_space<vmem>>, vector<1x16xf32>,
        %swap3A_471 = vector.shape_cast %swap3A_470 : vector<1x16xf32> to vector<16xf32>
        %swap3A_472 = vector.shape_cast %get3A_467 : vector<16xf32> to vector<1x16xf32>
        tpu.vector_store %arg12[%swap3A_468, %swap3A_469], %swap3A_472 {add = true, strides = array<i32>} : memref<16x768xf32, #tpu.memory_space<vmem>>, vector<1x16xf32>,
        %get3A_473 = arith.index_cast %scan3A_222 : i32 to index
        %get3A_474 = arith.constant 448 : index
        %get3A_475 = tpu.vector_load %arg16[%get3A_473, %get3A_474] {strides = array<i32>} : memref<16x768xf32, #tpu.memory_space<vmem>>, vector<1x16xf32>,
        %get3A_476 = vector.shape_cast %get3A_475 : vector<1x16xf32> to vector<16xf32>
        %swap3A_477 = arith.index_cast %scan3A_222 : i32 to index
        %swap3A_478 = arith.constant 448 : index
        %swap3A_479 = tpu.vector_load %arg12[%swap3A_477, %swap3A_478] {strides = array<i32>} : memref<16x768xf32, #tpu.memory_space<vmem>>, vector<1x16xf32>,
        %swap3A_480 = vector.shape_cast %swap3A_479 : vector<1x16xf32> to vector<16xf32>
        %swap3A_481 = vector.shape_cast %get3A_476 : vector<16xf32> to vector<1x16xf32>
        tpu.vector_store %arg12[%swap3A_477, %swap3A_478], %swap3A_481 {add = true, strides = array<i32>} : memref<16x768xf32, #tpu.memory_space<vmem>>, vector<1x16xf32>,
        %get3A_482 = arith.index_cast %scan3A_222 : i32 to index
        %get3A_483 = arith.constant 464 : index
        %get3A_484 = tpu.vector_load %arg16[%get3A_482, %get3A_483] {strides = array<i32>} : memref<16x768xf32, #tpu.memory_space<vmem>>, vector<1x16xf32>,
        %get3A_485 = vector.shape_cast %get3A_484 : vector<1x16xf32> to vector<16xf32>
        %swap3A_486 = arith.index_cast %scan3A_222 : i32 to index
        %swap3A_487 = arith.constant 464 : index
        %swap3A_488 = tpu.vector_load %arg12[%swap3A_486, %swap3A_487] {strides = array<i32>} : memref<16x768xf32, #tpu.memory_space<vmem>>, vector<1x16xf32>,
        %swap3A_489 = vector.shape_cast %swap3A_488 : vector<1x16xf32> to vector<16xf32>
        %swap3A_490 = vector.shape_cast %get3A_485 : vector<16xf32> to vector<1x16xf32>
        tpu.vector_store %arg12[%swap3A_486, %swap3A_487], %swap3A_490 {add = true, strides = array<i32>} : memref<16x768xf32, #tpu.memory_space<vmem>>, vector<1x16xf32>,
        %get3A_491 = arith.index_cast %scan3A_222 : i32 to index
        %get3A_492 = arith.constant 480 : index
        %get3A_493 = tpu.vector_load %arg16[%get3A_491, %get3A_492] {strides = array<i32>} : memref<16x768xf32, #tpu.memory_space<vmem>>, vector<1x16xf32>,
        %get3A_494 = vector.shape_cast %get3A_493 : vector<1x16xf32> to vector<16xf32>
        %swap3A_495 = arith.index_cast %scan3A_222 : i32 to index
        %swap3A_496 = arith.constant 480 : index
        %swap3A_497 = tpu.vector_load %arg12[%swap3A_495, %swap3A_496] {strides = array<i32>} : memref<16x768xf32, #tpu.memory_space<vmem>>, vector<1x16xf32>,
        %swap3A_498 = vector.shape_cast %swap3A_497 : vector<1x16xf32> to vector<16xf32>
        %swap3A_499 = vector.shape_cast %get3A_494 : vector<16xf32> to vector<1x16xf32>
        tpu.vector_store %arg12[%swap3A_495, %swap3A_496], %swap3A_499 {add = true, strides = array<i32>} : memref<16x768xf32, #tpu.memory_space<vmem>>, vector<1x16xf32>,
        %get3A_500 = arith.index_cast %scan3A_222 : i32 to index
        %get3A_501 = arith.constant 496 : index
        %get3A_502 = tpu.vector_load %arg16[%get3A_500, %get3A_501] {strides = array<i32>} : memref<16x768xf32, #tpu.memory_space<vmem>>, vector<1x16xf32>,
        %get3A_503 = vector.shape_cast %get3A_502 : vector<1x16xf32> to vector<16xf32>
        %swap3A_504 = arith.index_cast %scan3A_222 : i32 to index
        %swap3A_505 = arith.constant 496 : index
        %swap3A_506 = tpu.vector_load %arg12[%swap3A_504, %swap3A_505] {strides = array<i32>} : memref<16x768xf32, #tpu.memory_space<vmem>>, vector<1x16xf32>,
        %swap3A_507 = vector.shape_cast %swap3A_506 : vector<1x16xf32> to vector<16xf32>
        %swap3A_508 = vector.shape_cast %get3A_503 : vector<16xf32> to vector<1x16xf32>
        tpu.vector_store %arg12[%swap3A_504, %swap3A_505], %swap3A_508 {add = true, strides = array<i32>} : memref<16x768xf32, #tpu.memory_space<vmem>>, vector<1x16xf32>,
        %get3A_509 = arith.index_cast %scan3A_222 : i32 to index
        %get3A_510 = arith.constant 512 : index
        %get3A_511 = tpu.vector_load %arg16[%get3A_509, %get3A_510] {strides = array<i32>} : memref<16x768xf32, #tpu.memory_space<vmem>>, vector<1x16xf32>,
        %get3A_512 = vector.shape_cast %get3A_511 : vector<1x16xf32> to vector<16xf32>
        %swap3A_513 = arith.index_cast %scan3A_222 : i32 to index
        %swap3A_514 = arith.constant 512 : index
        %swap3A_515 = tpu.vector_load %arg12[%swap3A_513, %swap3A_514] {strides = array<i32>} : memref<16x768xf32, #tpu.memory_space<vmem>>, vector<1x16xf32>,
        %swap3A_516 = vector.shape_cast %swap3A_515 : vector<1x16xf32> to vector<16xf32>
        %swap3A_517 = vector.shape_cast %get3A_512 : vector<16xf32> to vector<1x16xf32>
        tpu.vector_store %arg12[%swap3A_513, %swap3A_514], %swap3A_517 {add = true, strides = array<i32>} : memref<16x768xf32, #tpu.memory_space<vmem>>, vector<1x16xf32>,
        %get3A_518 = arith.index_cast %scan3A_222 : i32 to index
        %get3A_519 = arith.constant 528 : index
        %get3A_520 = tpu.vector_load %arg16[%get3A_518, %get3A_519] {strides = array<i32>} : memref<16x768xf32, #tpu.memory_space<vmem>>, vector<1x16xf32>,
        %get3A_521 = vector.shape_cast %get3A_520 : vector<1x16xf32> to vector<16xf32>
        %swap3A_522 = arith.index_cast %scan3A_222 : i32 to index
        %swap3A_523 = arith.constant 528 : index
        %swap3A_524 = tpu.vector_load %arg12[%swap3A_522, %swap3A_523] {strides = array<i32>} : memref<16x768xf32, #tpu.memory_space<vmem>>, vector<1x16xf32>,
        %swap3A_525 = vector.shape_cast %swap3A_524 : vector<1x16xf32> to vector<16xf32>
        %swap3A_526 = vector.shape_cast %get3A_521 : vector<16xf32> to vector<1x16xf32>
        tpu.vector_store %arg12[%swap3A_522, %swap3A_523], %swap3A_526 {add = true, strides = array<i32>} : memref<16x768xf32, #tpu.memory_space<vmem>>, vector<1x16xf32>,
        %get3A_527 = arith.index_cast %scan3A_222 : i32 to index
        %get3A_528 = arith.constant 544 : index
        %get3A_529 = tpu.vector_load %arg16[%get3A_527, %get3A_528] {strides = array<i32>} : memref<16x768xf32, #tpu.memory_space<vmem>>, vector<1x16xf32>,
        %get3A_530 = vector.shape_cast %get3A_529 : vector<1x16xf32> to vector<16xf32>
        %swap3A_531 = arith.index_cast %scan3A_222 : i32 to index
        %swap3A_532 = arith.constant 544 : index
        %swap3A_533 = tpu.vector_load %arg12[%swap3A_531, %swap3A_532] {strides = array<i32>} : memref<16x768xf32, #tpu.memory_space<vmem>>, vector<1x16xf32>,
        %swap3A_534 = vector.shape_cast %swap3A_533 : vector<1x16xf32> to vector<16xf32>
        %swap3A_535 = vector.shape_cast %get3A_530 : vector<16xf32> to vector<1x16xf32>
        tpu.vector_store %arg12[%swap3A_531, %swap3A_532], %swap3A_535 {add = true, strides = array<i32>} : memref<16x768xf32, #tpu.memory_space<vmem>>, vector<1x16xf32>,
        %get3A_536 = arith.index_cast %scan3A_222 : i32 to index
        %get3A_537 = arith.constant 560 : index
        %get3A_538 = tpu.vector_load %arg16[%get3A_536, %get3A_537] {strides = array<i32>} : memref<16x768xf32, #tpu.memory_space<vmem>>, vector<1x16xf32>,
        %get3A_539 = vector.shape_cast %get3A_538 : vector<1x16xf32> to vector<16xf32>
        %swap3A_540 = arith.index_cast %scan3A_222 : i32 to index
        %swap3A_541 = arith.constant 560 : index
        %swap3A_542 = tpu.vector_load %arg12[%swap3A_540, %swap3A_541] {strides = array<i32>} : memref<16x768xf32, #tpu.memory_space<vmem>>, vector<1x16xf32>,
        %swap3A_543 = vector.shape_cast %swap3A_542 : vector<1x16xf32> to vector<16xf32>
        %swap3A_544 = vector.shape_cast %get3A_539 : vector<16xf32> to vector<1x16xf32>
        tpu.vector_store %arg12[%swap3A_540, %swap3A_541], %swap3A_544 {add = true, strides = array<i32>} : memref<16x768xf32, #tpu.memory_space<vmem>>, vector<1x16xf32>,
        %get3A_545 = arith.index_cast %scan3A_222 : i32 to index
        %get3A_546 = arith.constant 576 : index
        %get3A_547 = tpu.vector_load %arg16[%get3A_545, %get3A_546] {strides = array<i32>} : memref<16x768xf32, #tpu.memory_space<vmem>>, vector<1x16xf32>,
        %get3A_548 = vector.shape_cast %get3A_547 : vector<1x16xf32> to vector<16xf32>
        %swap3A_549 = arith.index_cast %scan3A_222 : i32 to index
        %swap3A_550 = arith.constant 576 : index
        %swap3A_551 = tpu.vector_load %arg12[%swap3A_549, %swap3A_550] {strides = array<i32>} : memref<16x768xf32, #tpu.memory_space<vmem>>, vector<1x16xf32>,
        %swap3A_552 = vector.shape_cast %swap3A_551 : vector<1x16xf32> to vector<16xf32>
        %swap3A_553 = vector.shape_cast %get3A_548 : vector<16xf32> to vector<1x16xf32>
        tpu.vector_store %arg12[%swap3A_549, %swap3A_550], %swap3A_553 {add = true, strides = array<i32>} : memref<16x768xf32, #tpu.memory_space<vmem>>, vector<1x16xf32>,
        %get3A_554 = arith.index_cast %scan3A_222 : i32 to index
        %get3A_555 = arith.constant 592 : index
        %get3A_556 = tpu.vector_load %arg16[%get3A_554, %get3A_555] {strides = array<i32>} : memref<16x768xf32, #tpu.memory_space<vmem>>, vector<1x16xf32>,
        %get3A_557 = vector.shape_cast %get3A_556 : vector<1x16xf32> to vector<16xf32>
        %swap3A_558 = arith.index_cast %scan3A_222 : i32 to index
        %swap3A_559 = arith.constant 592 : index
        %swap3A_560 = tpu.vector_load %arg12[%swap3A_558, %swap3A_559] {strides = array<i32>} : memref<16x768xf32, #tpu.memory_space<vmem>>, vector<1x16xf32>,
        %swap3A_561 = vector.shape_cast %swap3A_560 : vector<1x16xf32> to vector<16xf32>
        %swap3A_562 = vector.shape_cast %get3A_557 : vector<16xf32> to vector<1x16xf32>
        tpu.vector_store %arg12[%swap3A_558, %swap3A_559], %swap3A_562 {add = true, strides = array<i32>} : memref<16x768xf32, #tpu.memory_space<vmem>>, vector<1x16xf32>,
        %get3A_563 = arith.index_cast %scan3A_222 : i32 to index
        %get3A_564 = arith.constant 608 : index
        %get3A_565 = tpu.vector_load %arg16[%get3A_563, %get3A_564] {strides = array<i32>} : memref<16x768xf32, #tpu.memory_space<vmem>>, vector<1x16xf32>,
        %get3A_566 = vector.shape_cast %get3A_565 : vector<1x16xf32> to vector<16xf32>
        %swap3A_567 = arith.index_cast %scan3A_222 : i32 to index
        %swap3A_568 = arith.constant 608 : index
        %swap3A_569 = tpu.vector_load %arg12[%swap3A_567, %swap3A_568] {strides = array<i32>} : memref<16x768xf32, #tpu.memory_space<vmem>>, vector<1x16xf32>,
        %swap3A_570 = vector.shape_cast %swap3A_569 : vector<1x16xf32> to vector<16xf32>
        %swap3A_571 = vector.shape_cast %get3A_566 : vector<16xf32> to vector<1x16xf32>
        tpu.vector_store %arg12[%swap3A_567, %swap3A_568], %swap3A_571 {add = true, strides = array<i32>} : memref<16x768xf32, #tpu.memory_space<vmem>>, vector<1x16xf32>,
        %get3A_572 = arith.index_cast %scan3A_222 : i32 to index
        %get3A_573 = arith.constant 624 : index
        %get3A_574 = tpu.vector_load %arg16[%get3A_572, %get3A_573] {strides = array<i32>} : memref<16x768xf32, #tpu.memory_space<vmem>>, vector<1x16xf32>,
        %get3A_575 = vector.shape_cast %get3A_574 : vector<1x16xf32> to vector<16xf32>
        %swap3A_576 = arith.index_cast %scan3A_222 : i32 to index
        %swap3A_577 = arith.constant 624 : index
        %swap3A_578 = tpu.vector_load %arg12[%swap3A_576, %swap3A_577] {strides = array<i32>} : memref<16x768xf32, #tpu.memory_space<vmem>>, vector<1x16xf32>,
        %swap3A_579 = vector.shape_cast %swap3A_578 : vector<1x16xf32> to vector<16xf32>
        %swap3A_580 = vector.shape_cast %get3A_575 : vector<16xf32> to vector<1x16xf32>
        tpu.vector_store %arg12[%swap3A_576, %swap3A_577], %swap3A_580 {add = true, strides = array<i32>} : memref<16x768xf32, #tpu.memory_space<vmem>>, vector<1x16xf32>,
        %get3A_581 = arith.index_cast %scan3A_222 : i32 to index
        %get3A_582 = arith.constant 640 : index
        %get3A_583 = tpu.vector_load %arg16[%get3A_581, %get3A_582] {strides = array<i32>} : memref<16x768xf32, #tpu.memory_space<vmem>>, vector<1x16xf32>,
        %get3A_584 = vector.shape_cast %get3A_583 : vector<1x16xf32> to vector<16xf32>
        %swap3A_585 = arith.index_cast %scan3A_222 : i32 to index
        %swap3A_586 = arith.constant 640 : index
        %swap3A_587 = tpu.vector_load %arg12[%swap3A_585, %swap3A_586] {strides = array<i32>} : memref<16x768xf32, #tpu.memory_space<vmem>>, vector<1x16xf32>,
        %swap3A_588 = vector.shape_cast %swap3A_587 : vector<1x16xf32> to vector<16xf32>
        %swap3A_589 = vector.shape_cast %get3A_584 : vector<16xf32> to vector<1x16xf32>
        tpu.vector_store %arg12[%swap3A_585, %swap3A_586], %swap3A_589 {add = true, strides = array<i32>} : memref<16x768xf32, #tpu.memory_space<vmem>>, vector<1x16xf32>,
        %get3A_590 = arith.index_cast %scan3A_222 : i32 to index
        %get3A_591 = arith.constant 656 : index
        %get3A_592 = tpu.vector_load %arg16[%get3A_590, %get3A_591] {strides = array<i32>} : memref<16x768xf32, #tpu.memory_space<vmem>>, vector<1x16xf32>,
        %get3A_593 = vector.shape_cast %get3A_592 : vector<1x16xf32> to vector<16xf32>
        %swap3A_594 = arith.index_cast %scan3A_222 : i32 to index
        %swap3A_595 = arith.constant 656 : index
        %swap3A_596 = tpu.vector_load %arg12[%swap3A_594, %swap3A_595] {strides = array<i32>} : memref<16x768xf32, #tpu.memory_space<vmem>>, vector<1x16xf32>,
        %swap3A_597 = vector.shape_cast %swap3A_596 : vector<1x16xf32> to vector<16xf32>
        %swap3A_598 = vector.shape_cast %get3A_593 : vector<16xf32> to vector<1x16xf32>
        tpu.vector_store %arg12[%swap3A_594, %swap3A_595], %swap3A_598 {add = true, strides = array<i32>} : memref<16x768xf32, #tpu.memory_space<vmem>>, vector<1x16xf32>,
        %get3A_599 = arith.index_cast %scan3A_222 : i32 to index
        %get3A_600 = arith.constant 672 : index
        %get3A_601 = tpu.vector_load %arg16[%get3A_599, %get3A_600] {strides = array<i32>} : memref<16x768xf32, #tpu.memory_space<vmem>>, vector<1x16xf32>,
        %get3A_602 = vector.shape_cast %get3A_601 : vector<1x16xf32> to vector<16xf32>
        %swap3A_603 = arith.index_cast %scan3A_222 : i32 to index
        %swap3A_604 = arith.constant 672 : index
        %swap3A_605 = tpu.vector_load %arg12[%swap3A_603, %swap3A_604] {strides = array<i32>} : memref<16x768xf32, #tpu.memory_space<vmem>>, vector<1x16xf32>,
        %swap3A_606 = vector.shape_cast %swap3A_605 : vector<1x16xf32> to vector<16xf32>
        %swap3A_607 = vector.shape_cast %get3A_602 : vector<16xf32> to vector<1x16xf32>
        tpu.vector_store %arg12[%swap3A_603, %swap3A_604], %swap3A_607 {add = true, strides = array<i32>} : memref<16x768xf32, #tpu.memory_space<vmem>>, vector<1x16xf32>,
        %get3A_608 = arith.index_cast %scan3A_222 : i32 to index
        %get3A_609 = arith.constant 688 : index
        %get3A_610 = tpu.vector_load %arg16[%get3A_608, %get3A_609] {strides = array<i32>} : memref<16x768xf32, #tpu.memory_space<vmem>>, vector<1x16xf32>,
        %get3A_611 = vector.shape_cast %get3A_610 : vector<1x16xf32> to vector<16xf32>
        %swap3A_612 = arith.index_cast %scan3A_222 : i32 to index
        %swap3A_613 = arith.constant 688 : index
        %swap3A_614 = tpu.vector_load %arg12[%swap3A_612, %swap3A_613] {strides = array<i32>} : memref<16x768xf32, #tpu.memory_space<vmem>>, vector<1x16xf32>,
        %swap3A_615 = vector.shape_cast %swap3A_614 : vector<1x16xf32> to vector<16xf32>
        %swap3A_616 = vector.shape_cast %get3A_611 : vector<16xf32> to vector<1x16xf32>
        tpu.vector_store %arg12[%swap3A_612, %swap3A_613], %swap3A_616 {add = true, strides = array<i32>} : memref<16x768xf32, #tpu.memory_space<vmem>>, vector<1x16xf32>,
        %get3A_617 = arith.index_cast %scan3A_222 : i32 to index
        %get3A_618 = arith.constant 704 : index
        %get3A_619 = tpu.vector_load %arg16[%get3A_617, %get3A_618] {strides = array<i32>} : memref<16x768xf32, #tpu.memory_space<vmem>>, vector<1x16xf32>,
        %get3A_620 = vector.shape_cast %get3A_619 : vector<1x16xf32> to vector<16xf32>
        %swap3A_621 = arith.index_cast %scan3A_222 : i32 to index
        %swap3A_622 = arith.constant 704 : index
        %swap3A_623 = tpu.vector_load %arg12[%swap3A_621, %swap3A_622] {strides = array<i32>} : memref<16x768xf32, #tpu.memory_space<vmem>>, vector<1x16xf32>,
        %swap3A_624 = vector.shape_cast %swap3A_623 : vector<1x16xf32> to vector<16xf32>
        %swap3A_625 = vector.shape_cast %get3A_620 : vector<16xf32> to vector<1x16xf32>
        tpu.vector_store %arg12[%swap3A_621, %swap3A_622], %swap3A_625 {add = true, strides = array<i32>} : memref<16x768xf32, #tpu.memory_space<vmem>>, vector<1x16xf32>,
        %get3A_626 = arith.index_cast %scan3A_222 : i32 to index
        %get3A_627 = arith.constant 720 : index
        %get3A_628 = tpu.vector_load %arg16[%get3A_626, %get3A_627] {strides = array<i32>} : memref<16x768xf32, #tpu.memory_space<vmem>>, vector<1x16xf32>,
        %get3A_629 = vector.shape_cast %get3A_628 : vector<1x16xf32> to vector<16xf32>
        %swap3A_630 = arith.index_cast %scan3A_222 : i32 to index
        %swap3A_631 = arith.constant 720 : index
        %swap3A_632 = tpu.vector_load %arg12[%swap3A_630, %swap3A_631] {strides = array<i32>} : memref<16x768xf32, #tpu.memory_space<vmem>>, vector<1x16xf32>,
        %swap3A_633 = vector.shape_cast %swap3A_632 : vector<1x16xf32> to vector<16xf32>
        %swap3A_634 = vector.shape_cast %get3A_629 : vector<16xf32> to vector<1x16xf32>
        tpu.vector_store %arg12[%swap3A_630, %swap3A_631], %swap3A_634 {add = true, strides = array<i32>} : memref<16x768xf32, #tpu.memory_space<vmem>>, vector<1x16xf32>,
        %get3A_635 = arith.index_cast %scan3A_222 : i32 to index
        %get3A_636 = arith.constant 736 : index
        %get3A_637 = tpu.vector_load %arg16[%get3A_635, %get3A_636] {strides = array<i32>} : memref<16x768xf32, #tpu.memory_space<vmem>>, vector<1x16xf32>,
        %get3A_638 = vector.shape_cast %get3A_637 : vector<1x16xf32> to vector<16xf32>
        %swap3A_639 = arith.index_cast %scan3A_222 : i32 to index
        %swap3A_640 = arith.constant 736 : index
        %swap3A_641 = tpu.vector_load %arg12[%swap3A_639, %swap3A_640] {strides = array<i32>} : memref<16x768xf32, #tpu.memory_space<vmem>>, vector<1x16xf32>,
        %swap3A_642 = vector.shape_cast %swap3A_641 : vector<1x16xf32> to vector<16xf32>
        %swap3A_643 = vector.shape_cast %get3A_638 : vector<16xf32> to vector<1x16xf32>
        tpu.vector_store %arg12[%swap3A_639, %swap3A_640], %swap3A_643 {add = true, strides = array<i32>} : memref<16x768xf32, #tpu.memory_space<vmem>>, vector<1x16xf32>,
        %get3A_644 = arith.index_cast %scan3A_222 : i32 to index
        %get3A_645 = arith.constant 752 : index
        %get3A_646 = tpu.vector_load %arg16[%get3A_644, %get3A_645] {strides = array<i32>} : memref<16x768xf32, #tpu.memory_space<vmem>>, vector<1x16xf32>,
        %get3A_647 = vector.shape_cast %get3A_646 : vector<1x16xf32> to vector<16xf32>
        %swap3A_648 = arith.index_cast %scan3A_222 : i32 to index
        %swap3A_649 = arith.constant 752 : index
        %swap3A_650 = tpu.vector_load %arg12[%swap3A_648, %swap3A_649] {strides = array<i32>} : memref<16x768xf32, #tpu.memory_space<vmem>>, vector<1x16xf32>,
        %swap3A_651 = vector.shape_cast %swap3A_650 : vector<1x16xf32> to vector<16xf32>
        %swap3A_652 = vector.shape_cast %get3A_647 : vector<16xf32> to vector<1x16xf32>
        tpu.vector_store %arg12[%swap3A_648, %swap3A_649], %swap3A_652 {add = true, strides = array<i32>} : memref<16x768xf32, #tpu.memory_space<vmem>>, vector<1x16xf32>,
      }
      %scan3A_175 = arith.constant 16 : i32
      %mul3A_176 = arith.constant 16 : i32
      %mul3A_177 = arith.muli %add3A_147, %mul3A_176 : i32
      %add3A_178 = arith.addi %mul3A_2, %mul3A_177 : i32
      %dma_start3A_179 = arith.constant 0 : i32
      %dma_start3A_180 = tpu.memref_slice %arg6[%add3A_178, %dma_start3A_179] : memref<32768x768xf32, #tpu.memory_space<hbm>> -> memref<16x768xf32, #tpu.memory_space<hbm>>
      %dma_start3A_181 = arith.constant 0 : i32
      %dma_start3A_182 = tpu.memref_slice %arg6[%add3A_178, %dma_start3A_181] : memref<32768x768xf32, #tpu.memory_space<hbm>> -> memref<16x768xf32, #tpu.memory_space<hbm>>
      tpu.enqueue_dma source(%arg12 : memref<16x768xf32, #tpu.memory_space<vmem>>) target(%dma_start3A_182 : memref<16x768xf32, #tpu.memory_space<hbm>>) target_semaphore(%arg28 : memref<!tpu.dma_semaphore, #tpu.memory_space<semaphore_mem>>)
      %mul3A_183 = arith.constant 4 : i32
      %mul3A_184 = arith.muli %mul3A_183, %scan3A_69 : i32
      %add3A_185 = arith.constant 3 : i32
      %add3A_186 = arith.addi %mul3A_184, %add3A_185 : i32
      %add3A_187 = arith.constant 4 : i32
      %add3A_188 = arith.addi %add3A_186, %add3A_187 : i32
      %sub3A_189 = arith.constant 1 : i32
      %sub3A_190 = arith.subi %add3A_188, %sub3A_189 : i32
      %lt3A_191 = arith.constant 64 : i32
      %lt3A_192 = arith.cmpi slt, %sub3A_190, %lt3A_191 : i32
      %convert_element_type3A_193 = arith.extui %lt3A_192 : i1 to i32
      %cond3A_194 = arith.constant 0 : i32
      %cond3A_195 = arith.cmpi ne, %convert_element_type3A_193, %cond3A_194 : i32
      scf.if %cond3A_195 {
        %ge3A = arith.constant 1 : i32
        %ge3A_222 = arith.cmpi sge, %add3A_186, %ge3A : i32
        %convert_element_type3A_223 = arith.extui %ge3A_222 : i1 to i32
        %cond3A_224 = arith.constant 0 : i32
        %cond3A_225 = arith.cmpi ne, %convert_element_type3A_223, %cond3A_224 : i32
        scf.if %cond3A_225 {
          %sub3A_243 = arith.constant 1 : i32
          %sub3A_244 = arith.subi %add3A_186, %sub3A_243 : i32
          %mul3A_245 = arith.constant 16 : i32
          %mul3A_246 = arith.muli %sub3A_244, %mul3A_245 : i32
          %add3A_247 = arith.addi %mul3A_2, %mul3A_246 : i32
          %dma_wait3A_248 = arith.constant 0 : i32
          %dma_wait3A_249 = tpu.memref_slice %arg6[%add3A_247, %dma_wait3A_248] : memref<32768x768xf32, #tpu.memory_space<hbm>> -> memref<16x768xf32, #tpu.memory_space<hbm>>
          %dma_wait3A_250 = arith.constant 0 : i32
          %dma_wait3A_251 = tpu.memref_slice %arg6[%add3A_247, %dma_wait3A_250] : memref<32768x768xf32, #tpu.memory_space<hbm>> -> memref<16x768xf32, #tpu.memory_space<hbm>>
          tpu.wait_dma2 semaphore(%arg28 : memref<!tpu.dma_semaphore, #tpu.memory_space<semaphore_mem>>) src(%arg12 : memref<16x768xf32, #tpu.memory_space<vmem>>) dst(%dma_wait3A_251 : memref<16x768xf32, #tpu.memory_space<hbm>>)
        } else {
        }
        %add3A_226 = arith.constant 4 : i32
        %add3A_227 = arith.addi %add3A_186, %add3A_226 : i32
        %sub3A_228 = arith.constant 1 : i32
        %sub3A_229 = arith.subi %add3A_227, %sub3A_228 : i32
        %mul3A_230 = arith.constant 16 : i32
        %mul3A_231 = arith.muli %sub3A_229, %mul3A_230 : i32
        %add3A_232 = arith.addi %mul3A_2, %mul3A_231 : i32
        %dma_start3A_233 = arith.constant 0 : i32
        %dma_start3A_234 = tpu.memref_slice %arg2[%add3A_232, %dma_start3A_233] : memref<32768x768xf32, #tpu.memory_space<hbm>> -> memref<16x768xf32, #tpu.memory_space<hbm>>
        %dma_start3A_235 = arith.constant 0 : i32
        %dma_start3A_236 = tpu.memref_slice %arg2[%add3A_232, %dma_start3A_235] : memref<32768x768xf32, #tpu.memory_space<hbm>> -> memref<16x768xf32, #tpu.memory_space<hbm>>
        tpu.enqueue_dma source(%dma_start3A_236 : memref<16x768xf32, #tpu.memory_space<hbm>>) target(%arg12 : memref<16x768xf32, #tpu.memory_space<vmem>>) target_semaphore(%arg20 : memref<!tpu.dma_semaphore, #tpu.memory_space<semaphore_mem>>)
        %mul3A_237 = arith.constant 16 : i32
        %mul3A_238 = arith.muli %sub3A_229, %mul3A_237 : i32
        %dma_start3A_239 = tpu.memref_slice %arg9[%mul3A_238] : memref<1024xi32, #tpu.memory_space<vmem>> -> memref<16xi32, #tpu.memory_space<vmem>>
        %dma_start3A_240 = arith.constant 0 : i32
        %dma_start3A_241 = arith.constant 0 : i32
        %dma_start3A_242 = tpu.memref_slice %arg5[%dma_start3A_240, %dma_start3A_241] : memref<1024x768xf32, #tpu.memory_space<hbm>> -> memref<1024x768xf32, #tpu.memory_space<hbm>>
        tpu.enqueue_indirect_dma source(%dma_start3A_242 : memref<1024x768xf32, #tpu.memory_space<hbm>>) target(%arg16 : memref<16x768xf32, #tpu.memory_space<vmem>>) offsets(%dma_start3A_239 : memref<16xi32, #tpu.memory_space<vmem>>) semaphore(%arg24 : memref<!tpu.dma_semaphore, #tpu.memory_space<semaphore_mem>>)
      } else {
      }
      %mul3A_196 = arith.constant 16 : i32
      %mul3A_197 = arith.muli %add3A_186, %mul3A_196 : i32
      %add3A_198 = arith.addi %mul3A_2, %mul3A_197 : i32
      %dma_wait3A_199 = arith.constant 0 : i32
      %dma_wait3A_200 = tpu.memref_slice %arg2[%add3A_198, %dma_wait3A_199] : memref<32768x768xf32, #tpu.memory_space<hbm>> -> memref<16x768xf32, #tpu.memory_space<hbm>>
      %dma_wait3A_201 = arith.constant 0 : i32
      %dma_wait3A_202 = tpu.memref_slice %arg2[%add3A_198, %dma_wait3A_201] : memref<32768x768xf32, #tpu.memory_space<hbm>> -> memref<16x768xf32, #tpu.memory_space<hbm>>
      tpu.wait_dma2 semaphore(%arg21 : memref<!tpu.dma_semaphore, #tpu.memory_space<semaphore_mem>>) src(%dma_wait3A_202 : memref<16x768xf32, #tpu.memory_space<hbm>>) dst(%arg13 : memref<16x768xf32, #tpu.memory_space<vmem>>)
      %mul3A_203 = arith.constant 16 : i32
      %mul3A_204 = arith.muli %add3A_186, %mul3A_203 : i32
      %dma_wait3A_205 = tpu.memref_slice %arg9[%mul3A_204] : memref<1024xi32, #tpu.memory_space<vmem>> -> memref<16xi32, #tpu.memory_space<vmem>>
      %dma_wait3A_206 = arith.constant 0 : i32
      %dma_wait3A_207 = arith.constant 0 : i32
      %dma_wait3A_208 = tpu.memref_slice %arg5[%dma_wait3A_206, %dma_wait3A_207] : memref<1024x768xf32, #tpu.memory_space<hbm>> -> memref<1024x768xf32, #tpu.memory_space<hbm>>
      tpu.wait_indirect_dma semaphore(%arg25 : memref<!tpu.dma_semaphore, #tpu.memory_space<semaphore_mem>>) src(%dma_wait3A_208 : memref<1024x768xf32, #tpu.memory_space<hbm>>) dst(%arg17 : memref<16x768xf32, #tpu.memory_space<vmem>>)
      %scan3A_209 = arith.constant 0 : i32
      %scan3A_210 = arith.constant 0 : i32
      %scan3A_211 = arith.constant 16 : i32
      %scan3A_212 = arith.addi %scan3A_210, %scan3A_211 : i32
      %scan3A_213 = arith.constant 1 : i32
      scf.for %scan3A_222 = %scan3A_210 to %scan3A_212 step %scan3A_213  : i32 {
        %get3A = arith.index_cast %scan3A_222 : i32 to index
        %get3A_223 = arith.constant 0 : index
        %get3A_224 = tpu.vector_load %arg17[%get3A, %get3A_223] {strides = array<i32>} : memref<16x768xf32, #tpu.memory_space<vmem>>, vector<1x16xf32>,
        %get3A_225 = vector.shape_cast %get3A_224 : vector<1x16xf32> to vector<16xf32>
        %swap3A = arith.index_cast %scan3A_222 : i32 to index
        %swap3A_226 = arith.constant 0 : index
        %swap3A_227 = tpu.vector_load %arg13[%swap3A, %swap3A_226] {strides = array<i32>} : memref<16x768xf32, #tpu.memory_space<vmem>>, vector<1x16xf32>,
        %swap3A_228 = vector.shape_cast %swap3A_227 : vector<1x16xf32> to vector<16xf32>
        %swap3A_229 = vector.shape_cast %get3A_225 : vector<16xf32> to vector<1x16xf32>
        tpu.vector_store %arg13[%swap3A, %swap3A_226], %swap3A_229 {add = true, strides = array<i32>} : memref<16x768xf32, #tpu.memory_space<vmem>>, vector<1x16xf32>,
        %get3A_230 = arith.index_cast %scan3A_222 : i32 to index
        %get3A_231 = arith.constant 16 : index
        %get3A_232 = tpu.vector_load %arg17[%get3A_230, %get3A_231] {strides = array<i32>} : memref<16x768xf32, #tpu.memory_space<vmem>>, vector<1x16xf32>,
        %get3A_233 = vector.shape_cast %get3A_232 : vector<1x16xf32> to vector<16xf32>
        %swap3A_234 = arith.index_cast %scan3A_222 : i32 to index
        %swap3A_235 = arith.constant 16 : index
        %swap3A_236 = tpu.vector_load %arg13[%swap3A_234, %swap3A_235] {strides = array<i32>} : memref<16x768xf32, #tpu.memory_space<vmem>>, vector<1x16xf32>,
        %swap3A_237 = vector.shape_cast %swap3A_236 : vector<1x16xf32> to vector<16xf32>
        %swap3A_238 = vector.shape_cast %get3A_233 : vector<16xf32> to vector<1x16xf32>
        tpu.vector_store %arg13[%swap3A_234, %swap3A_235], %swap3A_238 {add = true, strides = array<i32>} : memref<16x768xf32, #tpu.memory_space<vmem>>, vector<1x16xf32>,
        %get3A_239 = arith.index_cast %scan3A_222 : i32 to index
        %get3A_240 = arith.constant 32 : index
        %get3A_241 = tpu.vector_load %arg17[%get3A_239, %get3A_240] {strides = array<i32>} : memref<16x768xf32, #tpu.memory_space<vmem>>, vector<1x16xf32>,
        %get3A_242 = vector.shape_cast %get3A_241 : vector<1x16xf32> to vector<16xf32>
        %swap3A_243 = arith.index_cast %scan3A_222 : i32 to index
        %swap3A_244 = arith.constant 32 : index
        %swap3A_245 = tpu.vector_load %arg13[%swap3A_243, %swap3A_244] {strides = array<i32>} : memref<16x768xf32, #tpu.memory_space<vmem>>, vector<1x16xf32>,
        %swap3A_246 = vector.shape_cast %swap3A_245 : vector<1x16xf32> to vector<16xf32>
        %swap3A_247 = vector.shape_cast %get3A_242 : vector<16xf32> to vector<1x16xf32>
        tpu.vector_store %arg13[%swap3A_243, %swap3A_244], %swap3A_247 {add = true, strides = array<i32>} : memref<16x768xf32, #tpu.memory_space<vmem>>, vector<1x16xf32>,
        %get3A_248 = arith.index_cast %scan3A_222 : i32 to index
        %get3A_249 = arith.constant 48 : index
        %get3A_250 = tpu.vector_load %arg17[%get3A_248, %get3A_249] {strides = array<i32>} : memref<16x768xf32, #tpu.memory_space<vmem>>, vector<1x16xf32>,
        %get3A_251 = vector.shape_cast %get3A_250 : vector<1x16xf32> to vector<16xf32>
        %swap3A_252 = arith.index_cast %scan3A_222 : i32 to index
        %swap3A_253 = arith.constant 48 : index
        %swap3A_254 = tpu.vector_load %arg13[%swap3A_252, %swap3A_253] {strides = array<i32>} : memref<16x768xf32, #tpu.memory_space<vmem>>, vector<1x16xf32>,
        %swap3A_255 = vector.shape_cast %swap3A_254 : vector<1x16xf32> to vector<16xf32>
        %swap3A_256 = vector.shape_cast %get3A_251 : vector<16xf32> to vector<1x16xf32>
        tpu.vector_store %arg13[%swap3A_252, %swap3A_253], %swap3A_256 {add = true, strides = array<i32>} : memref<16x768xf32, #tpu.memory_space<vmem>>, vector<1x16xf32>,
        %get3A_257 = arith.index_cast %scan3A_222 : i32 to index
        %get3A_258 = arith.constant 64 : index
        %get3A_259 = tpu.vector_load %arg17[%get3A_257, %get3A_258] {strides = array<i32>} : memref<16x768xf32, #tpu.memory_space<vmem>>, vector<1x16xf32>,
        %get3A_260 = vector.shape_cast %get3A_259 : vector<1x16xf32> to vector<16xf32>
        %swap3A_261 = arith.index_cast %scan3A_222 : i32 to index
        %swap3A_262 = arith.constant 64 : index
        %swap3A_263 = tpu.vector_load %arg13[%swap3A_261, %swap3A_262] {strides = array<i32>} : memref<16x768xf32, #tpu.memory_space<vmem>>, vector<1x16xf32>,
        %swap3A_264 = vector.shape_cast %swap3A_263 : vector<1x16xf32> to vector<16xf32>
        %swap3A_265 = vector.shape_cast %get3A_260 : vector<16xf32> to vector<1x16xf32>
        tpu.vector_store %arg13[%swap3A_261, %swap3A_262], %swap3A_265 {add = true, strides = array<i32>} : memref<16x768xf32, #tpu.memory_space<vmem>>, vector<1x16xf32>,
        %get3A_266 = arith.index_cast %scan3A_222 : i32 to index
        %get3A_267 = arith.constant 80 : index
        %get3A_268 = tpu.vector_load %arg17[%get3A_266, %get3A_267] {strides = array<i32>} : memref<16x768xf32, #tpu.memory_space<vmem>>, vector<1x16xf32>,
        %get3A_269 = vector.shape_cast %get3A_268 : vector<1x16xf32> to vector<16xf32>
        %swap3A_270 = arith.index_cast %scan3A_222 : i32 to index
        %swap3A_271 = arith.constant 80 : index
        %swap3A_272 = tpu.vector_load %arg13[%swap3A_270, %swap3A_271] {strides = array<i32>} : memref<16x768xf32, #tpu.memory_space<vmem>>, vector<1x16xf32>,
        %swap3A_273 = vector.shape_cast %swap3A_272 : vector<1x16xf32> to vector<16xf32>
        %swap3A_274 = vector.shape_cast %get3A_269 : vector<16xf32> to vector<1x16xf32>
        tpu.vector_store %arg13[%swap3A_270, %swap3A_271], %swap3A_274 {add = true, strides = array<i32>} : memref<16x768xf32, #tpu.memory_space<vmem>>, vector<1x16xf32>,
        %get3A_275 = arith.index_cast %scan3A_222 : i32 to index
        %get3A_276 = arith.constant 96 : index
        %get3A_277 = tpu.vector_load %arg17[%get3A_275, %get3A_276] {strides = array<i32>} : memref<16x768xf32, #tpu.memory_space<vmem>>, vector<1x16xf32>,
        %get3A_278 = vector.shape_cast %get3A_277 : vector<1x16xf32> to vector<16xf32>
        %swap3A_279 = arith.index_cast %scan3A_222 : i32 to index
        %swap3A_280 = arith.constant 96 : index
        %swap3A_281 = tpu.vector_load %arg13[%swap3A_279, %swap3A_280] {strides = array<i32>} : memref<16x768xf32, #tpu.memory_space<vmem>>, vector<1x16xf32>,
        %swap3A_282 = vector.shape_cast %swap3A_281 : vector<1x16xf32> to vector<16xf32>
        %swap3A_283 = vector.shape_cast %get3A_278 : vector<16xf32> to vector<1x16xf32>
        tpu.vector_store %arg13[%swap3A_279, %swap3A_280], %swap3A_283 {add = true, strides = array<i32>} : memref<16x768xf32, #tpu.memory_space<vmem>>, vector<1x16xf32>,
        %get3A_284 = arith.index_cast %scan3A_222 : i32 to index
        %get3A_285 = arith.constant 112 : index
        %get3A_286 = tpu.vector_load %arg17[%get3A_284, %get3A_285] {strides = array<i32>} : memref<16x768xf32, #tpu.memory_space<vmem>>, vector<1x16xf32>,
        %get3A_287 = vector.shape_cast %get3A_286 : vector<1x16xf32> to vector<16xf32>
        %swap3A_288 = arith.index_cast %scan3A_222 : i32 to index
        %swap3A_289 = arith.constant 112 : index
        %swap3A_290 = tpu.vector_load %arg13[%swap3A_288, %swap3A_289] {strides = array<i32>} : memref<16x768xf32, #tpu.memory_space<vmem>>, vector<1x16xf32>,
        %swap3A_291 = vector.shape_cast %swap3A_290 : vector<1x16xf32> to vector<16xf32>
        %swap3A_292 = vector.shape_cast %get3A_287 : vector<16xf32> to vector<1x16xf32>
        tpu.vector_store %arg13[%swap3A_288, %swap3A_289], %swap3A_292 {add = true, strides = array<i32>} : memref<16x768xf32, #tpu.memory_space<vmem>>, vector<1x16xf32>,
        %get3A_293 = arith.index_cast %scan3A_222 : i32 to index
        %get3A_294 = arith.constant 128 : index
        %get3A_295 = tpu.vector_load %arg17[%get3A_293, %get3A_294] {strides = array<i32>} : memref<16x768xf32, #tpu.memory_space<vmem>>, vector<1x16xf32>,
        %get3A_296 = vector.shape_cast %get3A_295 : vector<1x16xf32> to vector<16xf32>
        %swap3A_297 = arith.index_cast %scan3A_222 : i32 to index
        %swap3A_298 = arith.constant 128 : index
        %swap3A_299 = tpu.vector_load %arg13[%swap3A_297, %swap3A_298] {strides = array<i32>} : memref<16x768xf32, #tpu.memory_space<vmem>>, vector<1x16xf32>,
        %swap3A_300 = vector.shape_cast %swap3A_299 : vector<1x16xf32> to vector<16xf32>
        %swap3A_301 = vector.shape_cast %get3A_296 : vector<16xf32> to vector<1x16xf32>
        tpu.vector_store %arg13[%swap3A_297, %swap3A_298], %swap3A_301 {add = true, strides = array<i32>} : memref<16x768xf32, #tpu.memory_space<vmem>>, vector<1x16xf32>,
        %get3A_302 = arith.index_cast %scan3A_222 : i32 to index
        %get3A_303 = arith.constant 144 : index
        %get3A_304 = tpu.vector_load %arg17[%get3A_302, %get3A_303] {strides = array<i32>} : memref<16x768xf32, #tpu.memory_space<vmem>>, vector<1x16xf32>,
        %get3A_305 = vector.shape_cast %get3A_304 : vector<1x16xf32> to vector<16xf32>
        %swap3A_306 = arith.index_cast %scan3A_222 : i32 to index
        %swap3A_307 = arith.constant 144 : index
        %swap3A_308 = tpu.vector_load %arg13[%swap3A_306, %swap3A_307] {strides = array<i32>} : memref<16x768xf32, #tpu.memory_space<vmem>>, vector<1x16xf32>,
        %swap3A_309 = vector.shape_cast %swap3A_308 : vector<1x16xf32> to vector<16xf32>
        %swap3A_310 = vector.shape_cast %get3A_305 : vector<16xf32> to vector<1x16xf32>
        tpu.vector_store %arg13[%swap3A_306, %swap3A_307], %swap3A_310 {add = true, strides = array<i32>} : memref<16x768xf32, #tpu.memory_space<vmem>>, vector<1x16xf32>,
        %get3A_311 = arith.index_cast %scan3A_222 : i32 to index
        %get3A_312 = arith.constant 160 : index
        %get3A_313 = tpu.vector_load %arg17[%get3A_311, %get3A_312] {strides = array<i32>} : memref<16x768xf32, #tpu.memory_space<vmem>>, vector<1x16xf32>,
        %get3A_314 = vector.shape_cast %get3A_313 : vector<1x16xf32> to vector<16xf32>
        %swap3A_315 = arith.index_cast %scan3A_222 : i32 to index
        %swap3A_316 = arith.constant 160 : index
        %swap3A_317 = tpu.vector_load %arg13[%swap3A_315, %swap3A_316] {strides = array<i32>} : memref<16x768xf32, #tpu.memory_space<vmem>>, vector<1x16xf32>,
        %swap3A_318 = vector.shape_cast %swap3A_317 : vector<1x16xf32> to vector<16xf32>
        %swap3A_319 = vector.shape_cast %get3A_314 : vector<16xf32> to vector<1x16xf32>
        tpu.vector_store %arg13[%swap3A_315, %swap3A_316], %swap3A_319 {add = true, strides = array<i32>} : memref<16x768xf32, #tpu.memory_space<vmem>>, vector<1x16xf32>,
        %get3A_320 = arith.index_cast %scan3A_222 : i32 to index
        %get3A_321 = arith.constant 176 : index
        %get3A_322 = tpu.vector_load %arg17[%get3A_320, %get3A_321] {strides = array<i32>} : memref<16x768xf32, #tpu.memory_space<vmem>>, vector<1x16xf32>,
        %get3A_323 = vector.shape_cast %get3A_322 : vector<1x16xf32> to vector<16xf32>
        %swap3A_324 = arith.index_cast %scan3A_222 : i32 to index
        %swap3A_325 = arith.constant 176 : index
        %swap3A_326 = tpu.vector_load %arg13[%swap3A_324, %swap3A_325] {strides = array<i32>} : memref<16x768xf32, #tpu.memory_space<vmem>>, vector<1x16xf32>,
        %swap3A_327 = vector.shape_cast %swap3A_326 : vector<1x16xf32> to vector<16xf32>
        %swap3A_328 = vector.shape_cast %get3A_323 : vector<16xf32> to vector<1x16xf32>
        tpu.vector_store %arg13[%swap3A_324, %swap3A_325], %swap3A_328 {add = true, strides = array<i32>} : memref<16x768xf32, #tpu.memory_space<vmem>>, vector<1x16xf32>,
        %get3A_329 = arith.index_cast %scan3A_222 : i32 to index
        %get3A_330 = arith.constant 192 : index
        %get3A_331 = tpu.vector_load %arg17[%get3A_329, %get3A_330] {strides = array<i32>} : memref<16x768xf32, #tpu.memory_space<vmem>>, vector<1x16xf32>,
        %get3A_332 = vector.shape_cast %get3A_331 : vector<1x16xf32> to vector<16xf32>
        %swap3A_333 = arith.index_cast %scan3A_222 : i32 to index
        %swap3A_334 = arith.constant 192 : index
        %swap3A_335 = tpu.vector_load %arg13[%swap3A_333, %swap3A_334] {strides = array<i32>} : memref<16x768xf32, #tpu.memory_space<vmem>>, vector<1x16xf32>,
        %swap3A_336 = vector.shape_cast %swap3A_335 : vector<1x16xf32> to vector<16xf32>
        %swap3A_337 = vector.shape_cast %get3A_332 : vector<16xf32> to vector<1x16xf32>
        tpu.vector_store %arg13[%swap3A_333, %swap3A_334], %swap3A_337 {add = true, strides = array<i32>} : memref<16x768xf32, #tpu.memory_space<vmem>>, vector<1x16xf32>,
        %get3A_338 = arith.index_cast %scan3A_222 : i32 to index
        %get3A_339 = arith.constant 208 : index
        %get3A_340 = tpu.vector_load %arg17[%get3A_338, %get3A_339] {strides = array<i32>} : memref<16x768xf32, #tpu.memory_space<vmem>>, vector<1x16xf32>,
        %get3A_341 = vector.shape_cast %get3A_340 : vector<1x16xf32> to vector<16xf32>
        %swap3A_342 = arith.index_cast %scan3A_222 : i32 to index
        %swap3A_343 = arith.constant 208 : index
        %swap3A_344 = tpu.vector_load %arg13[%swap3A_342, %swap3A_343] {strides = array<i32>} : memref<16x768xf32, #tpu.memory_space<vmem>>, vector<1x16xf32>,
        %swap3A_345 = vector.shape_cast %swap3A_344 : vector<1x16xf32> to vector<16xf32>
        %swap3A_346 = vector.shape_cast %get3A_341 : vector<16xf32> to vector<1x16xf32>
        tpu.vector_store %arg13[%swap3A_342, %swap3A_343], %swap3A_346 {add = true, strides = array<i32>} : memref<16x768xf32, #tpu.memory_space<vmem>>, vector<1x16xf32>,
        %get3A_347 = arith.index_cast %scan3A_222 : i32 to index
        %get3A_348 = arith.constant 224 : index
        %get3A_349 = tpu.vector_load %arg17[%get3A_347, %get3A_348] {strides = array<i32>} : memref<16x768xf32, #tpu.memory_space<vmem>>, vector<1x16xf32>,
        %get3A_350 = vector.shape_cast %get3A_349 : vector<1x16xf32> to vector<16xf32>
        %swap3A_351 = arith.index_cast %scan3A_222 : i32 to index
        %swap3A_352 = arith.constant 224 : index
        %swap3A_353 = tpu.vector_load %arg13[%swap3A_351, %swap3A_352] {strides = array<i32>} : memref<16x768xf32, #tpu.memory_space<vmem>>, vector<1x16xf32>,
        %swap3A_354 = vector.shape_cast %swap3A_353 : vector<1x16xf32> to vector<16xf32>
        %swap3A_355 = vector.shape_cast %get3A_350 : vector<16xf32> to vector<1x16xf32>
        tpu.vector_store %arg13[%swap3A_351, %swap3A_352], %swap3A_355 {add = true, strides = array<i32>} : memref<16x768xf32, #tpu.memory_space<vmem>>, vector<1x16xf32>,
        %get3A_356 = arith.index_cast %scan3A_222 : i32 to index
        %get3A_357 = arith.constant 240 : index
        %get3A_358 = tpu.vector_load %arg17[%get3A_356, %get3A_357] {strides = array<i32>} : memref<16x768xf32, #tpu.memory_space<vmem>>, vector<1x16xf32>,
        %get3A_359 = vector.shape_cast %get3A_358 : vector<1x16xf32> to vector<16xf32>
        %swap3A_360 = arith.index_cast %scan3A_222 : i32 to index
        %swap3A_361 = arith.constant 240 : index
        %swap3A_362 = tpu.vector_load %arg13[%swap3A_360, %swap3A_361] {strides = array<i32>} : memref<16x768xf32, #tpu.memory_space<vmem>>, vector<1x16xf32>,
        %swap3A_363 = vector.shape_cast %swap3A_362 : vector<1x16xf32> to vector<16xf32>
        %swap3A_364 = vector.shape_cast %get3A_359 : vector<16xf32> to vector<1x16xf32>
        tpu.vector_store %arg13[%swap3A_360, %swap3A_361], %swap3A_364 {add = true, strides = array<i32>} : memref<16x768xf32, #tpu.memory_space<vmem>>, vector<1x16xf32>,
        %get3A_365 = arith.index_cast %scan3A_222 : i32 to index
        %get3A_366 = arith.constant 256 : index
        %get3A_367 = tpu.vector_load %arg17[%get3A_365, %get3A_366] {strides = array<i32>} : memref<16x768xf32, #tpu.memory_space<vmem>>, vector<1x16xf32>,
        %get3A_368 = vector.shape_cast %get3A_367 : vector<1x16xf32> to vector<16xf32>
        %swap3A_369 = arith.index_cast %scan3A_222 : i32 to index
        %swap3A_370 = arith.constant 256 : index
        %swap3A_371 = tpu.vector_load %arg13[%swap3A_369, %swap3A_370] {strides = array<i32>} : memref<16x768xf32, #tpu.memory_space<vmem>>, vector<1x16xf32>,
        %swap3A_372 = vector.shape_cast %swap3A_371 : vector<1x16xf32> to vector<16xf32>
        %swap3A_373 = vector.shape_cast %get3A_368 : vector<16xf32> to vector<1x16xf32>
        tpu.vector_store %arg13[%swap3A_369, %swap3A_370], %swap3A_373 {add = true, strides = array<i32>} : memref<16x768xf32, #tpu.memory_space<vmem>>, vector<1x16xf32>,
        %get3A_374 = arith.index_cast %scan3A_222 : i32 to index
        %get3A_375 = arith.constant 272 : index
        %get3A_376 = tpu.vector_load %arg17[%get3A_374, %get3A_375] {strides = array<i32>} : memref<16x768xf32, #tpu.memory_space<vmem>>, vector<1x16xf32>,
        %get3A_377 = vector.shape_cast %get3A_376 : vector<1x16xf32> to vector<16xf32>
        %swap3A_378 = arith.index_cast %scan3A_222 : i32 to index
        %swap3A_379 = arith.constant 272 : index
        %swap3A_380 = tpu.vector_load %arg13[%swap3A_378, %swap3A_379] {strides = array<i32>} : memref<16x768xf32, #tpu.memory_space<vmem>>, vector<1x16xf32>,
        %swap3A_381 = vector.shape_cast %swap3A_380 : vector<1x16xf32> to vector<16xf32>
        %swap3A_382 = vector.shape_cast %get3A_377 : vector<16xf32> to vector<1x16xf32>
        tpu.vector_store %arg13[%swap3A_378, %swap3A_379], %swap3A_382 {add = true, strides = array<i32>} : memref<16x768xf32, #tpu.memory_space<vmem>>, vector<1x16xf32>,
        %get3A_383 = arith.index_cast %scan3A_222 : i32 to index
        %get3A_384 = arith.constant 288 : index
        %get3A_385 = tpu.vector_load %arg17[%get3A_383, %get3A_384] {strides = array<i32>} : memref<16x768xf32, #tpu.memory_space<vmem>>, vector<1x16xf32>,
        %get3A_386 = vector.shape_cast %get3A_385 : vector<1x16xf32> to vector<16xf32>
        %swap3A_387 = arith.index_cast %scan3A_222 : i32 to index
        %swap3A_388 = arith.constant 288 : index
        %swap3A_389 = tpu.vector_load %arg13[%swap3A_387, %swap3A_388] {strides = array<i32>} : memref<16x768xf32, #tpu.memory_space<vmem>>, vector<1x16xf32>,
        %swap3A_390 = vector.shape_cast %swap3A_389 : vector<1x16xf32> to vector<16xf32>
        %swap3A_391 = vector.shape_cast %get3A_386 : vector<16xf32> to vector<1x16xf32>
        tpu.vector_store %arg13[%swap3A_387, %swap3A_388], %swap3A_391 {add = true, strides = array<i32>} : memref<16x768xf32, #tpu.memory_space<vmem>>, vector<1x16xf32>,
        %get3A_392 = arith.index_cast %scan3A_222 : i32 to index
        %get3A_393 = arith.constant 304 : index
        %get3A_394 = tpu.vector_load %arg17[%get3A_392, %get3A_393] {strides = array<i32>} : memref<16x768xf32, #tpu.memory_space<vmem>>, vector<1x16xf32>,
        %get3A_395 = vector.shape_cast %get3A_394 : vector<1x16xf32> to vector<16xf32>
        %swap3A_396 = arith.index_cast %scan3A_222 : i32 to index
        %swap3A_397 = arith.constant 304 : index
        %swap3A_398 = tpu.vector_load %arg13[%swap3A_396, %swap3A_397] {strides = array<i32>} : memref<16x768xf32, #tpu.memory_space<vmem>>, vector<1x16xf32>,
        %swap3A_399 = vector.shape_cast %swap3A_398 : vector<1x16xf32> to vector<16xf32>
        %swap3A_400 = vector.shape_cast %get3A_395 : vector<16xf32> to vector<1x16xf32>
        tpu.vector_store %arg13[%swap3A_396, %swap3A_397], %swap3A_400 {add = true, strides = array<i32>} : memref<16x768xf32, #tpu.memory_space<vmem>>, vector<1x16xf32>,
        %get3A_401 = arith.index_cast %scan3A_222 : i32 to index
        %get3A_402 = arith.constant 320 : index
        %get3A_403 = tpu.vector_load %arg17[%get3A_401, %get3A_402] {strides = array<i32>} : memref<16x768xf32, #tpu.memory_space<vmem>>, vector<1x16xf32>,
        %get3A_404 = vector.shape_cast %get3A_403 : vector<1x16xf32> to vector<16xf32>
        %swap3A_405 = arith.index_cast %scan3A_222 : i32 to index
        %swap3A_406 = arith.constant 320 : index
        %swap3A_407 = tpu.vector_load %arg13[%swap3A_405, %swap3A_406] {strides = array<i32>} : memref<16x768xf32, #tpu.memory_space<vmem>>, vector<1x16xf32>,
        %swap3A_408 = vector.shape_cast %swap3A_407 : vector<1x16xf32> to vector<16xf32>
        %swap3A_409 = vector.shape_cast %get3A_404 : vector<16xf32> to vector<1x16xf32>
        tpu.vector_store %arg13[%swap3A_405, %swap3A_406], %swap3A_409 {add = true, strides = array<i32>} : memref<16x768xf32, #tpu.memory_space<vmem>>, vector<1x16xf32>,
        %get3A_410 = arith.index_cast %scan3A_222 : i32 to index
        %get3A_411 = arith.constant 336 : index
        %get3A_412 = tpu.vector_load %arg17[%get3A_410, %get3A_411] {strides = array<i32>} : memref<16x768xf32, #tpu.memory_space<vmem>>, vector<1x16xf32>,
        %get3A_413 = vector.shape_cast %get3A_412 : vector<1x16xf32> to vector<16xf32>
        %swap3A_414 = arith.index_cast %scan3A_222 : i32 to index
        %swap3A_415 = arith.constant 336 : index
        %swap3A_416 = tpu.vector_load %arg13[%swap3A_414, %swap3A_415] {strides = array<i32>} : memref<16x768xf32, #tpu.memory_space<vmem>>, vector<1x16xf32>,
        %swap3A_417 = vector.shape_cast %swap3A_416 : vector<1x16xf32> to vector<16xf32>
        %swap3A_418 = vector.shape_cast %get3A_413 : vector<16xf32> to vector<1x16xf32>
        tpu.vector_store %arg13[%swap3A_414, %swap3A_415], %swap3A_418 {add = true, strides = array<i32>} : memref<16x768xf32, #tpu.memory_space<vmem>>, vector<1x16xf32>,
        %get3A_419 = arith.index_cast %scan3A_222 : i32 to index
        %get3A_420 = arith.constant 352 : index
        %get3A_421 = tpu.vector_load %arg17[%get3A_419, %get3A_420] {strides = array<i32>} : memref<16x768xf32, #tpu.memory_space<vmem>>, vector<1x16xf32>,
        %get3A_422 = vector.shape_cast %get3A_421 : vector<1x16xf32> to vector<16xf32>
        %swap3A_423 = arith.index_cast %scan3A_222 : i32 to index
        %swap3A_424 = arith.constant 352 : index
        %swap3A_425 = tpu.vector_load %arg13[%swap3A_423, %swap3A_424] {strides = array<i32>} : memref<16x768xf32, #tpu.memory_space<vmem>>, vector<1x16xf32>,
        %swap3A_426 = vector.shape_cast %swap3A_425 : vector<1x16xf32> to vector<16xf32>
        %swap3A_427 = vector.shape_cast %get3A_422 : vector<16xf32> to vector<1x16xf32>
        tpu.vector_store %arg13[%swap3A_423, %swap3A_424], %swap3A_427 {add = true, strides = array<i32>} : memref<16x768xf32, #tpu.memory_space<vmem>>, vector<1x16xf32>,
        %get3A_428 = arith.index_cast %scan3A_222 : i32 to index
        %get3A_429 = arith.constant 368 : index
        %get3A_430 = tpu.vector_load %arg17[%get3A_428, %get3A_429] {strides = array<i32>} : memref<16x768xf32, #tpu.memory_space<vmem>>, vector<1x16xf32>,
        %get3A_431 = vector.shape_cast %get3A_430 : vector<1x16xf32> to vector<16xf32>
        %swap3A_432 = arith.index_cast %scan3A_222 : i32 to index
        %swap3A_433 = arith.constant 368 : index
        %swap3A_434 = tpu.vector_load %arg13[%swap3A_432, %swap3A_433] {strides = array<i32>} : memref<16x768xf32, #tpu.memory_space<vmem>>, vector<1x16xf32>,
        %swap3A_435 = vector.shape_cast %swap3A_434 : vector<1x16xf32> to vector<16xf32>
        %swap3A_436 = vector.shape_cast %get3A_431 : vector<16xf32> to vector<1x16xf32>
        tpu.vector_store %arg13[%swap3A_432, %swap3A_433], %swap3A_436 {add = true, strides = array<i32>} : memref<16x768xf32, #tpu.memory_space<vmem>>, vector<1x16xf32>,
        %get3A_437 = arith.index_cast %scan3A_222 : i32 to index
        %get3A_438 = arith.constant 384 : index
        %get3A_439 = tpu.vector_load %arg17[%get3A_437, %get3A_438] {strides = array<i32>} : memref<16x768xf32, #tpu.memory_space<vmem>>, vector<1x16xf32>,
        %get3A_440 = vector.shape_cast %get3A_439 : vector<1x16xf32> to vector<16xf32>
        %swap3A_441 = arith.index_cast %scan3A_222 : i32 to index
        %swap3A_442 = arith.constant 384 : index
        %swap3A_443 = tpu.vector_load %arg13[%swap3A_441, %swap3A_442] {strides = array<i32>} : memref<16x768xf32, #tpu.memory_space<vmem>>, vector<1x16xf32>,
        %swap3A_444 = vector.shape_cast %swap3A_443 : vector<1x16xf32> to vector<16xf32>
        %swap3A_445 = vector.shape_cast %get3A_440 : vector<16xf32> to vector<1x16xf32>
        tpu.vector_store %arg13[%swap3A_441, %swap3A_442], %swap3A_445 {add = true, strides = array<i32>} : memref<16x768xf32, #tpu.memory_space<vmem>>, vector<1x16xf32>,
        %get3A_446 = arith.index_cast %scan3A_222 : i32 to index
        %get3A_447 = arith.constant 400 : index
        %get3A_448 = tpu.vector_load %arg17[%get3A_446, %get3A_447] {strides = array<i32>} : memref<16x768xf32, #tpu.memory_space<vmem>>, vector<1x16xf32>,
        %get3A_449 = vector.shape_cast %get3A_448 : vector<1x16xf32> to vector<16xf32>
        %swap3A_450 = arith.index_cast %scan3A_222 : i32 to index
        %swap3A_451 = arith.constant 400 : index
        %swap3A_452 = tpu.vector_load %arg13[%swap3A_450, %swap3A_451] {strides = array<i32>} : memref<16x768xf32, #tpu.memory_space<vmem>>, vector<1x16xf32>,
        %swap3A_453 = vector.shape_cast %swap3A_452 : vector<1x16xf32> to vector<16xf32>
        %swap3A_454 = vector.shape_cast %get3A_449 : vector<16xf32> to vector<1x16xf32>
        tpu.vector_store %arg13[%swap3A_450, %swap3A_451], %swap3A_454 {add = true, strides = array<i32>} : memref<16x768xf32, #tpu.memory_space<vmem>>, vector<1x16xf32>,
        %get3A_455 = arith.index_cast %scan3A_222 : i32 to index
        %get3A_456 = arith.constant 416 : index
        %get3A_457 = tpu.vector_load %arg17[%get3A_455, %get3A_456] {strides = array<i32>} : memref<16x768xf32, #tpu.memory_space<vmem>>, vector<1x16xf32>,
        %get3A_458 = vector.shape_cast %get3A_457 : vector<1x16xf32> to vector<16xf32>
        %swap3A_459 = arith.index_cast %scan3A_222 : i32 to index
        %swap3A_460 = arith.constant 416 : index
        %swap3A_461 = tpu.vector_load %arg13[%swap3A_459, %swap3A_460] {strides = array<i32>} : memref<16x768xf32, #tpu.memory_space<vmem>>, vector<1x16xf32>,
        %swap3A_462 = vector.shape_cast %swap3A_461 : vector<1x16xf32> to vector<16xf32>
        %swap3A_463 = vector.shape_cast %get3A_458 : vector<16xf32> to vector<1x16xf32>
        tpu.vector_store %arg13[%swap3A_459, %swap3A_460], %swap3A_463 {add = true, strides = array<i32>} : memref<16x768xf32, #tpu.memory_space<vmem>>, vector<1x16xf32>,
        %get3A_464 = arith.index_cast %scan3A_222 : i32 to index
        %get3A_465 = arith.constant 432 : index
        %get3A_466 = tpu.vector_load %arg17[%get3A_464, %get3A_465] {strides = array<i32>} : memref<16x768xf32, #tpu.memory_space<vmem>>, vector<1x16xf32>,
        %get3A_467 = vector.shape_cast %get3A_466 : vector<1x16xf32> to vector<16xf32>
        %swap3A_468 = arith.index_cast %scan3A_222 : i32 to index
        %swap3A_469 = arith.constant 432 : index
        %swap3A_470 = tpu.vector_load %arg13[%swap3A_468, %swap3A_469] {strides = array<i32>} : memref<16x768xf32, #tpu.memory_space<vmem>>, vector<1x16xf32>,
        %swap3A_471 = vector.shape_cast %swap3A_470 : vector<1x16xf32> to vector<16xf32>
        %swap3A_472 = vector.shape_cast %get3A_467 : vector<16xf32> to vector<1x16xf32>
        tpu.vector_store %arg13[%swap3A_468, %swap3A_469], %swap3A_472 {add = true, strides = array<i32>} : memref<16x768xf32, #tpu.memory_space<vmem>>, vector<1x16xf32>,
        %get3A_473 = arith.index_cast %scan3A_222 : i32 to index
        %get3A_474 = arith.constant 448 : index
        %get3A_475 = tpu.vector_load %arg17[%get3A_473, %get3A_474] {strides = array<i32>} : memref<16x768xf32, #tpu.memory_space<vmem>>, vector<1x16xf32>,
        %get3A_476 = vector.shape_cast %get3A_475 : vector<1x16xf32> to vector<16xf32>
        %swap3A_477 = arith.index_cast %scan3A_222 : i32 to index
        %swap3A_478 = arith.constant 448 : index
        %swap3A_479 = tpu.vector_load %arg13[%swap3A_477, %swap3A_478] {strides = array<i32>} : memref<16x768xf32, #tpu.memory_space<vmem>>, vector<1x16xf32>,
        %swap3A_480 = vector.shape_cast %swap3A_479 : vector<1x16xf32> to vector<16xf32>
        %swap3A_481 = vector.shape_cast %get3A_476 : vector<16xf32> to vector<1x16xf32>
        tpu.vector_store %arg13[%swap3A_477, %swap3A_478], %swap3A_481 {add = true, strides = array<i32>} : memref<16x768xf32, #tpu.memory_space<vmem>>, vector<1x16xf32>,
        %get3A_482 = arith.index_cast %scan3A_222 : i32 to index
        %get3A_483 = arith.constant 464 : index
        %get3A_484 = tpu.vector_load %arg17[%get3A_482, %get3A_483] {strides = array<i32>} : memref<16x768xf32, #tpu.memory_space<vmem>>, vector<1x16xf32>,
        %get3A_485 = vector.shape_cast %get3A_484 : vector<1x16xf32> to vector<16xf32>
        %swap3A_486 = arith.index_cast %scan3A_222 : i32 to index
        %swap3A_487 = arith.constant 464 : index
        %swap3A_488 = tpu.vector_load %arg13[%swap3A_486, %swap3A_487] {strides = array<i32>} : memref<16x768xf32, #tpu.memory_space<vmem>>, vector<1x16xf32>,
        %swap3A_489 = vector.shape_cast %swap3A_488 : vector<1x16xf32> to vector<16xf32>
        %swap3A_490 = vector.shape_cast %get3A_485 : vector<16xf32> to vector<1x16xf32>
        tpu.vector_store %arg13[%swap3A_486, %swap3A_487], %swap3A_490 {add = true, strides = array<i32>} : memref<16x768xf32, #tpu.memory_space<vmem>>, vector<1x16xf32>,
        %get3A_491 = arith.index_cast %scan3A_222 : i32 to index
        %get3A_492 = arith.constant 480 : index
        %get3A_493 = tpu.vector_load %arg17[%get3A_491, %get3A_492] {strides = array<i32>} : memref<16x768xf32, #tpu.memory_space<vmem>>, vector<1x16xf32>,
        %get3A_494 = vector.shape_cast %get3A_493 : vector<1x16xf32> to vector<16xf32>
        %swap3A_495 = arith.index_cast %scan3A_222 : i32 to index
        %swap3A_496 = arith.constant 480 : index
        %swap3A_497 = tpu.vector_load %arg13[%swap3A_495, %swap3A_496] {strides = array<i32>} : memref<16x768xf32, #tpu.memory_space<vmem>>, vector<1x16xf32>,
        %swap3A_498 = vector.shape_cast %swap3A_497 : vector<1x16xf32> to vector<16xf32>
        %swap3A_499 = vector.shape_cast %get3A_494 : vector<16xf32> to vector<1x16xf32>
        tpu.vector_store %arg13[%swap3A_495, %swap3A_496], %swap3A_499 {add = true, strides = array<i32>} : memref<16x768xf32, #tpu.memory_space<vmem>>, vector<1x16xf32>,
        %get3A_500 = arith.index_cast %scan3A_222 : i32 to index
        %get3A_501 = arith.constant 496 : index
        %get3A_502 = tpu.vector_load %arg17[%get3A_500, %get3A_501] {strides = array<i32>} : memref<16x768xf32, #tpu.memory_space<vmem>>, vector<1x16xf32>,
        %get3A_503 = vector.shape_cast %get3A_502 : vector<1x16xf32> to vector<16xf32>
        %swap3A_504 = arith.index_cast %scan3A_222 : i32 to index
        %swap3A_505 = arith.constant 496 : index
        %swap3A_506 = tpu.vector_load %arg13[%swap3A_504, %swap3A_505] {strides = array<i32>} : memref<16x768xf32, #tpu.memory_space<vmem>>, vector<1x16xf32>,
        %swap3A_507 = vector.shape_cast %swap3A_506 : vector<1x16xf32> to vector<16xf32>
        %swap3A_508 = vector.shape_cast %get3A_503 : vector<16xf32> to vector<1x16xf32>
        tpu.vector_store %arg13[%swap3A_504, %swap3A_505], %swap3A_508 {add = true, strides = array<i32>} : memref<16x768xf32, #tpu.memory_space<vmem>>, vector<1x16xf32>,
        %get3A_509 = arith.index_cast %scan3A_222 : i32 to index
        %get3A_510 = arith.constant 512 : index
        %get3A_511 = tpu.vector_load %arg17[%get3A_509, %get3A_510] {strides = array<i32>} : memref<16x768xf32, #tpu.memory_space<vmem>>, vector<1x16xf32>,
        %get3A_512 = vector.shape_cast %get3A_511 : vector<1x16xf32> to vector<16xf32>
        %swap3A_513 = arith.index_cast %scan3A_222 : i32 to index
        %swap3A_514 = arith.constant 512 : index
        %swap3A_515 = tpu.vector_load %arg13[%swap3A_513, %swap3A_514] {strides = array<i32>} : memref<16x768xf32, #tpu.memory_space<vmem>>, vector<1x16xf32>,
        %swap3A_516 = vector.shape_cast %swap3A_515 : vector<1x16xf32> to vector<16xf32>
        %swap3A_517 = vector.shape_cast %get3A_512 : vector<16xf32> to vector<1x16xf32>
        tpu.vector_store %arg13[%swap3A_513, %swap3A_514], %swap3A_517 {add = true, strides = array<i32>} : memref<16x768xf32, #tpu.memory_space<vmem>>, vector<1x16xf32>,
        %get3A_518 = arith.index_cast %scan3A_222 : i32 to index
        %get3A_519 = arith.constant 528 : index
        %get3A_520 = tpu.vector_load %arg17[%get3A_518, %get3A_519] {strides = array<i32>} : memref<16x768xf32, #tpu.memory_space<vmem>>, vector<1x16xf32>,
        %get3A_521 = vector.shape_cast %get3A_520 : vector<1x16xf32> to vector<16xf32>
        %swap3A_522 = arith.index_cast %scan3A_222 : i32 to index
        %swap3A_523 = arith.constant 528 : index
        %swap3A_524 = tpu.vector_load %arg13[%swap3A_522, %swap3A_523] {strides = array<i32>} : memref<16x768xf32, #tpu.memory_space<vmem>>, vector<1x16xf32>,
        %swap3A_525 = vector.shape_cast %swap3A_524 : vector<1x16xf32> to vector<16xf32>
        %swap3A_526 = vector.shape_cast %get3A_521 : vector<16xf32> to vector<1x16xf32>
        tpu.vector_store %arg13[%swap3A_522, %swap3A_523], %swap3A_526 {add = true, strides = array<i32>} : memref<16x768xf32, #tpu.memory_space<vmem>>, vector<1x16xf32>,
        %get3A_527 = arith.index_cast %scan3A_222 : i32 to index
        %get3A_528 = arith.constant 544 : index
        %get3A_529 = tpu.vector_load %arg17[%get3A_527, %get3A_528] {strides = array<i32>} : memref<16x768xf32, #tpu.memory_space<vmem>>, vector<1x16xf32>,
        %get3A_530 = vector.shape_cast %get3A_529 : vector<1x16xf32> to vector<16xf32>
        %swap3A_531 = arith.index_cast %scan3A_222 : i32 to index
        %swap3A_532 = arith.constant 544 : index
        %swap3A_533 = tpu.vector_load %arg13[%swap3A_531, %swap3A_532] {strides = array<i32>} : memref<16x768xf32, #tpu.memory_space<vmem>>, vector<1x16xf32>,
        %swap3A_534 = vector.shape_cast %swap3A_533 : vector<1x16xf32> to vector<16xf32>
        %swap3A_535 = vector.shape_cast %get3A_530 : vector<16xf32> to vector<1x16xf32>
        tpu.vector_store %arg13[%swap3A_531, %swap3A_532], %swap3A_535 {add = true, strides = array<i32>} : memref<16x768xf32, #tpu.memory_space<vmem>>, vector<1x16xf32>,
        %get3A_536 = arith.index_cast %scan3A_222 : i32 to index
        %get3A_537 = arith.constant 560 : index
        %get3A_538 = tpu.vector_load %arg17[%get3A_536, %get3A_537] {strides = array<i32>} : memref<16x768xf32, #tpu.memory_space<vmem>>, vector<1x16xf32>,
        %get3A_539 = vector.shape_cast %get3A_538 : vector<1x16xf32> to vector<16xf32>
        %swap3A_540 = arith.index_cast %scan3A_222 : i32 to index
        %swap3A_541 = arith.constant 560 : index
        %swap3A_542 = tpu.vector_load %arg13[%swap3A_540, %swap3A_541] {strides = array<i32>} : memref<16x768xf32, #tpu.memory_space<vmem>>, vector<1x16xf32>,
        %swap3A_543 = vector.shape_cast %swap3A_542 : vector<1x16xf32> to vector<16xf32>
        %swap3A_544 = vector.shape_cast %get3A_539 : vector<16xf32> to vector<1x16xf32>
        tpu.vector_store %arg13[%swap3A_540, %swap3A_541], %swap3A_544 {add = true, strides = array<i32>} : memref<16x768xf32, #tpu.memory_space<vmem>>, vector<1x16xf32>,
        %get3A_545 = arith.index_cast %scan3A_222 : i32 to index
        %get3A_546 = arith.constant 576 : index
        %get3A_547 = tpu.vector_load %arg17[%get3A_545, %get3A_546] {strides = array<i32>} : memref<16x768xf32, #tpu.memory_space<vmem>>, vector<1x16xf32>,
        %get3A_548 = vector.shape_cast %get3A_547 : vector<1x16xf32> to vector<16xf32>
        %swap3A_549 = arith.index_cast %scan3A_222 : i32 to index
        %swap3A_550 = arith.constant 576 : index
        %swap3A_551 = tpu.vector_load %arg13[%swap3A_549, %swap3A_550] {strides = array<i32>} : memref<16x768xf32, #tpu.memory_space<vmem>>, vector<1x16xf32>,
        %swap3A_552 = vector.shape_cast %swap3A_551 : vector<1x16xf32> to vector<16xf32>
        %swap3A_553 = vector.shape_cast %get3A_548 : vector<16xf32> to vector<1x16xf32>
        tpu.vector_store %arg13[%swap3A_549, %swap3A_550], %swap3A_553 {add = true, strides = array<i32>} : memref<16x768xf32, #tpu.memory_space<vmem>>, vector<1x16xf32>,
        %get3A_554 = arith.index_cast %scan3A_222 : i32 to index
        %get3A_555 = arith.constant 592 : index
        %get3A_556 = tpu.vector_load %arg17[%get3A_554, %get3A_555] {strides = array<i32>} : memref<16x768xf32, #tpu.memory_space<vmem>>, vector<1x16xf32>,
        %get3A_557 = vector.shape_cast %get3A_556 : vector<1x16xf32> to vector<16xf32>
        %swap3A_558 = arith.index_cast %scan3A_222 : i32 to index
        %swap3A_559 = arith.constant 592 : index
        %swap3A_560 = tpu.vector_load %arg13[%swap3A_558, %swap3A_559] {strides = array<i32>} : memref<16x768xf32, #tpu.memory_space<vmem>>, vector<1x16xf32>,
        %swap3A_561 = vector.shape_cast %swap3A_560 : vector<1x16xf32> to vector<16xf32>
        %swap3A_562 = vector.shape_cast %get3A_557 : vector<16xf32> to vector<1x16xf32>
        tpu.vector_store %arg13[%swap3A_558, %swap3A_559], %swap3A_562 {add = true, strides = array<i32>} : memref<16x768xf32, #tpu.memory_space<vmem>>, vector<1x16xf32>,
        %get3A_563 = arith.index_cast %scan3A_222 : i32 to index
        %get3A_564 = arith.constant 608 : index
        %get3A_565 = tpu.vector_load %arg17[%get3A_563, %get3A_564] {strides = array<i32>} : memref<16x768xf32, #tpu.memory_space<vmem>>, vector<1x16xf32>,
        %get3A_566 = vector.shape_cast %get3A_565 : vector<1x16xf32> to vector<16xf32>
        %swap3A_567 = arith.index_cast %scan3A_222 : i32 to index
        %swap3A_568 = arith.constant 608 : index
        %swap3A_569 = tpu.vector_load %arg13[%swap3A_567, %swap3A_568] {strides = array<i32>} : memref<16x768xf32, #tpu.memory_space<vmem>>, vector<1x16xf32>,
        %swap3A_570 = vector.shape_cast %swap3A_569 : vector<1x16xf32> to vector<16xf32>
        %swap3A_571 = vector.shape_cast %get3A_566 : vector<16xf32> to vector<1x16xf32>
        tpu.vector_store %arg13[%swap3A_567, %swap3A_568], %swap3A_571 {add = true, strides = array<i32>} : memref<16x768xf32, #tpu.memory_space<vmem>>, vector<1x16xf32>,
        %get3A_572 = arith.index_cast %scan3A_222 : i32 to index
        %get3A_573 = arith.constant 624 : index
        %get3A_574 = tpu.vector_load %arg17[%get3A_572, %get3A_573] {strides = array<i32>} : memref<16x768xf32, #tpu.memory_space<vmem>>, vector<1x16xf32>,
        %get3A_575 = vector.shape_cast %get3A_574 : vector<1x16xf32> to vector<16xf32>
        %swap3A_576 = arith.index_cast %scan3A_222 : i32 to index
        %swap3A_577 = arith.constant 624 : index
        %swap3A_578 = tpu.vector_load %arg13[%swap3A_576, %swap3A_577] {strides = array<i32>} : memref<16x768xf32, #tpu.memory_space<vmem>>, vector<1x16xf32>,
        %swap3A_579 = vector.shape_cast %swap3A_578 : vector<1x16xf32> to vector<16xf32>
        %swap3A_580 = vector.shape_cast %get3A_575 : vector<16xf32> to vector<1x16xf32>
        tpu.vector_store %arg13[%swap3A_576, %swap3A_577], %swap3A_580 {add = true, strides = array<i32>} : memref<16x768xf32, #tpu.memory_space<vmem>>, vector<1x16xf32>,
        %get3A_581 = arith.index_cast %scan3A_222 : i32 to index
        %get3A_582 = arith.constant 640 : index
        %get3A_583 = tpu.vector_load %arg17[%get3A_581, %get3A_582] {strides = array<i32>} : memref<16x768xf32, #tpu.memory_space<vmem>>, vector<1x16xf32>,
        %get3A_584 = vector.shape_cast %get3A_583 : vector<1x16xf32> to vector<16xf32>
        %swap3A_585 = arith.index_cast %scan3A_222 : i32 to index
        %swap3A_586 = arith.constant 640 : index
        %swap3A_587 = tpu.vector_load %arg13[%swap3A_585, %swap3A_586] {strides = array<i32>} : memref<16x768xf32, #tpu.memory_space<vmem>>, vector<1x16xf32>,
        %swap3A_588 = vector.shape_cast %swap3A_587 : vector<1x16xf32> to vector<16xf32>
        %swap3A_589 = vector.shape_cast %get3A_584 : vector<16xf32> to vector<1x16xf32>
        tpu.vector_store %arg13[%swap3A_585, %swap3A_586], %swap3A_589 {add = true, strides = array<i32>} : memref<16x768xf32, #tpu.memory_space<vmem>>, vector<1x16xf32>,
        %get3A_590 = arith.index_cast %scan3A_222 : i32 to index
        %get3A_591 = arith.constant 656 : index
        %get3A_592 = tpu.vector_load %arg17[%get3A_590, %get3A_591] {strides = array<i32>} : memref<16x768xf32, #tpu.memory_space<vmem>>, vector<1x16xf32>,
        %get3A_593 = vector.shape_cast %get3A_592 : vector<1x16xf32> to vector<16xf32>
        %swap3A_594 = arith.index_cast %scan3A_222 : i32 to index
        %swap3A_595 = arith.constant 656 : index
        %swap3A_596 = tpu.vector_load %arg13[%swap3A_594, %swap3A_595] {strides = array<i32>} : memref<16x768xf32, #tpu.memory_space<vmem>>, vector<1x16xf32>,
        %swap3A_597 = vector.shape_cast %swap3A_596 : vector<1x16xf32> to vector<16xf32>
        %swap3A_598 = vector.shape_cast %get3A_593 : vector<16xf32> to vector<1x16xf32>
        tpu.vector_store %arg13[%swap3A_594, %swap3A_595], %swap3A_598 {add = true, strides = array<i32>} : memref<16x768xf32, #tpu.memory_space<vmem>>, vector<1x16xf32>,
        %get3A_599 = arith.index_cast %scan3A_222 : i32 to index
        %get3A_600 = arith.constant 672 : index
        %get3A_601 = tpu.vector_load %arg17[%get3A_599, %get3A_600] {strides = array<i32>} : memref<16x768xf32, #tpu.memory_space<vmem>>, vector<1x16xf32>,
        %get3A_602 = vector.shape_cast %get3A_601 : vector<1x16xf32> to vector<16xf32>
        %swap3A_603 = arith.index_cast %scan3A_222 : i32 to index
        %swap3A_604 = arith.constant 672 : index
        %swap3A_605 = tpu.vector_load %arg13[%swap3A_603, %swap3A_604] {strides = array<i32>} : memref<16x768xf32, #tpu.memory_space<vmem>>, vector<1x16xf32>,
        %swap3A_606 = vector.shape_cast %swap3A_605 : vector<1x16xf32> to vector<16xf32>
        %swap3A_607 = vector.shape_cast %get3A_602 : vector<16xf32> to vector<1x16xf32>
        tpu.vector_store %arg13[%swap3A_603, %swap3A_604], %swap3A_607 {add = true, strides = array<i32>} : memref<16x768xf32, #tpu.memory_space<vmem>>, vector<1x16xf32>,
        %get3A_608 = arith.index_cast %scan3A_222 : i32 to index
        %get3A_609 = arith.constant 688 : index
        %get3A_610 = tpu.vector_load %arg17[%get3A_608, %get3A_609] {strides = array<i32>} : memref<16x768xf32, #tpu.memory_space<vmem>>, vector<1x16xf32>,
        %get3A_611 = vector.shape_cast %get3A_610 : vector<1x16xf32> to vector<16xf32>
        %swap3A_612 = arith.index_cast %scan3A_222 : i32 to index
        %swap3A_613 = arith.constant 688 : index
        %swap3A_614 = tpu.vector_load %arg13[%swap3A_612, %swap3A_613] {strides = array<i32>} : memref<16x768xf32, #tpu.memory_space<vmem>>, vector<1x16xf32>,
        %swap3A_615 = vector.shape_cast %swap3A_614 : vector<1x16xf32> to vector<16xf32>
        %swap3A_616 = vector.shape_cast %get3A_611 : vector<16xf32> to vector<1x16xf32>
        tpu.vector_store %arg13[%swap3A_612, %swap3A_613], %swap3A_616 {add = true, strides = array<i32>} : memref<16x768xf32, #tpu.memory_space<vmem>>, vector<1x16xf32>,
        %get3A_617 = arith.index_cast %scan3A_222 : i32 to index
        %get3A_618 = arith.constant 704 : index
        %get3A_619 = tpu.vector_load %arg17[%get3A_617, %get3A_618] {strides = array<i32>} : memref<16x768xf32, #tpu.memory_space<vmem>>, vector<1x16xf32>,
        %get3A_620 = vector.shape_cast %get3A_619 : vector<1x16xf32> to vector<16xf32>
        %swap3A_621 = arith.index_cast %scan3A_222 : i32 to index
        %swap3A_622 = arith.constant 704 : index
        %swap3A_623 = tpu.vector_load %arg13[%swap3A_621, %swap3A_622] {strides = array<i32>} : memref<16x768xf32, #tpu.memory_space<vmem>>, vector<1x16xf32>,
        %swap3A_624 = vector.shape_cast %swap3A_623 : vector<1x16xf32> to vector<16xf32>
        %swap3A_625 = vector.shape_cast %get3A_620 : vector<16xf32> to vector<1x16xf32>
        tpu.vector_store %arg13[%swap3A_621, %swap3A_622], %swap3A_625 {add = true, strides = array<i32>} : memref<16x768xf32, #tpu.memory_space<vmem>>, vector<1x16xf32>,
        %get3A_626 = arith.index_cast %scan3A_222 : i32 to index
        %get3A_627 = arith.constant 720 : index
        %get3A_628 = tpu.vector_load %arg17[%get3A_626, %get3A_627] {strides = array<i32>} : memref<16x768xf32, #tpu.memory_space<vmem>>, vector<1x16xf32>,
        %get3A_629 = vector.shape_cast %get3A_628 : vector<1x16xf32> to vector<16xf32>
        %swap3A_630 = arith.index_cast %scan3A_222 : i32 to index
        %swap3A_631 = arith.constant 720 : index
        %swap3A_632 = tpu.vector_load %arg13[%swap3A_630, %swap3A_631] {strides = array<i32>} : memref<16x768xf32, #tpu.memory_space<vmem>>, vector<1x16xf32>,
        %swap3A_633 = vector.shape_cast %swap3A_632 : vector<1x16xf32> to vector<16xf32>
        %swap3A_634 = vector.shape_cast %get3A_629 : vector<16xf32> to vector<1x16xf32>
        tpu.vector_store %arg13[%swap3A_630, %swap3A_631], %swap3A_634 {add = true, strides = array<i32>} : memref<16x768xf32, #tpu.memory_space<vmem>>, vector<1x16xf32>,
        %get3A_635 = arith.index_cast %scan3A_222 : i32 to index
        %get3A_636 = arith.constant 736 : index
        %get3A_637 = tpu.vector_load %arg17[%get3A_635, %get3A_636] {strides = array<i32>} : memref<16x768xf32, #tpu.memory_space<vmem>>, vector<1x16xf32>,
        %get3A_638 = vector.shape_cast %get3A_637 : vector<1x16xf32> to vector<16xf32>
        %swap3A_639 = arith.index_cast %scan3A_222 : i32 to index
        %swap3A_640 = arith.constant 736 : index
        %swap3A_641 = tpu.vector_load %arg13[%swap3A_639, %swap3A_640] {strides = array<i32>} : memref<16x768xf32, #tpu.memory_space<vmem>>, vector<1x16xf32>,
        %swap3A_642 = vector.shape_cast %swap3A_641 : vector<1x16xf32> to vector<16xf32>
        %swap3A_643 = vector.shape_cast %get3A_638 : vector<16xf32> to vector<1x16xf32>
        tpu.vector_store %arg13[%swap3A_639, %swap3A_640], %swap3A_643 {add = true, strides = array<i32>} : memref<16x768xf32, #tpu.memory_space<vmem>>, vector<1x16xf32>,
        %get3A_644 = arith.index_cast %scan3A_222 : i32 to index
        %get3A_645 = arith.constant 752 : index
        %get3A_646 = tpu.vector_load %arg17[%get3A_644, %get3A_645] {strides = array<i32>} : memref<16x768xf32, #tpu.memory_space<vmem>>, vector<1x16xf32>,
        %get3A_647 = vector.shape_cast %get3A_646 : vector<1x16xf32> to vector<16xf32>
        %swap3A_648 = arith.index_cast %scan3A_222 : i32 to index
        %swap3A_649 = arith.constant 752 : index
        %swap3A_650 = tpu.vector_load %arg13[%swap3A_648, %swap3A_649] {strides = array<i32>} : memref<16x768xf32, #tpu.memory_space<vmem>>, vector<1x16xf32>,
        %swap3A_651 = vector.shape_cast %swap3A_650 : vector<1x16xf32> to vector<16xf32>
        %swap3A_652 = vector.shape_cast %get3A_647 : vector<16xf32> to vector<1x16xf32>
        tpu.vector_store %arg13[%swap3A_648, %swap3A_649], %swap3A_652 {add = true, strides = array<i32>} : memref<16x768xf32, #tpu.memory_space<vmem>>, vector<1x16xf32>,
      }
      %scan3A_214 = arith.constant 16 : i32
      %mul3A_215 = arith.constant 16 : i32
      %mul3A_216 = arith.muli %add3A_186, %mul3A_215 : i32
      %add3A_217 = arith.addi %mul3A_2, %mul3A_216 : i32
      %dma_start3A_218 = arith.constant 0 : i32
      %dma_start3A_219 = tpu.memref_slice %arg6[%add3A_217, %dma_start3A_218] : memref<32768x768xf32, #tpu.memory_space<hbm>> -> memref<16x768xf32, #tpu.memory_space<hbm>>
      %dma_start3A_220 = arith.constant 0 : i32
      %dma_start3A_221 = tpu.memref_slice %arg6[%add3A_217, %dma_start3A_220] : memref<32768x768xf32, #tpu.memory_space<hbm>> -> memref<16x768xf32, #tpu.memory_space<hbm>>
      tpu.enqueue_dma source(%arg13 : memref<16x768xf32, #tpu.memory_space<vmem>>) target(%dma_start3A_221 : memref<16x768xf32, #tpu.memory_space<hbm>>) target_semaphore(%arg29 : memref<!tpu.dma_semaphore, #tpu.memory_space<semaphore_mem>>)
    }
    %scan3A_45 = arith.constant 16 : i32
    %add3A_46 = arith.constant 960 : i32
    %add3A_47 = arith.addi %mul3A_2, %add3A_46 : i32
    %dma_wait3A = arith.constant 0 : i32
    %dma_wait3A_48 = tpu.memref_slice %arg6[%add3A_47, %dma_wait3A] : memref<32768x768xf32, #tpu.memory_space<hbm>> -> memref<16x768xf32, #tpu.memory_space<hbm>>
    %dma_wait3A_49 = arith.constant 0 : i32
    %dma_wait3A_50 = tpu.memref_slice %arg6[%add3A_47, %dma_wait3A_49] : memref<32768x768xf32, #tpu.memory_space<hbm>> -> memref<16x768xf32, #tpu.memory_space<hbm>>
    tpu.wait_dma2 semaphore(%arg26 : memref<!tpu.dma_semaphore, #tpu.memory_space<semaphore_mem>>) src(%arg10 : memref<16x768xf32, #tpu.memory_space<vmem>>) dst(%dma_wait3A_50 : memref<16x768xf32, #tpu.memory_space<hbm>>)
    %add3A_51 = arith.constant 976 : i32
    %add3A_52 = arith.addi %mul3A_2, %add3A_51 : i32
    %dma_wait3A_53 = arith.constant 0 : i32
    %dma_wait3A_54 = tpu.memref_slice %arg6[%add3A_52, %dma_wait3A_53] : memref<32768x768xf32, #tpu.memory_space<hbm>> -> memref<16x768xf32, #tpu.memory_space<hbm>>
    %dma_wait3A_55 = arith.constant 0 : i32
    %dma_wait3A_56 = tpu.memref_slice %arg6[%add3A_52, %dma_wait3A_55] : memref<32768x768xf32, #tpu.memory_space<hbm>> -> memref<16x768xf32, #tpu.memory_space<hbm>>
    tpu.wait_dma2 semaphore(%arg27 : memref<!tpu.dma_semaphore, #tpu.memory_space<semaphore_mem>>) src(%arg11 : memref<16x768xf32, #tpu.memory_space<vmem>>) dst(%dma_wait3A_56 : memref<16x768xf32, #tpu.memory_space<hbm>>)
    %add3A_57 = arith.constant 992 : i32
    %add3A_58 = arith.addi %mul3A_2, %add3A_57 : i32
    %dma_wait3A_59 = arith.constant 0 : i32
    %dma_wait3A_60 = tpu.memref_slice %arg6[%add3A_58, %dma_wait3A_59] : memref<32768x768xf32, #tpu.memory_space<hbm>> -> memref<16x768xf32, #tpu.memory_space<hbm>>
    %dma_wait3A_61 = arith.constant 0 : i32
    %dma_wait3A_62 = tpu.memref_slice %arg6[%add3A_58, %dma_wait3A_61] : memref<32768x768xf32, #tpu.memory_space<hbm>> -> memref<16x768xf32, #tpu.memory_space<hbm>>
    tpu.wait_dma2 semaphore(%arg28 : memref<!tpu.dma_semaphore, #tpu.memory_space<semaphore_mem>>) src(%arg12 : memref<16x768xf32, #tpu.memory_space<vmem>>) dst(%dma_wait3A_62 : memref<16x768xf32, #tpu.memory_space<hbm>>)
    %add3A_63 = arith.constant 1008 : i32
    %add3A_64 = arith.addi %mul3A_2, %add3A_63 : i32
    %dma_wait3A_65 = arith.constant 0 : i32
    %dma_wait3A_66 = tpu.memref_slice %arg6[%add3A_64, %dma_wait3A_65] : memref<32768x768xf32, #tpu.memory_space<hbm>> -> memref<16x768xf32, #tpu.memory_space<hbm>>
    %dma_wait3A_67 = arith.constant 0 : i32
    %dma_wait3A_68 = tpu.memref_slice %arg6[%add3A_64, %dma_wait3A_67] : memref<32768x768xf32, #tpu.memory_space<hbm>> -> memref<16x768xf32, #tpu.memory_space<hbm>>
    tpu.wait_dma2 semaphore(%arg29 : memref<!tpu.dma_semaphore, #tpu.memory_space<semaphore_mem>>) src(%arg13 : memref<16x768xf32, #tpu.memory_space<vmem>>) dst(%dma_wait3A_68 : memref<16x768xf32, #tpu.memory_space<hbm>>)
    return
  }
}

</mosaic_0001>

<sc_bundles>
// kernel: kernel.3.cloned.1.call-start
scs
__scs_entry_jumppad:
0x0: {  	(pc) =	sbr.rel $0x88, $3  }
0x1: {  	(tag) =	ssettag $0x0;
	lr =	simm.s32 $0x1  }
0x2: {  	[smem:$0x3F9E] =	sst lr;
	_ =	strace $0xD0000000  }
0x3: {  	_ = 	snop  }
0x4: {  	_ = 	snop  }
0x5: {  	_ = 	snop  }
0x6: {  	_ = 	snop  }
0x7: {  	_ = 	snop  }
__scs_overlays_trampoline_lowered:
0x8: {  	[smem:$0x3FAD] =	sst s0  }
0x9: {  	[smem:$0x3FAE] =	sst s1  }
0xa: {  	[smem:$0x3FAF] =	sst s2  }
0xb: {  	[smem:$0x3FB0] =	sst s3  }
0xc: {  	[smem:$0x3FB1] =	sst s4  }
0xd: {  	[smem:$0x3FB2] =	sst s5  }
0xe: {  	[smem:$0x3FB3] =	sst s6  }
0xf: {  	[smem:$0x3FB4] =	sst s7  }
0x10: {  	[smem:$0x3FB5] =	sst s8  }
0x11: {  	[smem:$0x3FB6] =	sst s9;
	s0 =	simm.s32 @!p0 $0x0  }
0x12: {  	s1 =	sld [smem:$0x3F9C];
	s0 =	simm.s32 @p0 $0x1  }
0x13: {  	[smem:$0x3FB7] =	sst s0;
	s0 =	simm.s32 @!p1 $0x0  }
0x14: {  	s2 =	sld [smem:$0x3F9B];
	s0 =	simm.s32 @p1 $0x1  }
0x15: {  	[smem:$0x3FB8] =	sst s0;
	s0 =	simm.s32 @!p2 $0x0  }
0x16: {  	s3 =	sld [smem:$0x3FDB];
	s0 =	simm.s32 @p2 $0x1  }
0x17: {  	s4 =	simm.s32 $0x1BF5;
	[smem:$0x3FBA] =	sst s0  }
0x18: {  	s0 =	sld [smem:$0x3F9D];
	_ =	swait.ge [sflag:s4], $0x0  }
0x19: {  	s7 =	sld [smem:$0x3F9E]  }
0x1a: {  	s8 =	sadd.s32 $0xFFFFE003, lr  }
0x1b: {  	s9 =	sadd.s32 $0xFFFFFEF7, lr;
	s5 =	simm.s32 $0xFFFFFFFF;
	p2 =	slt.u32 s8, $0xFFFFF086  }
0x1c: {  	p1 =	slt.u32 s9, $0xF7A;
	s5 =	simm.s32 @!p2 $0x0  }
0x1d: {  	s5 =	simm.s32 @p1 $0x1;
	p0 =	seq.s32 s7, s2  }
0x1e: {  	s7 =	smul.u32 @!p0 $0xF7A, s2;
	p2 =	seq.s32 @!p0 s5, $0x0  }
0x1f: {  	s9 =	smul.u32 $0xF7A, s1;
	s8 =	simm.s32 @!p0 $0x1BF5;
	p2 =	por !p2, p0  }
0x20: {  	[sflag:s8] =	ssyncset.s32 @!p0 $0xFFFFF086;
	s6 =	sadd.s32 @!p0 s3, s7;
	s7 =	simm.s32 @!p0 $0x108  }
0x21: {  	s3 =	sadd.s32 s3, s9;
	s6 =	sadd.s32 @!p0 $0x88, s6;
	s7 =	simm.s32 @p2 $0x1082  }
0x22: {  	[simem:s7], [sflag:s8] =	dma.local @!p0 [hbm:s6], $0xF7A  }
0x23: {  	s9 =	sor.u32 $0xD0000000, s2;
	s6 =	simm.s32 $0x108;
	_ =	swait.ge @!p0 [sflag:s8], $0x0  }
0x24: {  	s3 =	sadd.s32 $0x88, s3;
	s6 =	simm.s32 @!p1 $0x1082;
	[sflag:s4] =	ssyncset.s32 $0xFFFFF086  }
0x25: {  	[simem:s6], [sflag:s4] =	dma.local [hbm:s3], $0xF7A  }
0x26: {  	[smem:$0x3F9E] =	sst s1;
	(tag) =	ssettag s2;
	_ =	strace s9  }
0x27: {  	s1 =	sld [smem:$0x3FAE]  }
0x28: {  	s2 =	sld [smem:$0x3FAF]  }
0x29: {  	s4 =	sld [smem:$0x3FB1]  }
0x2a: {  	p0 =	seq.s32 s5, $0x0;
	s5 =	sld [smem:$0x3FB2]  }
0x2b: {  	s6 =	sld [smem:$0x3FB3]  }
0x2c: {  	s7 =	sld [smem:$0x3FB4]  }
0x2d: {  	s3 =	simm.s32 $0x108;
	s8 =	sld [smem:$0x3FB5]  }
0x2e: {  	s3 =	simm.s32 @!p0 $0x1082;
	s9 =	sld [smem:$0x3FB6]  }
0x2f: {  	lr =	sadd.s32 s0, s3;
	s0 =	sld [smem:$0x3FAD]  }
0x30: {  	s3 =	sld [smem:$0x3FB0]  }
0x31: {  	[smem:$0x3FB9] =	sst s10  }
0x32: {  	s10 =	sld [smem:$0x3FB7];
	_ =	sdelay $0x3  }
0x33: {  	p0 =	seq.s32 s10, $0x1;
	s10 =	sld [smem:$0x3FB9];
	_ =	sdelay $0x3  }
0x34: {  	[smem:$0x3FB9] =	sst s10  }
0x35: {  	s10 =	sld [smem:$0x3FB8];
	_ =	sdelay $0x3  }
0x36: {  	p1 =	seq.s32 s10, $0x1;
	s10 =	sld [smem:$0x3FB9];
	_ =	sdelay $0x3  }
0x37: {  	[smem:$0x3FB9] =	sst s10  }
0x38: {  	s10 =	sld [smem:$0x3FBA]  }
0x39: {  	_ = 	snop;
	(pc) =	sbr.ind lr, $3  }
0x3a: {  	_ = 	snop  }
0x3b: {  	_ = 	snop  }
0x3c: {  	p2 =	seq.s32 s10, $0x1;
	s10 =	sld [smem:$0x3FB9]  }
0x3d: {  	_ =	shalt  }
0x3e: {  	_ =	shalt  }
0x3f: {  	_ =	shalt  }
0x40: {  	_ =	shalt  }
0x41: {  	_ =	shalt  }
0x42: {  	_ =	shalt  }
0x43: {  	_ =	shalt  }
0x44: {  	_ =	shalt  }
0x45: {  	_ =	shalt  }
0x46: {  	_ =	shalt  }
0x47: {  	_ =	shalt  }
0x48: {  	_ =	shalt  }
0x49: {  	_ =	shalt  }
0x4a: {  	_ =	shalt  }
0x4b: {  	_ =	shalt  }
0x4c: {  	_ =	shalt  }
0x4d: {  	_ =	shalt  }
0x4e: {  	_ =	shalt  }
0x4f: {  	_ =	shalt  }
0x50: {  	_ =	shalt  }
0x51: {  	_ =	shalt  }
0x52: {  	_ =	shalt  }
0x53: {  	_ =	shalt  }
0x54: {  	_ =	shalt  }
0x55: {  	_ =	shalt  }
0x56: {  	_ =	shalt  }
0x57: {  	_ =	shalt  }
0x58: {  	_ =	shalt  }
0x59: {  	_ =	shalt  }
0x5a: {  	_ =	shalt  }
0x5b: {  	_ =	shalt  }
0x5c: {  	_ =	shalt  }
0x5d: {  	_ =	shalt  }
0x5e: {  	_ =	shalt  }
0x5f: {  	_ =	shalt  }
0x60: {  	_ =	shalt  }
0x61: {  	_ =	shalt  }
0x62: {  	_ =	shalt  }
0x63: {  	_ =	shalt  }
0x64: {  	_ =	shalt  }
0x65: {  	_ =	shalt  }
0x66: {  	_ =	shalt  }
0x67: {  	_ =	shalt  }
0x68: {  	_ =	shalt  }
0x69: {  	_ =	shalt  }
0x6a: {  	_ =	shalt  }
0x6b: {  	_ =	shalt  }
0x6c: {  	_ =	shalt  }
0x6d: {  	_ =	shalt  }
0x6e: {  	_ =	shalt  }
0x6f: {  	_ =	shalt  }
0x70: {  	_ =	shalt  }
0x71: {  	_ =	shalt  }
0x72: {  	_ =	shalt  }
0x73: {  	_ =	shalt  }
0x74: {  	_ =	shalt  }
0x75: {  	_ =	shalt  }
0x76: {  	_ =	shalt  }
0x77: {  	_ =	shalt  }
0x78: {  	_ =	shalt  }
0x79: {  	_ =	shalt  }
0x7a: {  	_ =	shalt  }
0x7b: {  	_ =	shalt  }
0x7c: {  	_ =	shalt  }
0x7d: {  	_ =	shalt  }
0x7e: {  	_ =	shalt  }
0x7f: {  	_ =	shalt  }
0x80: {  	_ =	shalt  }
0x81: {  	_ =	shalt  }
0x82: {  	_ =	shalt  }
0x83: {  	_ =	shalt  }
0x84: {  	_ =	shalt  }
0x85: {  	_ =	shalt  }
0x86: {  	_ =	shalt  }
0x87: {  	_ =	shalt  }
.Lfunc_end0:
.L_simem_size_0:
called_computation_lowered:
.L_overlay_start_0:
0x88: {  	s2 =	sld [smem:$0x3FD9]  }
0x89: {  	s3 =	sld [smem:$0x3FFE];
	_ =	sdelay $0x1  }
0x8a: {  	s1 =	srdreg.scid  }
0x8b: {  	s0 =	sand.u32 $0x1, s1  }
0x8c: {  	s17 =	sshll.u32 s0, $0xA;
	s2 =	sadd.s32 s3, s2  }
0x8d: {  	s2 =	sadd.s32 s2, s17  }
0x8e: {  	[smem:$0x3FC5] =	sst s2  }
0x8f: {  	_ = 	snop  }
0x90: {  	s2 =	sld [smem:$0x3FC9]  }
0x91: {  	s18 =	sld [smem:$0x3FC7]  }
0x92: {  	s4 =	sld [smem:$0x3FD0];
	(tm) =	ssettm $0x1  }
0x93: {  	s5 =	sld [smem:$0x3FFB];
	_ =	sdelay $0x3  }
0x94: {  	_ =	strace s5  }
0x95: {  	s5 =	sld [smem:$0x3FFC];
	_ =	sdelay $0x3  }
0x96: {  	_ =	strace s5  }
0x97: {  	s5 =	sld [smem:$0x3FFD];
	_ =	sdelay $0x3  }
0x98: {  	_ =	strace s5  }
0x99: {  	_ =	strace $0x8FFFFFFF  }
0x9a: {  	s19 =	sld [smem:$0x3FDB];
	_ =	sdelay $0x1  }
0x9b: {  	s6 =	simm.s32 $_scs_section_size  }
0x9c: {  	s7 =	simm.s32 $_size__tile_overlayer_lowered;
	s8 =	simm.s32 $_tile_overlayer_lowered  }
0x9d: {  	s22 =	simm.s32 $0x1BFF;
	s21 =	sshll.u32 s8, $0x1;
	s5 =	sadd.s32 s6, s19  }
0x9e: {  	s9 =	simm.s32 $0x0;
	s20 =	sshll.u32 s7, $0x1;
	s7 =	sadd.s32 s21, s5  }
0x9f: {  	[timem:s9], [sflag:s22] =	dma.local [hbm:s7], s20  }
0xa0: {  	_ =	swait.ge [sflag:s22], s20  }
0xa1: {  	s6 =	ssub.s32 $0x0, s20;
	[sflag:s22] =	ssyncset.done $0x0  }
0xa2: {  	[sflag:s22] =	ssyncadd.s32 s6;
	_ =	sdelay $0x1  }
0xa3: {  	s23 =	simm.s32 $0x1B8B  }
0xa4: {  	_ =	swait.ge [sflag:s23], $0x1  }
0xa5: {  	[sflag:s23] =	ssyncset.done $0x0  }
0xa6: {  	s25 =	simm.s32 $0x1B8E;
	s24 =	sld [smem:$0x3FFE];
	[sflag:s23] =	ssyncadd.s32 $0xFFFFFFFF  }
0xa7: {  	s26 =	simm.s32 $execute0_lowered;
	[smem:$0x3FD2] =	sst s25  }
0xa8: {  	s7 =	sshll.u32 s26, $0x1;
	_ =	strace $0x80000046;
	[dreg:$0x1] =	wrdreg $0xFFFFFFFF  }
0xa9: {  	s28 =	simm.s32 $_size_execute0_lowered;
	s5 =	sadd.s32 s5, s7;
	[dreg:$0x0] =	wrdreg $0x0  }
0xaa: {  	s7 =	sshll.u32 s28, $0x1;
	[dreg:$0x2] =	wrdreg s5  }
0xab: {  	[dreg:$0x3] =	wrdreg s7  }
0xac: {  	[dreg:$0x4] =	wrdreg $0xC0  }
0xad: {  	_ =	task [dreg:s9], $0x5FFFF  }
0xae: {  	[dreg:$0x1] =	wrdreg $0xFFFFFFFF  }
0xaf: {  	[dreg:$0x0] =	wrdreg $0x60  }
0xb0: {  	[dreg:$0x2] =	wrdreg s2  }
0xb1: {  	[dreg:$0x3] =	wrdreg s24  }
0xb2: {  	[dreg:$0x4] =	wrdreg s18  }
0xb3: {  	[dreg:$0x5] =	wrdreg s4  }
0xb4: {  	[dreg:$0x6] =	wrdreg $0x9  }
0xb5: {  	_ =	task.clear_ibuf [dreg:s9], $0x7FFFF;
	_ =	strace $0x90000046  }
0xb6: {  	s29 =	simm.s32 $0x9;
	_ =	strace $0x80000048  }
0xb7: {  	_ =	swait.ge [sflag:s29], $0x1  }
0xb8: {  	[sflag:s29] =	ssyncadd.s32 $0xFFFFFFFF  }
0xb9: {  	_ =	strace $0x90000048  }
0xba: {  	_ =	sfence  }
0xbb: {  	s30 =	sld [smem:$0x0];
	_ =	sdelay $0x2  }
0xbc: {  	s31 =	sshll.u32 s1, $0xD;
	s1 =	sshrl.u32 s1, $0x2  }
0xbd: {  	s3 =	sand.u32 $0x4000, s31;
	s1 =	sadd.s32 s1, s30  }
0xbe: {  	s0 =	sor.u32 s3, s0;
	s1 =	sshll.u32 s1, $0x11  }
0xbf: {  	s0 =	sor.u32 s1, s0  }
0xc0: {  	s0 =	sadd.s32 $0x8F2B, s0  }
0xc1: {  	[sflag:s0] =	ssyncadd.remote.s32 $0x1  }
0xc2: {  	_ =	sfence.sel $0xFFFF  }
0xc3: {  	[dreg:$0x0] =	wrdreg $0xFFFFFFFF;
	(pc) =	sbr.abs _section_cstart, $3  }
0xc4: {  	[dreg:$0x1] =	wrdreg $0xFFFFFFFF  }
0xc5: {  	_ =	task.clear_ibuf [dreg:s9], $0x2FFFF;
	_ =	strace $0x9FFFFFFF  }
0xc6: {  	(tm) =	ssettm $0x7FFFFFFF  }
0xc7: {  	_ =	shalt  }
tec
execute0_lowered:
.L_overlay_start_1:
0x0: {  	(tag) =	ssettag $0x1  }
0x1: {  	s1 =	rddreg [dreg:$0x0]  }
0x2: {  	s0 =	rddreg [dreg:$0x1];
	s2 =	srdreg.scid  }
0x3: {  	s3 =	rddreg [dreg:$0x2];
	s5 =	stileid.u32  }
0x4: {  	s4 =	rddreg [dreg:$0x3];
	s25 =	simm.s32 $0x3C00;
	s24 =	simm.s32 $0x9C00  }
0x5: {  	s17 =	simm.s32 $0x1;
	s19 =	simm.s32 $0x5;
	s20 =	simm.s32 $0x2  }
0x6: {  	s21 =	simm.s32 $0x6;
	s22 =	simm.s32 $0x3;
	s23 =	simm.s32 $0x7  }
0x7: {  	s12 =	simm.s32 $0x0;
	s13 =	simm.s32 $0x0;
	s2 =	sand.u32 $0x1, s2  }
0x8: {  	s6 =	sshll.u32 s5, $0xB;
	s7 =	sshll.u32 s2, $0xA;
	s2 =	ssub.s32 $0x2, s2  }
0x9: {  	s5 =	simm.s32 $0x0;
	s6 =	sor.u32 s7, s6;
	s8 =	sshrl.u32 s2, $0x1  }
0xa: {  	[smem:$0x7FF] =	sst s5;
	s7 =	sshrl.u32 s6, $0x3;
	s2 =	ssub.s32 s2, s8  }
0xb: {  	_ =	strace $0x80000047;
	s0 =	sadd.s32 s7, s0;
	s31 =	smax.u32 s2, $0x1  }
0xc: {  	s7 =	smul.u32 $0x300, s7;
	s29 =	sadd.s32 $0x1600, s0;
	[dreg:$0xa] =	wrdreg s31  }
0xd: {  	s10 =	sadd.s32 $0x100, s3;
	s0 =	sadd.s32 $0x600, s0;
	[dreg:$0x5] =	wrdreg s29  }
0xe: {  	s11 =	sadd.s32 $0x200, s3;
	[dreg:$0x6] =	wrdreg s0;
	s30 =	sadd.s32 s1, s7  }
0xf: {  	v2 =	vlaneseq.u32;
	s15 =	sadd.s32 $0xC00, s4;
	s7 =	sadd.s32 $0x600, s30;
	[dreg:$0x7] =	wrdreg s30  }
0x10: {  	vm0 =	vmmov $0xffff;
	v1 =	vshrl.u32 v2, $0x3;
	s8 =	simm.s32 $0x8;
	s0 =	sadd.s32 $0xC00, s30;
	[dreg:$0x8] =	wrdreg s7  }
0x11: {  	v0 =	vand.u32 $0x7, v2;
	v2 =	vor.u32 $0x8, v2;
	v1 =	vmul.u32 $0x8, v1;
	[dreg:$0x9] =	wrdreg s0;
	s0 =	simm.s32 $0x6C00;
	s7 =	simm.s32 $0x4  }
.LBB2_1:
0x12: {  	[dreg:$0xb] =	wrdreg s12  }
0x13: {  	s2 =	rddreg [dreg:$0x5];
	s9 =	simm.s32 $0xD  }
0x14: {  	[tilespmem:s5], [sflag:$0xD] =	stream.linear.gather [hbm4b:s2+s5], $0x400, $0x38;
	[tilespmem:$0x18C00] =	vst v63  }
0x15: {  	_ =	swait.ge [sflag:s9], $0x400  }
0x16: {  	[sflag:s9] =	ssyncset.done $0x0  }
0x17: {  	s31 =	simm.s32 $0x400;
	s30 =	rddreg [dreg:$0x6];
	[sflag:s9] =	ssyncadd.s32 $0xFFFFFC00  }
0x18: {  	[tilespmem:s31], [sflag:$0xD] =	stream.linear.gather [hbm4b:s30+s5], $0x400, $0x38;
	[tilespmem:$0x18C00] =	vst v63  }
0x19: {  	_ =	swait.ge [sflag:s9], $0x400  }
0x1a: {  	[sflag:s9] =	ssyncset.done $0x0  }
0x1b: {  	s2 =	simm.s32 $0x0;
	[sflag:s9] =	ssyncadd.s32 $0xFFFFFC00  }
0x1c: {  	v3 =	vld [tilespmem:s2+$0x0]  }
0x1d: {  	s9 =	simm.s32 $0x40;
	v4 =	vld [tilespmem:s2+$0x400]  }
.LBB2_2:
0x1e: {  	p0 =	sne.s32 s9, $0xFC0  }
.Ltmp0:
0x1f: {  	_ = 	snop;
	(pc) =	sbr.rel @p0 .LBB2_2-.Ltmp0, $4  }
0x20: {  	_ = 	snop  }
0x21: {  	s12 =	sshra.s32 s9, $0x2;
	s9 =	sadd.s32 $0x40, s9;
	v5 =	vshll.u32 v3, $0x5  }
0x22: {  	v3 =	vld [tilespmem:s12+$0x0];
	v5 =	vadd.s32 v4, v5  }
0x23: {  	v4 =	vld [tilespmem:s12+$0x400];
	[tilespmem:s2+$0x800] =	vst v5;
	s2 =	smov.u32 s12  }
0x24: {  	_ =	sdelay $0x2  }
0x25: {  	v3 =	vshll.u32 v3, $0x5  }
0x26: {  	v3 =	vadd.s32 v4, v3  }
0x27: {  	s31 =	rddreg [dreg:$0x7];
	s9 =	simm.s32 $0xC00;
	[tilespmem:s2+$0x800] =	vst v3  }
0x28: {  	[tilespmem:s9], [sflag:$0x1] =	stream.linear.gather [hbm4b:s31+s13], $0x3000, $0x38;
	[tilespmem:$0x18C00] =	vst v63  }
0x29: {  	v3 =	vld [tilespmem:$0x800];
	_ =	sdelay $0x4  }
0x2a: {  	v61 =	vshrl.u32 v3, $0x3  }
0x2b: {  	v4 =	vmul.u32 $0x30, v61  }
0x2c: {  	v3 =	vand.u32 $0x7, v3  }
0x2d: {  	v3 =	vor.u32 v3, v4  }
0x2e: {  	v4 =	vperm.xlane v3, v0;
	_ =	sdelay $0x1  }
0x2f: {  	v4 =	vadd.s32 v1, v4;
	_ =	sdelay $0x3  }
0x30: {  	s9 =	simm.s32 $0xCC00;
	v3 =	vperm.xlane v3, v2  }
0x31: {  	[tilespmem:s9], [sflag:$0x5] =	stream.indirect_vreg.gather [hbm4b:s3+s13], $0x80, v4, vm0, $0xb8;
	[tilespmem:$0x18C00] =	vst v63  }
0x32: {  	s12 =	simm.s32 $0xD400;
	v3 =	vadd.s32 v1, v3  }
0x33: {  	[tilespmem:s12], [sflag:$0x5] =	stream.indirect_vreg.gather [hbm4b:s10+s13], $0x80, v4, vm0, $0xb8;
	[tilespmem:$0x18C00] =	vst v63  }
0x34: {  	s14 =	simm.s32 $0xDC00  }
0x35: {  	[tilespmem:s14], [sflag:$0x5] =	stream.indirect_vreg.gather [hbm4b:s11+s13], $0x80, v4, vm0, $0xb8;
	[tilespmem:$0x18C00] =	vst v63  }
0x36: {  	s16 =	simm.s32 $0xE400  }
0x37: {  	[tilespmem:s16], [sflag:$0x5] =	stream.indirect_vreg.gather [hbm4b:s3+s13], $0x80, v3, vm0, $0xb8;
	[tilespmem:$0x18C00] =	vst v63  }
0x38: {  	s18 =	simm.s32 $0xEC00  }
0x39: {  	[tilespmem:s18], [sflag:$0x5] =	stream.indirect_vreg.gather [hbm4b:s10+s13], $0x80, v3, vm0, $0xb8;
	[tilespmem:$0x18C00] =	vst v63  }
0x3a: {  	s26 =	simm.s32 $0xF400  }
0x3b: {  	[tilespmem:s26], [sflag:$0x5] =	stream.indirect_vreg.gather [hbm4b:s11+s13], $0x80, v3, vm0, $0xb8;
	[tilespmem:$0x18C00] =	vst v63  }
0x3c: {  	s28 =	rddreg [dreg:$0x8]  }
0x3d: {  	[tilespmem:s25], [sflag:$0x2] =	stream.linear.gather [hbm4b:s28+s13], $0x3000, $0x38;
	[tilespmem:$0x18C00] =	vst v63  }
0x3e: {  	v3 =	vld [tilespmem:$0x810];
	_ =	sdelay $0x4  }
0x3f: {  	v62 =	vshrl.u32 v3, $0x3  }
0x40: {  	v4 =	vmul.u32 $0x30, v62  }
0x41: {  	v3 =	vand.u32 $0x7, v3  }
0x42: {  	v3 =	vor.u32 v3, v4  }
0x43: {  	v4 =	vperm.xlane v3, v0;
	_ =	sdelay $0x1  }
0x44: {  	v4 =	vadd.s32 v1, v4;
	_ =	sdelay $0x3  }
0x45: {  	s29 =	simm.s32 $0xFC00;
	v3 =	vperm.xlane v3, v2  }
0x46: {  	[tilespmem:s29], [sflag:$0x6] =	stream.indirect_vreg.gather [hbm4b:s3+s13], $0x80, v4, vm0, $0xb8;
	[tilespmem:$0x18C00] =	vst v63  }
0x47: {  	s30 =	simm.s32 $0x10400;
	v3 =	vadd.s32 v1, v3  }
0x48: {  	[tilespmem:s30], [sflag:$0x6] =	stream.indirect_vreg.gather [hbm4b:s10+s13], $0x80, v4, vm0, $0xb8;
	[tilespmem:$0x18C00] =	vst v63  }
0x49: {  	s31 =	simm.s32 $0x10C00  }
0x4a: {  	[tilespmem:s31], [sflag:$0x6] =	stream.indirect_vreg.gather [hbm4b:s11+s13], $0x80, v4, vm0, $0xb8;
	[tilespmem:$0x18C00] =	vst v63  }
0x4b: {  	s9 =	simm.s32 $0x11400  }
0x4c: {  	[tilespmem:s9], [sflag:$0x6] =	stream.indirect_vreg.gather [hbm4b:s3+s13], $0x80, v3, vm0, $0xb8;
	[tilespmem:$0x18C00] =	vst v63  }
0x4d: {  	s12 =	simm.s32 $0x11C00  }
0x4e: {  	[tilespmem:s12], [sflag:$0x6] =	stream.indirect_vreg.gather [hbm4b:s10+s13], $0x80, v3, vm0, $0xb8;
	[tilespmem:$0x18C00] =	vst v63  }
0x4f: {  	s14 =	simm.s32 $0x12400  }
0x50: {  	[tilespmem:s14], [sflag:$0x6] =	stream.indirect_vreg.gather [hbm4b:s11+s13], $0x80, v3, vm0, $0xb8;
	[tilespmem:$0x18C00] =	vst v63  }
0x51: {  	s16 =	rddreg [dreg:$0x9]  }
0x52: {  	[tilespmem:s0], [sflag:$0x3] =	stream.linear.gather [hbm4b:s16+s13], $0x3000, $0x38;
	[tilespmem:$0x18C00] =	vst v63  }
0x53: {  	v3 =	vld [tilespmem:$0x820];
	_ =	sdelay $0x4  }
0x54: {  	v63 =	vshrl.u32 v3, $0x3  }
0x55: {  	v4 =	vmul.u32 $0x30, v63  }
0x56: {  	v3 =	vand.u32 $0x7, v3  }
0x57: {  	v3 =	vor.u32 v3, v4  }
0x58: {  	v4 =	vperm.xlane v3, v0;
	_ =	sdelay $0x1  }
0x59: {  	v4 =	vadd.s32 v1, v4;
	_ =	sdelay $0x3  }
0x5a: {  	s18 =	simm.s32 $0x12C00;
	v3 =	vperm.xlane v3, v2  }
0x5b: {  	[tilespmem:s18], [sflag:$0x7] =	stream.indirect_vreg.gather [hbm4b:s3+s13], $0x80, v4, vm0, $0xb8;
	[tilespmem:$0x18C00] =	vst v63  }
0x5c: {  	s26 =	simm.s32 $0x13400;
	v3 =	vadd.s32 v1, v3  }
0x5d: {  	[tilespmem:s26], [sflag:$0x7] =	stream.indirect_vreg.gather [hbm4b:s10+s13], $0x80, v4, vm0, $0xb8;
	[tilespmem:$0x18C00] =	vst v63  }
0x5e: {  	s28 =	simm.s32 $0x13C00  }
0x5f: {  	[tilespmem:s28], [sflag:$0x7] =	stream.indirect_vreg.gather [hbm4b:s11+s13], $0x80, v4, vm0, $0xb8;
	[tilespmem:$0x18C00] =	vst v63  }
0x60: {  	s29 =	simm.s32 $0x14400  }
0x61: {  	[tilespmem:s29], [sflag:$0x7] =	stream.indirect_vreg.gather [hbm4b:s3+s13], $0x80, v3, vm0, $0xb8;
	[tilespmem:$0x18C00] =	vst v63  }
0x62: {  	s30 =	simm.s32 $0x14C00  }
0x63: {  	[tilespmem:s30], [sflag:$0x7] =	stream.indirect_vreg.gather [hbm4b:s10+s13], $0x80, v3, vm0, $0xb8;
	[tilespmem:$0x18C00] =	vst v63  }
0x64: {  	s31 =	simm.s32 $0x15400;
	s14 =	simm.s32 $0x0  }
0x65: {  	[tilespmem:s31], [sflag:$0x7] =	stream.indirect_vreg.gather [hbm4b:s11+s13], $0x80, v3, vm0, $0xb8;
	[tilespmem:$0x18C00] =	vst v63  }
.LBB2_4:
0x66: {  	s16 =	sshll.u32 s14, $0x6  }
0x67: {  	s2 =	sor.u32 $0x30, s16  }
0x68: {  	p0 =	seq.s32 s14, $0x0;
	s9 =	sor.u32 s6, s2  }
0x69: {  	s12 =	simm.s32 @!p0 $0xC;
	s9 =	sshrl.u32 s9, $0x3  }
0x6a: {  	_ =	swait.ge @!p0 [sflag:s12], $0x3000;
	s9 =	smul.u32 $0x300, s9  }
0x6b: {  	[sflag:s12] =	ssyncset.done @!p0 $0x0  }
0x6c: {  	[sflag:s12] =	ssyncadd.s32 @!p0 $0xFFFFD000;
	s29 =	sadd.s32 s1, s9  }
0x6d: {  	[tilespmem:s24], [sflag:$0x4] =	stream.linear.gather [hbm4b:s29+s13], $0x3000, $0x38;
	[tilespmem:$0x18C00] =	vst v63  }
0x6e: {  	v3 =	vld [tilespmem:s2+$0x800];
	_ =	sdelay $0x4  }
0x6f: {  	v4 =	vshrl.u32 v3, $0x3  }
0x70: {  	v4 =	vmul.u32 $0x30, v4  }
0x71: {  	v3 =	vand.u32 $0x7, v3  }
0x72: {  	v3 =	vor.u32 v3, v4  }
0x73: {  	v4 =	vperm.xlane v3, v0;
	_ =	sdelay $0x1  }
0x74: {  	v4 =	vadd.s32 v1, v4;
	_ =	sdelay $0x3  }
0x75: {  	s30 =	simm.s32 $0x15C00;
	v3 =	vperm.xlane v3, v2  }
0x76: {  	[tilespmem:s30], [sflag:$0x8] =	stream.indirect_vreg.gather [hbm4b:s3+s13], $0x80, v4, vm0, $0xb8;
	[tilespmem:$0x18C00] =	vst v63  }
0x77: {  	s31 =	simm.s32 $0x16400;
	v3 =	vadd.s32 v1, v3  }
0x78: {  	[tilespmem:s31], [sflag:$0x8] =	stream.indirect_vreg.gather [hbm4b:s10+s13], $0x80, v4, vm0, $0xb8;
	[tilespmem:$0x18C00] =	vst v63  }
0x79: {  	s12 =	simm.s32 $0x16C00  }
0x7a: {  	[tilespmem:s12], [sflag:$0x8] =	stream.indirect_vreg.gather [hbm4b:s11+s13], $0x80, v4, vm0, $0xb8;
	[tilespmem:$0x18C00] =	vst v63  }
0x7b: {  	s18 =	simm.s32 $0x17400  }
0x7c: {  	[tilespmem:s18], [sflag:$0x8] =	stream.indirect_vreg.gather [hbm4b:s3+s13], $0x80, v3, vm0, $0xb8;
	[tilespmem:$0x18C00] =	vst v63  }
0x7d: {  	s26 =	simm.s32 $0x17C00  }
0x7e: {  	[tilespmem:s26], [sflag:$0x8] =	stream.indirect_vreg.gather [hbm4b:s10+s13], $0x80, v3, vm0, $0xb8;
	[tilespmem:$0x18C00] =	vst v63  }
0x7f: {  	s29 =	simm.s32 $0x18400  }
0x80: {  	[tilespmem:s29], [sflag:$0x8] =	stream.indirect_vreg.gather [hbm4b:s11+s13], $0x80, v3, vm0, $0xb8;
	[tilespmem:$0x18C00] =	vst v63  }
0x81: {  	_ =	swait.ge [sflag:s17], $0x3000  }
0x82: {  	[sflag:s17] =	ssyncset.done $0x0  }
0x83: {  	s30 =	simm.s32 $0x0;
	[sflag:s17] =	ssyncadd.s32 $0xFFFFD000  }
0x84: {  	s2 =	smul.u32 $0x1800, s30;
	_ =	swait.ge [sflag:s19], $0x3000  }
0x85: {  	s31 =	sand.u32 $0x380, s13;
	[sflag:s19] =	ssyncset.done $0x0  }
0x86: {  	s12 =	sor.u32 s31, s2;
	[sflag:s19] =	ssyncadd.s32 $0xFFFFD000  }
0x87: {  	v3 =	vld [tilespmem:s12+$0xE070]  }
0x88: {  	v6 =	vld [tilespmem:s12+$0xCC00]  }
0x89: {  	v7 =	vld [tilespmem:s12+$0xCC10]  }
0x8a: {  	v8 =	vld [tilespmem:s12+$0xCC20]  }
0x8b: {  	v9 =	vld [tilespmem:s12+$0xCC30]  }
0x8c: {  	v10 =	vld [tilespmem:s12+$0xCC40]  }
0x8d: {  	v11 =	vld [tilespmem:s12+$0xCC50]  }
0x8e: {  	v12 =	vld [tilespmem:s12+$0xCC60]  }
0x8f: {  	v13 =	vld [tilespmem:s12+$0xCC70]  }
0x90: {  	v14 =	vld [tilespmem:s12+$0xD000]  }
0x91: {  	v15 =	vld [tilespmem:s12+$0xD010]  }
0x92: {  	v16 =	vld [tilespmem:s12+$0xD020]  }
0x93: {  	v17 =	vld [tilespmem:s12+$0xD030]  }
0x94: {  	v18 =	vld [tilespmem:s12+$0xD040]  }
0x95: {  	v19 =	vld [tilespmem:s12+$0xD050]  }
0x96: {  	v20 =	vld [tilespmem:s12+$0xD060]  }
0x97: {  	v21 =	vld [tilespmem:s12+$0xD070]  }
0x98: {  	v22 =	vld [tilespmem:s12+$0xD400]  }
0x99: {  	v23 =	vld [tilespmem:s12+$0xD410]  }
0x9a: {  	v24 =	vld [tilespmem:s12+$0xD420]  }
0x9b: {  	v25 =	vld [tilespmem:s12+$0xD430]  }
0x9c: {  	v26 =	vld [tilespmem:s12+$0xD440]  }
0x9d: {  	v27 =	vld [tilespmem:s12+$0xD450]  }
0x9e: {  	v28 =	vld [tilespmem:s12+$0xD460]  }
0x9f: {  	v29 =	vld [tilespmem:s12+$0xD470]  }
0xa0: {  	v30 =	vld [tilespmem:s12+$0xD800]  }
0xa1: {  	v31 =	vld [tilespmem:s12+$0xD810]  }
0xa2: {  	v32 =	vld [tilespmem:s12+$0xD820]  }
0xa3: {  	v33 =	vld [tilespmem:s12+$0xD830]  }
0xa4: {  	v34 =	vld [tilespmem:s12+$0xD840]  }
0xa5: {  	v35 =	vld [tilespmem:s12+$0xD850]  }
0xa6: {  	v36 =	vld [tilespmem:s12+$0xD860]  }
0xa7: {  	v37 =	vld [tilespmem:s12+$0xD870]  }
0xa8: {  	v38 =	vld [tilespmem:s12+$0xDC00]  }
0xa9: {  	v39 =	vld [tilespmem:s12+$0xDC10]  }
0xaa: {  	v40 =	vld [tilespmem:s12+$0xDC20]  }
0xab: {  	v41 =	vld [tilespmem:s12+$0xDC30]  }
0xac: {  	v42 =	vld [tilespmem:s12+$0xDC40]  }
0xad: {  	v43 =	vld [tilespmem:s12+$0xDC50]  }
0xae: {  	v44 =	vld [tilespmem:s12+$0xDC60]  }
0xaf: {  	v45 =	vld [tilespmem:s12+$0xDC70]  }
0xb0: {  	v46 =	vld [tilespmem:s12+$0xE000]  }
0xb1: {  	v47 =	vld [tilespmem:s12+$0xE010]  }
0xb2: {  	v48 =	vld [tilespmem:s12+$0xE020]  }
0xb3: {  	v49 =	vld [tilespmem:s12+$0xE030]  }
0xb4: {  	v5 =	vld [tilespmem:s12+$0xE040]  }
0xb5: {  	v4 =	vld [tilespmem:s12+$0xE050]  }
0xb6: {  	[tilespmem:s12+$0x2070] =	vst.add.f32.msk $0xffff, v3  }
0xb7: {  	v3 =	vld [tilespmem:s12+$0xE060]  }
0xb8: {  	[tilespmem:s12+$0xC00] =	vst.add.f32.msk $0xffff, v6  }
0xb9: {  	[tilespmem:s12+$0xC10] =	vst.add.f32.msk $0xffff, v7  }
0xba: {  	[tilespmem:s12+$0xC20] =	vst.add.f32.msk $0xffff, v8  }
0xbb: {  	[tilespmem:s12+$0xC30] =	vst.add.f32.msk $0xffff, v9  }
0xbc: {  	[tilespmem:s12+$0xC40] =	vst.add.f32.msk $0xffff, v10  }
0xbd: {  	[tilespmem:s12+$0xC50] =	vst.add.f32.msk $0xffff, v11  }
0xbe: {  	[tilespmem:s12+$0xC60] =	vst.add.f32.msk $0xffff, v12  }
0xbf: {  	[tilespmem:s12+$0xC70] =	vst.add.f32.msk $0xffff, v13  }
0xc0: {  	[tilespmem:s12+$0x1000] =	vst.add.f32.msk $0xffff, v14  }
0xc1: {  	[tilespmem:s12+$0x1010] =	vst.add.f32.msk $0xffff, v15  }
0xc2: {  	[tilespmem:s12+$0x1020] =	vst.add.f32.msk $0xffff, v16  }
0xc3: {  	[tilespmem:s12+$0x1030] =	vst.add.f32.msk $0xffff, v17  }
0xc4: {  	[tilespmem:s12+$0x1040] =	vst.add.f32.msk $0xffff, v18  }
0xc5: {  	[tilespmem:s12+$0x1050] =	vst.add.f32.msk $0xffff, v19  }
0xc6: {  	[tilespmem:s12+$0x1060] =	vst.add.f32.msk $0xffff, v20  }
0xc7: {  	[tilespmem:s12+$0x1070] =	vst.add.f32.msk $0xffff, v21  }
0xc8: {  	[tilespmem:s12+$0x1400] =	vst.add.f32.msk $0xffff, v22  }
0xc9: {  	[tilespmem:s12+$0x1410] =	vst.add.f32.msk $0xffff, v23  }
0xca: {  	[tilespmem:s12+$0x1420] =	vst.add.f32.msk $0xffff, v24  }
0xcb: {  	[tilespmem:s12+$0x1430] =	vst.add.f32.msk $0xffff, v25  }
0xcc: {  	[tilespmem:s12+$0x1440] =	vst.add.f32.msk $0xffff, v26  }
0xcd: {  	[tilespmem:s12+$0x1450] =	vst.add.f32.msk $0xffff, v27  }
0xce: {  	[tilespmem:s12+$0x1460] =	vst.add.f32.msk $0xffff, v28  }
0xcf: {  	[tilespmem:s12+$0x1470] =	vst.add.f32.msk $0xffff, v29  }
0xd0: {  	[tilespmem:s12+$0x1800] =	vst.add.f32.msk $0xffff, v30  }
0xd1: {  	[tilespmem:s12+$0x1810] =	vst.add.f32.msk $0xffff, v31  }
0xd2: {  	[tilespmem:s12+$0x1820] =	vst.add.f32.msk $0xffff, v32  }
0xd3: {  	[tilespmem:s12+$0x1830] =	vst.add.f32.msk $0xffff, v33  }
0xd4: {  	[tilespmem:s12+$0x1840] =	vst.add.f32.msk $0xffff, v34  }
0xd5: {  	[tilespmem:s12+$0x1850] =	vst.add.f32.msk $0xffff, v35  }
0xd6: {  	[tilespmem:s12+$0x1860] =	vst.add.f32.msk $0xffff, v36  }
0xd7: {  	[tilespmem:s12+$0x1870] =	vst.add.f32.msk $0xffff, v37  }
0xd8: {  	[tilespmem:s12+$0x1C00] =	vst.add.f32.msk $0xffff, v38  }
0xd9: {  	[tilespmem:s12+$0x1C10] =	vst.add.f32.msk $0xffff, v39  }
0xda: {  	[tilespmem:s12+$0x1C20] =	vst.add.f32.msk $0xffff, v40  }
0xdb: {  	[tilespmem:s12+$0x1C30] =	vst.add.f32.msk $0xffff, v41  }
0xdc: {  	[tilespmem:s12+$0x1C40] =	vst.add.f32.msk $0xffff, v42  }
0xdd: {  	[tilespmem:s12+$0x1C50] =	vst.add.f32.msk $0xffff, v43  }
0xde: {  	[tilespmem:s12+$0x1C60] =	vst.add.f32.msk $0xffff, v44  }
0xdf: {  	[tilespmem:s12+$0x1C70] =	vst.add.f32.msk $0xffff, v45  }
0xe0: {  	[tilespmem:s12+$0x2000] =	vst.add.f32.msk $0xffff, v46  }
0xe1: {  	[tilespmem:s12+$0x2010] =	vst.add.f32.msk $0xffff, v47  }
0xe2: {  	[tilespmem:s12+$0x2020] =	vst.add.f32.msk $0xffff, v48  }
0xe3: {  	s28 =	simm.s32 $0x2;
	s2 =	simm.s32 $0x0;
	s26 =	simm.s32 $0x0;
	[tilespmem:s12+$0x2030] =	vst.add.f32.msk $0xffff, v49  }
.LBB2_5:
0xe4: {  	p0 =	sne.s32 s28, $0xF;
	s2 =	smul.u32 $0x1800, s2;
	[tilespmem:s12+$0x2040] =	vst.add.f32.msk $0xffff, v5;
	s26 =	sadd.s32 $0x80, s26  }
0xe5: {  	s29 =	sand.u32 $0x380, s26;
	[tilespmem:s12+$0x2050] =	vst.add.f32.msk $0xffff, v4  }
0xe6: {  	[tilespmem:s12+$0x2060] =	vst.add.f32.msk $0xffff, v3;
	s12 =	sor.u32 s29, s2  }
0xe7: {  	v3 =	vld [tilespmem:s12+$0xE070]  }
0xe8: {  	v6 =	vld [tilespmem:s12+$0xCC00]  }
0xe9: {  	v7 =	vld [tilespmem:s12+$0xCC10]  }
0xea: {  	v8 =	vld [tilespmem:s12+$0xCC20]  }
0xeb: {  	v9 =	vld [tilespmem:s12+$0xCC30]  }
0xec: {  	[tilespmem:s12+$0x2070] =	vst.add.f32.msk $0xffff, v3  }
0xed: {  	v10 =	vld [tilespmem:s12+$0xCC40]  }
0xee: {  	v11 =	vld [tilespmem:s12+$0xCC50]  }
0xef: {  	v12 =	vld [tilespmem:s12+$0xCC60]  }
0xf0: {  	v13 =	vld [tilespmem:s12+$0xCC70]  }
0xf1: {  	v14 =	vld [tilespmem:s12+$0xD000]  }
0xf2: {  	v15 =	vld [tilespmem:s12+$0xD010]  }
0xf3: {  	v16 =	vld [tilespmem:s12+$0xD020]  }
0xf4: {  	v17 =	vld [tilespmem:s12+$0xD030]  }
0xf5: {  	v18 =	vld [tilespmem:s12+$0xD040]  }
0xf6: {  	v19 =	vld [tilespmem:s12+$0xD050]  }
0xf7: {  	v20 =	vld [tilespmem:s12+$0xD060]  }
0xf8: {  	v21 =	vld [tilespmem:s12+$0xD070]  }
0xf9: {  	v22 =	vld [tilespmem:s12+$0xD400]  }
0xfa: {  	v23 =	vld [tilespmem:s12+$0xD410]  }
0xfb: {  	v24 =	vld [tilespmem:s12+$0xD420]  }
0xfc: {  	v25 =	vld [tilespmem:s12+$0xD430]  }
0xfd: {  	v26 =	vld [tilespmem:s12+$0xD440]  }
0xfe: {  	v27 =	vld [tilespmem:s12+$0xD450]  }
0xff: {  	v28 =	vld [tilespmem:s12+$0xD460]  }
0x100: {  	v29 =	vld [tilespmem:s12+$0xD470]  }
0x101: {  	v30 =	vld [tilespmem:s12+$0xD800]  }
0x102: {  	v31 =	vld [tilespmem:s12+$0xD810]  }
0x103: {  	v32 =	vld [tilespmem:s12+$0xD820]  }
0x104: {  	v33 =	vld [tilespmem:s12+$0xD830]  }
0x105: {  	v34 =	vld [tilespmem:s12+$0xD840]  }
0x106: {  	v35 =	vld [tilespmem:s12+$0xD850]  }
0x107: {  	v36 =	vld [tilespmem:s12+$0xD860]  }
0x108: {  	v37 =	vld [tilespmem:s12+$0xD870]  }
0x109: {  	v38 =	vld [tilespmem:s12+$0xDC00]  }
0x10a: {  	v39 =	vld [tilespmem:s12+$0xDC10]  }
0x10b: {  	v40 =	vld [tilespmem:s12+$0xDC20]  }
0x10c: {  	v41 =	vld [tilespmem:s12+$0xDC30]  }
0x10d: {  	v42 =	vld [tilespmem:s12+$0xDC40]  }
0x10e: {  	v43 =	vld [tilespmem:s12+$0xDC50]  }
0x10f: {  	v44 =	vld [tilespmem:s12+$0xDC60]  }
0x110: {  	v45 =	vld [tilespmem:s12+$0xDC70]  }
0x111: {  	v46 =	vld [tilespmem:s12+$0xE000]  }
0x112: {  	v47 =	vld [tilespmem:s12+$0xE010]  }
0x113: {  	v48 =	vld [tilespmem:s12+$0xE020]  }
0x114: {  	v49 =	vld [tilespmem:s12+$0xE030]  }
0x115: {  	v5 =	vld [tilespmem:s12+$0xE040]  }
0x116: {  	v4 =	vld [tilespmem:s12+$0xE050]  }
0x117: {  	v3 =	vld [tilespmem:s12+$0xE060]  }
0x118: {  	[tilespmem:s12+$0xC00] =	vst.add.f32.msk $0xffff, v6  }
0x119: {  	[tilespmem:s12+$0xC10] =	vst.add.f32.msk $0xffff, v7  }
0x11a: {  	[tilespmem:s12+$0xC20] =	vst.add.f32.msk $0xffff, v8  }
0x11b: {  	[tilespmem:s12+$0xC30] =	vst.add.f32.msk $0xffff, v9  }
0x11c: {  	[tilespmem:s12+$0xC40] =	vst.add.f32.msk $0xffff, v10  }
0x11d: {  	[tilespmem:s12+$0xC50] =	vst.add.f32.msk $0xffff, v11  }
0x11e: {  	[tilespmem:s12+$0xC60] =	vst.add.f32.msk $0xffff, v12  }
0x11f: {  	[tilespmem:s12+$0xC70] =	vst.add.f32.msk $0xffff, v13  }
0x120: {  	[tilespmem:s12+$0x1000] =	vst.add.f32.msk $0xffff, v14  }
0x121: {  	[tilespmem:s12+$0x1010] =	vst.add.f32.msk $0xffff, v15  }
0x122: {  	[tilespmem:s12+$0x1020] =	vst.add.f32.msk $0xffff, v16  }
0x123: {  	[tilespmem:s12+$0x1030] =	vst.add.f32.msk $0xffff, v17  }
0x124: {  	[tilespmem:s12+$0x1040] =	vst.add.f32.msk $0xffff, v18  }
0x125: {  	[tilespmem:s12+$0x1050] =	vst.add.f32.msk $0xffff, v19  }
0x126: {  	[tilespmem:s12+$0x1060] =	vst.add.f32.msk $0xffff, v20  }
0x127: {  	[tilespmem:s12+$0x1070] =	vst.add.f32.msk $0xffff, v21  }
0x128: {  	[tilespmem:s12+$0x1400] =	vst.add.f32.msk $0xffff, v22  }
0x129: {  	[tilespmem:s12+$0x1410] =	vst.add.f32.msk $0xffff, v23  }
0x12a: {  	[tilespmem:s12+$0x1420] =	vst.add.f32.msk $0xffff, v24  }
0x12b: {  	[tilespmem:s12+$0x1430] =	vst.add.f32.msk $0xffff, v25  }
0x12c: {  	[tilespmem:s12+$0x1440] =	vst.add.f32.msk $0xffff, v26  }
0x12d: {  	[tilespmem:s12+$0x1450] =	vst.add.f32.msk $0xffff, v27  }
0x12e: {  	[tilespmem:s12+$0x1460] =	vst.add.f32.msk $0xffff, v28  }
0x12f: {  	[tilespmem:s12+$0x1470] =	vst.add.f32.msk $0xffff, v29  }
0x130: {  	[tilespmem:s12+$0x1800] =	vst.add.f32.msk $0xffff, v30  }
0x131: {  	[tilespmem:s12+$0x1810] =	vst.add.f32.msk $0xffff, v31  }
0x132: {  	[tilespmem:s12+$0x1820] =	vst.add.f32.msk $0xffff, v32  }
0x133: {  	[tilespmem:s12+$0x1830] =	vst.add.f32.msk $0xffff, v33  }
0x134: {  	[tilespmem:s12+$0x1840] =	vst.add.f32.msk $0xffff, v34  }
0x135: {  	[tilespmem:s12+$0x1850] =	vst.add.f32.msk $0xffff, v35  }
0x136: {  	[tilespmem:s12+$0x1860] =	vst.add.f32.msk $0xffff, v36  }
0x137: {  	[tilespmem:s12+$0x1870] =	vst.add.f32.msk $0xffff, v37  }
0x138: {  	[tilespmem:s12+$0x1C00] =	vst.add.f32.msk $0xffff, v38  }
0x139: {  	[tilespmem:s12+$0x1C10] =	vst.add.f32.msk $0xffff, v39  }
0x13a: {  	[tilespmem:s12+$0x1C20] =	vst.add.f32.msk $0xffff, v40  }
0x13b: {  	[tilespmem:s12+$0x1C30] =	vst.add.f32.msk $0xffff, v41  }
0x13c: {  	[tilespmem:s12+$0x1C40] =	vst.add.f32.msk $0xffff, v42  }
0x13d: {  	[tilespmem:s12+$0x1C50] =	vst.add.f32.msk $0xffff, v43  }
0x13e: {  	[tilespmem:s12+$0x1C60] =	vst.add.f32.msk $0xffff, v44  }
.Ltmp1:
0x13f: {  	[tilespmem:s12+$0x1C70] =	vst.add.f32.msk $0xffff, v45;
	(pc) =	sbr.rel @p0 .LBB2_5-.Ltmp1, $4  }
0x140: {  	[tilespmem:s12+$0x2000] =	vst.add.f32.msk $0xffff, v46  }
0x141: {  	[tilespmem:s12+$0x2010] =	vst.add.f32.msk $0xffff, v47  }
0x142: {  	[tilespmem:s12+$0x2020] =	vst.add.f32.msk $0xffff, v48  }
0x143: {  	s2 =	sshrl.u32 s28, $0x3;
	s28 =	sadd.s32 $0x1, s28;
	[tilespmem:s12+$0x2030] =	vst.add.f32.msk $0xffff, v49  }
0x144: {  	s2 =	smul.u32 $0x1800, s2;
	[tilespmem:s12+$0x2040] =	vst.add.f32.msk $0xffff, v5;
	s26 =	sadd.s32 $0x80, s26  }
0x145: {  	[tilespmem:s12+$0x2050] =	vst.add.f32.msk $0xffff, v4;
	s26 =	sand.u32 $0x380, s26  }
0x146: {  	[tilespmem:s12+$0x2060] =	vst.add.f32.msk $0xffff, v3;
	s26 =	sor.u32 s26, s2  }
0x147: {  	v3 =	vld [tilespmem:s26+$0xE070]  }
0x148: {  	v4 =	vld [tilespmem:s26+$0xCC00]  }
0x149: {  	v5 =	vld [tilespmem:s26+$0xCC10]  }
0x14a: {  	v6 =	vld [tilespmem:s26+$0xCC20]  }
0x14b: {  	v7 =	vld [tilespmem:s26+$0xCC30]  }
0x14c: {  	v8 =	vld [tilespmem:s26+$0xCC50]  }
0x14d: {  	v9 =	vld [tilespmem:s26+$0xCC60]  }
0x14e: {  	v10 =	vld [tilespmem:s26+$0xCC70]  }
0x14f: {  	v11 =	vld [tilespmem:s26+$0xD000]  }
0x150: {  	v12 =	vld [tilespmem:s26+$0xD010]  }
0x151: {  	v13 =	vld [tilespmem:s26+$0xD020]  }
0x152: {  	v14 =	vld [tilespmem:s26+$0xD030]  }
0x153: {  	v15 =	vld [tilespmem:s26+$0xD040]  }
0x154: {  	v16 =	vld [tilespmem:s26+$0xD050]  }
0x155: {  	v17 =	vld [tilespmem:s26+$0xD060]  }
0x156: {  	v18 =	vld [tilespmem:s26+$0xD070]  }
0x157: {  	v19 =	vld [tilespmem:s26+$0xD400]  }
0x158: {  	v20 =	vld [tilespmem:s26+$0xD410]  }
0x159: {  	v21 =	vld [tilespmem:s26+$0xD420]  }
0x15a: {  	v22 =	vld [tilespmem:s26+$0xD430]  }
0x15b: {  	v23 =	vld [tilespmem:s26+$0xD440]  }
0x15c: {  	v24 =	vld [tilespmem:s26+$0xD450]  }
0x15d: {  	v25 =	vld [tilespmem:s26+$0xD460]  }
0x15e: {  	v26 =	vld [tilespmem:s26+$0xD470]  }
0x15f: {  	v27 =	vld [tilespmem:s26+$0xD800]  }
0x160: {  	v28 =	vld [tilespmem:s26+$0xD810]  }
0x161: {  	v29 =	vld [tilespmem:s26+$0xD820]  }
0x162: {  	v30 =	vld [tilespmem:s26+$0xD830]  }
0x163: {  	v31 =	vld [tilespmem:s26+$0xD840]  }
0x164: {  	v32 =	vld [tilespmem:s26+$0xD850]  }
0x165: {  	v33 =	vld [tilespmem:s26+$0xD860]  }
0x166: {  	v34 =	vld [tilespmem:s26+$0xD870]  }
0x167: {  	v35 =	vld [tilespmem:s26+$0xDC00]  }
0x168: {  	v36 =	vld [tilespmem:s26+$0xDC10]  }
0x169: {  	v37 =	vld [tilespmem:s26+$0xDC20]  }
0x16a: {  	v38 =	vld [tilespmem:s26+$0xDC30]  }
0x16b: {  	v39 =	vld [tilespmem:s26+$0xDC40]  }
0x16c: {  	v40 =	vld [tilespmem:s26+$0xDC50]  }
0x16d: {  	v41 =	vld [tilespmem:s26+$0xDC60]  }
0x16e: {  	v42 =	vld [tilespmem:s26+$0xDC70]  }
0x16f: {  	v43 =	vld [tilespmem:s26+$0xE000]  }
0x170: {  	v44 =	vld [tilespmem:s26+$0xE010]  }
0x171: {  	v45 =	vld [tilespmem:s26+$0xE020]  }
0x172: {  	v46 =	vld [tilespmem:s26+$0xE030]  }
0x173: {  	v47 =	vld [tilespmem:s26+$0xE040]  }
0x174: {  	v48 =	vld [tilespmem:s26+$0xE050]  }
0x175: {  	v49 =	vld [tilespmem:s26+$0xE060]  }
0x176: {  	[tilespmem:s26+$0x2070] =	vst.add.f32.msk $0xffff, v3  }
0x177: {  	v3 =	vld [tilespmem:s26+$0xCC40]  }
0x178: {  	[tilespmem:s26+$0xC00] =	vst.add.f32.msk $0xffff, v4  }
0x179: {  	[tilespmem:s26+$0xC10] =	vst.add.f32.msk $0xffff, v5  }
0x17a: {  	[tilespmem:s26+$0xC20] =	vst.add.f32.msk $0xffff, v6  }
0x17b: {  	[tilespmem:s26+$0xC30] =	vst.add.f32.msk $0xffff, v7  }
0x17c: {  	[tilespmem:s26+$0xC50] =	vst.add.f32.msk $0xffff, v8  }
0x17d: {  	[tilespmem:s26+$0xC60] =	vst.add.f32.msk $0xffff, v9  }
0x17e: {  	[tilespmem:s26+$0xC70] =	vst.add.f32.msk $0xffff, v10  }
0x17f: {  	[tilespmem:s26+$0x1000] =	vst.add.f32.msk $0xffff, v11  }
0x180: {  	[tilespmem:s26+$0x1010] =	vst.add.f32.msk $0xffff, v12  }
0x181: {  	[tilespmem:s26+$0x1020] =	vst.add.f32.msk $0xffff, v13  }
0x182: {  	[tilespmem:s26+$0x1030] =	vst.add.f32.msk $0xffff, v14  }
0x183: {  	[tilespmem:s26+$0x1040] =	vst.add.f32.msk $0xffff, v15  }
0x184: {  	[tilespmem:s26+$0x1050] =	vst.add.f32.msk $0xffff, v16  }
0x185: {  	[tilespmem:s26+$0x1060] =	vst.add.f32.msk $0xffff, v17  }
0x186: {  	[tilespmem:s26+$0x1070] =	vst.add.f32.msk $0xffff, v18  }
0x187: {  	[tilespmem:s26+$0x1400] =	vst.add.f32.msk $0xffff, v19  }
0x188: {  	[tilespmem:s26+$0x1410] =	vst.add.f32.msk $0xffff, v20  }
0x189: {  	[tilespmem:s26+$0x1420] =	vst.add.f32.msk $0xffff, v21  }
0x18a: {  	[tilespmem:s26+$0x1430] =	vst.add.f32.msk $0xffff, v22  }
0x18b: {  	[tilespmem:s26+$0x1440] =	vst.add.f32.msk $0xffff, v23  }
0x18c: {  	[tilespmem:s26+$0x1450] =	vst.add.f32.msk $0xffff, v24  }
0x18d: {  	[tilespmem:s26+$0x1460] =	vst.add.f32.msk $0xffff, v25  }
0x18e: {  	[tilespmem:s26+$0x1470] =	vst.add.f32.msk $0xffff, v26  }
0x18f: {  	[tilespmem:s26+$0x1800] =	vst.add.f32.msk $0xffff, v27  }
0x190: {  	[tilespmem:s26+$0x1810] =	vst.add.f32.msk $0xffff, v28  }
0x191: {  	[tilespmem:s26+$0x1820] =	vst.add.f32.msk $0xffff, v29  }
0x192: {  	[tilespmem:s26+$0x1830] =	vst.add.f32.msk $0xffff, v30  }
0x193: {  	[tilespmem:s26+$0x1840] =	vst.add.f32.msk $0xffff, v31  }
0x194: {  	[tilespmem:s26+$0x1850] =	vst.add.f32.msk $0xffff, v32  }
0x195: {  	[tilespmem:s26+$0x1860] =	vst.add.f32.msk $0xffff, v33  }
0x196: {  	[tilespmem:s26+$0x1870] =	vst.add.f32.msk $0xffff, v34  }
0x197: {  	[tilespmem:s26+$0x1C00] =	vst.add.f32.msk $0xffff, v35  }
0x198: {  	[tilespmem:s26+$0x1C10] =	vst.add.f32.msk $0xffff, v36  }
0x199: {  	[tilespmem:s26+$0x1C20] =	vst.add.f32.msk $0xffff, v37  }
0x19a: {  	[tilespmem:s26+$0x1C30] =	vst.add.f32.msk $0xffff, v38  }
0x19b: {  	[tilespmem:s26+$0x1C40] =	vst.add.f32.msk $0xffff, v39  }
0x19c: {  	[tilespmem:s26+$0x1C50] =	vst.add.f32.msk $0xffff, v40  }
0x19d: {  	[tilespmem:s26+$0x1C60] =	vst.add.f32.msk $0xffff, v41  }
0x19e: {  	[tilespmem:s26+$0x1C70] =	vst.add.f32.msk $0xffff, v42  }
0x19f: {  	[tilespmem:s26+$0x2000] =	vst.add.f32.msk $0xffff, v43  }
0x1a0: {  	[tilespmem:s26+$0x2010] =	vst.add.f32.msk $0xffff, v44  }
0x1a1: {  	[tilespmem:s26+$0x2020] =	vst.add.f32.msk $0xffff, v45  }
0x1a2: {  	s12 =	sor.u32 s6, s16;
	[tilespmem:s26+$0x2030] =	vst.add.f32.msk $0xffff, v46  }
0x1a3: {  	s2 =	sshrl.u32 s12, $0x3;
	[tilespmem:s26+$0x2040] =	vst.add.f32.msk $0xffff, v47  }
0x1a4: {  	s12 =	smul.u32 $0x300, s2;
	[tilespmem:s26+$0x2050] =	vst.add.f32.msk $0xffff, v48  }
0x1a5: {  	[tilespmem:s26+$0x2060] =	vst.add.f32.msk $0xffff, v49  }
0x1a6: {  	s18 =	simm.s32 $0xC00;
	p0 =	seq.s32 s14, $0xF;
	s2 =	sadd.s32 s4, s12;
	[tilespmem:s26+$0xC40] =	vst.add.f32.msk $0xffff, v3  }
0x1a7: {  	[hbm4b:s2+s5] =	stream.linear.scatter [tilespmem:s18], [sflag:$0x9], $0x3000, $0x38;
	[tilespmem:$0x18C00] =	vst v63  }
0x1a8: {  	s2 =	sadd.s32 @!p0 s6, s16  }
0x1a9: {  	s26 =	simm.s32 @!p0 $0x9;
	s2 =	sshrl.u32 @!p0 s2, $0x3  }
0x1aa: {  	_ =	swait.ge @!p0 [sflag:s26], $0x3000;
	s2 =	smul.u32 @!p0 $0x300, s2  }
0x1ab: {  	[sflag:s26] =	ssyncset.done @!p0 $0x0  }
0x1ac: {  	[sflag:s26] =	ssyncadd.s32 @!p0 $0xFFFFD000;
	s26 =	sadd.s32 @!p0 s1, s2  }
0x1ad: {  	s28 =	simm.s32 @!p0 $0x0;
	s29 =	simm.s32 @!p0 $0xC00;
	s2 =	sadd.s32 @!p0 $0x1800, s26  }
0x1ae: {  	[tilespmem:s29], [sflag:$0x1] =	stream.linear.gather @!p0 [hbm4b:s2+s28], $0x3000, $0x38;
	[tilespmem:$0x18C00] =	vst v63  }
0x1af: {  	v3 =	vld @!p0 [tilespmem:s16+$0x840];
	_ =	sdelay $0x4  }
0x1b0: {  	v4 =	vshrl.u32 @!p0 v3, $0x3  }
0x1b1: {  	v4 =	vmul.u32 @!p0 $0x30, v4  }
0x1b2: {  	v5 =	vlaneseq.u32 @!p0;
	v3 =	vand.u32 @!p0 $0x7, v3  }
0x1b3: {  	v6 =	vshrl.u32 @!p0 v5, $0x3;
	v3 =	vor.u32 @!p0 v3, v4;
	v4 =	vand.u32 @!p0 $0x7, v5  }
0x1b4: {  	v6 =	vmul.u32 @!p0 $0x8, v6;
	v4 =	vperm.xlane @!p0 v3, v4;
	_ =	sdelay $0x1  }
0x1b5: {  	v4 =	vadd.s32 @!p0 v6, v4;
	_ =	sdelay $0x2  }
0x1b6: {  	v5 =	vor.u32 @!p0 $0x8, v5  }
0x1b7: {  	vm1 =	vmmov @!p0 $0xffff;
	s2 =	simm.s32 @!p0 $0xCC00;
	v3 =	vperm.xlane @!p0 v3, v5  }
0x1b8: {  	[tilespmem:s2], [sflag:$0x5] =	stream.indirect_vreg.gather @!p0 [hbm4b:s3+s28], $0x80, v4, vm1, $0xb8;
	[tilespmem:$0x18C00] =	vst v63  }
0x1b9: {  	v3 =	vadd.s32 @!p0 v6, v3;
	s2 =	simm.s32 @!p0 $0xD400  }
0x1ba: {  	[tilespmem:s2], [sflag:$0x5] =	stream.indirect_vreg.gather @!p0 [hbm4b:s10+s28], $0x80, v4, vm1, $0xb8;
	[tilespmem:$0x18C00] =	vst v63  }
0x1bb: {  	s2 =	simm.s32 @!p0 $0xDC00  }
0x1bc: {  	[tilespmem:s2], [sflag:$0x5] =	stream.indirect_vreg.gather @!p0 [hbm4b:s11+s28], $0x80, v4, vm1, $0xb8;
	[tilespmem:$0x18C00] =	vst v63  }
0x1bd: {  	s2 =	simm.s32 @!p0 $0xE400  }
0x1be: {  	[tilespmem:s2], [sflag:$0x5] =	stream.indirect_vreg.gather @!p0 [hbm4b:s3+s28], $0x80, v3, vm1, $0xb8;
	[tilespmem:$0x18C00] =	vst v63  }
0x1bf: {  	s2 =	simm.s32 @!p0 $0xEC00  }
0x1c0: {  	[tilespmem:s2], [sflag:$0x5] =	stream.indirect_vreg.gather @!p0 [hbm4b:s10+s28], $0x80, v3, vm1, $0xb8;
	[tilespmem:$0x18C00] =	vst v63  }
0x1c1: {  	s2 =	simm.s32 @!p0 $0xF400  }
0x1c2: {  	[tilespmem:s2], [sflag:$0x5] =	stream.indirect_vreg.gather @!p0 [hbm4b:s11+s28], $0x80, v3, vm1, $0xb8;
	[tilespmem:$0x18C00] =	vst v63  }
0x1c3: {  	_ =	swait.ge [sflag:s20], $0x3000  }
0x1c4: {  	[sflag:s20] =	ssyncset.done $0x0  }
0x1c5: {  	s18 =	simm.s32 $0x0;
	[sflag:s20] =	ssyncadd.s32 $0xFFFFD000  }
0x1c6: {  	s29 =	simm.s32 $0x0;
	s2 =	smul.u32 $0x1800, s18;
	_ =	swait.ge [sflag:s21], $0x3000  }
0x1c7: {  	s28 =	sand.u32 $0x380, s29;
	[sflag:s21] =	ssyncset.done $0x0  }
0x1c8: {  	s28 =	sor.u32 s28, s2;
	[sflag:s21] =	ssyncadd.s32 $0xFFFFD000  }
0x1c9: {  	v3 =	vld [tilespmem:s28+$0xFC10]  }
0x1ca: {  	v49 =	vld [tilespmem:s28+$0xFC60]  }
0x1cb: {  	v50 =	vld [tilespmem:s28+$0xFC40]  }
0x1cc: {  	v51 =	vld [tilespmem:s28+$0xFC00]  }
0x1cd: {  	v52 =	vld [tilespmem:s28+$0x10060]  }
0x1ce: {  	v53 =	vld [tilespmem:s28+$0xFC70]  }
0x1cf: {  	v54 =	vld [tilespmem:s28+$0x10010]  }
0x1d0: {  	v55 =	vld [tilespmem:s28+$0xFC20]  }
0x1d1: {  	v56 =	vld [tilespmem:s28+$0xFC50]  }
0x1d2: {  	v57 =	vld [tilespmem:s28+$0x10040]  }
0x1d3: {  	v58 =	vld [tilespmem:s28+$0x10070]  }
0x1d4: {  	v59 =	vld [tilespmem:s28+$0x10020]  }
0x1d5: {  	v60 =	vld [tilespmem:s28+$0xFC30]  }
0x1d6: {  	v61 =	vld [tilespmem:s28+$0x10050]  }
0x1d7: {  	v62 =	vld [tilespmem:s28+$0x10000]  }
0x1d8: {  	v63 =	vld [tilespmem:s28+$0x10030]  }
0x1d9: {  	[tilespmem:s28+$0x4070] =	vst.add.f32.msk $0xffff, v58  }
0x1da: {  	[tilespmem:s28+$0x4060] =	vst.add.f32.msk $0xffff, v52  }
0x1db: {  	[tilespmem:s28+$0x4050] =	vst.add.f32.msk $0xffff, v61  }
0x1dc: {  	[tilespmem:s28+$0x4040] =	vst.add.f32.msk $0xffff, v57  }
0x1dd: {  	[tilespmem:s28+$0x4030] =	vst.add.f32.msk $0xffff, v63  }
0x1de: {  	[tilespmem:s28+$0x3C70] =	vst.add.f32.msk $0xffff, v53  }
0x1df: {  	[tilespmem:s28+$0x4020] =	vst.add.f32.msk $0xffff, v59  }
0x1e0: {  	[tilespmem:s28+$0x3C50] =	vst.add.f32.msk $0xffff, v56  }
0x1e1: {  	[tilespmem:s28+$0x4000] =	vst.add.f32.msk $0xffff, v62  }
0x1e2: {  	[tilespmem:s28+$0x3C60] =	vst.add.f32.msk $0xffff, v49  }
0x1e3: {  	[tilespmem:s28+$0x4010] =	vst.add.f32.msk $0xffff, v54  }
0x1e4: {  	[tilespmem:s28+$0x3C40] =	vst.add.f32.msk $0xffff, v50  }
0x1e5: {  	[tilespmem:s28+$0x3C10] =	vst.add.f32.msk $0xffff, v3  }
0x1e6: {  	[tilespmem:s28+$0x3C30] =	vst.add.f32.msk $0xffff, v60  }
0x1e7: {  	[tilespmem:s28+$0x3C20] =	vst.add.f32.msk $0xffff, v55  }
0x1e8: {  	s2 =	sadd.s32 $0x800, s28;
	[tilespmem:s28+$0x3C00] =	vst.add.f32.msk $0xffff, v51  }
0x1e9: {  	v3 =	vld [tilespmem:s2+$0xFC00];
	_ =	sdelay $0x4  }
0x1ea: {  	[tilespmem:s28+$0x4400] =	vst.add.f32.msk $0xffff, v3  }
0x1eb: {  	v3 =	vld [tilespmem:s2+$0xFC10];
	_ =	sdelay $0x4  }
0x1ec: {  	[tilespmem:s28+$0x4410] =	vst.add.f32.msk $0xffff, v3  }
0x1ed: {  	v3 =	vld [tilespmem:s2+$0xFC20];
	_ =	sdelay $0x4  }
0x1ee: {  	[tilespmem:s28+$0x4420] =	vst.add.f32.msk $0xffff, v3  }
0x1ef: {  	v3 =	vld [tilespmem:s2+$0xFC30];
	_ =	sdelay $0x4  }
0x1f0: {  	[tilespmem:s28+$0x4430] =	vst.add.f32.msk $0xffff, v3  }
0x1f1: {  	v3 =	vld [tilespmem:s2+$0xFC40];
	_ =	sdelay $0x4  }
0x1f2: {  	[tilespmem:s28+$0x4440] =	vst.add.f32.msk $0xffff, v3  }
0x1f3: {  	v3 =	vld [tilespmem:s2+$0xFC50];
	_ =	sdelay $0x4  }
0x1f4: {  	[tilespmem:s28+$0x4450] =	vst.add.f32.msk $0xffff, v3  }
0x1f5: {  	v3 =	vld [tilespmem:s2+$0xFC60];
	_ =	sdelay $0x4  }
0x1f6: {  	[tilespmem:s28+$0x4460] =	vst.add.f32.msk $0xffff, v3  }
0x1f7: {  	v3 =	vld [tilespmem:s2+$0xFC70];
	_ =	sdelay $0x4  }
0x1f8: {  	s18 =	sadd.s32 $0xC00, s28;
	[tilespmem:s28+$0x4470] =	vst.add.f32.msk $0xffff, v3  }
0x1f9: {  	v3 =	vld [tilespmem:s18+$0xFC00];
	_ =	sdelay $0x4  }
0x1fa: {  	[tilespmem:s28+$0x4800] =	vst.add.f32.msk $0xffff, v3  }
0x1fb: {  	v3 =	vld [tilespmem:s18+$0xFC10];
	_ =	sdelay $0x4  }
0x1fc: {  	[tilespmem:s28+$0x4810] =	vst.add.f32.msk $0xffff, v3  }
0x1fd: {  	v3 =	vld [tilespmem:s18+$0xFC20];
	_ =	sdelay $0x4  }
0x1fe: {  	[tilespmem:s28+$0x4820] =	vst.add.f32.msk $0xffff, v3  }
0x1ff: {  	v3 =	vld [tilespmem:s18+$0xFC30];
	_ =	sdelay $0x4  }
0x200: {  	[tilespmem:s28+$0x4830] =	vst.add.f32.msk $0xffff, v3  }
0x201: {  	v3 =	vld [tilespmem:s18+$0xFC40];
	_ =	sdelay $0x4  }
0x202: {  	[tilespmem:s28+$0x4840] =	vst.add.f32.msk $0xffff, v3  }
0x203: {  	v3 =	vld [tilespmem:s18+$0xFC50];
	_ =	sdelay $0x4  }
0x204: {  	[tilespmem:s28+$0x4850] =	vst.add.f32.msk $0xffff, v3  }
0x205: {  	v3 =	vld [tilespmem:s18+$0xFC60];
	_ =	sdelay $0x4  }
0x206: {  	[tilespmem:s28+$0x4860] =	vst.add.f32.msk $0xffff, v3  }
0x207: {  	v3 =	vld [tilespmem:s18+$0xFC70];
	_ =	sdelay $0x4  }
0x208: {  	s18 =	sadd.s32 $0x1000, s28;
	[tilespmem:s28+$0x4870] =	vst.add.f32.msk $0xffff, v3  }
0x209: {  	v3 =	vld [tilespmem:s18+$0xFC00];
	_ =	sdelay $0x4  }
0x20a: {  	[tilespmem:s28+$0x4C00] =	vst.add.f32.msk $0xffff, v3  }
0x20b: {  	v3 =	vld [tilespmem:s18+$0xFC10];
	_ =	sdelay $0x4  }
0x20c: {  	[tilespmem:s28+$0x4C10] =	vst.add.f32.msk $0xffff, v3  }
0x20d: {  	v3 =	vld [tilespmem:s18+$0xFC20];
	_ =	sdelay $0x4  }
0x20e: {  	[tilespmem:s28+$0x4C20] =	vst.add.f32.msk $0xffff, v3  }
0x20f: {  	v3 =	vld [tilespmem:s18+$0xFC30];
	_ =	sdelay $0x4  }
0x210: {  	[tilespmem:s28+$0x4C30] =	vst.add.f32.msk $0xffff, v3  }
0x211: {  	v3 =	vld [tilespmem:s18+$0xFC40];
	_ =	sdelay $0x4  }
0x212: {  	[tilespmem:s28+$0x4C40] =	vst.add.f32.msk $0xffff, v3  }
0x213: {  	v3 =	vld [tilespmem:s18+$0xFC50];
	_ =	sdelay $0x4  }
0x214: {  	[tilespmem:s28+$0x4C50] =	vst.add.f32.msk $0xffff, v3  }
0x215: {  	v3 =	vld [tilespmem:s18+$0xFC60];
	_ =	sdelay $0x4  }
0x216: {  	[tilespmem:s28+$0x4C60] =	vst.add.f32.msk $0xffff, v3  }
0x217: {  	v3 =	vld [tilespmem:s18+$0xFC70];
	_ =	sdelay $0x4  }
0x218: {  	s31 =	sadd.s32 $0x1400, s28;
	[tilespmem:s28+$0x4C70] =	vst.add.f32.msk $0xffff, v3  }
0x219: {  	v3 =	vld [tilespmem:s31+$0xFC00];
	_ =	sdelay $0x4  }
0x21a: {  	[tilespmem:s28+$0x5000] =	vst.add.f32.msk $0xffff, v3  }
0x21b: {  	v3 =	vld [tilespmem:s31+$0xFC10];
	_ =	sdelay $0x4  }
0x21c: {  	s30 =	simm.s32 $0x1;
	[tilespmem:s28+$0x5010] =	vst.add.f32.msk $0xffff, v3  }
.LBB2_7:
0x21d: {  	p1 =	sne.s32 s30, $0xF  }
0x21e: {  	v3 =	vld [tilespmem:s31+$0xFC20];
	s29 =	sadd.s32 $0x80, s29;
	s2 =	smov.u32 s30;
	s30 =	sadd.s32 $0x1, s30  }
0x21f: {  	_ =	sdelay $0x1  }
0x220: {  	s2 =	sshrl.u32 s2, $0x3  }
0x221: {  	s2 =	smul.u32 $0x1800, s2  }
0x222: {  	s18 =	sand.u32 $0x380, s29;
	[tilespmem:s28+$0x5020] =	vst.add.f32.msk $0xffff, v3  }
0x223: {  	s2 =	sor.u32 s18, s2;
	v3 =	vld [tilespmem:s31+$0xFC30]  }
0x224: {  	v4 =	vld [tilespmem:s2+$0xFC10]  }
0x225: {  	v5 =	vld [tilespmem:s2+$0xFC60]  }
0x226: {  	v6 =	vld [tilespmem:s2+$0xFC40]  }
0x227: {  	v7 =	vld [tilespmem:s2+$0xFC00]  }
0x228: {  	[tilespmem:s28+$0x5030] =	vst.add.f32.msk $0xffff, v3  }
0x229: {  	v3 =	vld [tilespmem:s31+$0xFC40]  }
0x22a: {  	v8 =	vld [tilespmem:s2+$0x10060]  }
0x22b: {  	v9 =	vld [tilespmem:s2+$0xFC70]  }
0x22c: {  	v10 =	vld [tilespmem:s2+$0x10010]  }
0x22d: {  	v11 =	vld [tilespmem:s2+$0xFC20]  }
0x22e: {  	[tilespmem:s28+$0x5040] =	vst.add.f32.msk $0xffff, v3  }
0x22f: {  	v3 =	vld [tilespmem:s31+$0xFC50]  }
0x230: {  	v12 =	vld [tilespmem:s2+$0xFC50]  }
0x231: {  	v13 =	vld [tilespmem:s2+$0x10040]  }
0x232: {  	v14 =	vld [tilespmem:s2+$0x10070]  }
0x233: {  	v15 =	vld [tilespmem:s2+$0x10020]  }
0x234: {  	[tilespmem:s28+$0x5050] =	vst.add.f32.msk $0xffff, v3  }
0x235: {  	v3 =	vld [tilespmem:s31+$0xFC60]  }
0x236: {  	v16 =	vld [tilespmem:s2+$0xFC30]  }
0x237: {  	v17 =	vld [tilespmem:s2+$0x10050]  }
0x238: {  	v18 =	vld [tilespmem:s2+$0x10000]  }
0x239: {  	v19 =	vld [tilespmem:s2+$0x10030]  }
0x23a: {  	[tilespmem:s28+$0x5060] =	vst.add.f32.msk $0xffff, v3  }
0x23b: {  	v3 =	vld [tilespmem:s31+$0xFC70]  }
0x23c: {  	[tilespmem:s2+$0x4070] =	vst.add.f32.msk $0xffff, v14  }
0x23d: {  	[tilespmem:s2+$0x4060] =	vst.add.f32.msk $0xffff, v8  }
0x23e: {  	[tilespmem:s2+$0x4050] =	vst.add.f32.msk $0xffff, v17  }
0x23f: {  	[tilespmem:s2+$0x4040] =	vst.add.f32.msk $0xffff, v13  }
0x240: {  	[tilespmem:s2+$0x4030] =	vst.add.f32.msk $0xffff, v19  }
0x241: {  	[tilespmem:s2+$0x3C70] =	vst.add.f32.msk $0xffff, v9  }
0x242: {  	[tilespmem:s2+$0x4020] =	vst.add.f32.msk $0xffff, v15  }
0x243: {  	[tilespmem:s28+$0x5070] =	vst.add.f32.msk $0xffff, v3;
	s28 =	smov.u32 s2  }
0x244: {  	[tilespmem:s28+$0x3C50] =	vst.add.f32.msk $0xffff, v12  }
0x245: {  	[tilespmem:s28+$0x4000] =	vst.add.f32.msk $0xffff, v18  }
0x246: {  	[tilespmem:s28+$0x3C60] =	vst.add.f32.msk $0xffff, v5  }
0x247: {  	[tilespmem:s28+$0x4010] =	vst.add.f32.msk $0xffff, v10  }
0x248: {  	[tilespmem:s28+$0x3C40] =	vst.add.f32.msk $0xffff, v6  }
0x249: {  	[tilespmem:s28+$0x3C10] =	vst.add.f32.msk $0xffff, v4  }
0x24a: {  	[tilespmem:s28+$0x3C30] =	vst.add.f32.msk $0xffff, v16  }
0x24b: {  	[tilespmem:s28+$0x3C20] =	vst.add.f32.msk $0xffff, v11  }
0x24c: {  	s2 =	sadd.s32 $0x800, s28;
	[tilespmem:s28+$0x3C00] =	vst.add.f32.msk $0xffff, v7  }
0x24d: {  	v3 =	vld [tilespmem:s2+$0xFC00];
	_ =	sdelay $0x4  }
0x24e: {  	[tilespmem:s28+$0x4400] =	vst.add.f32.msk $0xffff, v3  }
0x24f: {  	v3 =	vld [tilespmem:s2+$0xFC10];
	_ =	sdelay $0x4  }
0x250: {  	[tilespmem:s28+$0x4410] =	vst.add.f32.msk $0xffff, v3  }
0x251: {  	v3 =	vld [tilespmem:s2+$0xFC20];
	_ =	sdelay $0x4  }
0x252: {  	[tilespmem:s28+$0x4420] =	vst.add.f32.msk $0xffff, v3  }
0x253: {  	v3 =	vld [tilespmem:s2+$0xFC30];
	_ =	sdelay $0x4  }
0x254: {  	[tilespmem:s28+$0x4430] =	vst.add.f32.msk $0xffff, v3  }
0x255: {  	v3 =	vld [tilespmem:s2+$0xFC40];
	_ =	sdelay $0x4  }
0x256: {  	[tilespmem:s28+$0x4440] =	vst.add.f32.msk $0xffff, v3  }
0x257: {  	v3 =	vld [tilespmem:s2+$0xFC50];
	_ =	sdelay $0x4  }
0x258: {  	[tilespmem:s28+$0x4450] =	vst.add.f32.msk $0xffff, v3  }
0x259: {  	v3 =	vld [tilespmem:s2+$0xFC60];
	_ =	sdelay $0x4  }
0x25a: {  	[tilespmem:s28+$0x4460] =	vst.add.f32.msk $0xffff, v3  }
0x25b: {  	v3 =	vld [tilespmem:s2+$0xFC70];
	_ =	sdelay $0x4  }
0x25c: {  	s2 =	sadd.s32 $0xC00, s28;
	[tilespmem:s28+$0x4470] =	vst.add.f32.msk $0xffff, v3  }
0x25d: {  	v3 =	vld [tilespmem:s2+$0xFC00];
	_ =	sdelay $0x4  }
0x25e: {  	[tilespmem:s28+$0x4800] =	vst.add.f32.msk $0xffff, v3  }
0x25f: {  	v3 =	vld [tilespmem:s2+$0xFC10];
	_ =	sdelay $0x4  }
0x260: {  	[tilespmem:s28+$0x4810] =	vst.add.f32.msk $0xffff, v3  }
0x261: {  	v3 =	vld [tilespmem:s2+$0xFC20];
	_ =	sdelay $0x4  }
0x262: {  	[tilespmem:s28+$0x4820] =	vst.add.f32.msk $0xffff, v3  }
0x263: {  	v3 =	vld [tilespmem:s2+$0xFC30];
	_ =	sdelay $0x4  }
0x264: {  	[tilespmem:s28+$0x4830] =	vst.add.f32.msk $0xffff, v3  }
0x265: {  	v3 =	vld [tilespmem:s2+$0xFC40];
	_ =	sdelay $0x4  }
0x266: {  	[tilespmem:s28+$0x4840] =	vst.add.f32.msk $0xffff, v3  }
0x267: {  	v3 =	vld [tilespmem:s2+$0xFC50];
	_ =	sdelay $0x4  }
0x268: {  	[tilespmem:s28+$0x4850] =	vst.add.f32.msk $0xffff, v3  }
0x269: {  	v3 =	vld [tilespmem:s2+$0xFC60];
	_ =	sdelay $0x4  }
0x26a: {  	[tilespmem:s28+$0x4860] =	vst.add.f32.msk $0xffff, v3  }
0x26b: {  	v3 =	vld [tilespmem:s2+$0xFC70];
	_ =	sdelay $0x4  }
0x26c: {  	s2 =	sadd.s32 $0x1000, s28;
	[tilespmem:s28+$0x4870] =	vst.add.f32.msk $0xffff, v3  }
0x26d: {  	v3 =	vld [tilespmem:s2+$0xFC00];
	_ =	sdelay $0x4  }
0x26e: {  	[tilespmem:s28+$0x4C00] =	vst.add.f32.msk $0xffff, v3  }
0x26f: {  	v3 =	vld [tilespmem:s2+$0xFC10];
	_ =	sdelay $0x4  }
0x270: {  	[tilespmem:s28+$0x4C10] =	vst.add.f32.msk $0xffff, v3  }
0x271: {  	v3 =	vld [tilespmem:s2+$0xFC20];
	_ =	sdelay $0x4  }
0x272: {  	[tilespmem:s28+$0x4C20] =	vst.add.f32.msk $0xffff, v3  }
0x273: {  	v3 =	vld [tilespmem:s2+$0xFC30];
	_ =	sdelay $0x4  }
0x274: {  	[tilespmem:s28+$0x4C30] =	vst.add.f32.msk $0xffff, v3  }
0x275: {  	v3 =	vld [tilespmem:s2+$0xFC40];
	_ =	sdelay $0x4  }
0x276: {  	[tilespmem:s28+$0x4C40] =	vst.add.f32.msk $0xffff, v3  }
0x277: {  	v3 =	vld [tilespmem:s2+$0xFC50];
	_ =	sdelay $0x4  }
0x278: {  	[tilespmem:s28+$0x4C50] =	vst.add.f32.msk $0xffff, v3  }
0x279: {  	v3 =	vld [tilespmem:s2+$0xFC60];
	_ =	sdelay $0x4  }
0x27a: {  	[tilespmem:s28+$0x4C60] =	vst.add.f32.msk $0xffff, v3  }
0x27b: {  	v3 =	vld [tilespmem:s2+$0xFC70];
	_ =	sdelay $0x4  }
0x27c: {  	s31 =	sadd.s32 $0x1400, s28;
	[tilespmem:s28+$0x4C70] =	vst.add.f32.msk $0xffff, v3  }
0x27d: {  	v3 =	vld [tilespmem:s31+$0xFC00];
	_ =	sdelay $0x4  }
0x27e: {  	[tilespmem:s28+$0x5000] =	vst.add.f32.msk $0xffff, v3  }
0x27f: {  	v3 =	vld [tilespmem:s31+$0xFC10]  }
.Ltmp2:
0x280: {  	(pc) =	sbr.rel @p1 .LBB2_7-.Ltmp2, $2  }
0x281: {  	_ =	sdelay $0x2  }
0x282: {  	[tilespmem:s28+$0x5010] =	vst.add.f32.msk $0xffff, v3  }
0x283: {  	v3 =	vld [tilespmem:s31+$0xFC20];
	_ =	sdelay $0x4  }
0x284: {  	[tilespmem:s28+$0x5020] =	vst.add.f32.msk $0xffff, v3  }
0x285: {  	v3 =	vld [tilespmem:s31+$0xFC30];
	_ =	sdelay $0x4  }
0x286: {  	[tilespmem:s28+$0x5030] =	vst.add.f32.msk $0xffff, v3  }
0x287: {  	v3 =	vld [tilespmem:s31+$0xFC40];
	_ =	sdelay $0x4  }
0x288: {  	[tilespmem:s28+$0x5040] =	vst.add.f32.msk $0xffff, v3  }
0x289: {  	v3 =	vld [tilespmem:s31+$0xFC50];
	_ =	sdelay $0x4  }
0x28a: {  	[tilespmem:s28+$0x5050] =	vst.add.f32.msk $0xffff, v3  }
0x28b: {  	v3 =	vld [tilespmem:s31+$0xFC60];
	_ =	sdelay $0x4  }
0x28c: {  	[tilespmem:s28+$0x5060] =	vst.add.f32.msk $0xffff, v3  }
0x28d: {  	v3 =	vld [tilespmem:s31+$0xFC70];
	_ =	sdelay $0x3  }
0x28e: {  	s2 =	sadd.s32 s12, s4  }
0x28f: {  	s2 =	sadd.s32 $0x600, s2;
	[tilespmem:s28+$0x5070] =	vst.add.f32.msk $0xffff, v3  }
0x290: {  	[hbm4b:s2+s5] =	stream.linear.scatter [tilespmem:s25], [sflag:$0xA], $0x3000, $0x38;
	[tilespmem:$0x18C00] =	vst v63  }
0x291: {  	s2 =	simm.s32 @!p0 $0xA  }
0x292: {  	_ =	swait.ge @!p0 [sflag:s2], $0x3000  }
0x293: {  	s18 =	simm.s32 @!p0 $0x0;
	[sflag:s2] =	ssyncset.done @!p0 $0x0  }
0x294: {  	s28 =	simm.s32 @!p0 $0x3C00;
	[sflag:s2] =	ssyncadd.s32 @!p0 $0xFFFFD000;
	s2 =	sadd.s32 @!p0 $0x1E00, s26  }
0x295: {  	[tilespmem:s28], [sflag:$0x2] =	stream.linear.gather @!p0 [hbm4b:s2+s18], $0x3000, $0x38;
	[tilespmem:$0x18C00] =	vst v63  }
0x296: {  	v3 =	vld @!p0 [tilespmem:s16+$0x850];
	_ =	sdelay $0x4  }
0x297: {  	v4 =	vshrl.u32 @!p0 v3, $0x3  }
0x298: {  	v4 =	vmul.u32 @!p0 $0x30, v4  }
0x299: {  	v5 =	vlaneseq.u32 @!p0;
	v3 =	vand.u32 @!p0 $0x7, v3  }
0x29a: {  	v6 =	vshrl.u32 @!p0 v5, $0x3;
	v3 =	vor.u32 @!p0 v3, v4;
	v4 =	vand.u32 @!p0 $0x7, v5  }
0x29b: {  	v6 =	vmul.u32 @!p0 $0x8, v6;
	v4 =	vperm.xlane @!p0 v3, v4;
	_ =	sdelay $0x1  }
0x29c: {  	v4 =	vadd.s32 @!p0 v6, v4;
	_ =	sdelay $0x2  }
0x29d: {  	v5 =	vor.u32 @!p0 $0x8, v5  }
0x29e: {  	s2 =	simm.s32 @!p0 $0xFC00;
	v3 =	vperm.xlane @!p0 v3, v5  }
0x29f: {  	[tilespmem:s2], [sflag:$0x6] =	stream.indirect_vreg.gather @!p0 [hbm4b:s3+s18], $0x80, v4, vm1, $0xb8;
	[tilespmem:$0x18C00] =	vst v63  }
0x2a0: {  	v3 =	vadd.s32 @!p0 v6, v3;
	s2 =	simm.s32 @!p0 $0x10400  }
0x2a1: {  	[tilespmem:s2], [sflag:$0x6] =	stream.indirect_vreg.gather @!p0 [hbm4b:s10+s18], $0x80, v4, vm1, $0xb8;
	[tilespmem:$0x18C00] =	vst v63  }
0x2a2: {  	s2 =	simm.s32 @!p0 $0x10C00  }
0x2a3: {  	[tilespmem:s2], [sflag:$0x6] =	stream.indirect_vreg.gather @!p0 [hbm4b:s11+s18], $0x80, v4, vm1, $0xb8;
	[tilespmem:$0x18C00] =	vst v63  }
0x2a4: {  	s2 =	simm.s32 @!p0 $0x11400  }
0x2a5: {  	[tilespmem:s2], [sflag:$0x6] =	stream.indirect_vreg.gather @!p0 [hbm4b:s3+s18], $0x80, v3, vm1, $0xb8;
	[tilespmem:$0x18C00] =	vst v63  }
0x2a6: {  	s2 =	simm.s32 @!p0 $0x11C00  }
0x2a7: {  	[tilespmem:s2], [sflag:$0x6] =	stream.indirect_vreg.gather @!p0 [hbm4b:s10+s18], $0x80, v3, vm1, $0xb8;
	[tilespmem:$0x18C00] =	vst v63  }
0x2a8: {  	s2 =	simm.s32 @!p0 $0x12400  }
0x2a9: {  	[tilespmem:s2], [sflag:$0x6] =	stream.indirect_vreg.gather @!p0 [hbm4b:s11+s18], $0x80, v3, vm1, $0xb8;
	[tilespmem:$0x18C00] =	vst v63  }
0x2aa: {  	_ =	swait.ge [sflag:s22], $0x3000  }
0x2ab: {  	[sflag:s22] =	ssyncset.done $0x0  }
0x2ac: {  	s18 =	simm.s32 $0x0;
	[sflag:s22] =	ssyncadd.s32 $0xFFFFD000  }
0x2ad: {  	s28 =	simm.s32 $0x0;
	s2 =	smul.u32 $0x1800, s18;
	_ =	swait.ge [sflag:s23], $0x3000  }
0x2ae: {  	s31 =	sand.u32 $0x380, s28;
	[sflag:s23] =	ssyncset.done $0x0  }
0x2af: {  	s29 =	sor.u32 s31, s2;
	[sflag:s23] =	ssyncadd.s32 $0xFFFFD000  }
0x2b0: {  	v3 =	vld [tilespmem:s29+$0x14070]  }
0x2b1: {  	v6 =	vld [tilespmem:s29+$0x12C00]  }
0x2b2: {  	v7 =	vld [tilespmem:s29+$0x12C10]  }
0x2b3: {  	v8 =	vld [tilespmem:s29+$0x12C20]  }
0x2b4: {  	v9 =	vld [tilespmem:s29+$0x12C30]  }
0x2b5: {  	v10 =	vld [tilespmem:s29+$0x12C40]  }
0x2b6: {  	v11 =	vld [tilespmem:s29+$0x12C50]  }
0x2b7: {  	v12 =	vld [tilespmem:s29+$0x12C60]  }
0x2b8: {  	v13 =	vld [tilespmem:s29+$0x12C70]  }
0x2b9: {  	v14 =	vld [tilespmem:s29+$0x13000]  }
0x2ba: {  	v15 =	vld [tilespmem:s29+$0x13010]  }
0x2bb: {  	v16 =	vld [tilespmem:s29+$0x13020]  }
0x2bc: {  	v17 =	vld [tilespmem:s29+$0x13030]  }
0x2bd: {  	v18 =	vld [tilespmem:s29+$0x13040]  }
0x2be: {  	v19 =	vld [tilespmem:s29+$0x13050]  }
0x2bf: {  	v20 =	vld [tilespmem:s29+$0x13060]  }
0x2c0: {  	v21 =	vld [tilespmem:s29+$0x13070]  }
0x2c1: {  	v22 =	vld [tilespmem:s29+$0x13400]  }
0x2c2: {  	v23 =	vld [tilespmem:s29+$0x13410]  }
0x2c3: {  	v24 =	vld [tilespmem:s29+$0x13420]  }
0x2c4: {  	v25 =	vld [tilespmem:s29+$0x13430]  }
0x2c5: {  	v26 =	vld [tilespmem:s29+$0x13440]  }
0x2c6: {  	v27 =	vld [tilespmem:s29+$0x13450]  }
0x2c7: {  	v28 =	vld [tilespmem:s29+$0x13460]  }
0x2c8: {  	v29 =	vld [tilespmem:s29+$0x13470]  }
0x2c9: {  	v30 =	vld [tilespmem:s29+$0x13800]  }
0x2ca: {  	v31 =	vld [tilespmem:s29+$0x13810]  }
0x2cb: {  	v32 =	vld [tilespmem:s29+$0x13820]  }
0x2cc: {  	v33 =	vld [tilespmem:s29+$0x13830]  }
0x2cd: {  	v34 =	vld [tilespmem:s29+$0x13840]  }
0x2ce: {  	v35 =	vld [tilespmem:s29+$0x13850]  }
0x2cf: {  	v36 =	vld [tilespmem:s29+$0x13860]  }
0x2d0: {  	v37 =	vld [tilespmem:s29+$0x13870]  }
0x2d1: {  	v38 =	vld [tilespmem:s29+$0x13C00]  }
0x2d2: {  	v39 =	vld [tilespmem:s29+$0x13C10]  }
0x2d3: {  	v40 =	vld [tilespmem:s29+$0x13C20]  }
0x2d4: {  	v41 =	vld [tilespmem:s29+$0x13C30]  }
0x2d5: {  	v42 =	vld [tilespmem:s29+$0x13C40]  }
0x2d6: {  	v43 =	vld [tilespmem:s29+$0x13C50]  }
0x2d7: {  	v44 =	vld [tilespmem:s29+$0x13C60]  }
0x2d8: {  	v45 =	vld [tilespmem:s29+$0x13C70]  }
0x2d9: {  	v46 =	vld [tilespmem:s29+$0x14000]  }
0x2da: {  	v47 =	vld [tilespmem:s29+$0x14010]  }
0x2db: {  	v48 =	vld [tilespmem:s29+$0x14020]  }
0x2dc: {  	v49 =	vld [tilespmem:s29+$0x14030]  }
0x2dd: {  	v5 =	vld [tilespmem:s29+$0x14040]  }
0x2de: {  	v4 =	vld [tilespmem:s29+$0x14050]  }
0x2df: {  	[tilespmem:s29+$0x8070] =	vst.add.f32.msk $0xffff, v3  }
0x2e0: {  	v3 =	vld [tilespmem:s29+$0x14060]  }
0x2e1: {  	[tilespmem:s29+$0x6C00] =	vst.add.f32.msk $0xffff, v6  }
0x2e2: {  	[tilespmem:s29+$0x6C10] =	vst.add.f32.msk $0xffff, v7  }
0x2e3: {  	[tilespmem:s29+$0x6C20] =	vst.add.f32.msk $0xffff, v8  }
0x2e4: {  	[tilespmem:s29+$0x6C30] =	vst.add.f32.msk $0xffff, v9  }
0x2e5: {  	[tilespmem:s29+$0x6C40] =	vst.add.f32.msk $0xffff, v10  }
0x2e6: {  	[tilespmem:s29+$0x6C50] =	vst.add.f32.msk $0xffff, v11  }
0x2e7: {  	[tilespmem:s29+$0x6C60] =	vst.add.f32.msk $0xffff, v12  }
0x2e8: {  	[tilespmem:s29+$0x6C70] =	vst.add.f32.msk $0xffff, v13  }
0x2e9: {  	[tilespmem:s29+$0x7000] =	vst.add.f32.msk $0xffff, v14  }
0x2ea: {  	[tilespmem:s29+$0x7010] =	vst.add.f32.msk $0xffff, v15  }
0x2eb: {  	[tilespmem:s29+$0x7020] =	vst.add.f32.msk $0xffff, v16  }
0x2ec: {  	[tilespmem:s29+$0x7030] =	vst.add.f32.msk $0xffff, v17  }
0x2ed: {  	[tilespmem:s29+$0x7040] =	vst.add.f32.msk $0xffff, v18  }
0x2ee: {  	[tilespmem:s29+$0x7050] =	vst.add.f32.msk $0xffff, v19  }
0x2ef: {  	[tilespmem:s29+$0x7060] =	vst.add.f32.msk $0xffff, v20  }
0x2f0: {  	[tilespmem:s29+$0x7070] =	vst.add.f32.msk $0xffff, v21  }
0x2f1: {  	[tilespmem:s29+$0x7400] =	vst.add.f32.msk $0xffff, v22  }
0x2f2: {  	[tilespmem:s29+$0x7410] =	vst.add.f32.msk $0xffff, v23  }
0x2f3: {  	[tilespmem:s29+$0x7420] =	vst.add.f32.msk $0xffff, v24  }
0x2f4: {  	[tilespmem:s29+$0x7430] =	vst.add.f32.msk $0xffff, v25  }
0x2f5: {  	[tilespmem:s29+$0x7440] =	vst.add.f32.msk $0xffff, v26  }
0x2f6: {  	[tilespmem:s29+$0x7450] =	vst.add.f32.msk $0xffff, v27  }
0x2f7: {  	[tilespmem:s29+$0x7460] =	vst.add.f32.msk $0xffff, v28  }
0x2f8: {  	[tilespmem:s29+$0x7470] =	vst.add.f32.msk $0xffff, v29  }
0x2f9: {  	[tilespmem:s29+$0x7800] =	vst.add.f32.msk $0xffff, v30  }
0x2fa: {  	[tilespmem:s29+$0x7810] =	vst.add.f32.msk $0xffff, v31  }
0x2fb: {  	[tilespmem:s29+$0x7820] =	vst.add.f32.msk $0xffff, v32  }
0x2fc: {  	[tilespmem:s29+$0x7830] =	vst.add.f32.msk $0xffff, v33  }
0x2fd: {  	[tilespmem:s29+$0x7840] =	vst.add.f32.msk $0xffff, v34  }
0x2fe: {  	[tilespmem:s29+$0x7850] =	vst.add.f32.msk $0xffff, v35  }
0x2ff: {  	[tilespmem:s29+$0x7860] =	vst.add.f32.msk $0xffff, v36  }
0x300: {  	[tilespmem:s29+$0x7870] =	vst.add.f32.msk $0xffff, v37  }
0x301: {  	[tilespmem:s29+$0x7C00] =	vst.add.f32.msk $0xffff, v38  }
0x302: {  	[tilespmem:s29+$0x7C10] =	vst.add.f32.msk $0xffff, v39  }
0x303: {  	[tilespmem:s29+$0x7C20] =	vst.add.f32.msk $0xffff, v40  }
0x304: {  	[tilespmem:s29+$0x7C30] =	vst.add.f32.msk $0xffff, v41  }
0x305: {  	[tilespmem:s29+$0x7C40] =	vst.add.f32.msk $0xffff, v42  }
0x306: {  	[tilespmem:s29+$0x7C50] =	vst.add.f32.msk $0xffff, v43  }
0x307: {  	[tilespmem:s29+$0x7C60] =	vst.add.f32.msk $0xffff, v44  }
0x308: {  	[tilespmem:s29+$0x7C70] =	vst.add.f32.msk $0xffff, v45  }
0x309: {  	[tilespmem:s29+$0x8000] =	vst.add.f32.msk $0xffff, v46  }
0x30a: {  	[tilespmem:s29+$0x8010] =	vst.add.f32.msk $0xffff, v47  }
0x30b: {  	[tilespmem:s29+$0x8020] =	vst.add.f32.msk $0xffff, v48  }
0x30c: {  	s30 =	simm.s32 $0x2;
	s2 =	simm.s32 $0x0;
	[tilespmem:s29+$0x8030] =	vst.add.f32.msk $0xffff, v49  }
.LBB2_9:
0x30d: {  	p1 =	sne.s32 s30, $0xF;
	s2 =	smul.u32 $0x1800, s2;
	[tilespmem:s29+$0x8040] =	vst.add.f32.msk $0xffff, v5;
	s28 =	sadd.s32 $0x80, s28  }
0x30e: {  	s18 =	sand.u32 $0x380, s28;
	[tilespmem:s29+$0x8050] =	vst.add.f32.msk $0xffff, v4  }
0x30f: {  	[tilespmem:s29+$0x8060] =	vst.add.f32.msk $0xffff, v3;
	s29 =	sor.u32 s18, s2  }
0x310: {  	v3 =	vld [tilespmem:s29+$0x14070]  }
0x311: {  	v6 =	vld [tilespmem:s29+$0x12C00]  }
0x312: {  	v7 =	vld [tilespmem:s29+$0x12C10]  }
0x313: {  	v8 =	vld [tilespmem:s29+$0x12C20]  }
0x314: {  	v9 =	vld [tilespmem:s29+$0x12C30]  }
0x315: {  	[tilespmem:s29+$0x8070] =	vst.add.f32.msk $0xffff, v3  }
0x316: {  	v10 =	vld [tilespmem:s29+$0x12C40]  }
0x317: {  	v11 =	vld [tilespmem:s29+$0x12C50]  }
0x318: {  	v12 =	vld [tilespmem:s29+$0x12C60]  }
0x319: {  	v13 =	vld [tilespmem:s29+$0x12C70]  }
0x31a: {  	v14 =	vld [tilespmem:s29+$0x13000]  }
0x31b: {  	v15 =	vld [tilespmem:s29+$0x13010]  }
0x31c: {  	v16 =	vld [tilespmem:s29+$0x13020]  }
0x31d: {  	v17 =	vld [tilespmem:s29+$0x13030]  }
0x31e: {  	v18 =	vld [tilespmem:s29+$0x13040]  }
0x31f: {  	v19 =	vld [tilespmem:s29+$0x13050]  }
0x320: {  	v20 =	vld [tilespmem:s29+$0x13060]  }
0x321: {  	v21 =	vld [tilespmem:s29+$0x13070]  }
0x322: {  	v22 =	vld [tilespmem:s29+$0x13400]  }
0x323: {  	v23 =	vld [tilespmem:s29+$0x13410]  }
0x324: {  	v24 =	vld [tilespmem:s29+$0x13420]  }
0x325: {  	v25 =	vld [tilespmem:s29+$0x13430]  }
0x326: {  	v26 =	vld [tilespmem:s29+$0x13440]  }
0x327: {  	v27 =	vld [tilespmem:s29+$0x13450]  }
0x328: {  	v28 =	vld [tilespmem:s29+$0x13460]  }
0x329: {  	v29 =	vld [tilespmem:s29+$0x13470]  }
0x32a: {  	v30 =	vld [tilespmem:s29+$0x13800]  }
0x32b: {  	v31 =	vld [tilespmem:s29+$0x13810]  }
0x32c: {  	v32 =	vld [tilespmem:s29+$0x13820]  }
0x32d: {  	v33 =	vld [tilespmem:s29+$0x13830]  }
0x32e: {  	v34 =	vld [tilespmem:s29+$0x13840]  }
0x32f: {  	v35 =	vld [tilespmem:s29+$0x13850]  }
0x330: {  	v36 =	vld [tilespmem:s29+$0x13860]  }
0x331: {  	v37 =	vld [tilespmem:s29+$0x13870]  }
0x332: {  	v38 =	vld [tilespmem:s29+$0x13C00]  }
0x333: {  	v39 =	vld [tilespmem:s29+$0x13C10]  }
0x334: {  	v40 =	vld [tilespmem:s29+$0x13C20]  }
0x335: {  	v41 =	vld [tilespmem:s29+$0x13C30]  }
0x336: {  	v42 =	vld [tilespmem:s29+$0x13C40]  }
0x337: {  	v43 =	vld [tilespmem:s29+$0x13C50]  }
0x338: {  	v44 =	vld [tilespmem:s29+$0x13C60]  }
0x339: {  	v45 =	vld [tilespmem:s29+$0x13C70]  }
0x33a: {  	v46 =	vld [tilespmem:s29+$0x14000]  }
0x33b: {  	v47 =	vld [tilespmem:s29+$0x14010]  }
0x33c: {  	v48 =	vld [tilespmem:s29+$0x14020]  }
0x33d: {  	v49 =	vld [tilespmem:s29+$0x14030]  }
0x33e: {  	v5 =	vld [tilespmem:s29+$0x14040]  }
0x33f: {  	v4 =	vld [tilespmem:s29+$0x14050]  }
0x340: {  	v3 =	vld [tilespmem:s29+$0x14060]  }
0x341: {  	[tilespmem:s29+$0x6C00] =	vst.add.f32.msk $0xffff, v6  }
0x342: {  	[tilespmem:s29+$0x6C10] =	vst.add.f32.msk $0xffff, v7  }
0x343: {  	[tilespmem:s29+$0x6C20] =	vst.add.f32.msk $0xffff, v8  }
0x344: {  	[tilespmem:s29+$0x6C30] =	vst.add.f32.msk $0xffff, v9  }
0x345: {  	[tilespmem:s29+$0x6C40] =	vst.add.f32.msk $0xffff, v10  }
0x346: {  	[tilespmem:s29+$0x6C50] =	vst.add.f32.msk $0xffff, v11  }
0x347: {  	[tilespmem:s29+$0x6C60] =	vst.add.f32.msk $0xffff, v12  }
0x348: {  	[tilespmem:s29+$0x6C70] =	vst.add.f32.msk $0xffff, v13  }
0x349: {  	[tilespmem:s29+$0x7000] =	vst.add.f32.msk $0xffff, v14  }
0x34a: {  	[tilespmem:s29+$0x7010] =	vst.add.f32.msk $0xffff, v15  }
0x34b: {  	[tilespmem:s29+$0x7020] =	vst.add.f32.msk $0xffff, v16  }
0x34c: {  	[tilespmem:s29+$0x7030] =	vst.add.f32.msk $0xffff, v17  }
0x34d: {  	[tilespmem:s29+$0x7040] =	vst.add.f32.msk $0xffff, v18  }
0x34e: {  	[tilespmem:s29+$0x7050] =	vst.add.f32.msk $0xffff, v19  }
0x34f: {  	[tilespmem:s29+$0x7060] =	vst.add.f32.msk $0xffff, v20  }
0x350: {  	[tilespmem:s29+$0x7070] =	vst.add.f32.msk $0xffff, v21  }
0x351: {  	[tilespmem:s29+$0x7400] =	vst.add.f32.msk $0xffff, v22  }
0x352: {  	[tilespmem:s29+$0x7410] =	vst.add.f32.msk $0xffff, v23  }
0x353: {  	[tilespmem:s29+$0x7420] =	vst.add.f32.msk $0xffff, v24  }
0x354: {  	[tilespmem:s29+$0x7430] =	vst.add.f32.msk $0xffff, v25  }
0x355: {  	[tilespmem:s29+$0x7440] =	vst.add.f32.msk $0xffff, v26  }
0x356: {  	[tilespmem:s29+$0x7450] =	vst.add.f32.msk $0xffff, v27  }
0x357: {  	[tilespmem:s29+$0x7460] =	vst.add.f32.msk $0xffff, v28  }
0x358: {  	[tilespmem:s29+$0x7470] =	vst.add.f32.msk $0xffff, v29  }
0x359: {  	[tilespmem:s29+$0x7800] =	vst.add.f32.msk $0xffff, v30  }
0x35a: {  	[tilespmem:s29+$0x7810] =	vst.add.f32.msk $0xffff, v31  }
0x35b: {  	[tilespmem:s29+$0x7820] =	vst.add.f32.msk $0xffff, v32  }
0x35c: {  	[tilespmem:s29+$0x7830] =	vst.add.f32.msk $0xffff, v33  }
0x35d: {  	[tilespmem:s29+$0x7840] =	vst.add.f32.msk $0xffff, v34  }
0x35e: {  	[tilespmem:s29+$0x7850] =	vst.add.f32.msk $0xffff, v35  }
0x35f: {  	[tilespmem:s29+$0x7860] =	vst.add.f32.msk $0xffff, v36  }
0x360: {  	[tilespmem:s29+$0x7870] =	vst.add.f32.msk $0xffff, v37  }
0x361: {  	[tilespmem:s29+$0x7C00] =	vst.add.f32.msk $0xffff, v38  }
0x362: {  	[tilespmem:s29+$0x7C10] =	vst.add.f32.msk $0xffff, v39  }
0x363: {  	[tilespmem:s29+$0x7C20] =	vst.add.f32.msk $0xffff, v40  }
0x364: {  	[tilespmem:s29+$0x7C30] =	vst.add.f32.msk $0xffff, v41  }
0x365: {  	[tilespmem:s29+$0x7C40] =	vst.add.f32.msk $0xffff, v42  }
0x366: {  	[tilespmem:s29+$0x7C50] =	vst.add.f32.msk $0xffff, v43  }
0x367: {  	[tilespmem:s29+$0x7C60] =	vst.add.f32.msk $0xffff, v44  }
.Ltmp3:
0x368: {  	[tilespmem:s29+$0x7C70] =	vst.add.f32.msk $0xffff, v45;
	(pc) =	sbr.rel @p1 .LBB2_9-.Ltmp3, $4  }
0x369: {  	[tilespmem:s29+$0x8000] =	vst.add.f32.msk $0xffff, v46  }
0x36a: {  	[tilespmem:s29+$0x8010] =	vst.add.f32.msk $0xffff, v47  }
0x36b: {  	[tilespmem:s29+$0x8020] =	vst.add.f32.msk $0xffff, v48  }
0x36c: {  	s2 =	sshrl.u32 s30, $0x3;
	s30 =	sadd.s32 $0x1, s30;
	[tilespmem:s29+$0x8030] =	vst.add.f32.msk $0xffff, v49  }
0x36d: {  	s2 =	smul.u32 $0x1800, s2;
	[tilespmem:s29+$0x8040] =	vst.add.f32.msk $0xffff, v5;
	s18 =	sadd.s32 $0x80, s28  }
0x36e: {  	[tilespmem:s29+$0x8050] =	vst.add.f32.msk $0xffff, v4;
	s18 =	sand.u32 $0x380, s18  }
0x36f: {  	[tilespmem:s29+$0x8060] =	vst.add.f32.msk $0xffff, v3;
	s18 =	sor.u32 s18, s2  }
0x370: {  	v3 =	vld [tilespmem:s18+$0x14070]  }
0x371: {  	v4 =	vld [tilespmem:s18+$0x12C00]  }
0x372: {  	v5 =	vld [tilespmem:s18+$0x12C10]  }
0x373: {  	v6 =	vld [tilespmem:s18+$0x12C20]  }
0x374: {  	v7 =	vld [tilespmem:s18+$0x12C30]  }
0x375: {  	v8 =	vld [tilespmem:s18+$0x12C50]  }
0x376: {  	v9 =	vld [tilespmem:s18+$0x12C60]  }
0x377: {  	v10 =	vld [tilespmem:s18+$0x12C70]  }
0x378: {  	v11 =	vld [tilespmem:s18+$0x13000]  }
0x379: {  	v12 =	vld [tilespmem:s18+$0x13010]  }
0x37a: {  	v13 =	vld [tilespmem:s18+$0x13020]  }
0x37b: {  	v14 =	vld [tilespmem:s18+$0x13030]  }
0x37c: {  	v15 =	vld [tilespmem:s18+$0x13040]  }
0x37d: {  	v16 =	vld [tilespmem:s18+$0x13050]  }
0x37e: {  	v17 =	vld [tilespmem:s18+$0x13060]  }
0x37f: {  	v18 =	vld [tilespmem:s18+$0x13070]  }
0x380: {  	v19 =	vld [tilespmem:s18+$0x13400]  }
0x381: {  	v20 =	vld [tilespmem:s18+$0x13410]  }
0x382: {  	v21 =	vld [tilespmem:s18+$0x13420]  }
0x383: {  	v22 =	vld [tilespmem:s18+$0x13430]  }
0x384: {  	v23 =	vld [tilespmem:s18+$0x13440]  }
0x385: {  	v24 =	vld [tilespmem:s18+$0x13450]  }
0x386: {  	v25 =	vld [tilespmem:s18+$0x13460]  }
0x387: {  	v26 =	vld [tilespmem:s18+$0x13470]  }
0x388: {  	v27 =	vld [tilespmem:s18+$0x13800]  }
0x389: {  	v28 =	vld [tilespmem:s18+$0x13810]  }
0x38a: {  	v29 =	vld [tilespmem:s18+$0x13820]  }
0x38b: {  	v30 =	vld [tilespmem:s18+$0x13830]  }
0x38c: {  	v31 =	vld [tilespmem:s18+$0x13840]  }
0x38d: {  	v32 =	vld [tilespmem:s18+$0x13850]  }
0x38e: {  	v33 =	vld [tilespmem:s18+$0x13860]  }
0x38f: {  	v34 =	vld [tilespmem:s18+$0x13870]  }
0x390: {  	v35 =	vld [tilespmem:s18+$0x13C00]  }
0x391: {  	v36 =	vld [tilespmem:s18+$0x13C10]  }
0x392: {  	v37 =	vld [tilespmem:s18+$0x13C20]  }
0x393: {  	v38 =	vld [tilespmem:s18+$0x13C30]  }
0x394: {  	v39 =	vld [tilespmem:s18+$0x13C40]  }
0x395: {  	v40 =	vld [tilespmem:s18+$0x13C50]  }
0x396: {  	v41 =	vld [tilespmem:s18+$0x13C60]  }
0x397: {  	v42 =	vld [tilespmem:s18+$0x13C70]  }
0x398: {  	v43 =	vld [tilespmem:s18+$0x14000]  }
0x399: {  	v44 =	vld [tilespmem:s18+$0x14010]  }
0x39a: {  	v45 =	vld [tilespmem:s18+$0x14020]  }
0x39b: {  	v46 =	vld [tilespmem:s18+$0x14030]  }
0x39c: {  	v47 =	vld [tilespmem:s18+$0x14040]  }
0x39d: {  	v48 =	vld [tilespmem:s18+$0x14050]  }
0x39e: {  	v49 =	vld [tilespmem:s18+$0x14060]  }
0x39f: {  	[tilespmem:s18+$0x8070] =	vst.add.f32.msk $0xffff, v3  }
0x3a0: {  	v3 =	vld [tilespmem:s18+$0x12C40]  }
0x3a1: {  	[tilespmem:s18+$0x6C00] =	vst.add.f32.msk $0xffff, v4  }
0x3a2: {  	[tilespmem:s18+$0x6C10] =	vst.add.f32.msk $0xffff, v5  }
0x3a3: {  	[tilespmem:s18+$0x6C20] =	vst.add.f32.msk $0xffff, v6  }
0x3a4: {  	[tilespmem:s18+$0x6C30] =	vst.add.f32.msk $0xffff, v7  }
0x3a5: {  	[tilespmem:s18+$0x6C50] =	vst.add.f32.msk $0xffff, v8  }
0x3a6: {  	[tilespmem:s18+$0x6C60] =	vst.add.f32.msk $0xffff, v9  }
0x3a7: {  	[tilespmem:s18+$0x6C70] =	vst.add.f32.msk $0xffff, v10  }
0x3a8: {  	[tilespmem:s18+$0x7000] =	vst.add.f32.msk $0xffff, v11  }
0x3a9: {  	[tilespmem:s18+$0x7010] =	vst.add.f32.msk $0xffff, v12  }
0x3aa: {  	[tilespmem:s18+$0x7020] =	vst.add.f32.msk $0xffff, v13  }
0x3ab: {  	[tilespmem:s18+$0x7030] =	vst.add.f32.msk $0xffff, v14  }
0x3ac: {  	[tilespmem:s18+$0x7040] =	vst.add.f32.msk $0xffff, v15  }
0x3ad: {  	[tilespmem:s18+$0x7050] =	vst.add.f32.msk $0xffff, v16  }
0x3ae: {  	[tilespmem:s18+$0x7060] =	vst.add.f32.msk $0xffff, v17  }
0x3af: {  	[tilespmem:s18+$0x7070] =	vst.add.f32.msk $0xffff, v18  }
0x3b0: {  	[tilespmem:s18+$0x7400] =	vst.add.f32.msk $0xffff, v19  }
0x3b1: {  	[tilespmem:s18+$0x7410] =	vst.add.f32.msk $0xffff, v20  }
0x3b2: {  	[tilespmem:s18+$0x7420] =	vst.add.f32.msk $0xffff, v21  }
0x3b3: {  	[tilespmem:s18+$0x7430] =	vst.add.f32.msk $0xffff, v22  }
0x3b4: {  	[tilespmem:s18+$0x7440] =	vst.add.f32.msk $0xffff, v23  }
0x3b5: {  	[tilespmem:s18+$0x7450] =	vst.add.f32.msk $0xffff, v24  }
0x3b6: {  	[tilespmem:s18+$0x7460] =	vst.add.f32.msk $0xffff, v25  }
0x3b7: {  	[tilespmem:s18+$0x7470] =	vst.add.f32.msk $0xffff, v26  }
0x3b8: {  	[tilespmem:s18+$0x7800] =	vst.add.f32.msk $0xffff, v27  }
0x3b9: {  	[tilespmem:s18+$0x7810] =	vst.add.f32.msk $0xffff, v28  }
0x3ba: {  	[tilespmem:s18+$0x7820] =	vst.add.f32.msk $0xffff, v29  }
0x3bb: {  	[tilespmem:s18+$0x7830] =	vst.add.f32.msk $0xffff, v30  }
0x3bc: {  	[tilespmem:s18+$0x7840] =	vst.add.f32.msk $0xffff, v31  }
0x3bd: {  	[tilespmem:s18+$0x7850] =	vst.add.f32.msk $0xffff, v32  }
0x3be: {  	[tilespmem:s18+$0x7860] =	vst.add.f32.msk $0xffff, v33  }
0x3bf: {  	[tilespmem:s18+$0x7870] =	vst.add.f32.msk $0xffff, v34  }
0x3c0: {  	[tilespmem:s18+$0x7C00] =	vst.add.f32.msk $0xffff, v35  }
0x3c1: {  	[tilespmem:s18+$0x7C10] =	vst.add.f32.msk $0xffff, v36  }
0x3c2: {  	[tilespmem:s18+$0x7C20] =	vst.add.f32.msk $0xffff, v37  }
0x3c3: {  	[tilespmem:s18+$0x7C30] =	vst.add.f32.msk $0xffff, v38  }
0x3c4: {  	[tilespmem:s18+$0x7C40] =	vst.add.f32.msk $0xffff, v39  }
0x3c5: {  	[tilespmem:s18+$0x7C50] =	vst.add.f32.msk $0xffff, v40  }
0x3c6: {  	[tilespmem:s18+$0x7C60] =	vst.add.f32.msk $0xffff, v41  }
0x3c7: {  	[tilespmem:s18+$0x7C70] =	vst.add.f32.msk $0xffff, v42  }
0x3c8: {  	[tilespmem:s18+$0x8000] =	vst.add.f32.msk $0xffff, v43  }
0x3c9: {  	[tilespmem:s18+$0x8010] =	vst.add.f32.msk $0xffff, v44  }
0x3ca: {  	[tilespmem:s18+$0x8020] =	vst.add.f32.msk $0xffff, v45  }
0x3cb: {  	[tilespmem:s18+$0x8030] =	vst.add.f32.msk $0xffff, v46  }
0x3cc: {  	[tilespmem:s18+$0x8040] =	vst.add.f32.msk $0xffff, v47  }
0x3cd: {  	[tilespmem:s18+$0x8050] =	vst.add.f32.msk $0xffff, v48  }
0x3ce: {  	[tilespmem:s18+$0x8060] =	vst.add.f32.msk $0xffff, v49  }
0x3cf: {  	s29 =	sadd.s32 s15, s12;
	s2 =	simm.s32 @!p0 $0xB;
	[tilespmem:s18+$0x6C40] =	vst.add.f32.msk $0xffff, v3  }
0x3d0: {  	[hbm4b:s29+s5] =	stream.linear.scatter [tilespmem:s0], [sflag:$0xB], $0x3000, $0x38;
	[tilespmem:$0x18C00] =	vst v63  }
0x3d1: {  	_ =	swait.ge @!p0 [sflag:s2], $0x3000  }
0x3d2: {  	s12 =	simm.s32 @!p0 $0x0;
	[sflag:s2] =	ssyncset.done @!p0 $0x0  }
0x3d3: {  	s18 =	simm.s32 @!p0 $0x6C00;
	[sflag:s2] =	ssyncadd.s32 @!p0 $0xFFFFD000;
	s2 =	sadd.s32 @!p0 $0x2400, s26  }
0x3d4: {  	[tilespmem:s18], [sflag:$0x3] =	stream.linear.gather @!p0 [hbm4b:s2+s12], $0x3000, $0x38;
	[tilespmem:$0x18C00] =	vst v63  }
0x3d5: {  	v3 =	vld @!p0 [tilespmem:s16+$0x860];
	_ =	sdelay $0x4  }
0x3d6: {  	v4 =	vshrl.u32 @!p0 v3, $0x3  }
0x3d7: {  	v4 =	vmul.u32 @!p0 $0x30, v4  }
0x3d8: {  	v5 =	vlaneseq.u32 @!p0;
	v3 =	vand.u32 @!p0 $0x7, v3  }
0x3d9: {  	v6 =	vshrl.u32 @!p0 v5, $0x3;
	v3 =	vor.u32 @!p0 v3, v4;
	v4 =	vand.u32 @!p0 $0x7, v5  }
0x3da: {  	v6 =	vmul.u32 @!p0 $0x8, v6;
	v4 =	vperm.xlane @!p0 v3, v4;
	_ =	sdelay $0x1  }
0x3db: {  	v4 =	vadd.s32 @!p0 v6, v4;
	_ =	sdelay $0x2  }
0x3dc: {  	v5 =	vor.u32 @!p0 $0x8, v5  }
0x3dd: {  	s2 =	simm.s32 @!p0 $0x12C00;
	v3 =	vperm.xlane @!p0 v3, v5  }
0x3de: {  	[tilespmem:s2], [sflag:$0x7] =	stream.indirect_vreg.gather @!p0 [hbm4b:s3+s12], $0x80, v4, vm1, $0xb8;
	[tilespmem:$0x18C00] =	vst v63  }
0x3df: {  	v3 =	vadd.s32 @!p0 v6, v3;
	s2 =	simm.s32 @!p0 $0x13400  }
0x3e0: {  	[tilespmem:s2], [sflag:$0x7] =	stream.indirect_vreg.gather @!p0 [hbm4b:s10+s12], $0x80, v4, vm1, $0xb8;
	[tilespmem:$0x18C00] =	vst v63  }
0x3e1: {  	s2 =	simm.s32 @!p0 $0x13C00  }
0x3e2: {  	[tilespmem:s2], [sflag:$0x7] =	stream.indirect_vreg.gather @!p0 [hbm4b:s11+s12], $0x80, v4, vm1, $0xb8;
	[tilespmem:$0x18C00] =	vst v63  }
0x3e3: {  	s2 =	simm.s32 @!p0 $0x14400  }
0x3e4: {  	[tilespmem:s2], [sflag:$0x7] =	stream.indirect_vreg.gather @!p0 [hbm4b:s3+s12], $0x80, v3, vm1, $0xb8;
	[tilespmem:$0x18C00] =	vst v63  }
0x3e5: {  	s2 =	simm.s32 @!p0 $0x14C00  }
0x3e6: {  	[tilespmem:s2], [sflag:$0x7] =	stream.indirect_vreg.gather @!p0 [hbm4b:s10+s12], $0x80, v3, vm1, $0xb8;
	[tilespmem:$0x18C00] =	vst v63  }
0x3e7: {  	s2 =	simm.s32 @!p0 $0x15400  }
0x3e8: {  	[tilespmem:s2], [sflag:$0x7] =	stream.indirect_vreg.gather @!p0 [hbm4b:s11+s12], $0x80, v3, vm1, $0xb8;
	[tilespmem:$0x18C00] =	vst v63  }
0x3e9: {  	_ =	swait.ge [sflag:s7], $0x3000  }
0x3ea: {  	[sflag:s7] =	ssyncset.done $0x0  }
0x3eb: {  	s30 =	simm.s32 $0x0;
	[sflag:s7] =	ssyncadd.s32 $0xFFFFD000  }
0x3ec: {  	s12 =	simm.s32 $0x0;
	s2 =	smul.u32 $0x1800, s30;
	_ =	swait.ge [sflag:s8], $0x3000  }
0x3ed: {  	s31 =	sand.u32 $0x380, s12;
	[sflag:s8] =	ssyncset.done $0x0  }
0x3ee: {  	s16 =	sor.u32 s31, s2;
	[sflag:s8] =	ssyncadd.s32 $0xFFFFD000  }
0x3ef: {  	v3 =	vld [tilespmem:s16+$0x17070]  }
0x3f0: {  	v6 =	vld [tilespmem:s16+$0x15C00]  }
0x3f1: {  	v7 =	vld [tilespmem:s16+$0x15C10]  }
0x3f2: {  	v8 =	vld [tilespmem:s16+$0x15C20]  }
0x3f3: {  	v9 =	vld [tilespmem:s16+$0x15C30]  }
0x3f4: {  	v10 =	vld [tilespmem:s16+$0x15C40]  }
0x3f5: {  	v11 =	vld [tilespmem:s16+$0x15C50]  }
0x3f6: {  	v12 =	vld [tilespmem:s16+$0x15C60]  }
0x3f7: {  	v13 =	vld [tilespmem:s16+$0x15C70]  }
0x3f8: {  	v14 =	vld [tilespmem:s16+$0x16000]  }
0x3f9: {  	v15 =	vld [tilespmem:s16+$0x16010]  }
0x3fa: {  	v16 =	vld [tilespmem:s16+$0x16020]  }
0x3fb: {  	v17 =	vld [tilespmem:s16+$0x16030]  }
0x3fc: {  	v18 =	vld [tilespmem:s16+$0x16040]  }
0x3fd: {  	v19 =	vld [tilespmem:s16+$0x16050]  }
0x3fe: {  	v20 =	vld [tilespmem:s16+$0x16060]  }
0x3ff: {  	v21 =	vld [tilespmem:s16+$0x16070]  }
0x400: {  	v22 =	vld [tilespmem:s16+$0x16400]  }
0x401: {  	v23 =	vld [tilespmem:s16+$0x16410]  }
0x402: {  	v24 =	vld [tilespmem:s16+$0x16420]  }
0x403: {  	v25 =	vld [tilespmem:s16+$0x16430]  }
0x404: {  	v26 =	vld [tilespmem:s16+$0x16440]  }
0x405: {  	v27 =	vld [tilespmem:s16+$0x16450]  }
0x406: {  	v28 =	vld [tilespmem:s16+$0x16460]  }
0x407: {  	v29 =	vld [tilespmem:s16+$0x16470]  }
0x408: {  	v30 =	vld [tilespmem:s16+$0x16800]  }
0x409: {  	v31 =	vld [tilespmem:s16+$0x16810]  }
0x40a: {  	v32 =	vld [tilespmem:s16+$0x16820]  }
0x40b: {  	v33 =	vld [tilespmem:s16+$0x16830]  }
0x40c: {  	v34 =	vld [tilespmem:s16+$0x16840]  }
0x40d: {  	v35 =	vld [tilespmem:s16+$0x16850]  }
0x40e: {  	v36 =	vld [tilespmem:s16+$0x16860]  }
0x40f: {  	v37 =	vld [tilespmem:s16+$0x16870]  }
0x410: {  	v52 =	vld [tilespmem:s16+$0x16C00]  }
0x411: {  	v53 =	vld [tilespmem:s16+$0x16C10]  }
0x412: {  	v54 =	vld [tilespmem:s16+$0x16C20]  }
0x413: {  	v55 =	vld [tilespmem:s16+$0x16C30]  }
0x414: {  	v56 =	vld [tilespmem:s16+$0x16C40]  }
0x415: {  	v57 =	vld [tilespmem:s16+$0x16C50]  }
0x416: {  	v58 =	vld [tilespmem:s16+$0x16C60]  }
0x417: {  	v59 =	vld [tilespmem:s16+$0x16C70]  }
0x418: {  	v60 =	vld [tilespmem:s16+$0x17000]  }
0x419: {  	v61 =	vld [tilespmem:s16+$0x17010]  }
0x41a: {  	v62 =	vld [tilespmem:s16+$0x17020]  }
0x41b: {  	v63 =	vld [tilespmem:s16+$0x17030]  }
0x41c: {  	v5 =	vld [tilespmem:s16+$0x17040]  }
0x41d: {  	v4 =	vld [tilespmem:s16+$0x17050]  }
0x41e: {  	[tilespmem:s16+$0xB070] =	vst.add.f32.msk $0xffff, v3  }
0x41f: {  	v3 =	vld [tilespmem:s16+$0x17060]  }
0x420: {  	[tilespmem:s16+$0x9C00] =	vst.add.f32.msk $0xffff, v6  }
0x421: {  	[tilespmem:s16+$0x9C10] =	vst.add.f32.msk $0xffff, v7  }
0x422: {  	[tilespmem:s16+$0x9C20] =	vst.add.f32.msk $0xffff, v8  }
0x423: {  	[tilespmem:s16+$0x9C30] =	vst.add.f32.msk $0xffff, v9  }
0x424: {  	[tilespmem:s16+$0x9C40] =	vst.add.f32.msk $0xffff, v10  }
0x425: {  	[tilespmem:s16+$0x9C50] =	vst.add.f32.msk $0xffff, v11  }
0x426: {  	[tilespmem:s16+$0x9C60] =	vst.add.f32.msk $0xffff, v12  }
0x427: {  	[tilespmem:s16+$0x9C70] =	vst.add.f32.msk $0xffff, v13  }
0x428: {  	[tilespmem:s16+$0xA000] =	vst.add.f32.msk $0xffff, v14  }
0x429: {  	[tilespmem:s16+$0xA010] =	vst.add.f32.msk $0xffff, v15  }
0x42a: {  	[tilespmem:s16+$0xA020] =	vst.add.f32.msk $0xffff, v16  }
0x42b: {  	[tilespmem:s16+$0xA030] =	vst.add.f32.msk $0xffff, v17  }
0x42c: {  	[tilespmem:s16+$0xA040] =	vst.add.f32.msk $0xffff, v18  }
0x42d: {  	[tilespmem:s16+$0xA050] =	vst.add.f32.msk $0xffff, v19  }
0x42e: {  	[tilespmem:s16+$0xA060] =	vst.add.f32.msk $0xffff, v20  }
0x42f: {  	[tilespmem:s16+$0xA070] =	vst.add.f32.msk $0xffff, v21  }
0x430: {  	[tilespmem:s16+$0xA400] =	vst.add.f32.msk $0xffff, v22  }
0x431: {  	[tilespmem:s16+$0xA410] =	vst.add.f32.msk $0xffff, v23  }
0x432: {  	[tilespmem:s16+$0xA420] =	vst.add.f32.msk $0xffff, v24  }
0x433: {  	[tilespmem:s16+$0xA430] =	vst.add.f32.msk $0xffff, v25  }
0x434: {  	[tilespmem:s16+$0xA440] =	vst.add.f32.msk $0xffff, v26  }
0x435: {  	[tilespmem:s16+$0xA450] =	vst.add.f32.msk $0xffff, v27  }
0x436: {  	[tilespmem:s16+$0xA460] =	vst.add.f32.msk $0xffff, v28  }
0x437: {  	[tilespmem:s16+$0xA470] =	vst.add.f32.msk $0xffff, v29  }
0x438: {  	[tilespmem:s16+$0xA800] =	vst.add.f32.msk $0xffff, v30  }
0x439: {  	[tilespmem:s16+$0xA810] =	vst.add.f32.msk $0xffff, v31  }
0x43a: {  	[tilespmem:s16+$0xA820] =	vst.add.f32.msk $0xffff, v32  }
0x43b: {  	[tilespmem:s16+$0xA830] =	vst.add.f32.msk $0xffff, v33  }
0x43c: {  	[tilespmem:s16+$0xA840] =	vst.add.f32.msk $0xffff, v34  }
0x43d: {  	[tilespmem:s16+$0xA850] =	vst.add.f32.msk $0xffff, v35  }
0x43e: {  	[tilespmem:s16+$0xA860] =	vst.add.f32.msk $0xffff, v36  }
0x43f: {  	[tilespmem:s16+$0xA870] =	vst.add.f32.msk $0xffff, v37  }
0x440: {  	[tilespmem:s16+$0xAC00] =	vst.add.f32.msk $0xffff, v52  }
0x441: {  	[tilespmem:s16+$0xAC10] =	vst.add.f32.msk $0xffff, v53  }
0x442: {  	[tilespmem:s16+$0xAC20] =	vst.add.f32.msk $0xffff, v54  }
0x443: {  	[tilespmem:s16+$0xAC30] =	vst.add.f32.msk $0xffff, v55  }
0x444: {  	[tilespmem:s16+$0xAC40] =	vst.add.f32.msk $0xffff, v56  }
0x445: {  	[tilespmem:s16+$0xAC50] =	vst.add.f32.msk $0xffff, v57  }
0x446: {  	[tilespmem:s16+$0xAC60] =	vst.add.f32.msk $0xffff, v58  }
0x447: {  	[tilespmem:s16+$0xAC70] =	vst.add.f32.msk $0xffff, v59  }
0x448: {  	[tilespmem:s16+$0xB000] =	vst.add.f32.msk $0xffff, v60  }
0x449: {  	[tilespmem:s16+$0xB010] =	vst.add.f32.msk $0xffff, v61  }
0x44a: {  	[tilespmem:s16+$0xB020] =	vst.add.f32.msk $0xffff, v62  }
0x44b: {  	s26 =	simm.s32 $0x2;
	s2 =	simm.s32 $0x0;
	[tilespmem:s16+$0xB030] =	vst.add.f32.msk $0xffff, v63  }
.LBB2_11:
0x44c: {  	p0 =	sne.s32 s26, $0xF;
	s2 =	smul.u32 $0x1800, s2;
	[tilespmem:s16+$0xB040] =	vst.add.f32.msk $0xffff, v5;
	s12 =	sadd.s32 $0x80, s12  }
0x44d: {  	s18 =	sand.u32 $0x380, s12;
	[tilespmem:s16+$0xB050] =	vst.add.f32.msk $0xffff, v4  }
0x44e: {  	[tilespmem:s16+$0xB060] =	vst.add.f32.msk $0xffff, v3;
	s16 =	sor.u32 s18, s2  }
0x44f: {  	v3 =	vld [tilespmem:s16+$0x17070]  }
0x450: {  	v6 =	vld [tilespmem:s16+$0x15C00]  }
0x451: {  	v7 =	vld [tilespmem:s16+$0x15C10]  }
0x452: {  	v8 =	vld [tilespmem:s16+$0x15C20]  }
0x453: {  	v9 =	vld [tilespmem:s16+$0x15C30]  }
0x454: {  	[tilespmem:s16+$0xB070] =	vst.add.f32.msk $0xffff, v3  }
0x455: {  	v10 =	vld [tilespmem:s16+$0x15C40]  }
0x456: {  	v11 =	vld [tilespmem:s16+$0x15C50]  }
0x457: {  	v12 =	vld [tilespmem:s16+$0x15C60]  }
0x458: {  	v13 =	vld [tilespmem:s16+$0x15C70]  }
0x459: {  	v14 =	vld [tilespmem:s16+$0x16000]  }
0x45a: {  	v15 =	vld [tilespmem:s16+$0x16010]  }
0x45b: {  	v16 =	vld [tilespmem:s16+$0x16020]  }
0x45c: {  	v17 =	vld [tilespmem:s16+$0x16030]  }
0x45d: {  	v18 =	vld [tilespmem:s16+$0x16040]  }
0x45e: {  	v19 =	vld [tilespmem:s16+$0x16050]  }
0x45f: {  	v20 =	vld [tilespmem:s16+$0x16060]  }
0x460: {  	v21 =	vld [tilespmem:s16+$0x16070]  }
0x461: {  	v22 =	vld [tilespmem:s16+$0x16400]  }
0x462: {  	v23 =	vld [tilespmem:s16+$0x16410]  }
0x463: {  	v24 =	vld [tilespmem:s16+$0x16420]  }
0x464: {  	v25 =	vld [tilespmem:s16+$0x16430]  }
0x465: {  	v26 =	vld [tilespmem:s16+$0x16440]  }
0x466: {  	v27 =	vld [tilespmem:s16+$0x16450]  }
0x467: {  	v28 =	vld [tilespmem:s16+$0x16460]  }
0x468: {  	v29 =	vld [tilespmem:s16+$0x16470]  }
0x469: {  	v30 =	vld [tilespmem:s16+$0x16800]  }
0x46a: {  	v31 =	vld [tilespmem:s16+$0x16810]  }
0x46b: {  	v32 =	vld [tilespmem:s16+$0x16820]  }
0x46c: {  	v33 =	vld [tilespmem:s16+$0x16830]  }
0x46d: {  	v34 =	vld [tilespmem:s16+$0x16840]  }
0x46e: {  	v35 =	vld [tilespmem:s16+$0x16850]  }
0x46f: {  	v36 =	vld [tilespmem:s16+$0x16860]  }
0x470: {  	v37 =	vld [tilespmem:s16+$0x16870]  }
0x471: {  	v38 =	vld [tilespmem:s16+$0x16C00]  }
0x472: {  	v39 =	vld [tilespmem:s16+$0x16C10]  }
0x473: {  	v40 =	vld [tilespmem:s16+$0x16C20]  }
0x474: {  	v41 =	vld [tilespmem:s16+$0x16C30]  }
0x475: {  	v42 =	vld [tilespmem:s16+$0x16C40]  }
0x476: {  	v43 =	vld [tilespmem:s16+$0x16C50]  }
0x477: {  	v44 =	vld [tilespmem:s16+$0x16C60]  }
0x478: {  	v45 =	vld [tilespmem:s16+$0x16C70]  }
0x479: {  	v46 =	vld [tilespmem:s16+$0x17000]  }
0x47a: {  	v47 =	vld [tilespmem:s16+$0x17010]  }
0x47b: {  	v48 =	vld [tilespmem:s16+$0x17020]  }
0x47c: {  	v49 =	vld [tilespmem:s16+$0x17030]  }
0x47d: {  	v5 =	vld [tilespmem:s16+$0x17040]  }
0x47e: {  	v4 =	vld [tilespmem:s16+$0x17050]  }
0x47f: {  	v3 =	vld [tilespmem:s16+$0x17060]  }
0x480: {  	[tilespmem:s16+$0x9C00] =	vst.add.f32.msk $0xffff, v6  }
0x481: {  	[tilespmem:s16+$0x9C10] =	vst.add.f32.msk $0xffff, v7  }
0x482: {  	[tilespmem:s16+$0x9C20] =	vst.add.f32.msk $0xffff, v8  }
0x483: {  	[tilespmem:s16+$0x9C30] =	vst.add.f32.msk $0xffff, v9  }
0x484: {  	[tilespmem:s16+$0x9C40] =	vst.add.f32.msk $0xffff, v10  }
0x485: {  	[tilespmem:s16+$0x9C50] =	vst.add.f32.msk $0xffff, v11  }
0x486: {  	[tilespmem:s16+$0x9C60] =	vst.add.f32.msk $0xffff, v12  }
0x487: {  	[tilespmem:s16+$0x9C70] =	vst.add.f32.msk $0xffff, v13  }
0x488: {  	[tilespmem:s16+$0xA000] =	vst.add.f32.msk $0xffff, v14  }
0x489: {  	[tilespmem:s16+$0xA010] =	vst.add.f32.msk $0xffff, v15  }
0x48a: {  	[tilespmem:s16+$0xA020] =	vst.add.f32.msk $0xffff, v16  }
0x48b: {  	[tilespmem:s16+$0xA030] =	vst.add.f32.msk $0xffff, v17  }
0x48c: {  	[tilespmem:s16+$0xA040] =	vst.add.f32.msk $0xffff, v18  }
0x48d: {  	[tilespmem:s16+$0xA050] =	vst.add.f32.msk $0xffff, v19  }
0x48e: {  	[tilespmem:s16+$0xA060] =	vst.add.f32.msk $0xffff, v20  }
0x48f: {  	[tilespmem:s16+$0xA070] =	vst.add.f32.msk $0xffff, v21  }
0x490: {  	[tilespmem:s16+$0xA400] =	vst.add.f32.msk $0xffff, v22  }
0x491: {  	[tilespmem:s16+$0xA410] =	vst.add.f32.msk $0xffff, v23  }
0x492: {  	[tilespmem:s16+$0xA420] =	vst.add.f32.msk $0xffff, v24  }
0x493: {  	[tilespmem:s16+$0xA430] =	vst.add.f32.msk $0xffff, v25  }
0x494: {  	[tilespmem:s16+$0xA440] =	vst.add.f32.msk $0xffff, v26  }
0x495: {  	[tilespmem:s16+$0xA450] =	vst.add.f32.msk $0xffff, v27  }
0x496: {  	[tilespmem:s16+$0xA460] =	vst.add.f32.msk $0xffff, v28  }
0x497: {  	[tilespmem:s16+$0xA470] =	vst.add.f32.msk $0xffff, v29  }
0x498: {  	[tilespmem:s16+$0xA800] =	vst.add.f32.msk $0xffff, v30  }
0x499: {  	[tilespmem:s16+$0xA810] =	vst.add.f32.msk $0xffff, v31  }
0x49a: {  	[tilespmem:s16+$0xA820] =	vst.add.f32.msk $0xffff, v32  }
0x49b: {  	[tilespmem:s16+$0xA830] =	vst.add.f32.msk $0xffff, v33  }
0x49c: {  	[tilespmem:s16+$0xA840] =	vst.add.f32.msk $0xffff, v34  }
0x49d: {  	[tilespmem:s16+$0xA850] =	vst.add.f32.msk $0xffff, v35  }
0x49e: {  	[tilespmem:s16+$0xA860] =	vst.add.f32.msk $0xffff, v36  }
0x49f: {  	[tilespmem:s16+$0xA870] =	vst.add.f32.msk $0xffff, v37  }
0x4a0: {  	[tilespmem:s16+$0xAC00] =	vst.add.f32.msk $0xffff, v38  }
0x4a1: {  	[tilespmem:s16+$0xAC10] =	vst.add.f32.msk $0xffff, v39  }
0x4a2: {  	[tilespmem:s16+$0xAC20] =	vst.add.f32.msk $0xffff, v40  }
0x4a3: {  	[tilespmem:s16+$0xAC30] =	vst.add.f32.msk $0xffff, v41  }
0x4a4: {  	[tilespmem:s16+$0xAC40] =	vst.add.f32.msk $0xffff, v42  }
0x4a5: {  	[tilespmem:s16+$0xAC50] =	vst.add.f32.msk $0xffff, v43  }
0x4a6: {  	[tilespmem:s16+$0xAC60] =	vst.add.f32.msk $0xffff, v44  }
.Ltmp4:
0x4a7: {  	[tilespmem:s16+$0xAC70] =	vst.add.f32.msk $0xffff, v45;
	(pc) =	sbr.rel @p0 .LBB2_11-.Ltmp4, $4  }
0x4a8: {  	[tilespmem:s16+$0xB000] =	vst.add.f32.msk $0xffff, v46  }
0x4a9: {  	[tilespmem:s16+$0xB010] =	vst.add.f32.msk $0xffff, v47  }
0x4aa: {  	[tilespmem:s16+$0xB020] =	vst.add.f32.msk $0xffff, v48  }
0x4ab: {  	s2 =	sshrl.u32 s26, $0x3;
	s26 =	sadd.s32 $0x1, s26;
	[tilespmem:s16+$0xB030] =	vst.add.f32.msk $0xffff, v49  }
0x4ac: {  	s2 =	smul.u32 $0x1800, s2;
	[tilespmem:s16+$0xB040] =	vst.add.f32.msk $0xffff, v5;
	s12 =	sadd.s32 $0x80, s12  }
0x4ad: {  	[tilespmem:s16+$0xB050] =	vst.add.f32.msk $0xffff, v4;
	s12 =	sand.u32 $0x380, s12  }
0x4ae: {  	[tilespmem:s16+$0xB060] =	vst.add.f32.msk $0xffff, v3;
	s12 =	sor.u32 s12, s2  }
0x4af: {  	v3 =	vld [tilespmem:s12+$0x17070]  }
0x4b0: {  	v4 =	vld [tilespmem:s12+$0x15C00]  }
0x4b1: {  	v5 =	vld [tilespmem:s12+$0x15C10]  }
0x4b2: {  	v6 =	vld [tilespmem:s12+$0x15C20]  }
0x4b3: {  	v7 =	vld [tilespmem:s12+$0x15C30]  }
0x4b4: {  	v8 =	vld [tilespmem:s12+$0x15C50]  }
0x4b5: {  	v9 =	vld [tilespmem:s12+$0x15C60]  }
0x4b6: {  	v10 =	vld [tilespmem:s12+$0x15C70]  }
0x4b7: {  	v11 =	vld [tilespmem:s12+$0x16000]  }
0x4b8: {  	v12 =	vld [tilespmem:s12+$0x16010]  }
0x4b9: {  	v13 =	vld [tilespmem:s12+$0x16020]  }
0x4ba: {  	v14 =	vld [tilespmem:s12+$0x16030]  }
0x4bb: {  	v15 =	vld [tilespmem:s12+$0x16040]  }
0x4bc: {  	v16 =	vld [tilespmem:s12+$0x16050]  }
0x4bd: {  	v17 =	vld [tilespmem:s12+$0x16060]  }
0x4be: {  	v18 =	vld [tilespmem:s12+$0x16070]  }
0x4bf: {  	v19 =	vld [tilespmem:s12+$0x16400]  }
0x4c0: {  	v20 =	vld [tilespmem:s12+$0x16410]  }
0x4c1: {  	v21 =	vld [tilespmem:s12+$0x16420]  }
0x4c2: {  	v22 =	vld [tilespmem:s12+$0x16430]  }
0x4c3: {  	v23 =	vld [tilespmem:s12+$0x16440]  }
0x4c4: {  	v24 =	vld [tilespmem:s12+$0x16450]  }
0x4c5: {  	v25 =	vld [tilespmem:s12+$0x16460]  }
0x4c6: {  	v26 =	vld [tilespmem:s12+$0x16470]  }
0x4c7: {  	v27 =	vld [tilespmem:s12+$0x16800]  }
0x4c8: {  	v28 =	vld [tilespmem:s12+$0x16810]  }
0x4c9: {  	v29 =	vld [tilespmem:s12+$0x16820]  }
0x4ca: {  	v30 =	vld [tilespmem:s12+$0x16830]  }
0x4cb: {  	v31 =	vld [tilespmem:s12+$0x16840]  }
0x4cc: {  	v32 =	vld [tilespmem:s12+$0x16850]  }
0x4cd: {  	v33 =	vld [tilespmem:s12+$0x16860]  }
0x4ce: {  	v34 =	vld [tilespmem:s12+$0x16870]  }
0x4cf: {  	v35 =	vld [tilespmem:s12+$0x16C00]  }
0x4d0: {  	v36 =	vld [tilespmem:s12+$0x16C10]  }
0x4d1: {  	v37 =	vld [tilespmem:s12+$0x16C20]  }
0x4d2: {  	v38 =	vld [tilespmem:s12+$0x16C30]  }
0x4d3: {  	v39 =	vld [tilespmem:s12+$0x16C40]  }
0x4d4: {  	v40 =	vld [tilespmem:s12+$0x16C50]  }
0x4d5: {  	v41 =	vld [tilespmem:s12+$0x16C60]  }
0x4d6: {  	v42 =	vld [tilespmem:s12+$0x16C70]  }
0x4d7: {  	v43 =	vld [tilespmem:s12+$0x17000]  }
0x4d8: {  	v44 =	vld [tilespmem:s12+$0x17010]  }
0x4d9: {  	v45 =	vld [tilespmem:s12+$0x17020]  }
0x4da: {  	v46 =	vld [tilespmem:s12+$0x17030]  }
0x4db: {  	v47 =	vld [tilespmem:s12+$0x17040]  }
0x4dc: {  	v48 =	vld [tilespmem:s12+$0x17050]  }
0x4dd: {  	v49 =	vld [tilespmem:s12+$0x17060]  }
0x4de: {  	[tilespmem:s12+$0xB070] =	vst.add.f32.msk $0xffff, v3  }
0x4df: {  	v3 =	vld [tilespmem:s12+$0x15C40]  }
0x4e0: {  	[tilespmem:s12+$0x9C00] =	vst.add.f32.msk $0xffff, v4  }
0x4e1: {  	[tilespmem:s12+$0x9C10] =	vst.add.f32.msk $0xffff, v5  }
0x4e2: {  	[tilespmem:s12+$0x9C20] =	vst.add.f32.msk $0xffff, v6  }
0x4e3: {  	[tilespmem:s12+$0x9C30] =	vst.add.f32.msk $0xffff, v7  }
0x4e4: {  	[tilespmem:s12+$0x9C50] =	vst.add.f32.msk $0xffff, v8  }
0x4e5: {  	[tilespmem:s12+$0x9C60] =	vst.add.f32.msk $0xffff, v9  }
0x4e6: {  	[tilespmem:s12+$0x9C70] =	vst.add.f32.msk $0xffff, v10  }
0x4e7: {  	[tilespmem:s12+$0xA000] =	vst.add.f32.msk $0xffff, v11  }
0x4e8: {  	[tilespmem:s12+$0xA010] =	vst.add.f32.msk $0xffff, v12  }
0x4e9: {  	[tilespmem:s12+$0xA020] =	vst.add.f32.msk $0xffff, v13  }
0x4ea: {  	[tilespmem:s12+$0xA030] =	vst.add.f32.msk $0xffff, v14  }
0x4eb: {  	[tilespmem:s12+$0xA040] =	vst.add.f32.msk $0xffff, v15  }
0x4ec: {  	[tilespmem:s12+$0xA050] =	vst.add.f32.msk $0xffff, v16  }
0x4ed: {  	[tilespmem:s12+$0xA060] =	vst.add.f32.msk $0xffff, v17  }
0x4ee: {  	[tilespmem:s12+$0xA070] =	vst.add.f32.msk $0xffff, v18  }
0x4ef: {  	[tilespmem:s12+$0xA400] =	vst.add.f32.msk $0xffff, v19  }
0x4f0: {  	[tilespmem:s12+$0xA410] =	vst.add.f32.msk $0xffff, v20  }
0x4f1: {  	[tilespmem:s12+$0xA420] =	vst.add.f32.msk $0xffff, v21  }
0x4f2: {  	[tilespmem:s12+$0xA430] =	vst.add.f32.msk $0xffff, v22  }
0x4f3: {  	[tilespmem:s12+$0xA440] =	vst.add.f32.msk $0xffff, v23  }
0x4f4: {  	[tilespmem:s12+$0xA450] =	vst.add.f32.msk $0xffff, v24  }
0x4f5: {  	[tilespmem:s12+$0xA460] =	vst.add.f32.msk $0xffff, v25  }
0x4f6: {  	[tilespmem:s12+$0xA470] =	vst.add.f32.msk $0xffff, v26  }
0x4f7: {  	[tilespmem:s12+$0xA800] =	vst.add.f32.msk $0xffff, v27  }
0x4f8: {  	[tilespmem:s12+$0xA810] =	vst.add.f32.msk $0xffff, v28  }
0x4f9: {  	[tilespmem:s12+$0xA820] =	vst.add.f32.msk $0xffff, v29  }
0x4fa: {  	[tilespmem:s12+$0xA830] =	vst.add.f32.msk $0xffff, v30  }
0x4fb: {  	[tilespmem:s12+$0xA840] =	vst.add.f32.msk $0xffff, v31  }
0x4fc: {  	[tilespmem:s12+$0xA850] =	vst.add.f32.msk $0xffff, v32  }
0x4fd: {  	[tilespmem:s12+$0xA860] =	vst.add.f32.msk $0xffff, v33  }
0x4fe: {  	[tilespmem:s12+$0xA870] =	vst.add.f32.msk $0xffff, v34  }
0x4ff: {  	[tilespmem:s12+$0xAC00] =	vst.add.f32.msk $0xffff, v35  }
0x500: {  	[tilespmem:s12+$0xAC10] =	vst.add.f32.msk $0xffff, v36  }
0x501: {  	[tilespmem:s12+$0xAC20] =	vst.add.f32.msk $0xffff, v37  }
0x502: {  	[tilespmem:s12+$0xAC30] =	vst.add.f32.msk $0xffff, v38  }
0x503: {  	[tilespmem:s12+$0xAC40] =	vst.add.f32.msk $0xffff, v39  }
0x504: {  	[tilespmem:s12+$0xAC50] =	vst.add.f32.msk $0xffff, v40  }
0x505: {  	[tilespmem:s12+$0xAC60] =	vst.add.f32.msk $0xffff, v41  }
0x506: {  	[tilespmem:s12+$0xAC70] =	vst.add.f32.msk $0xffff, v42  }
0x507: {  	[tilespmem:s12+$0xB000] =	vst.add.f32.msk $0xffff, v43  }
0x508: {  	[tilespmem:s12+$0xB010] =	vst.add.f32.msk $0xffff, v44  }
0x509: {  	s14 =	sadd.s32 $0x1, s14;
	[tilespmem:s12+$0xB020] =	vst.add.f32.msk $0xffff, v45  }
0x50a: {  	p0 =	sne.s32 s14, $0x10;
	[tilespmem:s12+$0xB030] =	vst.add.f32.msk $0xffff, v46  }
.Ltmp5:
0x50b: {  	[tilespmem:s12+$0xB040] =	vst.add.f32.msk $0xffff, v47;
	(pc) =	sbr.rel @p0 .LBB2_4-.Ltmp5, $4  }
0x50c: {  	[tilespmem:s12+$0xB050] =	vst.add.f32.msk $0xffff, v48  }
0x50d: {  	[tilespmem:s12+$0xB060] =	vst.add.f32.msk $0xffff, v49  }
0x50e: {  	s31 =	sadd.s32 s4, s9;
	[tilespmem:s12+$0x9C40] =	vst.add.f32.msk $0xffff, v3  }
0x50f: {  	[hbm4b:s31+s5] =	stream.linear.scatter [tilespmem:s24], [sflag:$0xC], $0x3000, $0x38;
	[tilespmem:$0x18C00] =	vst v63  }
0x510: {  	s2 =	simm.s32 $0x9  }
0x511: {  	_ =	swait.ge [sflag:s2], $0x3000  }
0x512: {  	[sflag:s2] =	ssyncset.done $0x0  }
0x513: {  	s29 =	simm.s32 $0xA;
	[sflag:s2] =	ssyncadd.s32 $0xFFFFD000  }
0x514: {  	_ =	swait.ge [sflag:s29], $0x3000  }
0x515: {  	[sflag:s29] =	ssyncset.done $0x0  }
0x516: {  	s30 =	simm.s32 $0xB;
	[sflag:s29] =	ssyncadd.s32 $0xFFFFD000  }
0x517: {  	_ =	swait.ge [sflag:s30], $0x3000  }
0x518: {  	[sflag:s30] =	ssyncset.done $0x0  }
0x519: {  	s9 =	simm.s32 $0xC;
	[sflag:s30] =	ssyncadd.s32 $0xFFFFD000  }
0x51a: {  	_ =	swait.ge [sflag:s9], $0x3000  }
0x51b: {  	s12 =	rddreg [dreg:$0xb]  }
0x51c: {  	s31 =	rddreg [dreg:$0xa];
	s12 =	sadd.s32 $0x1, s12  }
0x51d: {  	p0 =	sne.s32 s12, s31  }
.Ltmp6:
0x51e: {  	_ = 	snop;
	(pc) =	sbr.rel @p0 .LBB2_1-.Ltmp6, $3  }
0x51f: {  	_ =	sdelay $0x1  }
0x520: {  	[sflag:s9] =	ssyncset.done $0x0  }
0x521: {  	[sflag:s9] =	ssyncadd.s32 $0xFFFFD000  }
0x522: {  	_ =	sfence.sel $0x180000  }
0x523: {  	[bflag:$0x0] =	sbarrier.arrive $0xFFFF  }
0x524: {  	_ =	strace $0x90000047  }
0x525: {  	s0 =	stileid.u32;
	[bflag:$0x2] =	sbarrier.arrive $0xFFFF  }
0x526: {  	p0 =	sne.s32 s0, $0x0;
	s0 =	rddreg [dreg:$0x4]  }
0x527: {  	s0 =	sadd.s32 @!p0 $0x100000, s0  }
0x528: {  	[sflag:s0] =	ssyncadd.tile.s32 @!p0 $0x1;
	_ =	shalt  }
.Lfunc_end2:
_tile_overlayer_lowered:
.L_overlay_start_2:
0x529: {  	(tag) =	ssettag $0x2  }
0x52a: {  	s0 =	rddreg [dreg:$0x0];
	s2 =	stileid.u32  }
0x52b: {  	s1 =	rddreg [dreg:$0x1];
	p0 =	sne.s32 s2, $0x0  }
0x52c: {  	s3 =	rddreg [dreg:$0x2];
	[bflag:$0x3] =	sbarrier.arrive $0xFFFF;
	s2 =	simm.s32 @!p0 $0x1C0D  }
0x52d: {  	[timem:s3], [sflag:s2] =	dma.local @!p0 [hbm:s0], s1  }
0x52e: {  	s0 =	simm.s32 @!p0 $0xD  }
0x52f: {  	_ =	swait.ge @!p0 [sflag:s0], s1  }
0x530: {  	s1 =	ssub.s32 @!p0 $0x0, s1;
	[sflag:s0] =	ssyncset.done @!p0 $0x0  }
0x531: {  	[sflag:s0] =	ssyncadd.s32 @!p0 s1  }
0x532: {  	[bflag:$0x3] =	sbarrier.arrive $0xFFFF  }
0x533: {  	_ =	shalt  }

</sc_bundles>
